<compile_context>
chip_gen: v7x
topology: tpu7x:2x2x1
jax: 0.10.2.dev20260603
libtpu: 0.0.44.dev20260713+nightly
codegen_flags: <defaults>
</compile_context>

<pallas_src>
import functools

import jax
import jax.numpy as jnp
from jax import lax
from jax.experimental import pallas as pl
from jax.experimental.pallas import tpu as pltpu
from jax.experimental.pallas import tpu_sc as plsc

L = 16
NC, NS = 2, 16
NW = NC * NS
ROWS, COLS = 16384, 200
RPT = ROWS // NW
NCHUNK = 4
NXBUF = 2
RCH = RPT // NCHUNK
CSTARTS = list(range(0, 192, 16)) + [184]


@functools.partial(
    pl.kernel,
    out_type=jax.ShapeDtypeStruct((ROWS, COLS), jnp.int16),
    mesh=plsc.VectorSubcoreMesh(core_axis_name="c", subcore_axis_name="s"),
    compiler_params=pltpu.CompilerParams(
        needs_layout_passes=False, use_tc_tiling_on_sc=True),
    scratch_types=[
        pltpu.VMEM((256,), jnp.int32),
        pltpu.VMEM((128, 128), jnp.int32),
        pltpu.VMEM((L,), jnp.int32),
        pltpu.VMEM((RCH, COLS), jnp.int32),
        pltpu.VMEM((RCH, COLS), jnp.int32),
        pltpu.VMEM((RCH // 2, COLS), jnp.int32),
        pltpu.VMEM((RCH // 2, COLS), jnp.int32),
        pltpu.SemaphoreType.DMA,
        pltpu.SemaphoreType.DMA,
        pltpu.SemaphoreType.DMA,
        pltpu.SemaphoreType.DMA,
    ],
)
def _lut_kernel(tab_hbm, a_hbm, b_hbm, out_hbm,
                col_v, ts_v, b_v, x0_v, x1_v, o0_v, o1_v,
                is0, is1, os0, os1):
    wid = lax.axis_index("s") * NC + lax.axis_index("c")
    rbase = wid * RPT
    x_bufs = (x0_v, x1_v, x0_v, x1_v)
    o_bufs = (o0_v, o1_v)
    i_sems = (is0, is1, is0, is1)
    o_sems = (os0, os1)

    iota = lax.iota(jnp.int32, L)

    in_cp = {}
    for c in range(NXBUF):
        in_cp[c] = pltpu.async_copy(
            a_hbm.at[pl.ds(rbase + c * RCH, RCH), :], x_bufs[c], i_sems[c])

    pltpu.sync_copy(b_hbm, b_v)
    cb = lax.reduce_max(b_v[...], axes=(0,)) + 128
    cstart = pl.multiple_of(
        lax.shift_left(lax.shift_right_arithmetic(cb, 7), 7), 128)
    lane = jnp.full((L,), lax.bitwise_and(cb, 127), jnp.int32)
    pltpu.sync_copy(
        tab_hbm.bitcast(jnp.int32).at[:, pl.ds(cstart, 128)], ts_v)
    for j in range(128 // L):
        qv = j * L + iota
        w = plsc.load_gather(ts_v, [qv, lane])
        lo = lax.shift_right_arithmetic(lax.shift_left(w, 16), 16)
        hi = lax.shift_right_arithmetic(w, 16)
        plsc.store_scatter(col_v, [qv * 2], lo)
        plsc.store_scatter(col_v, [qv * 2 + 1], hi)

    def compute_chunk(x_ref, o_ref):
        @plsc.parallel_loop(0, RCH // 2, unroll=2)
        def body(q):
            for c0 in CSTARTS:
                av_e = x_ref[2 * q, pl.ds(c0, L)]
                av_o = x_ref[2 * q + 1, pl.ds(c0, L)]
                ge = plsc.load_gather(col_v, [av_e + 128])
                go = plsc.load_gather(col_v, [av_o + 128])
                w = lax.bitwise_or(
                    lax.bitwise_and(ge, 0xFFFF), lax.shift_left(go, 16))
                o_ref[q, pl.ds(c0, L)] = w

    out_cp = {}
    for c in range(NCHUNK):
        p = c & 1
        in_cp[c].wait()
        if c >= 2:
            out_cp[c - 2].wait()
        compute_chunk(x_bufs[c], o_bufs[p])
        out_cp[c] = pltpu.async_copy(
            o_bufs[p].bitcast(jnp.int16),
            out_hbm.at[pl.ds(rbase + c * RCH, RCH), :], o_sems[p])
        if c + NXBUF < NCHUNK:
            in_cp[c + NXBUF] = pltpu.async_copy(
                a_hbm.at[pl.ds(rbase + (c + NXBUF) * RCH, RCH), :],
                x_bufs[c + NXBUF], i_sems[c + NXBUF])
    out_cp[NCHUNK - 2].wait()
    out_cp[NCHUNK - 1].wait()


def kernel(a, b, table):
    b_vec = jnp.full((L,), b, dtype=jnp.int32)
    return _lut_kernel(table, a.astype(jnp.int32), b_vec)

# --- scband reference (transcript-rebuilt; emitter-appended) ---
"""Pipeline reference for scband-int8-lutmultiplier-26560077758903 (READ-ONLY COPY).

The authoritative reference and input builder live on the scoring server;
editing this copy changes nothing except your own understanding.
"""

import jax, jax.numpy as jnp
import numpy as np


def _build_exact_table():
    vals = jnp.arange(-128, 128, dtype=jnp.int16)
    return (vals[:, None] * vals[None, :]).astype(jnp.int16)


def setup_inputs(seed: int = 0) -> dict:
    key = jax.random.key(seed)
    table = _build_exact_table()  # persistent buffer from __init__ (exact int8 x int8 product LUT)
    a = jax.random.randint(jax.random.fold_in(key, 1), (16384, 200), 0, 128, dtype=jnp.int32)  # int8-valued activations
    b = 3  # scalar int8 multiplier
    return {"a": a, "b": b, "table": table}


def reference(a, b, table):
    # lookup_scalar: column-select for multiplier b, then gather per-element by a
    idx_b = b + 128  # python int, in [0, 256)
    column = table[:, idx_b]                       # [256] int16
    a_idx = a.astype(jnp.int32) + 128              # shift int8 values into [0, 256)
    prod = jnp.take(column, a_idx.reshape(-1), axis=0)  # gather, SparseCore-mappable
    return prod.reshape(a.shape)                   # int16, same shape as a

if __name__ == "__main__":
    import jax
    _d = setup_inputs()
    print(jax.jit(kernel)(*tuple(_d.values())))

</pallas_src>

<mosaic_0001>
#map = affine_map<(d0, d1) -> (0, 0)>
#map1 = affine_map<(d0, d1) -> (0)>
module attributes {stable_mosaic.version = 14 : i64} {
  func.func @_lut_kernel(%arg0: i32, %arg1: i32, %arg2: memref<256x256xi16, #tpu.memory_space<hbm>>, %arg3: memref<16384x200xi32, #tpu.memory_space<hbm>>, %arg4: memref<16xi32, #tpu.memory_space<hbm>>, %arg5: memref<16384x200xi16, #tpu.memory_space<hbm>>, %arg6: memref<256xi32, #tpu.memory_space<vmem>>, %arg7: memref<128x128xi32, #tpu.memory_space<vmem>>, %arg8: memref<16xi32, #tpu.memory_space<vmem>>, %arg9: memref<128x200xi32, #tpu.memory_space<vmem>>, %arg10: memref<128x200xi32, #tpu.memory_space<vmem>>, %arg11: memref<64x200xi32, #tpu.memory_space<vmem>>, %arg12: memref<64x200xi32, #tpu.memory_space<vmem>>, %arg13: memref<!tpu.dma_semaphore, #tpu.memory_space<semaphore_mem>>, %arg14: memref<!tpu.dma_semaphore, #tpu.memory_space<semaphore_mem>>, %arg15: memref<!tpu.dma_semaphore, #tpu.memory_space<semaphore_mem>>, %arg16: memref<!tpu.dma_semaphore, #tpu.memory_space<semaphore_mem>>) attributes {dimension_semantics = [#tpu.dimension_semantics<core_parallel>, #tpu.dimension_semantics<subcore_parallel>], iteration_bounds = array<i64: 2, 16>, scalar_prefetch = 0 : i64, scratch_operands = 11 : i64, tpu.core_type = #tpu.core_type<sc_vector_subcore>, window_params = [{transform_indices = #map}, {transform_indices = #map}, {transform_indices = #map1}, {transform_indices = #map}]} {
    %mul3A = arith.constant 2 : i32
    %mul3A_0 = arith.muli %arg1, %mul3A : i32
    %add3A = arith.addi %mul3A_0, %arg0 : i32
    %mul3A_1 = arith.constant 512 : i32
    %mul3A_2 = arith.muli %add3A, %mul3A_1 : i32
    %iota3A = tpu.iota {dimensions = array<i32: 0>} : vector<16xi32>
    %add3A_3 = arith.constant 0 : i32
    %add3A_4 = arith.addi %mul3A_2, %add3A_3 : i32
    %dma_start3A = arith.constant 0 : i32
    %dma_start3A_5 = tpu.memref_slice %arg3[%add3A_4, %dma_start3A] : memref<16384x200xi32, #tpu.memory_space<hbm>> -> memref<128x200xi32, #tpu.memory_space<hbm>>
    %dma_start3A_6 = arith.constant 0 : i32
    %dma_start3A_7 = tpu.memref_slice %arg3[%add3A_4, %dma_start3A_6] : memref<16384x200xi32, #tpu.memory_space<hbm>> -> memref<128x200xi32, #tpu.memory_space<hbm>>
    tpu.enqueue_dma source(%dma_start3A_7 : memref<128x200xi32, #tpu.memory_space<hbm>>) target(%arg9 : memref<128x200xi32, #tpu.memory_space<vmem>>) target_semaphore(%arg13 : memref<!tpu.dma_semaphore, #tpu.memory_space<semaphore_mem>>)
    %add3A_8 = arith.constant 128 : i32
    %add3A_9 = arith.addi %mul3A_2, %add3A_8 : i32
    %dma_start3A_10 = arith.constant 0 : i32
    %dma_start3A_11 = tpu.memref_slice %arg3[%add3A_9, %dma_start3A_10] : memref<16384x200xi32, #tpu.memory_space<hbm>> -> memref<128x200xi32, #tpu.memory_space<hbm>>
    %dma_start3A_12 = arith.constant 0 : i32
    %dma_start3A_13 = tpu.memref_slice %arg3[%add3A_9, %dma_start3A_12] : memref<16384x200xi32, #tpu.memory_space<hbm>> -> memref<128x200xi32, #tpu.memory_space<hbm>>
    tpu.enqueue_dma source(%dma_start3A_13 : memref<128x200xi32, #tpu.memory_space<hbm>>) target(%arg10 : memref<128x200xi32, #tpu.memory_space<vmem>>) target_semaphore(%arg14 : memref<!tpu.dma_semaphore, #tpu.memory_space<semaphore_mem>>)
    "tpu.region"() ({
      %run_scoped3A = tpu.sem_alloc : memref<!tpu.dma_semaphore, #tpu.memory_space<semaphore_mem>>
      tpu.enqueue_dma source(%arg4 : memref<16xi32, #tpu.memory_space<hbm>>) target(%arg8 : memref<16xi32, #tpu.memory_space<vmem>>) target_semaphore(%run_scoped3A : memref<!tpu.dma_semaphore, #tpu.memory_space<semaphore_mem>>)
      tpu.wait_dma2 semaphore(%run_scoped3A : memref<!tpu.dma_semaphore, #tpu.memory_space<semaphore_mem>>) src(%arg4 : memref<16xi32, #tpu.memory_space<hbm>>) dst(%arg8 : memref<16xi32, #tpu.memory_space<vmem>>)
      tpu.yield
    }) : () -> ()
    %get3A = arith.constant 0 : index
    %get3A_14 = tpu.vector_load %arg8[%get3A] {strides = array<i32>} : memref<16xi32, #tpu.memory_space<vmem>>, vector<16xi32>,
    %reduce_max3A = arith.constant true
    %reduce_max3A_15 = vector.broadcast %reduce_max3A : i1 to vector<16xi1>
    %reduce_max3A_16 = arith.constant -2147483648 : i32
    %reduce_max3A_17 = vector.broadcast %reduce_max3A_16 : i32 to vector<16xi32>
    %reduce_max3A_18 = arith.xori %get3A_14, %reduce_max3A_17 : vector<16xi32>
    %reduce_max3A_19 = tpu.scan <max>, %reduce_max3A_18 masked %reduce_max3A_15 : vector<16xi32>, vector<16xi1> -> vector<16xi32>
    %reduce_max3A_20 = arith.xori %reduce_max3A_19, %reduce_max3A_17 : vector<16xi32>
    %reduce_max3A_21 = vector.extract %reduce_max3A_20[15] : i32 from vector<16xi32>
    %add3A_22 = arith.constant 128 : i32
    %add3A_23 = arith.addi %reduce_max3A_21, %add3A_22 : i32
    %shift_right_arithmetic3A = arith.constant 7 : i32
    %shift_right_arithmetic3A_24 = arith.shrsi %add3A_23, %shift_right_arithmetic3A : i32
    %shift_left3A = arith.constant 7 : i32
    %shift_left3A_25 = arith.shli %shift_right_arithmetic3A_24, %shift_left3A : i32
    %multiple_of3A = tpu.assume_multiple %shift_left3A_25, 128 : i32
    %and3A = arith.constant 127 : i32
    %and3A_26 = arith.andi %add3A_23, %and3A : i32
    %broadcast_in_dim3A = vector.broadcast %and3A_26 : i32 to vector<16xi32>
    "tpu.region"() ({
      %run_scoped3A = tpu.sem_alloc : memref<!tpu.dma_semaphore, #tpu.memory_space<semaphore_mem>>
      %dma_start3A_296 = tpu.memref_bitcast %arg2 : memref<256x256xi16, #tpu.memory_space<hbm>> -> memref<128x256xi32, #tpu.memory_space<hbm>>
      %dma_start3A_297 = arith.constant 0 : i32
      %dma_start3A_298 = tpu.memref_slice %dma_start3A_296[%dma_start3A_297, %multiple_of3A] : memref<128x256xi32, #tpu.memory_space<hbm>> -> memref<128x128xi32, #tpu.memory_space<hbm>>
      %dma_start3A_299 = tpu.memref_bitcast %arg2 : memref<256x256xi16, #tpu.memory_space<hbm>> -> memref<128x256xi32, #tpu.memory_space<hbm>>
      %dma_start3A_300 = arith.constant 0 : i32
      %dma_start3A_301 = tpu.memref_slice %dma_start3A_299[%dma_start3A_300, %multiple_of3A] : memref<128x256xi32, #tpu.memory_space<hbm>> -> memref<128x128xi32, #tpu.memory_space<hbm>>
      tpu.enqueue_dma source(%dma_start3A_301 : memref<128x128xi32, #tpu.memory_space<hbm>>) target(%arg7 : memref<128x128xi32, #tpu.memory_space<vmem>>) target_semaphore(%run_scoped3A : memref<!tpu.dma_semaphore, #tpu.memory_space<semaphore_mem>>)
      %dma_wait3A_302 = tpu.memref_bitcast %arg2 : memref<256x256xi16, #tpu.memory_space<hbm>> -> memref<128x256xi32, #tpu.memory_space<hbm>>
      %dma_wait3A_303 = arith.constant 0 : i32
      %dma_wait3A_304 = tpu.memref_slice %dma_wait3A_302[%dma_wait3A_303, %multiple_of3A] : memref<128x256xi32, #tpu.memory_space<hbm>> -> memref<128x128xi32, #tpu.memory_space<hbm>>
      %dma_wait3A_305 = tpu.memref_bitcast %arg2 : memref<256x256xi16, #tpu.memory_space<hbm>> -> memref<128x256xi32, #tpu.memory_space<hbm>>
      %dma_wait3A_306 = arith.constant 0 : i32
      %dma_wait3A_307 = tpu.memref_slice %dma_wait3A_305[%dma_wait3A_306, %multiple_of3A] : memref<128x256xi32, #tpu.memory_space<hbm>> -> memref<128x128xi32, #tpu.memory_space<hbm>>
      tpu.wait_dma2 semaphore(%run_scoped3A : memref<!tpu.dma_semaphore, #tpu.memory_space<semaphore_mem>>) src(%dma_wait3A_307 : memref<128x128xi32, #tpu.memory_space<hbm>>) dst(%arg7 : memref<128x128xi32, #tpu.memory_space<vmem>>)
      tpu.yield
    }) : () -> ()
    %add3A_27 = arith.constant 0 : i32
    %add3A_28 = vector.broadcast %add3A_27 : i32 to vector<16xi32>
    %add3A_29 = arith.addi %add3A_28, %iota3A : vector<16xi32>
    %gather3A = tpu.vector_load_idx %arg7[%add3A_29, %broadcast_in_dim3A] : memref<128x128xi32, #tpu.memory_space<vmem>>[vector<16xi32>, vector<16xi32>], vector<16xi32>,
    %shift_left3A_30 = arith.constant 16 : i32
    %shift_left3A_31 = vector.broadcast %shift_left3A_30 : i32 to vector<16xi32>
    %shift_left3A_32 = arith.shli %gather3A, %shift_left3A_31 : vector<16xi32>
    %shift_right_arithmetic3A_33 = arith.constant 16 : i32
    %shift_right_arithmetic3A_34 = vector.broadcast %shift_right_arithmetic3A_33 : i32 to vector<16xi32>
    %shift_right_arithmetic3A_35 = arith.shrsi %shift_left3A_32, %shift_right_arithmetic3A_34 : vector<16xi32>
    %shift_right_arithmetic3A_36 = arith.constant 16 : i32
    %shift_right_arithmetic3A_37 = vector.broadcast %shift_right_arithmetic3A_36 : i32 to vector<16xi32>
    %shift_right_arithmetic3A_38 = arith.shrsi %gather3A, %shift_right_arithmetic3A_37 : vector<16xi32>
    %mul3A_39 = arith.constant 2 : i32
    %mul3A_40 = vector.broadcast %mul3A_39 : i32 to vector<16xi32>
    %mul3A_41 = arith.muli %add3A_29, %mul3A_40 : vector<16xi32>
    tpu.vector_store_idx %arg6[%mul3A_41], %shift_right_arithmetic3A_35 : memref<256xi32, #tpu.memory_space<vmem>>[vector<16xi32>], vector<16xi32>,
    %mul3A_42 = arith.constant 2 : i32
    %mul3A_43 = vector.broadcast %mul3A_42 : i32 to vector<16xi32>
    %mul3A_44 = arith.muli %add3A_29, %mul3A_43 : vector<16xi32>
    %add3A_45 = arith.constant 1 : i32
    %add3A_46 = vector.broadcast %add3A_45 : i32 to vector<16xi32>
    %add3A_47 = arith.addi %mul3A_44, %add3A_46 : vector<16xi32>
    tpu.vector_store_idx %arg6[%add3A_47], %shift_right_arithmetic3A_38 : memref<256xi32, #tpu.memory_space<vmem>>[vector<16xi32>], vector<16xi32>,
    %add3A_48 = arith.constant 16 : i32
    %add3A_49 = vector.broadcast %add3A_48 : i32 to vector<16xi32>
    %add3A_50 = arith.addi %add3A_49, %iota3A : vector<16xi32>
    %gather3A_51 = tpu.vector_load_idx %arg7[%add3A_50, %broadcast_in_dim3A] : memref<128x128xi32, #tpu.memory_space<vmem>>[vector<16xi32>, vector<16xi32>], vector<16xi32>,
    %shift_left3A_52 = arith.constant 16 : i32
    %shift_left3A_53 = vector.broadcast %shift_left3A_52 : i32 to vector<16xi32>
    %shift_left3A_54 = arith.shli %gather3A_51, %shift_left3A_53 : vector<16xi32>
    %shift_right_arithmetic3A_55 = arith.constant 16 : i32
    %shift_right_arithmetic3A_56 = vector.broadcast %shift_right_arithmetic3A_55 : i32 to vector<16xi32>
    %shift_right_arithmetic3A_57 = arith.shrsi %shift_left3A_54, %shift_right_arithmetic3A_56 : vector<16xi32>
    %shift_right_arithmetic3A_58 = arith.constant 16 : i32
    %shift_right_arithmetic3A_59 = vector.broadcast %shift_right_arithmetic3A_58 : i32 to vector<16xi32>
    %shift_right_arithmetic3A_60 = arith.shrsi %gather3A_51, %shift_right_arithmetic3A_59 : vector<16xi32>
    %mul3A_61 = arith.constant 2 : i32
    %mul3A_62 = vector.broadcast %mul3A_61 : i32 to vector<16xi32>
    %mul3A_63 = arith.muli %add3A_50, %mul3A_62 : vector<16xi32>
    tpu.vector_store_idx %arg6[%mul3A_63], %shift_right_arithmetic3A_57 : memref<256xi32, #tpu.memory_space<vmem>>[vector<16xi32>], vector<16xi32>,
    %mul3A_64 = arith.constant 2 : i32
    %mul3A_65 = vector.broadcast %mul3A_64 : i32 to vector<16xi32>
    %mul3A_66 = arith.muli %add3A_50, %mul3A_65 : vector<16xi32>
    %add3A_67 = arith.constant 1 : i32
    %add3A_68 = vector.broadcast %add3A_67 : i32 to vector<16xi32>
    %add3A_69 = arith.addi %mul3A_66, %add3A_68 : vector<16xi32>
    tpu.vector_store_idx %arg6[%add3A_69], %shift_right_arithmetic3A_60 : memref<256xi32, #tpu.memory_space<vmem>>[vector<16xi32>], vector<16xi32>,
    %add3A_70 = arith.constant 32 : i32
    %add3A_71 = vector.broadcast %add3A_70 : i32 to vector<16xi32>
    %add3A_72 = arith.addi %add3A_71, %iota3A : vector<16xi32>
    %gather3A_73 = tpu.vector_load_idx %arg7[%add3A_72, %broadcast_in_dim3A] : memref<128x128xi32, #tpu.memory_space<vmem>>[vector<16xi32>, vector<16xi32>], vector<16xi32>,
    %shift_left3A_74 = arith.constant 16 : i32
    %shift_left3A_75 = vector.broadcast %shift_left3A_74 : i32 to vector<16xi32>
    %shift_left3A_76 = arith.shli %gather3A_73, %shift_left3A_75 : vector<16xi32>
    %shift_right_arithmetic3A_77 = arith.constant 16 : i32
    %shift_right_arithmetic3A_78 = vector.broadcast %shift_right_arithmetic3A_77 : i32 to vector<16xi32>
    %shift_right_arithmetic3A_79 = arith.shrsi %shift_left3A_76, %shift_right_arithmetic3A_78 : vector<16xi32>
    %shift_right_arithmetic3A_80 = arith.constant 16 : i32
    %shift_right_arithmetic3A_81 = vector.broadcast %shift_right_arithmetic3A_80 : i32 to vector<16xi32>
    %shift_right_arithmetic3A_82 = arith.shrsi %gather3A_73, %shift_right_arithmetic3A_81 : vector<16xi32>
    %mul3A_83 = arith.constant 2 : i32
    %mul3A_84 = vector.broadcast %mul3A_83 : i32 to vector<16xi32>
    %mul3A_85 = arith.muli %add3A_72, %mul3A_84 : vector<16xi32>
    tpu.vector_store_idx %arg6[%mul3A_85], %shift_right_arithmetic3A_79 : memref<256xi32, #tpu.memory_space<vmem>>[vector<16xi32>], vector<16xi32>,
    %mul3A_86 = arith.constant 2 : i32
    %mul3A_87 = vector.broadcast %mul3A_86 : i32 to vector<16xi32>
    %mul3A_88 = arith.muli %add3A_72, %mul3A_87 : vector<16xi32>
    %add3A_89 = arith.constant 1 : i32
    %add3A_90 = vector.broadcast %add3A_89 : i32 to vector<16xi32>
    %add3A_91 = arith.addi %mul3A_88, %add3A_90 : vector<16xi32>
    tpu.vector_store_idx %arg6[%add3A_91], %shift_right_arithmetic3A_82 : memref<256xi32, #tpu.memory_space<vmem>>[vector<16xi32>], vector<16xi32>,
    %add3A_92 = arith.constant 48 : i32
    %add3A_93 = vector.broadcast %add3A_92 : i32 to vector<16xi32>
    %add3A_94 = arith.addi %add3A_93, %iota3A : vector<16xi32>
    %gather3A_95 = tpu.vector_load_idx %arg7[%add3A_94, %broadcast_in_dim3A] : memref<128x128xi32, #tpu.memory_space<vmem>>[vector<16xi32>, vector<16xi32>], vector<16xi32>,
    %shift_left3A_96 = arith.constant 16 : i32
    %shift_left3A_97 = vector.broadcast %shift_left3A_96 : i32 to vector<16xi32>
    %shift_left3A_98 = arith.shli %gather3A_95, %shift_left3A_97 : vector<16xi32>
    %shift_right_arithmetic3A_99 = arith.constant 16 : i32
    %shift_right_arithmetic3A_100 = vector.broadcast %shift_right_arithmetic3A_99 : i32 to vector<16xi32>
    %shift_right_arithmetic3A_101 = arith.shrsi %shift_left3A_98, %shift_right_arithmetic3A_100 : vector<16xi32>
    %shift_right_arithmetic3A_102 = arith.constant 16 : i32
    %shift_right_arithmetic3A_103 = vector.broadcast %shift_right_arithmetic3A_102 : i32 to vector<16xi32>
    %shift_right_arithmetic3A_104 = arith.shrsi %gather3A_95, %shift_right_arithmetic3A_103 : vector<16xi32>
    %mul3A_105 = arith.constant 2 : i32
    %mul3A_106 = vector.broadcast %mul3A_105 : i32 to vector<16xi32>
    %mul3A_107 = arith.muli %add3A_94, %mul3A_106 : vector<16xi32>
    tpu.vector_store_idx %arg6[%mul3A_107], %shift_right_arithmetic3A_101 : memref<256xi32, #tpu.memory_space<vmem>>[vector<16xi32>], vector<16xi32>,
    %mul3A_108 = arith.constant 2 : i32
    %mul3A_109 = vector.broadcast %mul3A_108 : i32 to vector<16xi32>
    %mul3A_110 = arith.muli %add3A_94, %mul3A_109 : vector<16xi32>
    %add3A_111 = arith.constant 1 : i32
    %add3A_112 = vector.broadcast %add3A_111 : i32 to vector<16xi32>
    %add3A_113 = arith.addi %mul3A_110, %add3A_112 : vector<16xi32>
    tpu.vector_store_idx %arg6[%add3A_113], %shift_right_arithmetic3A_104 : memref<256xi32, #tpu.memory_space<vmem>>[vector<16xi32>], vector<16xi32>,
    %add3A_114 = arith.constant 64 : i32
    %add3A_115 = vector.broadcast %add3A_114 : i32 to vector<16xi32>
    %add3A_116 = arith.addi %add3A_115, %iota3A : vector<16xi32>
    %gather3A_117 = tpu.vector_load_idx %arg7[%add3A_116, %broadcast_in_dim3A] : memref<128x128xi32, #tpu.memory_space<vmem>>[vector<16xi32>, vector<16xi32>], vector<16xi32>,
    %shift_left3A_118 = arith.constant 16 : i32
    %shift_left3A_119 = vector.broadcast %shift_left3A_118 : i32 to vector<16xi32>
    %shift_left3A_120 = arith.shli %gather3A_117, %shift_left3A_119 : vector<16xi32>
    %shift_right_arithmetic3A_121 = arith.constant 16 : i32
    %shift_right_arithmetic3A_122 = vector.broadcast %shift_right_arithmetic3A_121 : i32 to vector<16xi32>
    %shift_right_arithmetic3A_123 = arith.shrsi %shift_left3A_120, %shift_right_arithmetic3A_122 : vector<16xi32>
    %shift_right_arithmetic3A_124 = arith.constant 16 : i32
    %shift_right_arithmetic3A_125 = vector.broadcast %shift_right_arithmetic3A_124 : i32 to vector<16xi32>
    %shift_right_arithmetic3A_126 = arith.shrsi %gather3A_117, %shift_right_arithmetic3A_125 : vector<16xi32>
    %mul3A_127 = arith.constant 2 : i32
    %mul3A_128 = vector.broadcast %mul3A_127 : i32 to vector<16xi32>
    %mul3A_129 = arith.muli %add3A_116, %mul3A_128 : vector<16xi32>
    tpu.vector_store_idx %arg6[%mul3A_129], %shift_right_arithmetic3A_123 : memref<256xi32, #tpu.memory_space<vmem>>[vector<16xi32>], vector<16xi32>,
    %mul3A_130 = arith.constant 2 : i32
    %mul3A_131 = vector.broadcast %mul3A_130 : i32 to vector<16xi32>
    %mul3A_132 = arith.muli %add3A_116, %mul3A_131 : vector<16xi32>
    %add3A_133 = arith.constant 1 : i32
    %add3A_134 = vector.broadcast %add3A_133 : i32 to vector<16xi32>
    %add3A_135 = arith.addi %mul3A_132, %add3A_134 : vector<16xi32>
    tpu.vector_store_idx %arg6[%add3A_135], %shift_right_arithmetic3A_126 : memref<256xi32, #tpu.memory_space<vmem>>[vector<16xi32>], vector<16xi32>,
    %add3A_136 = arith.constant 80 : i32
    %add3A_137 = vector.broadcast %add3A_136 : i32 to vector<16xi32>
    %add3A_138 = arith.addi %add3A_137, %iota3A : vector<16xi32>
    %gather3A_139 = tpu.vector_load_idx %arg7[%add3A_138, %broadcast_in_dim3A] : memref<128x128xi32, #tpu.memory_space<vmem>>[vector<16xi32>, vector<16xi32>], vector<16xi32>,
    %shift_left3A_140 = arith.constant 16 : i32
    %shift_left3A_141 = vector.broadcast %shift_left3A_140 : i32 to vector<16xi32>
    %shift_left3A_142 = arith.shli %gather3A_139, %shift_left3A_141 : vector<16xi32>
    %shift_right_arithmetic3A_143 = arith.constant 16 : i32
    %shift_right_arithmetic3A_144 = vector.broadcast %shift_right_arithmetic3A_143 : i32 to vector<16xi32>
    %shift_right_arithmetic3A_145 = arith.shrsi %shift_left3A_142, %shift_right_arithmetic3A_144 : vector<16xi32>
    %shift_right_arithmetic3A_146 = arith.constant 16 : i32
    %shift_right_arithmetic3A_147 = vector.broadcast %shift_right_arithmetic3A_146 : i32 to vector<16xi32>
    %shift_right_arithmetic3A_148 = arith.shrsi %gather3A_139, %shift_right_arithmetic3A_147 : vector<16xi32>
    %mul3A_149 = arith.constant 2 : i32
    %mul3A_150 = vector.broadcast %mul3A_149 : i32 to vector<16xi32>
    %mul3A_151 = arith.muli %add3A_138, %mul3A_150 : vector<16xi32>
    tpu.vector_store_idx %arg6[%mul3A_151], %shift_right_arithmetic3A_145 : memref<256xi32, #tpu.memory_space<vmem>>[vector<16xi32>], vector<16xi32>,
    %mul3A_152 = arith.constant 2 : i32
    %mul3A_153 = vector.broadcast %mul3A_152 : i32 to vector<16xi32>
    %mul3A_154 = arith.muli %add3A_138, %mul3A_153 : vector<16xi32>
    %add3A_155 = arith.constant 1 : i32
    %add3A_156 = vector.broadcast %add3A_155 : i32 to vector<16xi32>
    %add3A_157 = arith.addi %mul3A_154, %add3A_156 : vector<16xi32>
    tpu.vector_store_idx %arg6[%add3A_157], %shift_right_arithmetic3A_148 : memref<256xi32, #tpu.memory_space<vmem>>[vector<16xi32>], vector<16xi32>,
    %add3A_158 = arith.constant 96 : i32
    %add3A_159 = vector.broadcast %add3A_158 : i32 to vector<16xi32>
    %add3A_160 = arith.addi %add3A_159, %iota3A : vector<16xi32>
    %gather3A_161 = tpu.vector_load_idx %arg7[%add3A_160, %broadcast_in_dim3A] : memref<128x128xi32, #tpu.memory_space<vmem>>[vector<16xi32>, vector<16xi32>], vector<16xi32>,
    %shift_left3A_162 = arith.constant 16 : i32
    %shift_left3A_163 = vector.broadcast %shift_left3A_162 : i32 to vector<16xi32>
    %shift_left3A_164 = arith.shli %gather3A_161, %shift_left3A_163 : vector<16xi32>
    %shift_right_arithmetic3A_165 = arith.constant 16 : i32
    %shift_right_arithmetic3A_166 = vector.broadcast %shift_right_arithmetic3A_165 : i32 to vector<16xi32>
    %shift_right_arithmetic3A_167 = arith.shrsi %shift_left3A_164, %shift_right_arithmetic3A_166 : vector<16xi32>
    %shift_right_arithmetic3A_168 = arith.constant 16 : i32
    %shift_right_arithmetic3A_169 = vector.broadcast %shift_right_arithmetic3A_168 : i32 to vector<16xi32>
    %shift_right_arithmetic3A_170 = arith.shrsi %gather3A_161, %shift_right_arithmetic3A_169 : vector<16xi32>
    %mul3A_171 = arith.constant 2 : i32
    %mul3A_172 = vector.broadcast %mul3A_171 : i32 to vector<16xi32>
    %mul3A_173 = arith.muli %add3A_160, %mul3A_172 : vector<16xi32>
    tpu.vector_store_idx %arg6[%mul3A_173], %shift_right_arithmetic3A_167 : memref<256xi32, #tpu.memory_space<vmem>>[vector<16xi32>], vector<16xi32>,
    %mul3A_174 = arith.constant 2 : i32
    %mul3A_175 = vector.broadcast %mul3A_174 : i32 to vector<16xi32>
    %mul3A_176 = arith.muli %add3A_160, %mul3A_175 : vector<16xi32>
    %add3A_177 = arith.constant 1 : i32
    %add3A_178 = vector.broadcast %add3A_177 : i32 to vector<16xi32>
    %add3A_179 = arith.addi %mul3A_176, %add3A_178 : vector<16xi32>
    tpu.vector_store_idx %arg6[%add3A_179], %shift_right_arithmetic3A_170 : memref<256xi32, #tpu.memory_space<vmem>>[vector<16xi32>], vector<16xi32>,
    %add3A_180 = arith.constant 112 : i32
    %add3A_181 = vector.broadcast %add3A_180 : i32 to vector<16xi32>
    %add3A_182 = arith.addi %add3A_181, %iota3A : vector<16xi32>
    %gather3A_183 = tpu.vector_load_idx %arg7[%add3A_182, %broadcast_in_dim3A] : memref<128x128xi32, #tpu.memory_space<vmem>>[vector<16xi32>, vector<16xi32>], vector<16xi32>,
    %shift_left3A_184 = arith.constant 16 : i32
    %shift_left3A_185 = vector.broadcast %shift_left3A_184 : i32 to vector<16xi32>
    %shift_left3A_186 = arith.shli %gather3A_183, %shift_left3A_185 : vector<16xi32>
    %shift_right_arithmetic3A_187 = arith.constant 16 : i32
    %shift_right_arithmetic3A_188 = vector.broadcast %shift_right_arithmetic3A_187 : i32 to vector<16xi32>
    %shift_right_arithmetic3A_189 = arith.shrsi %shift_left3A_186, %shift_right_arithmetic3A_188 : vector<16xi32>
    %shift_right_arithmetic3A_190 = arith.constant 16 : i32
    %shift_right_arithmetic3A_191 = vector.broadcast %shift_right_arithmetic3A_190 : i32 to vector<16xi32>
    %shift_right_arithmetic3A_192 = arith.shrsi %gather3A_183, %shift_right_arithmetic3A_191 : vector<16xi32>
    %mul3A_193 = arith.constant 2 : i32
    %mul3A_194 = vector.broadcast %mul3A_193 : i32 to vector<16xi32>
    %mul3A_195 = arith.muli %add3A_182, %mul3A_194 : vector<16xi32>
    tpu.vector_store_idx %arg6[%mul3A_195], %shift_right_arithmetic3A_189 : memref<256xi32, #tpu.memory_space<vmem>>[vector<16xi32>], vector<16xi32>,
    %mul3A_196 = arith.constant 2 : i32
    %mul3A_197 = vector.broadcast %mul3A_196 : i32 to vector<16xi32>
    %mul3A_198 = arith.muli %add3A_182, %mul3A_197 : vector<16xi32>
    %add3A_199 = arith.constant 1 : i32
    %add3A_200 = vector.broadcast %add3A_199 : i32 to vector<16xi32>
    %add3A_201 = arith.addi %mul3A_198, %add3A_200 : vector<16xi32>
    tpu.vector_store_idx %arg6[%add3A_201], %shift_right_arithmetic3A_192 : memref<256xi32, #tpu.memory_space<vmem>>[vector<16xi32>], vector<16xi32>,
    %dma_wait3A = arith.constant 0 : i32
    %dma_wait3A_202 = tpu.memref_slice %arg3[%add3A_4, %dma_wait3A] : memref<16384x200xi32, #tpu.memory_space<hbm>> -> memref<128x200xi32, #tpu.memory_space<hbm>>
    %dma_wait3A_203 = arith.constant 0 : i32
    %dma_wait3A_204 = tpu.memref_slice %arg3[%add3A_4, %dma_wait3A_203] : memref<16384x200xi32, #tpu.memory_space<hbm>> -> memref<128x200xi32, #tpu.memory_space<hbm>>
    tpu.wait_dma2 semaphore(%arg13 : memref<!tpu.dma_semaphore, #tpu.memory_space<semaphore_mem>>) src(%dma_wait3A_204 : memref<128x200xi32, #tpu.memory_space<hbm>>) dst(%arg9 : memref<128x200xi32, #tpu.memory_space<vmem>>)
    %parallel_loop3A = arith.constant 0 : i32
    %parallel_loop3A_205 = arith.constant 64 : i32
    %parallel_loop3A_206 = arith.constant 1 : i32
    scf.for %parallel_loop3A_296 = %parallel_loop3A to %parallel_loop3A_205 step %parallel_loop3A_206  : i32 {
      %parallel_loop3A_297 = arith.constant 2 : i32
      %parallel_loop3A_298 = arith.muli %parallel_loop3A_297, %parallel_loop3A_296 : i32
      %parallel_loop3A_299 = arith.index_cast %parallel_loop3A_298 : i32 to index
      %parallel_loop3A_300 = arith.constant 0 : index
      %parallel_loop3A_301 = tpu.vector_load %arg9[%parallel_loop3A_299, %parallel_loop3A_300] {strides = array<i32>} : memref<128x200xi32, #tpu.memory_space<vmem>>, vector<16xi32>,
      %parallel_loop3A_302 = arith.constant 2 : i32
      %parallel_loop3A_303 = arith.muli %parallel_loop3A_302, %parallel_loop3A_296 : i32
      %parallel_loop3A_304 = arith.constant 1 : i32
      %parallel_loop3A_305 = arith.addi %parallel_loop3A_303, %parallel_loop3A_304 : i32
      %parallel_loop3A_306 = arith.index_cast %parallel_loop3A_305 : i32 to index
      %parallel_loop3A_307 = arith.constant 0 : index
      %parallel_loop3A_308 = tpu.vector_load %arg9[%parallel_loop3A_306, %parallel_loop3A_307] {strides = array<i32>} : memref<128x200xi32, #tpu.memory_space<vmem>>, vector<16xi32>,
      %parallel_loop3A_309 = arith.constant 128 : i32
      %parallel_loop3A_310 = vector.broadcast %parallel_loop3A_309 : i32 to vector<16xi32>
      %parallel_loop3A_311 = arith.addi %parallel_loop3A_301, %parallel_loop3A_310 : vector<16xi32>
      %parallel_loop3A_312 = tpu.vector_load_idx %arg6[%parallel_loop3A_311] : memref<256xi32, #tpu.memory_space<vmem>>[vector<16xi32>], vector<16xi32>,
      %parallel_loop3A_313 = arith.constant 128 : i32
      %parallel_loop3A_314 = vector.broadcast %parallel_loop3A_313 : i32 to vector<16xi32>
      %parallel_loop3A_315 = arith.addi %parallel_loop3A_308, %parallel_loop3A_314 : vector<16xi32>
      %parallel_loop3A_316 = tpu.vector_load_idx %arg6[%parallel_loop3A_315] : memref<256xi32, #tpu.memory_space<vmem>>[vector<16xi32>], vector<16xi32>,
      %parallel_loop3A_317 = arith.constant 65535 : i32
      %parallel_loop3A_318 = vector.broadcast %parallel_loop3A_317 : i32 to vector<16xi32>
      %parallel_loop3A_319 = arith.andi %parallel_loop3A_312, %parallel_loop3A_318 : vector<16xi32>
      %parallel_loop3A_320 = arith.constant 16 : i32
      %parallel_loop3A_321 = vector.broadcast %parallel_loop3A_320 : i32 to vector<16xi32>
      %parallel_loop3A_322 = arith.shli %parallel_loop3A_316, %parallel_loop3A_321 : vector<16xi32>
      %parallel_loop3A_323 = arith.ori %parallel_loop3A_319, %parallel_loop3A_322 : vector<16xi32>
      %parallel_loop3A_324 = arith.index_cast %parallel_loop3A_296 : i32 to index
      %parallel_loop3A_325 = arith.constant 0 : index
      %parallel_loop3A_326 = tpu.vector_load %arg11[%parallel_loop3A_324, %parallel_loop3A_325] {strides = array<i32>} : memref<64x200xi32, #tpu.memory_space<vmem>>, vector<16xi32>,
      tpu.vector_store %arg11[%parallel_loop3A_324, %parallel_loop3A_325], %parallel_loop3A_323 {strides = array<i32>} : memref<64x200xi32, #tpu.memory_space<vmem>>, vector<16xi32>,
      %parallel_loop3A_327 = arith.constant 2 : i32
      %parallel_loop3A_328 = arith.muli %parallel_loop3A_327, %parallel_loop3A_296 : i32
      %parallel_loop3A_329 = arith.index_cast %parallel_loop3A_328 : i32 to index
      %parallel_loop3A_330 = arith.constant 16 : index
      %parallel_loop3A_331 = tpu.vector_load %arg9[%parallel_loop3A_329, %parallel_loop3A_330] {strides = array<i32>} : memref<128x200xi32, #tpu.memory_space<vmem>>, vector<16xi32>,
      %parallel_loop3A_332 = arith.constant 2 : i32
      %parallel_loop3A_333 = arith.muli %parallel_loop3A_332, %parallel_loop3A_296 : i32
      %parallel_loop3A_334 = arith.constant 1 : i32
      %parallel_loop3A_335 = arith.addi %parallel_loop3A_333, %parallel_loop3A_334 : i32
      %parallel_loop3A_336 = arith.index_cast %parallel_loop3A_335 : i32 to index
      %parallel_loop3A_337 = arith.constant 16 : index
      %parallel_loop3A_338 = tpu.vector_load %arg9[%parallel_loop3A_336, %parallel_loop3A_337] {strides = array<i32>} : memref<128x200xi32, #tpu.memory_space<vmem>>, vector<16xi32>,
      %parallel_loop3A_339 = arith.constant 128 : i32
      %parallel_loop3A_340 = vector.broadcast %parallel_loop3A_339 : i32 to vector<16xi32>
      %parallel_loop3A_341 = arith.addi %parallel_loop3A_331, %parallel_loop3A_340 : vector<16xi32>
      %parallel_loop3A_342 = tpu.vector_load_idx %arg6[%parallel_loop3A_341] : memref<256xi32, #tpu.memory_space<vmem>>[vector<16xi32>], vector<16xi32>,
      %parallel_loop3A_343 = arith.constant 128 : i32
      %parallel_loop3A_344 = vector.broadcast %parallel_loop3A_343 : i32 to vector<16xi32>
      %parallel_loop3A_345 = arith.addi %parallel_loop3A_338, %parallel_loop3A_344 : vector<16xi32>
      %parallel_loop3A_346 = tpu.vector_load_idx %arg6[%parallel_loop3A_345] : memref<256xi32, #tpu.memory_space<vmem>>[vector<16xi32>], vector<16xi32>,
      %parallel_loop3A_347 = arith.constant 65535 : i32
      %parallel_loop3A_348 = vector.broadcast %parallel_loop3A_347 : i32 to vector<16xi32>
      %parallel_loop3A_349 = arith.andi %parallel_loop3A_342, %parallel_loop3A_348 : vector<16xi32>
      %parallel_loop3A_350 = arith.constant 16 : i32
      %parallel_loop3A_351 = vector.broadcast %parallel_loop3A_350 : i32 to vector<16xi32>
      %parallel_loop3A_352 = arith.shli %parallel_loop3A_346, %parallel_loop3A_351 : vector<16xi32>
      %parallel_loop3A_353 = arith.ori %parallel_loop3A_349, %parallel_loop3A_352 : vector<16xi32>
      %parallel_loop3A_354 = arith.index_cast %parallel_loop3A_296 : i32 to index
      %parallel_loop3A_355 = arith.constant 16 : index
      %parallel_loop3A_356 = tpu.vector_load %arg11[%parallel_loop3A_354, %parallel_loop3A_355] {strides = array<i32>} : memref<64x200xi32, #tpu.memory_space<vmem>>, vector<16xi32>,
      tpu.vector_store %arg11[%parallel_loop3A_354, %parallel_loop3A_355], %parallel_loop3A_353 {strides = array<i32>} : memref<64x200xi32, #tpu.memory_space<vmem>>, vector<16xi32>,
      %parallel_loop3A_357 = arith.constant 2 : i32
      %parallel_loop3A_358 = arith.muli %parallel_loop3A_357, %parallel_loop3A_296 : i32
      %parallel_loop3A_359 = arith.index_cast %parallel_loop3A_358 : i32 to index
      %parallel_loop3A_360 = arith.constant 32 : index
      %parallel_loop3A_361 = tpu.vector_load %arg9[%parallel_loop3A_359, %parallel_loop3A_360] {strides = array<i32>} : memref<128x200xi32, #tpu.memory_space<vmem>>, vector<16xi32>,
      %parallel_loop3A_362 = arith.constant 2 : i32
      %parallel_loop3A_363 = arith.muli %parallel_loop3A_362, %parallel_loop3A_296 : i32
      %parallel_loop3A_364 = arith.constant 1 : i32
      %parallel_loop3A_365 = arith.addi %parallel_loop3A_363, %parallel_loop3A_364 : i32
      %parallel_loop3A_366 = arith.index_cast %parallel_loop3A_365 : i32 to index
      %parallel_loop3A_367 = arith.constant 32 : index
      %parallel_loop3A_368 = tpu.vector_load %arg9[%parallel_loop3A_366, %parallel_loop3A_367] {strides = array<i32>} : memref<128x200xi32, #tpu.memory_space<vmem>>, vector<16xi32>,
      %parallel_loop3A_369 = arith.constant 128 : i32
      %parallel_loop3A_370 = vector.broadcast %parallel_loop3A_369 : i32 to vector<16xi32>
      %parallel_loop3A_371 = arith.addi %parallel_loop3A_361, %parallel_loop3A_370 : vector<16xi32>
      %parallel_loop3A_372 = tpu.vector_load_idx %arg6[%parallel_loop3A_371] : memref<256xi32, #tpu.memory_space<vmem>>[vector<16xi32>], vector<16xi32>,
      %parallel_loop3A_373 = arith.constant 128 : i32
      %parallel_loop3A_374 = vector.broadcast %parallel_loop3A_373 : i32 to vector<16xi32>
      %parallel_loop3A_375 = arith.addi %parallel_loop3A_368, %parallel_loop3A_374 : vector<16xi32>
      %parallel_loop3A_376 = tpu.vector_load_idx %arg6[%parallel_loop3A_375] : memref<256xi32, #tpu.memory_space<vmem>>[vector<16xi32>], vector<16xi32>,
      %parallel_loop3A_377 = arith.constant 65535 : i32
      %parallel_loop3A_378 = vector.broadcast %parallel_loop3A_377 : i32 to vector<16xi32>
      %parallel_loop3A_379 = arith.andi %parallel_loop3A_372, %parallel_loop3A_378 : vector<16xi32>
      %parallel_loop3A_380 = arith.constant 16 : i32
      %parallel_loop3A_381 = vector.broadcast %parallel_loop3A_380 : i32 to vector<16xi32>
      %parallel_loop3A_382 = arith.shli %parallel_loop3A_376, %parallel_loop3A_381 : vector<16xi32>
      %parallel_loop3A_383 = arith.ori %parallel_loop3A_379, %parallel_loop3A_382 : vector<16xi32>
      %parallel_loop3A_384 = arith.index_cast %parallel_loop3A_296 : i32 to index
      %parallel_loop3A_385 = arith.constant 32 : index
      %parallel_loop3A_386 = tpu.vector_load %arg11[%parallel_loop3A_384, %parallel_loop3A_385] {strides = array<i32>} : memref<64x200xi32, #tpu.memory_space<vmem>>, vector<16xi32>,
      tpu.vector_store %arg11[%parallel_loop3A_384, %parallel_loop3A_385], %parallel_loop3A_383 {strides = array<i32>} : memref<64x200xi32, #tpu.memory_space<vmem>>, vector<16xi32>,
      %parallel_loop3A_387 = arith.constant 2 : i32
      %parallel_loop3A_388 = arith.muli %parallel_loop3A_387, %parallel_loop3A_296 : i32
      %parallel_loop3A_389 = arith.index_cast %parallel_loop3A_388 : i32 to index
      %parallel_loop3A_390 = arith.constant 48 : index
      %parallel_loop3A_391 = tpu.vector_load %arg9[%parallel_loop3A_389, %parallel_loop3A_390] {strides = array<i32>} : memref<128x200xi32, #tpu.memory_space<vmem>>, vector<16xi32>,
      %parallel_loop3A_392 = arith.constant 2 : i32
      %parallel_loop3A_393 = arith.muli %parallel_loop3A_392, %parallel_loop3A_296 : i32
      %parallel_loop3A_394 = arith.constant 1 : i32
      %parallel_loop3A_395 = arith.addi %parallel_loop3A_393, %parallel_loop3A_394 : i32
      %parallel_loop3A_396 = arith.index_cast %parallel_loop3A_395 : i32 to index
      %parallel_loop3A_397 = arith.constant 48 : index
      %parallel_loop3A_398 = tpu.vector_load %arg9[%parallel_loop3A_396, %parallel_loop3A_397] {strides = array<i32>} : memref<128x200xi32, #tpu.memory_space<vmem>>, vector<16xi32>,
      %parallel_loop3A_399 = arith.constant 128 : i32
      %parallel_loop3A_400 = vector.broadcast %parallel_loop3A_399 : i32 to vector<16xi32>
      %parallel_loop3A_401 = arith.addi %parallel_loop3A_391, %parallel_loop3A_400 : vector<16xi32>
      %parallel_loop3A_402 = tpu.vector_load_idx %arg6[%parallel_loop3A_401] : memref<256xi32, #tpu.memory_space<vmem>>[vector<16xi32>], vector<16xi32>,
      %parallel_loop3A_403 = arith.constant 128 : i32
      %parallel_loop3A_404 = vector.broadcast %parallel_loop3A_403 : i32 to vector<16xi32>
      %parallel_loop3A_405 = arith.addi %parallel_loop3A_398, %parallel_loop3A_404 : vector<16xi32>
      %parallel_loop3A_406 = tpu.vector_load_idx %arg6[%parallel_loop3A_405] : memref<256xi32, #tpu.memory_space<vmem>>[vector<16xi32>], vector<16xi32>,
      %parallel_loop3A_407 = arith.constant 65535 : i32
      %parallel_loop3A_408 = vector.broadcast %parallel_loop3A_407 : i32 to vector<16xi32>
      %parallel_loop3A_409 = arith.andi %parallel_loop3A_402, %parallel_loop3A_408 : vector<16xi32>
      %parallel_loop3A_410 = arith.constant 16 : i32
      %parallel_loop3A_411 = vector.broadcast %parallel_loop3A_410 : i32 to vector<16xi32>
      %parallel_loop3A_412 = arith.shli %parallel_loop3A_406, %parallel_loop3A_411 : vector<16xi32>
      %parallel_loop3A_413 = arith.ori %parallel_loop3A_409, %parallel_loop3A_412 : vector<16xi32>
      %parallel_loop3A_414 = arith.index_cast %parallel_loop3A_296 : i32 to index
      %parallel_loop3A_415 = arith.constant 48 : index
      %parallel_loop3A_416 = tpu.vector_load %arg11[%parallel_loop3A_414, %parallel_loop3A_415] {strides = array<i32>} : memref<64x200xi32, #tpu.memory_space<vmem>>, vector<16xi32>,
      tpu.vector_store %arg11[%parallel_loop3A_414, %parallel_loop3A_415], %parallel_loop3A_413 {strides = array<i32>} : memref<64x200xi32, #tpu.memory_space<vmem>>, vector<16xi32>,
      %parallel_loop3A_417 = arith.constant 2 : i32
      %parallel_loop3A_418 = arith.muli %parallel_loop3A_417, %parallel_loop3A_296 : i32
      %parallel_loop3A_419 = arith.index_cast %parallel_loop3A_418 : i32 to index
      %parallel_loop3A_420 = arith.constant 64 : index
      %parallel_loop3A_421 = tpu.vector_load %arg9[%parallel_loop3A_419, %parallel_loop3A_420] {strides = array<i32>} : memref<128x200xi32, #tpu.memory_space<vmem>>, vector<16xi32>,
      %parallel_loop3A_422 = arith.constant 2 : i32
      %parallel_loop3A_423 = arith.muli %parallel_loop3A_422, %parallel_loop3A_296 : i32
      %parallel_loop3A_424 = arith.constant 1 : i32
      %parallel_loop3A_425 = arith.addi %parallel_loop3A_423, %parallel_loop3A_424 : i32
      %parallel_loop3A_426 = arith.index_cast %parallel_loop3A_425 : i32 to index
      %parallel_loop3A_427 = arith.constant 64 : index
      %parallel_loop3A_428 = tpu.vector_load %arg9[%parallel_loop3A_426, %parallel_loop3A_427] {strides = array<i32>} : memref<128x200xi32, #tpu.memory_space<vmem>>, vector<16xi32>,
      %parallel_loop3A_429 = arith.constant 128 : i32
      %parallel_loop3A_430 = vector.broadcast %parallel_loop3A_429 : i32 to vector<16xi32>
      %parallel_loop3A_431 = arith.addi %parallel_loop3A_421, %parallel_loop3A_430 : vector<16xi32>
      %parallel_loop3A_432 = tpu.vector_load_idx %arg6[%parallel_loop3A_431] : memref<256xi32, #tpu.memory_space<vmem>>[vector<16xi32>], vector<16xi32>,
      %parallel_loop3A_433 = arith.constant 128 : i32
      %parallel_loop3A_434 = vector.broadcast %parallel_loop3A_433 : i32 to vector<16xi32>
      %parallel_loop3A_435 = arith.addi %parallel_loop3A_428, %parallel_loop3A_434 : vector<16xi32>
      %parallel_loop3A_436 = tpu.vector_load_idx %arg6[%parallel_loop3A_435] : memref<256xi32, #tpu.memory_space<vmem>>[vector<16xi32>], vector<16xi32>,
      %parallel_loop3A_437 = arith.constant 65535 : i32
      %parallel_loop3A_438 = vector.broadcast %parallel_loop3A_437 : i32 to vector<16xi32>
      %parallel_loop3A_439 = arith.andi %parallel_loop3A_432, %parallel_loop3A_438 : vector<16xi32>
      %parallel_loop3A_440 = arith.constant 16 : i32
      %parallel_loop3A_441 = vector.broadcast %parallel_loop3A_440 : i32 to vector<16xi32>
      %parallel_loop3A_442 = arith.shli %parallel_loop3A_436, %parallel_loop3A_441 : vector<16xi32>
      %parallel_loop3A_443 = arith.ori %parallel_loop3A_439, %parallel_loop3A_442 : vector<16xi32>
      %parallel_loop3A_444 = arith.index_cast %parallel_loop3A_296 : i32 to index
      %parallel_loop3A_445 = arith.constant 64 : index
      %parallel_loop3A_446 = tpu.vector_load %arg11[%parallel_loop3A_444, %parallel_loop3A_445] {strides = array<i32>} : memref<64x200xi32, #tpu.memory_space<vmem>>, vector<16xi32>,
      tpu.vector_store %arg11[%parallel_loop3A_444, %parallel_loop3A_445], %parallel_loop3A_443 {strides = array<i32>} : memref<64x200xi32, #tpu.memory_space<vmem>>, vector<16xi32>,
      %parallel_loop3A_447 = arith.constant 2 : i32
      %parallel_loop3A_448 = arith.muli %parallel_loop3A_447, %parallel_loop3A_296 : i32
      %parallel_loop3A_449 = arith.index_cast %parallel_loop3A_448 : i32 to index
      %parallel_loop3A_450 = arith.constant 80 : index
      %parallel_loop3A_451 = tpu.vector_load %arg9[%parallel_loop3A_449, %parallel_loop3A_450] {strides = array<i32>} : memref<128x200xi32, #tpu.memory_space<vmem>>, vector<16xi32>,
      %parallel_loop3A_452 = arith.constant 2 : i32
      %parallel_loop3A_453 = arith.muli %parallel_loop3A_452, %parallel_loop3A_296 : i32
      %parallel_loop3A_454 = arith.constant 1 : i32
      %parallel_loop3A_455 = arith.addi %parallel_loop3A_453, %parallel_loop3A_454 : i32
      %parallel_loop3A_456 = arith.index_cast %parallel_loop3A_455 : i32 to index
      %parallel_loop3A_457 = arith.constant 80 : index
      %parallel_loop3A_458 = tpu.vector_load %arg9[%parallel_loop3A_456, %parallel_loop3A_457] {strides = array<i32>} : memref<128x200xi32, #tpu.memory_space<vmem>>, vector<16xi32>,
      %parallel_loop3A_459 = arith.constant 128 : i32
      %parallel_loop3A_460 = vector.broadcast %parallel_loop3A_459 : i32 to vector<16xi32>
      %parallel_loop3A_461 = arith.addi %parallel_loop3A_451, %parallel_loop3A_460 : vector<16xi32>
      %parallel_loop3A_462 = tpu.vector_load_idx %arg6[%parallel_loop3A_461] : memref<256xi32, #tpu.memory_space<vmem>>[vector<16xi32>], vector<16xi32>,
      %parallel_loop3A_463 = arith.constant 128 : i32
      %parallel_loop3A_464 = vector.broadcast %parallel_loop3A_463 : i32 to vector<16xi32>
      %parallel_loop3A_465 = arith.addi %parallel_loop3A_458, %parallel_loop3A_464 : vector<16xi32>
      %parallel_loop3A_466 = tpu.vector_load_idx %arg6[%parallel_loop3A_465] : memref<256xi32, #tpu.memory_space<vmem>>[vector<16xi32>], vector<16xi32>,
      %parallel_loop3A_467 = arith.constant 65535 : i32
      %parallel_loop3A_468 = vector.broadcast %parallel_loop3A_467 : i32 to vector<16xi32>
      %parallel_loop3A_469 = arith.andi %parallel_loop3A_462, %parallel_loop3A_468 : vector<16xi32>
      %parallel_loop3A_470 = arith.constant 16 : i32
      %parallel_loop3A_471 = vector.broadcast %parallel_loop3A_470 : i32 to vector<16xi32>
      %parallel_loop3A_472 = arith.shli %parallel_loop3A_466, %parallel_loop3A_471 : vector<16xi32>
      %parallel_loop3A_473 = arith.ori %parallel_loop3A_469, %parallel_loop3A_472 : vector<16xi32>
      %parallel_loop3A_474 = arith.index_cast %parallel_loop3A_296 : i32 to index
      %parallel_loop3A_475 = arith.constant 80 : index
      %parallel_loop3A_476 = tpu.vector_load %arg11[%parallel_loop3A_474, %parallel_loop3A_475] {strides = array<i32>} : memref<64x200xi32, #tpu.memory_space<vmem>>, vector<16xi32>,
      tpu.vector_store %arg11[%parallel_loop3A_474, %parallel_loop3A_475], %parallel_loop3A_473 {strides = array<i32>} : memref<64x200xi32, #tpu.memory_space<vmem>>, vector<16xi32>,
      %parallel_loop3A_477 = arith.constant 2 : i32
      %parallel_loop3A_478 = arith.muli %parallel_loop3A_477, %parallel_loop3A_296 : i32
      %parallel_loop3A_479 = arith.index_cast %parallel_loop3A_478 : i32 to index
      %parallel_loop3A_480 = arith.constant 96 : index
      %parallel_loop3A_481 = tpu.vector_load %arg9[%parallel_loop3A_479, %parallel_loop3A_480] {strides = array<i32>} : memref<128x200xi32, #tpu.memory_space<vmem>>, vector<16xi32>,
      %parallel_loop3A_482 = arith.constant 2 : i32
      %parallel_loop3A_483 = arith.muli %parallel_loop3A_482, %parallel_loop3A_296 : i32
      %parallel_loop3A_484 = arith.constant 1 : i32
      %parallel_loop3A_485 = arith.addi %parallel_loop3A_483, %parallel_loop3A_484 : i32
      %parallel_loop3A_486 = arith.index_cast %parallel_loop3A_485 : i32 to index
      %parallel_loop3A_487 = arith.constant 96 : index
      %parallel_loop3A_488 = tpu.vector_load %arg9[%parallel_loop3A_486, %parallel_loop3A_487] {strides = array<i32>} : memref<128x200xi32, #tpu.memory_space<vmem>>, vector<16xi32>,
      %parallel_loop3A_489 = arith.constant 128 : i32
      %parallel_loop3A_490 = vector.broadcast %parallel_loop3A_489 : i32 to vector<16xi32>
      %parallel_loop3A_491 = arith.addi %parallel_loop3A_481, %parallel_loop3A_490 : vector<16xi32>
      %parallel_loop3A_492 = tpu.vector_load_idx %arg6[%parallel_loop3A_491] : memref<256xi32, #tpu.memory_space<vmem>>[vector<16xi32>], vector<16xi32>,
      %parallel_loop3A_493 = arith.constant 128 : i32
      %parallel_loop3A_494 = vector.broadcast %parallel_loop3A_493 : i32 to vector<16xi32>
      %parallel_loop3A_495 = arith.addi %parallel_loop3A_488, %parallel_loop3A_494 : vector<16xi32>
      %parallel_loop3A_496 = tpu.vector_load_idx %arg6[%parallel_loop3A_495] : memref<256xi32, #tpu.memory_space<vmem>>[vector<16xi32>], vector<16xi32>,
      %parallel_loop3A_497 = arith.constant 65535 : i32
      %parallel_loop3A_498 = vector.broadcast %parallel_loop3A_497 : i32 to vector<16xi32>
      %parallel_loop3A_499 = arith.andi %parallel_loop3A_492, %parallel_loop3A_498 : vector<16xi32>
      %parallel_loop3A_500 = arith.constant 16 : i32
      %parallel_loop3A_501 = vector.broadcast %parallel_loop3A_500 : i32 to vector<16xi32>
      %parallel_loop3A_502 = arith.shli %parallel_loop3A_496, %parallel_loop3A_501 : vector<16xi32>
      %parallel_loop3A_503 = arith.ori %parallel_loop3A_499, %parallel_loop3A_502 : vector<16xi32>
      %parallel_loop3A_504 = arith.index_cast %parallel_loop3A_296 : i32 to index
      %parallel_loop3A_505 = arith.constant 96 : index
      %parallel_loop3A_506 = tpu.vector_load %arg11[%parallel_loop3A_504, %parallel_loop3A_505] {strides = array<i32>} : memref<64x200xi32, #tpu.memory_space<vmem>>, vector<16xi32>,
      tpu.vector_store %arg11[%parallel_loop3A_504, %parallel_loop3A_505], %parallel_loop3A_503 {strides = array<i32>} : memref<64x200xi32, #tpu.memory_space<vmem>>, vector<16xi32>,
      %parallel_loop3A_507 = arith.constant 2 : i32
      %parallel_loop3A_508 = arith.muli %parallel_loop3A_507, %parallel_loop3A_296 : i32
      %parallel_loop3A_509 = arith.index_cast %parallel_loop3A_508 : i32 to index
      %parallel_loop3A_510 = arith.constant 112 : index
      %parallel_loop3A_511 = tpu.vector_load %arg9[%parallel_loop3A_509, %parallel_loop3A_510] {strides = array<i32>} : memref<128x200xi32, #tpu.memory_space<vmem>>, vector<16xi32>,
      %parallel_loop3A_512 = arith.constant 2 : i32
      %parallel_loop3A_513 = arith.muli %parallel_loop3A_512, %parallel_loop3A_296 : i32
      %parallel_loop3A_514 = arith.constant 1 : i32
      %parallel_loop3A_515 = arith.addi %parallel_loop3A_513, %parallel_loop3A_514 : i32
      %parallel_loop3A_516 = arith.index_cast %parallel_loop3A_515 : i32 to index
      %parallel_loop3A_517 = arith.constant 112 : index
      %parallel_loop3A_518 = tpu.vector_load %arg9[%parallel_loop3A_516, %parallel_loop3A_517] {strides = array<i32>} : memref<128x200xi32, #tpu.memory_space<vmem>>, vector<16xi32>,
      %parallel_loop3A_519 = arith.constant 128 : i32
      %parallel_loop3A_520 = vector.broadcast %parallel_loop3A_519 : i32 to vector<16xi32>
      %parallel_loop3A_521 = arith.addi %parallel_loop3A_511, %parallel_loop3A_520 : vector<16xi32>
      %parallel_loop3A_522 = tpu.vector_load_idx %arg6[%parallel_loop3A_521] : memref<256xi32, #tpu.memory_space<vmem>>[vector<16xi32>], vector<16xi32>,
      %parallel_loop3A_523 = arith.constant 128 : i32
      %parallel_loop3A_524 = vector.broadcast %parallel_loop3A_523 : i32 to vector<16xi32>
      %parallel_loop3A_525 = arith.addi %parallel_loop3A_518, %parallel_loop3A_524 : vector<16xi32>
      %parallel_loop3A_526 = tpu.vector_load_idx %arg6[%parallel_loop3A_525] : memref<256xi32, #tpu.memory_space<vmem>>[vector<16xi32>], vector<16xi32>,
      %parallel_loop3A_527 = arith.constant 65535 : i32
      %parallel_loop3A_528 = vector.broadcast %parallel_loop3A_527 : i32 to vector<16xi32>
      %parallel_loop3A_529 = arith.andi %parallel_loop3A_522, %parallel_loop3A_528 : vector<16xi32>
      %parallel_loop3A_530 = arith.constant 16 : i32
      %parallel_loop3A_531 = vector.broadcast %parallel_loop3A_530 : i32 to vector<16xi32>
      %parallel_loop3A_532 = arith.shli %parallel_loop3A_526, %parallel_loop3A_531 : vector<16xi32>
      %parallel_loop3A_533 = arith.ori %parallel_loop3A_529, %parallel_loop3A_532 : vector<16xi32>
      %parallel_loop3A_534 = arith.index_cast %parallel_loop3A_296 : i32 to index
      %parallel_loop3A_535 = arith.constant 112 : index
      %parallel_loop3A_536 = tpu.vector_load %arg11[%parallel_loop3A_534, %parallel_loop3A_535] {strides = array<i32>} : memref<64x200xi32, #tpu.memory_space<vmem>>, vector<16xi32>,
      tpu.vector_store %arg11[%parallel_loop3A_534, %parallel_loop3A_535], %parallel_loop3A_533 {strides = array<i32>} : memref<64x200xi32, #tpu.memory_space<vmem>>, vector<16xi32>,
      %parallel_loop3A_537 = arith.constant 2 : i32
      %parallel_loop3A_538 = arith.muli %parallel_loop3A_537, %parallel_loop3A_296 : i32
      %parallel_loop3A_539 = arith.index_cast %parallel_loop3A_538 : i32 to index
      %parallel_loop3A_540 = arith.constant 128 : index
      %parallel_loop3A_541 = tpu.vector_load %arg9[%parallel_loop3A_539, %parallel_loop3A_540] {strides = array<i32>} : memref<128x200xi32, #tpu.memory_space<vmem>>, vector<16xi32>,
      %parallel_loop3A_542 = arith.constant 2 : i32
      %parallel_loop3A_543 = arith.muli %parallel_loop3A_542, %parallel_loop3A_296 : i32
      %parallel_loop3A_544 = arith.constant 1 : i32
      %parallel_loop3A_545 = arith.addi %parallel_loop3A_543, %parallel_loop3A_544 : i32
      %parallel_loop3A_546 = arith.index_cast %parallel_loop3A_545 : i32 to index
      %parallel_loop3A_547 = arith.constant 128 : index
      %parallel_loop3A_548 = tpu.vector_load %arg9[%parallel_loop3A_546, %parallel_loop3A_547] {strides = array<i32>} : memref<128x200xi32, #tpu.memory_space<vmem>>, vector<16xi32>,
      %parallel_loop3A_549 = arith.constant 128 : i32
      %parallel_loop3A_550 = vector.broadcast %parallel_loop3A_549 : i32 to vector<16xi32>
      %parallel_loop3A_551 = arith.addi %parallel_loop3A_541, %parallel_loop3A_550 : vector<16xi32>
      %parallel_loop3A_552 = tpu.vector_load_idx %arg6[%parallel_loop3A_551] : memref<256xi32, #tpu.memory_space<vmem>>[vector<16xi32>], vector<16xi32>,
      %parallel_loop3A_553 = arith.constant 128 : i32
      %parallel_loop3A_554 = vector.broadcast %parallel_loop3A_553 : i32 to vector<16xi32>
      %parallel_loop3A_555 = arith.addi %parallel_loop3A_548, %parallel_loop3A_554 : vector<16xi32>
      %parallel_loop3A_556 = tpu.vector_load_idx %arg6[%parallel_loop3A_555] : memref<256xi32, #tpu.memory_space<vmem>>[vector<16xi32>], vector<16xi32>,
      %parallel_loop3A_557 = arith.constant 65535 : i32
      %parallel_loop3A_558 = vector.broadcast %parallel_loop3A_557 : i32 to vector<16xi32>
      %parallel_loop3A_559 = arith.andi %parallel_loop3A_552, %parallel_loop3A_558 : vector<16xi32>
      %parallel_loop3A_560 = arith.constant 16 : i32
      %parallel_loop3A_561 = vector.broadcast %parallel_loop3A_560 : i32 to vector<16xi32>
      %parallel_loop3A_562 = arith.shli %parallel_loop3A_556, %parallel_loop3A_561 : vector<16xi32>
      %parallel_loop3A_563 = arith.ori %parallel_loop3A_559, %parallel_loop3A_562 : vector<16xi32>
      %parallel_loop3A_564 = arith.index_cast %parallel_loop3A_296 : i32 to index
      %parallel_loop3A_565 = arith.constant 128 : index
      %parallel_loop3A_566 = tpu.vector_load %arg11[%parallel_loop3A_564, %parallel_loop3A_565] {strides = array<i32>} : memref<64x200xi32, #tpu.memory_space<vmem>>, vector<16xi32>,
      tpu.vector_store %arg11[%parallel_loop3A_564, %parallel_loop3A_565], %parallel_loop3A_563 {strides = array<i32>} : memref<64x200xi32, #tpu.memory_space<vmem>>, vector<16xi32>,
      %parallel_loop3A_567 = arith.constant 2 : i32
      %parallel_loop3A_568 = arith.muli %parallel_loop3A_567, %parallel_loop3A_296 : i32
      %parallel_loop3A_569 = arith.index_cast %parallel_loop3A_568 : i32 to index
      %parallel_loop3A_570 = arith.constant 144 : index
      %parallel_loop3A_571 = tpu.vector_load %arg9[%parallel_loop3A_569, %parallel_loop3A_570] {strides = array<i32>} : memref<128x200xi32, #tpu.memory_space<vmem>>, vector<16xi32>,
      %parallel_loop3A_572 = arith.constant 2 : i32
      %parallel_loop3A_573 = arith.muli %parallel_loop3A_572, %parallel_loop3A_296 : i32
      %parallel_loop3A_574 = arith.constant 1 : i32
      %parallel_loop3A_575 = arith.addi %parallel_loop3A_573, %parallel_loop3A_574 : i32
      %parallel_loop3A_576 = arith.index_cast %parallel_loop3A_575 : i32 to index
      %parallel_loop3A_577 = arith.constant 144 : index
      %parallel_loop3A_578 = tpu.vector_load %arg9[%parallel_loop3A_576, %parallel_loop3A_577] {strides = array<i32>} : memref<128x200xi32, #tpu.memory_space<vmem>>, vector<16xi32>,
      %parallel_loop3A_579 = arith.constant 128 : i32
      %parallel_loop3A_580 = vector.broadcast %parallel_loop3A_579 : i32 to vector<16xi32>
      %parallel_loop3A_581 = arith.addi %parallel_loop3A_571, %parallel_loop3A_580 : vector<16xi32>
      %parallel_loop3A_582 = tpu.vector_load_idx %arg6[%parallel_loop3A_581] : memref<256xi32, #tpu.memory_space<vmem>>[vector<16xi32>], vector<16xi32>,
      %parallel_loop3A_583 = arith.constant 128 : i32
      %parallel_loop3A_584 = vector.broadcast %parallel_loop3A_583 : i32 to vector<16xi32>
      %parallel_loop3A_585 = arith.addi %parallel_loop3A_578, %parallel_loop3A_584 : vector<16xi32>
      %parallel_loop3A_586 = tpu.vector_load_idx %arg6[%parallel_loop3A_585] : memref<256xi32, #tpu.memory_space<vmem>>[vector<16xi32>], vector<16xi32>,
      %parallel_loop3A_587 = arith.constant 65535 : i32
      %parallel_loop3A_588 = vector.broadcast %parallel_loop3A_587 : i32 to vector<16xi32>
      %parallel_loop3A_589 = arith.andi %parallel_loop3A_582, %parallel_loop3A_588 : vector<16xi32>
      %parallel_loop3A_590 = arith.constant 16 : i32
      %parallel_loop3A_591 = vector.broadcast %parallel_loop3A_590 : i32 to vector<16xi32>
      %parallel_loop3A_592 = arith.shli %parallel_loop3A_586, %parallel_loop3A_591 : vector<16xi32>
      %parallel_loop3A_593 = arith.ori %parallel_loop3A_589, %parallel_loop3A_592 : vector<16xi32>
      %parallel_loop3A_594 = arith.index_cast %parallel_loop3A_296 : i32 to index
      %parallel_loop3A_595 = arith.constant 144 : index
      %parallel_loop3A_596 = tpu.vector_load %arg11[%parallel_loop3A_594, %parallel_loop3A_595] {strides = array<i32>} : memref<64x200xi32, #tpu.memory_space<vmem>>, vector<16xi32>,
      tpu.vector_store %arg11[%parallel_loop3A_594, %parallel_loop3A_595], %parallel_loop3A_593 {strides = array<i32>} : memref<64x200xi32, #tpu.memory_space<vmem>>, vector<16xi32>,
      %parallel_loop3A_597 = arith.constant 2 : i32
      %parallel_loop3A_598 = arith.muli %parallel_loop3A_597, %parallel_loop3A_296 : i32
      %parallel_loop3A_599 = arith.index_cast %parallel_loop3A_598 : i32 to index
      %parallel_loop3A_600 = arith.constant 160 : index
      %parallel_loop3A_601 = tpu.vector_load %arg9[%parallel_loop3A_599, %parallel_loop3A_600] {strides = array<i32>} : memref<128x200xi32, #tpu.memory_space<vmem>>, vector<16xi32>,
      %parallel_loop3A_602 = arith.constant 2 : i32
      %parallel_loop3A_603 = arith.muli %parallel_loop3A_602, %parallel_loop3A_296 : i32
      %parallel_loop3A_604 = arith.constant 1 : i32
      %parallel_loop3A_605 = arith.addi %parallel_loop3A_603, %parallel_loop3A_604 : i32
      %parallel_loop3A_606 = arith.index_cast %parallel_loop3A_605 : i32 to index
      %parallel_loop3A_607 = arith.constant 160 : index
      %parallel_loop3A_608 = tpu.vector_load %arg9[%parallel_loop3A_606, %parallel_loop3A_607] {strides = array<i32>} : memref<128x200xi32, #tpu.memory_space<vmem>>, vector<16xi32>,
      %parallel_loop3A_609 = arith.constant 128 : i32
      %parallel_loop3A_610 = vector.broadcast %parallel_loop3A_609 : i32 to vector<16xi32>
      %parallel_loop3A_611 = arith.addi %parallel_loop3A_601, %parallel_loop3A_610 : vector<16xi32>
      %parallel_loop3A_612 = tpu.vector_load_idx %arg6[%parallel_loop3A_611] : memref<256xi32, #tpu.memory_space<vmem>>[vector<16xi32>], vector<16xi32>,
      %parallel_loop3A_613 = arith.constant 128 : i32
      %parallel_loop3A_614 = vector.broadcast %parallel_loop3A_613 : i32 to vector<16xi32>
      %parallel_loop3A_615 = arith.addi %parallel_loop3A_608, %parallel_loop3A_614 : vector<16xi32>
      %parallel_loop3A_616 = tpu.vector_load_idx %arg6[%parallel_loop3A_615] : memref<256xi32, #tpu.memory_space<vmem>>[vector<16xi32>], vector<16xi32>,
      %parallel_loop3A_617 = arith.constant 65535 : i32
      %parallel_loop3A_618 = vector.broadcast %parallel_loop3A_617 : i32 to vector<16xi32>
      %parallel_loop3A_619 = arith.andi %parallel_loop3A_612, %parallel_loop3A_618 : vector<16xi32>
      %parallel_loop3A_620 = arith.constant 16 : i32
      %parallel_loop3A_621 = vector.broadcast %parallel_loop3A_620 : i32 to vector<16xi32>
      %parallel_loop3A_622 = arith.shli %parallel_loop3A_616, %parallel_loop3A_621 : vector<16xi32>
      %parallel_loop3A_623 = arith.ori %parallel_loop3A_619, %parallel_loop3A_622 : vector<16xi32>
      %parallel_loop3A_624 = arith.index_cast %parallel_loop3A_296 : i32 to index
      %parallel_loop3A_625 = arith.constant 160 : index
      %parallel_loop3A_626 = tpu.vector_load %arg11[%parallel_loop3A_624, %parallel_loop3A_625] {strides = array<i32>} : memref<64x200xi32, #tpu.memory_space<vmem>>, vector<16xi32>,
      tpu.vector_store %arg11[%parallel_loop3A_624, %parallel_loop3A_625], %parallel_loop3A_623 {strides = array<i32>} : memref<64x200xi32, #tpu.memory_space<vmem>>, vector<16xi32>,
      %parallel_loop3A_627 = arith.constant 2 : i32
      %parallel_loop3A_628 = arith.muli %parallel_loop3A_627, %parallel_loop3A_296 : i32
      %parallel_loop3A_629 = arith.index_cast %parallel_loop3A_628 : i32 to index
      %parallel_loop3A_630 = arith.constant 176 : index
      %parallel_loop3A_631 = tpu.vector_load %arg9[%parallel_loop3A_629, %parallel_loop3A_630] {strides = array<i32>} : memref<128x200xi32, #tpu.memory_space<vmem>>, vector<16xi32>,
      %parallel_loop3A_632 = arith.constant 2 : i32
      %parallel_loop3A_633 = arith.muli %parallel_loop3A_632, %parallel_loop3A_296 : i32
      %parallel_loop3A_634 = arith.constant 1 : i32
      %parallel_loop3A_635 = arith.addi %parallel_loop3A_633, %parallel_loop3A_634 : i32
      %parallel_loop3A_636 = arith.index_cast %parallel_loop3A_635 : i32 to index
      %parallel_loop3A_637 = arith.constant 176 : index
      %parallel_loop3A_638 = tpu.vector_load %arg9[%parallel_loop3A_636, %parallel_loop3A_637] {strides = array<i32>} : memref<128x200xi32, #tpu.memory_space<vmem>>, vector<16xi32>,
      %parallel_loop3A_639 = arith.constant 128 : i32
      %parallel_loop3A_640 = vector.broadcast %parallel_loop3A_639 : i32 to vector<16xi32>
      %parallel_loop3A_641 = arith.addi %parallel_loop3A_631, %parallel_loop3A_640 : vector<16xi32>
      %parallel_loop3A_642 = tpu.vector_load_idx %arg6[%parallel_loop3A_641] : memref<256xi32, #tpu.memory_space<vmem>>[vector<16xi32>], vector<16xi32>,
      %parallel_loop3A_643 = arith.constant 128 : i32
      %parallel_loop3A_644 = vector.broadcast %parallel_loop3A_643 : i32 to vector<16xi32>
      %parallel_loop3A_645 = arith.addi %parallel_loop3A_638, %parallel_loop3A_644 : vector<16xi32>
      %parallel_loop3A_646 = tpu.vector_load_idx %arg6[%parallel_loop3A_645] : memref<256xi32, #tpu.memory_space<vmem>>[vector<16xi32>], vector<16xi32>,
      %parallel_loop3A_647 = arith.constant 65535 : i32
      %parallel_loop3A_648 = vector.broadcast %parallel_loop3A_647 : i32 to vector<16xi32>
      %parallel_loop3A_649 = arith.andi %parallel_loop3A_642, %parallel_loop3A_648 : vector<16xi32>
      %parallel_loop3A_650 = arith.constant 16 : i32
      %parallel_loop3A_651 = vector.broadcast %parallel_loop3A_650 : i32 to vector<16xi32>
      %parallel_loop3A_652 = arith.shli %parallel_loop3A_646, %parallel_loop3A_651 : vector<16xi32>
      %parallel_loop3A_653 = arith.ori %parallel_loop3A_649, %parallel_loop3A_652 : vector<16xi32>
      %parallel_loop3A_654 = arith.index_cast %parallel_loop3A_296 : i32 to index
      %parallel_loop3A_655 = arith.constant 176 : index
      %parallel_loop3A_656 = tpu.vector_load %arg11[%parallel_loop3A_654, %parallel_loop3A_655] {strides = array<i32>} : memref<64x200xi32, #tpu.memory_space<vmem>>, vector<16xi32>,
      tpu.vector_store %arg11[%parallel_loop3A_654, %parallel_loop3A_655], %parallel_loop3A_653 {strides = array<i32>} : memref<64x200xi32, #tpu.memory_space<vmem>>, vector<16xi32>,
      %parallel_loop3A_657 = arith.constant 2 : i32
      %parallel_loop3A_658 = arith.muli %parallel_loop3A_657, %parallel_loop3A_296 : i32
      %parallel_loop3A_659 = arith.index_cast %parallel_loop3A_658 : i32 to index
      %parallel_loop3A_660 = arith.constant 184 : index
      %parallel_loop3A_661 = tpu.vector_load %arg9[%parallel_loop3A_659, %parallel_loop3A_660] {strides = array<i32>} : memref<128x200xi32, #tpu.memory_space<vmem>>, vector<16xi32>,
      %parallel_loop3A_662 = arith.constant 2 : i32
      %parallel_loop3A_663 = arith.muli %parallel_loop3A_662, %parallel_loop3A_296 : i32
      %parallel_loop3A_664 = arith.constant 1 : i32
      %parallel_loop3A_665 = arith.addi %parallel_loop3A_663, %parallel_loop3A_664 : i32
      %parallel_loop3A_666 = arith.index_cast %parallel_loop3A_665 : i32 to index
      %parallel_loop3A_667 = arith.constant 184 : index
      %parallel_loop3A_668 = tpu.vector_load %arg9[%parallel_loop3A_666, %parallel_loop3A_667] {strides = array<i32>} : memref<128x200xi32, #tpu.memory_space<vmem>>, vector<16xi32>,
      %parallel_loop3A_669 = arith.constant 128 : i32
      %parallel_loop3A_670 = vector.broadcast %parallel_loop3A_669 : i32 to vector<16xi32>
      %parallel_loop3A_671 = arith.addi %parallel_loop3A_661, %parallel_loop3A_670 : vector<16xi32>
      %parallel_loop3A_672 = tpu.vector_load_idx %arg6[%parallel_loop3A_671] : memref<256xi32, #tpu.memory_space<vmem>>[vector<16xi32>], vector<16xi32>,
      %parallel_loop3A_673 = arith.constant 128 : i32
      %parallel_loop3A_674 = vector.broadcast %parallel_loop3A_673 : i32 to vector<16xi32>
      %parallel_loop3A_675 = arith.addi %parallel_loop3A_668, %parallel_loop3A_674 : vector<16xi32>
      %parallel_loop3A_676 = tpu.vector_load_idx %arg6[%parallel_loop3A_675] : memref<256xi32, #tpu.memory_space<vmem>>[vector<16xi32>], vector<16xi32>,
      %parallel_loop3A_677 = arith.constant 65535 : i32
      %parallel_loop3A_678 = vector.broadcast %parallel_loop3A_677 : i32 to vector<16xi32>
      %parallel_loop3A_679 = arith.andi %parallel_loop3A_672, %parallel_loop3A_678 : vector<16xi32>
      %parallel_loop3A_680 = arith.constant 16 : i32
      %parallel_loop3A_681 = vector.broadcast %parallel_loop3A_680 : i32 to vector<16xi32>
      %parallel_loop3A_682 = arith.shli %parallel_loop3A_676, %parallel_loop3A_681 : vector<16xi32>
      %parallel_loop3A_683 = arith.ori %parallel_loop3A_679, %parallel_loop3A_682 : vector<16xi32>
      %parallel_loop3A_684 = arith.index_cast %parallel_loop3A_296 : i32 to index
      %parallel_loop3A_685 = arith.constant 184 : index
      %parallel_loop3A_686 = tpu.vector_load %arg11[%parallel_loop3A_684, %parallel_loop3A_685] {strides = array<i32>} : memref<64x200xi32, #tpu.memory_space<vmem>>, vector<16xi32>,
      tpu.vector_store %arg11[%parallel_loop3A_684, %parallel_loop3A_685], %parallel_loop3A_683 {strides = array<i32>} : memref<64x200xi32, #tpu.memory_space<vmem>>, vector<16xi32>,
    } {sc.loop_unroll_factor = 2 : i64, sc.parallel_access}
    %add3A_207 = arith.constant 0 : i32
    %add3A_208 = arith.addi %mul3A_2, %add3A_207 : i32
    %dma_start3A_209 = tpu.memref_bitcast %arg11 : memref<64x200xi32, #tpu.memory_space<vmem>> -> memref<128x200xi16, #tpu.memory_space<vmem>>
    %dma_start3A_210 = arith.constant 0 : i32
    %dma_start3A_211 = tpu.memref_slice %arg5[%add3A_208, %dma_start3A_210] : memref<16384x200xi16, #tpu.memory_space<hbm>> -> memref<128x200xi16, #tpu.memory_space<hbm>>
    %dma_start3A_212 = arith.constant 0 : i32
    %dma_start3A_213 = tpu.memref_slice %arg5[%add3A_208, %dma_start3A_212] : memref<16384x200xi16, #tpu.memory_space<hbm>> -> memref<128x200xi16, #tpu.memory_space<hbm>>
    %dma_start3A_214 = tpu.memref_bitcast %arg11 : memref<64x200xi32, #tpu.memory_space<vmem>> -> memref<128x200xi16, #tpu.memory_space<vmem>>
    tpu.enqueue_dma source(%dma_start3A_214 : memref<128x200xi16, #tpu.memory_space<vmem>>) target(%dma_start3A_213 : memref<128x200xi16, #tpu.memory_space<hbm>>) target_semaphore(%arg15 : memref<!tpu.dma_semaphore, #tpu.memory_space<semaphore_mem>>)
    %add3A_215 = arith.constant 256 : i32
    %add3A_216 = arith.addi %mul3A_2, %add3A_215 : i32
    %dma_start3A_217 = arith.constant 0 : i32
    %dma_start3A_218 = tpu.memref_slice %arg3[%add3A_216, %dma_start3A_217] : memref<16384x200xi32, #tpu.memory_space<hbm>> -> memref<128x200xi32, #tpu.memory_space<hbm>>
    %dma_start3A_219 = arith.constant 0 : i32
    %dma_start3A_220 = tpu.memref_slice %arg3[%add3A_216, %dma_start3A_219] : memref<16384x200xi32, #tpu.memory_space<hbm>> -> memref<128x200xi32, #tpu.memory_space<hbm>>
    tpu.enqueue_dma source(%dma_start3A_220 : memref<128x200xi32, #tpu.memory_space<hbm>>) target(%arg9 : memref<128x200xi32, #tpu.memory_space<vmem>>) target_semaphore(%arg13 : memref<!tpu.dma_semaphore, #tpu.memory_space<semaphore_mem>>)
    %dma_wait3A_221 = arith.constant 0 : i32
    %dma_wait3A_222 = tpu.memref_slice %arg3[%add3A_9, %dma_wait3A_221] : memref<16384x200xi32, #tpu.memory_space<hbm>> -> memref<128x200xi32, #tpu.memory_space<hbm>>
    %dma_wait3A_223 = arith.constant 0 : i32
    %dma_wait3A_224 = tpu.memref_slice %arg3[%add3A_9, %dma_wait3A_223] : memref<16384x200xi32, #tpu.memory_space<hbm>> -> memref<128x200xi32, #tpu.memory_space<hbm>>
    tpu.wait_dma2 semaphore(%arg14 : memref<!tpu.dma_semaphore, #tpu.memory_space<semaphore_mem>>) src(%dma_wait3A_224 : memref<128x200xi32, #tpu.memory_space<hbm>>) dst(%arg10 : memref<128x200xi32, #tpu.memory_space<vmem>>)
    %parallel_loop3A_225 = arith.constant 0 : i32
    %parallel_loop3A_226 = arith.constant 64 : i32
    %parallel_loop3A_227 = arith.constant 1 : i32
    scf.for %parallel_loop3A_296 = %parallel_loop3A_225 to %parallel_loop3A_226 step %parallel_loop3A_227  : i32 {
      %parallel_loop3A_297 = arith.constant 2 : i32
      %parallel_loop3A_298 = arith.muli %parallel_loop3A_297, %parallel_loop3A_296 : i32
      %parallel_loop3A_299 = arith.index_cast %parallel_loop3A_298 : i32 to index
      %parallel_loop3A_300 = arith.constant 0 : index
      %parallel_loop3A_301 = tpu.vector_load %arg10[%parallel_loop3A_299, %parallel_loop3A_300] {strides = array<i32>} : memref<128x200xi32, #tpu.memory_space<vmem>>, vector<16xi32>,
      %parallel_loop3A_302 = arith.constant 2 : i32
      %parallel_loop3A_303 = arith.muli %parallel_loop3A_302, %parallel_loop3A_296 : i32
      %parallel_loop3A_304 = arith.constant 1 : i32
      %parallel_loop3A_305 = arith.addi %parallel_loop3A_303, %parallel_loop3A_304 : i32
      %parallel_loop3A_306 = arith.index_cast %parallel_loop3A_305 : i32 to index
      %parallel_loop3A_307 = arith.constant 0 : index
      %parallel_loop3A_308 = tpu.vector_load %arg10[%parallel_loop3A_306, %parallel_loop3A_307] {strides = array<i32>} : memref<128x200xi32, #tpu.memory_space<vmem>>, vector<16xi32>,
      %parallel_loop3A_309 = arith.constant 128 : i32
      %parallel_loop3A_310 = vector.broadcast %parallel_loop3A_309 : i32 to vector<16xi32>
      %parallel_loop3A_311 = arith.addi %parallel_loop3A_301, %parallel_loop3A_310 : vector<16xi32>
      %parallel_loop3A_312 = tpu.vector_load_idx %arg6[%parallel_loop3A_311] : memref<256xi32, #tpu.memory_space<vmem>>[vector<16xi32>], vector<16xi32>,
      %parallel_loop3A_313 = arith.constant 128 : i32
      %parallel_loop3A_314 = vector.broadcast %parallel_loop3A_313 : i32 to vector<16xi32>
      %parallel_loop3A_315 = arith.addi %parallel_loop3A_308, %parallel_loop3A_314 : vector<16xi32>
      %parallel_loop3A_316 = tpu.vector_load_idx %arg6[%parallel_loop3A_315] : memref<256xi32, #tpu.memory_space<vmem>>[vector<16xi32>], vector<16xi32>,
      %parallel_loop3A_317 = arith.constant 65535 : i32
      %parallel_loop3A_318 = vector.broadcast %parallel_loop3A_317 : i32 to vector<16xi32>
      %parallel_loop3A_319 = arith.andi %parallel_loop3A_312, %parallel_loop3A_318 : vector<16xi32>
      %parallel_loop3A_320 = arith.constant 16 : i32
      %parallel_loop3A_321 = vector.broadcast %parallel_loop3A_320 : i32 to vector<16xi32>
      %parallel_loop3A_322 = arith.shli %parallel_loop3A_316, %parallel_loop3A_321 : vector<16xi32>
      %parallel_loop3A_323 = arith.ori %parallel_loop3A_319, %parallel_loop3A_322 : vector<16xi32>
      %parallel_loop3A_324 = arith.index_cast %parallel_loop3A_296 : i32 to index
      %parallel_loop3A_325 = arith.constant 0 : index
      %parallel_loop3A_326 = tpu.vector_load %arg12[%parallel_loop3A_324, %parallel_loop3A_325] {strides = array<i32>} : memref<64x200xi32, #tpu.memory_space<vmem>>, vector<16xi32>,
      tpu.vector_store %arg12[%parallel_loop3A_324, %parallel_loop3A_325], %parallel_loop3A_323 {strides = array<i32>} : memref<64x200xi32, #tpu.memory_space<vmem>>, vector<16xi32>,
      %parallel_loop3A_327 = arith.constant 2 : i32
      %parallel_loop3A_328 = arith.muli %parallel_loop3A_327, %parallel_loop3A_296 : i32
      %parallel_loop3A_329 = arith.index_cast %parallel_loop3A_328 : i32 to index
      %parallel_loop3A_330 = arith.constant 16 : index
      %parallel_loop3A_331 = tpu.vector_load %arg10[%parallel_loop3A_329, %parallel_loop3A_330] {strides = array<i32>} : memref<128x200xi32, #tpu.memory_space<vmem>>, vector<16xi32>,
      %parallel_loop3A_332 = arith.constant 2 : i32
      %parallel_loop3A_333 = arith.muli %parallel_loop3A_332, %parallel_loop3A_296 : i32
      %parallel_loop3A_334 = arith.constant 1 : i32
      %parallel_loop3A_335 = arith.addi %parallel_loop3A_333, %parallel_loop3A_334 : i32
      %parallel_loop3A_336 = arith.index_cast %parallel_loop3A_335 : i32 to index
      %parallel_loop3A_337 = arith.constant 16 : index
      %parallel_loop3A_338 = tpu.vector_load %arg10[%parallel_loop3A_336, %parallel_loop3A_337] {strides = array<i32>} : memref<128x200xi32, #tpu.memory_space<vmem>>, vector<16xi32>,
      %parallel_loop3A_339 = arith.constant 128 : i32
      %parallel_loop3A_340 = vector.broadcast %parallel_loop3A_339 : i32 to vector<16xi32>
      %parallel_loop3A_341 = arith.addi %parallel_loop3A_331, %parallel_loop3A_340 : vector<16xi32>
      %parallel_loop3A_342 = tpu.vector_load_idx %arg6[%parallel_loop3A_341] : memref<256xi32, #tpu.memory_space<vmem>>[vector<16xi32>], vector<16xi32>,
      %parallel_loop3A_343 = arith.constant 128 : i32
      %parallel_loop3A_344 = vector.broadcast %parallel_loop3A_343 : i32 to vector<16xi32>
      %parallel_loop3A_345 = arith.addi %parallel_loop3A_338, %parallel_loop3A_344 : vector<16xi32>
      %parallel_loop3A_346 = tpu.vector_load_idx %arg6[%parallel_loop3A_345] : memref<256xi32, #tpu.memory_space<vmem>>[vector<16xi32>], vector<16xi32>,
      %parallel_loop3A_347 = arith.constant 65535 : i32
      %parallel_loop3A_348 = vector.broadcast %parallel_loop3A_347 : i32 to vector<16xi32>
      %parallel_loop3A_349 = arith.andi %parallel_loop3A_342, %parallel_loop3A_348 : vector<16xi32>
      %parallel_loop3A_350 = arith.constant 16 : i32
      %parallel_loop3A_351 = vector.broadcast %parallel_loop3A_350 : i32 to vector<16xi32>
      %parallel_loop3A_352 = arith.shli %parallel_loop3A_346, %parallel_loop3A_351 : vector<16xi32>
      %parallel_loop3A_353 = arith.ori %parallel_loop3A_349, %parallel_loop3A_352 : vector<16xi32>
      %parallel_loop3A_354 = arith.index_cast %parallel_loop3A_296 : i32 to index
      %parallel_loop3A_355 = arith.constant 16 : index
      %parallel_loop3A_356 = tpu.vector_load %arg12[%parallel_loop3A_354, %parallel_loop3A_355] {strides = array<i32>} : memref<64x200xi32, #tpu.memory_space<vmem>>, vector<16xi32>,
      tpu.vector_store %arg12[%parallel_loop3A_354, %parallel_loop3A_355], %parallel_loop3A_353 {strides = array<i32>} : memref<64x200xi32, #tpu.memory_space<vmem>>, vector<16xi32>,
      %parallel_loop3A_357 = arith.constant 2 : i32
      %parallel_loop3A_358 = arith.muli %parallel_loop3A_357, %parallel_loop3A_296 : i32
      %parallel_loop3A_359 = arith.index_cast %parallel_loop3A_358 : i32 to index
      %parallel_loop3A_360 = arith.constant 32 : index
      %parallel_loop3A_361 = tpu.vector_load %arg10[%parallel_loop3A_359, %parallel_loop3A_360] {strides = array<i32>} : memref<128x200xi32, #tpu.memory_space<vmem>>, vector<16xi32>,
      %parallel_loop3A_362 = arith.constant 2 : i32
      %parallel_loop3A_363 = arith.muli %parallel_loop3A_362, %parallel_loop3A_296 : i32
      %parallel_loop3A_364 = arith.constant 1 : i32
      %parallel_loop3A_365 = arith.addi %parallel_loop3A_363, %parallel_loop3A_364 : i32
      %parallel_loop3A_366 = arith.index_cast %parallel_loop3A_365 : i32 to index
      %parallel_loop3A_367 = arith.constant 32 : index
      %parallel_loop3A_368 = tpu.vector_load %arg10[%parallel_loop3A_366, %parallel_loop3A_367] {strides = array<i32>} : memref<128x200xi32, #tpu.memory_space<vmem>>, vector<16xi32>,
      %parallel_loop3A_369 = arith.constant 128 : i32
      %parallel_loop3A_370 = vector.broadcast %parallel_loop3A_369 : i32 to vector<16xi32>
      %parallel_loop3A_371 = arith.addi %parallel_loop3A_361, %parallel_loop3A_370 : vector<16xi32>
      %parallel_loop3A_372 = tpu.vector_load_idx %arg6[%parallel_loop3A_371] : memref<256xi32, #tpu.memory_space<vmem>>[vector<16xi32>], vector<16xi32>,
      %parallel_loop3A_373 = arith.constant 128 : i32
      %parallel_loop3A_374 = vector.broadcast %parallel_loop3A_373 : i32 to vector<16xi32>
      %parallel_loop3A_375 = arith.addi %parallel_loop3A_368, %parallel_loop3A_374 : vector<16xi32>
      %parallel_loop3A_376 = tpu.vector_load_idx %arg6[%parallel_loop3A_375] : memref<256xi32, #tpu.memory_space<vmem>>[vector<16xi32>], vector<16xi32>,
      %parallel_loop3A_377 = arith.constant 65535 : i32
      %parallel_loop3A_378 = vector.broadcast %parallel_loop3A_377 : i32 to vector<16xi32>
      %parallel_loop3A_379 = arith.andi %parallel_loop3A_372, %parallel_loop3A_378 : vector<16xi32>
      %parallel_loop3A_380 = arith.constant 16 : i32
      %parallel_loop3A_381 = vector.broadcast %parallel_loop3A_380 : i32 to vector<16xi32>
      %parallel_loop3A_382 = arith.shli %parallel_loop3A_376, %parallel_loop3A_381 : vector<16xi32>
      %parallel_loop3A_383 = arith.ori %parallel_loop3A_379, %parallel_loop3A_382 : vector<16xi32>
      %parallel_loop3A_384 = arith.index_cast %parallel_loop3A_296 : i32 to index
      %parallel_loop3A_385 = arith.constant 32 : index
      %parallel_loop3A_386 = tpu.vector_load %arg12[%parallel_loop3A_384, %parallel_loop3A_385] {strides = array<i32>} : memref<64x200xi32, #tpu.memory_space<vmem>>, vector<16xi32>,
      tpu.vector_store %arg12[%parallel_loop3A_384, %parallel_loop3A_385], %parallel_loop3A_383 {strides = array<i32>} : memref<64x200xi32, #tpu.memory_space<vmem>>, vector<16xi32>,
      %parallel_loop3A_387 = arith.constant 2 : i32
      %parallel_loop3A_388 = arith.muli %parallel_loop3A_387, %parallel_loop3A_296 : i32
      %parallel_loop3A_389 = arith.index_cast %parallel_loop3A_388 : i32 to index
      %parallel_loop3A_390 = arith.constant 48 : index
      %parallel_loop3A_391 = tpu.vector_load %arg10[%parallel_loop3A_389, %parallel_loop3A_390] {strides = array<i32>} : memref<128x200xi32, #tpu.memory_space<vmem>>, vector<16xi32>,
      %parallel_loop3A_392 = arith.constant 2 : i32
      %parallel_loop3A_393 = arith.muli %parallel_loop3A_392, %parallel_loop3A_296 : i32
      %parallel_loop3A_394 = arith.constant 1 : i32
      %parallel_loop3A_395 = arith.addi %parallel_loop3A_393, %parallel_loop3A_394 : i32
      %parallel_loop3A_396 = arith.index_cast %parallel_loop3A_395 : i32 to index
      %parallel_loop3A_397 = arith.constant 48 : index
      %parallel_loop3A_398 = tpu.vector_load %arg10[%parallel_loop3A_396, %parallel_loop3A_397] {strides = array<i32>} : memref<128x200xi32, #tpu.memory_space<vmem>>, vector<16xi32>,
      %parallel_loop3A_399 = arith.constant 128 : i32
      %parallel_loop3A_400 = vector.broadcast %parallel_loop3A_399 : i32 to vector<16xi32>
      %parallel_loop3A_401 = arith.addi %parallel_loop3A_391, %parallel_loop3A_400 : vector<16xi32>
      %parallel_loop3A_402 = tpu.vector_load_idx %arg6[%parallel_loop3A_401] : memref<256xi32, #tpu.memory_space<vmem>>[vector<16xi32>], vector<16xi32>,
      %parallel_loop3A_403 = arith.constant 128 : i32
      %parallel_loop3A_404 = vector.broadcast %parallel_loop3A_403 : i32 to vector<16xi32>
      %parallel_loop3A_405 = arith.addi %parallel_loop3A_398, %parallel_loop3A_404 : vector<16xi32>
      %parallel_loop3A_406 = tpu.vector_load_idx %arg6[%parallel_loop3A_405] : memref<256xi32, #tpu.memory_space<vmem>>[vector<16xi32>], vector<16xi32>,
      %parallel_loop3A_407 = arith.constant 65535 : i32
      %parallel_loop3A_408 = vector.broadcast %parallel_loop3A_407 : i32 to vector<16xi32>
      %parallel_loop3A_409 = arith.andi %parallel_loop3A_402, %parallel_loop3A_408 : vector<16xi32>
      %parallel_loop3A_410 = arith.constant 16 : i32
      %parallel_loop3A_411 = vector.broadcast %parallel_loop3A_410 : i32 to vector<16xi32>
      %parallel_loop3A_412 = arith.shli %parallel_loop3A_406, %parallel_loop3A_411 : vector<16xi32>
      %parallel_loop3A_413 = arith.ori %parallel_loop3A_409, %parallel_loop3A_412 : vector<16xi32>
      %parallel_loop3A_414 = arith.index_cast %parallel_loop3A_296 : i32 to index
      %parallel_loop3A_415 = arith.constant 48 : index
      %parallel_loop3A_416 = tpu.vector_load %arg12[%parallel_loop3A_414, %parallel_loop3A_415] {strides = array<i32>} : memref<64x200xi32, #tpu.memory_space<vmem>>, vector<16xi32>,
      tpu.vector_store %arg12[%parallel_loop3A_414, %parallel_loop3A_415], %parallel_loop3A_413 {strides = array<i32>} : memref<64x200xi32, #tpu.memory_space<vmem>>, vector<16xi32>,
      %parallel_loop3A_417 = arith.constant 2 : i32
      %parallel_loop3A_418 = arith.muli %parallel_loop3A_417, %parallel_loop3A_296 : i32
      %parallel_loop3A_419 = arith.index_cast %parallel_loop3A_418 : i32 to index
      %parallel_loop3A_420 = arith.constant 64 : index
      %parallel_loop3A_421 = tpu.vector_load %arg10[%parallel_loop3A_419, %parallel_loop3A_420] {strides = array<i32>} : memref<128x200xi32, #tpu.memory_space<vmem>>, vector<16xi32>,
      %parallel_loop3A_422 = arith.constant 2 : i32
      %parallel_loop3A_423 = arith.muli %parallel_loop3A_422, %parallel_loop3A_296 : i32
      %parallel_loop3A_424 = arith.constant 1 : i32
      %parallel_loop3A_425 = arith.addi %parallel_loop3A_423, %parallel_loop3A_424 : i32
      %parallel_loop3A_426 = arith.index_cast %parallel_loop3A_425 : i32 to index
      %parallel_loop3A_427 = arith.constant 64 : index
      %parallel_loop3A_428 = tpu.vector_load %arg10[%parallel_loop3A_426, %parallel_loop3A_427] {strides = array<i32>} : memref<128x200xi32, #tpu.memory_space<vmem>>, vector<16xi32>,
      %parallel_loop3A_429 = arith.constant 128 : i32
      %parallel_loop3A_430 = vector.broadcast %parallel_loop3A_429 : i32 to vector<16xi32>
      %parallel_loop3A_431 = arith.addi %parallel_loop3A_421, %parallel_loop3A_430 : vector<16xi32>
      %parallel_loop3A_432 = tpu.vector_load_idx %arg6[%parallel_loop3A_431] : memref<256xi32, #tpu.memory_space<vmem>>[vector<16xi32>], vector<16xi32>,
      %parallel_loop3A_433 = arith.constant 128 : i32
      %parallel_loop3A_434 = vector.broadcast %parallel_loop3A_433 : i32 to vector<16xi32>
      %parallel_loop3A_435 = arith.addi %parallel_loop3A_428, %parallel_loop3A_434 : vector<16xi32>
      %parallel_loop3A_436 = tpu.vector_load_idx %arg6[%parallel_loop3A_435] : memref<256xi32, #tpu.memory_space<vmem>>[vector<16xi32>], vector<16xi32>,
      %parallel_loop3A_437 = arith.constant 65535 : i32
      %parallel_loop3A_438 = vector.broadcast %parallel_loop3A_437 : i32 to vector<16xi32>
      %parallel_loop3A_439 = arith.andi %parallel_loop3A_432, %parallel_loop3A_438 : vector<16xi32>
      %parallel_loop3A_440 = arith.constant 16 : i32
      %parallel_loop3A_441 = vector.broadcast %parallel_loop3A_440 : i32 to vector<16xi32>
      %parallel_loop3A_442 = arith.shli %parallel_loop3A_436, %parallel_loop3A_441 : vector<16xi32>
      %parallel_loop3A_443 = arith.ori %parallel_loop3A_439, %parallel_loop3A_442 : vector<16xi32>
      %parallel_loop3A_444 = arith.index_cast %parallel_loop3A_296 : i32 to index
      %parallel_loop3A_445 = arith.constant 64 : index
      %parallel_loop3A_446 = tpu.vector_load %arg12[%parallel_loop3A_444, %parallel_loop3A_445] {strides = array<i32>} : memref<64x200xi32, #tpu.memory_space<vmem>>, vector<16xi32>,
      tpu.vector_store %arg12[%parallel_loop3A_444, %parallel_loop3A_445], %parallel_loop3A_443 {strides = array<i32>} : memref<64x200xi32, #tpu.memory_space<vmem>>, vector<16xi32>,
      %parallel_loop3A_447 = arith.constant 2 : i32
      %parallel_loop3A_448 = arith.muli %parallel_loop3A_447, %parallel_loop3A_296 : i32
      %parallel_loop3A_449 = arith.index_cast %parallel_loop3A_448 : i32 to index
      %parallel_loop3A_450 = arith.constant 80 : index
      %parallel_loop3A_451 = tpu.vector_load %arg10[%parallel_loop3A_449, %parallel_loop3A_450] {strides = array<i32>} : memref<128x200xi32, #tpu.memory_space<vmem>>, vector<16xi32>,
      %parallel_loop3A_452 = arith.constant 2 : i32
      %parallel_loop3A_453 = arith.muli %parallel_loop3A_452, %parallel_loop3A_296 : i32
      %parallel_loop3A_454 = arith.constant 1 : i32
      %parallel_loop3A_455 = arith.addi %parallel_loop3A_453, %parallel_loop3A_454 : i32
      %parallel_loop3A_456 = arith.index_cast %parallel_loop3A_455 : i32 to index
      %parallel_loop3A_457 = arith.constant 80 : index
      %parallel_loop3A_458 = tpu.vector_load %arg10[%parallel_loop3A_456, %parallel_loop3A_457] {strides = array<i32>} : memref<128x200xi32, #tpu.memory_space<vmem>>, vector<16xi32>,
      %parallel_loop3A_459 = arith.constant 128 : i32
      %parallel_loop3A_460 = vector.broadcast %parallel_loop3A_459 : i32 to vector<16xi32>
      %parallel_loop3A_461 = arith.addi %parallel_loop3A_451, %parallel_loop3A_460 : vector<16xi32>
      %parallel_loop3A_462 = tpu.vector_load_idx %arg6[%parallel_loop3A_461] : memref<256xi32, #tpu.memory_space<vmem>>[vector<16xi32>], vector<16xi32>,
      %parallel_loop3A_463 = arith.constant 128 : i32
      %parallel_loop3A_464 = vector.broadcast %parallel_loop3A_463 : i32 to vector<16xi32>
      %parallel_loop3A_465 = arith.addi %parallel_loop3A_458, %parallel_loop3A_464 : vector<16xi32>
      %parallel_loop3A_466 = tpu.vector_load_idx %arg6[%parallel_loop3A_465] : memref<256xi32, #tpu.memory_space<vmem>>[vector<16xi32>], vector<16xi32>,
      %parallel_loop3A_467 = arith.constant 65535 : i32
      %parallel_loop3A_468 = vector.broadcast %parallel_loop3A_467 : i32 to vector<16xi32>
      %parallel_loop3A_469 = arith.andi %parallel_loop3A_462, %parallel_loop3A_468 : vector<16xi32>
      %parallel_loop3A_470 = arith.constant 16 : i32
      %parallel_loop3A_471 = vector.broadcast %parallel_loop3A_470 : i32 to vector<16xi32>
      %parallel_loop3A_472 = arith.shli %parallel_loop3A_466, %parallel_loop3A_471 : vector<16xi32>
      %parallel_loop3A_473 = arith.ori %parallel_loop3A_469, %parallel_loop3A_472 : vector<16xi32>
      %parallel_loop3A_474 = arith.index_cast %parallel_loop3A_296 : i32 to index
      %parallel_loop3A_475 = arith.constant 80 : index
      %parallel_loop3A_476 = tpu.vector_load %arg12[%parallel_loop3A_474, %parallel_loop3A_475] {strides = array<i32>} : memref<64x200xi32, #tpu.memory_space<vmem>>, vector<16xi32>,
      tpu.vector_store %arg12[%parallel_loop3A_474, %parallel_loop3A_475], %parallel_loop3A_473 {strides = array<i32>} : memref<64x200xi32, #tpu.memory_space<vmem>>, vector<16xi32>,
      %parallel_loop3A_477 = arith.constant 2 : i32
      %parallel_loop3A_478 = arith.muli %parallel_loop3A_477, %parallel_loop3A_296 : i32
      %parallel_loop3A_479 = arith.index_cast %parallel_loop3A_478 : i32 to index
      %parallel_loop3A_480 = arith.constant 96 : index
      %parallel_loop3A_481 = tpu.vector_load %arg10[%parallel_loop3A_479, %parallel_loop3A_480] {strides = array<i32>} : memref<128x200xi32, #tpu.memory_space<vmem>>, vector<16xi32>,
      %parallel_loop3A_482 = arith.constant 2 : i32
      %parallel_loop3A_483 = arith.muli %parallel_loop3A_482, %parallel_loop3A_296 : i32
      %parallel_loop3A_484 = arith.constant 1 : i32
      %parallel_loop3A_485 = arith.addi %parallel_loop3A_483, %parallel_loop3A_484 : i32
      %parallel_loop3A_486 = arith.index_cast %parallel_loop3A_485 : i32 to index
      %parallel_loop3A_487 = arith.constant 96 : index
      %parallel_loop3A_488 = tpu.vector_load %arg10[%parallel_loop3A_486, %parallel_loop3A_487] {strides = array<i32>} : memref<128x200xi32, #tpu.memory_space<vmem>>, vector<16xi32>,
      %parallel_loop3A_489 = arith.constant 128 : i32
      %parallel_loop3A_490 = vector.broadcast %parallel_loop3A_489 : i32 to vector<16xi32>
      %parallel_loop3A_491 = arith.addi %parallel_loop3A_481, %parallel_loop3A_490 : vector<16xi32>
      %parallel_loop3A_492 = tpu.vector_load_idx %arg6[%parallel_loop3A_491] : memref<256xi32, #tpu.memory_space<vmem>>[vector<16xi32>], vector<16xi32>,
      %parallel_loop3A_493 = arith.constant 128 : i32
      %parallel_loop3A_494 = vector.broadcast %parallel_loop3A_493 : i32 to vector<16xi32>
      %parallel_loop3A_495 = arith.addi %parallel_loop3A_488, %parallel_loop3A_494 : vector<16xi32>
      %parallel_loop3A_496 = tpu.vector_load_idx %arg6[%parallel_loop3A_495] : memref<256xi32, #tpu.memory_space<vmem>>[vector<16xi32>], vector<16xi32>,
      %parallel_loop3A_497 = arith.constant 65535 : i32
      %parallel_loop3A_498 = vector.broadcast %parallel_loop3A_497 : i32 to vector<16xi32>
      %parallel_loop3A_499 = arith.andi %parallel_loop3A_492, %parallel_loop3A_498 : vector<16xi32>
      %parallel_loop3A_500 = arith.constant 16 : i32
      %parallel_loop3A_501 = vector.broadcast %parallel_loop3A_500 : i32 to vector<16xi32>
      %parallel_loop3A_502 = arith.shli %parallel_loop3A_496, %parallel_loop3A_501 : vector<16xi32>
      %parallel_loop3A_503 = arith.ori %parallel_loop3A_499, %parallel_loop3A_502 : vector<16xi32>
      %parallel_loop3A_504 = arith.index_cast %parallel_loop3A_296 : i32 to index
      %parallel_loop3A_505 = arith.constant 96 : index
      %parallel_loop3A_506 = tpu.vector_load %arg12[%parallel_loop3A_504, %parallel_loop3A_505] {strides = array<i32>} : memref<64x200xi32, #tpu.memory_space<vmem>>, vector<16xi32>,
      tpu.vector_store %arg12[%parallel_loop3A_504, %parallel_loop3A_505], %parallel_loop3A_503 {strides = array<i32>} : memref<64x200xi32, #tpu.memory_space<vmem>>, vector<16xi32>,
      %parallel_loop3A_507 = arith.constant 2 : i32
      %parallel_loop3A_508 = arith.muli %parallel_loop3A_507, %parallel_loop3A_296 : i32
      %parallel_loop3A_509 = arith.index_cast %parallel_loop3A_508 : i32 to index
      %parallel_loop3A_510 = arith.constant 112 : index
      %parallel_loop3A_511 = tpu.vector_load %arg10[%parallel_loop3A_509, %parallel_loop3A_510] {strides = array<i32>} : memref<128x200xi32, #tpu.memory_space<vmem>>, vector<16xi32>,
      %parallel_loop3A_512 = arith.constant 2 : i32
      %parallel_loop3A_513 = arith.muli %parallel_loop3A_512, %parallel_loop3A_296 : i32
      %parallel_loop3A_514 = arith.constant 1 : i32
      %parallel_loop3A_515 = arith.addi %parallel_loop3A_513, %parallel_loop3A_514 : i32
      %parallel_loop3A_516 = arith.index_cast %parallel_loop3A_515 : i32 to index
      %parallel_loop3A_517 = arith.constant 112 : index
      %parallel_loop3A_518 = tpu.vector_load %arg10[%parallel_loop3A_516, %parallel_loop3A_517] {strides = array<i32>} : memref<128x200xi32, #tpu.memory_space<vmem>>, vector<16xi32>,
      %parallel_loop3A_519 = arith.constant 128 : i32
      %parallel_loop3A_520 = vector.broadcast %parallel_loop3A_519 : i32 to vector<16xi32>
      %parallel_loop3A_521 = arith.addi %parallel_loop3A_511, %parallel_loop3A_520 : vector<16xi32>
      %parallel_loop3A_522 = tpu.vector_load_idx %arg6[%parallel_loop3A_521] : memref<256xi32, #tpu.memory_space<vmem>>[vector<16xi32>], vector<16xi32>,
      %parallel_loop3A_523 = arith.constant 128 : i32
      %parallel_loop3A_524 = vector.broadcast %parallel_loop3A_523 : i32 to vector<16xi32>
      %parallel_loop3A_525 = arith.addi %parallel_loop3A_518, %parallel_loop3A_524 : vector<16xi32>
      %parallel_loop3A_526 = tpu.vector_load_idx %arg6[%parallel_loop3A_525] : memref<256xi32, #tpu.memory_space<vmem>>[vector<16xi32>], vector<16xi32>,
      %parallel_loop3A_527 = arith.constant 65535 : i32
      %parallel_loop3A_528 = vector.broadcast %parallel_loop3A_527 : i32 to vector<16xi32>
      %parallel_loop3A_529 = arith.andi %parallel_loop3A_522, %parallel_loop3A_528 : vector<16xi32>
      %parallel_loop3A_530 = arith.constant 16 : i32
      %parallel_loop3A_531 = vector.broadcast %parallel_loop3A_530 : i32 to vector<16xi32>
      %parallel_loop3A_532 = arith.shli %parallel_loop3A_526, %parallel_loop3A_531 : vector<16xi32>
      %parallel_loop3A_533 = arith.ori %parallel_loop3A_529, %parallel_loop3A_532 : vector<16xi32>
      %parallel_loop3A_534 = arith.index_cast %parallel_loop3A_296 : i32 to index
      %parallel_loop3A_535 = arith.constant 112 : index
      %parallel_loop3A_536 = tpu.vector_load %arg12[%parallel_loop3A_534, %parallel_loop3A_535] {strides = array<i32>} : memref<64x200xi32, #tpu.memory_space<vmem>>, vector<16xi32>,
      tpu.vector_store %arg12[%parallel_loop3A_534, %parallel_loop3A_535], %parallel_loop3A_533 {strides = array<i32>} : memref<64x200xi32, #tpu.memory_space<vmem>>, vector<16xi32>,
      %parallel_loop3A_537 = arith.constant 2 : i32
      %parallel_loop3A_538 = arith.muli %parallel_loop3A_537, %parallel_loop3A_296 : i32
      %parallel_loop3A_539 = arith.index_cast %parallel_loop3A_538 : i32 to index
      %parallel_loop3A_540 = arith.constant 128 : index
      %parallel_loop3A_541 = tpu.vector_load %arg10[%parallel_loop3A_539, %parallel_loop3A_540] {strides = array<i32>} : memref<128x200xi32, #tpu.memory_space<vmem>>, vector<16xi32>,
      %parallel_loop3A_542 = arith.constant 2 : i32
      %parallel_loop3A_543 = arith.muli %parallel_loop3A_542, %parallel_loop3A_296 : i32
      %parallel_loop3A_544 = arith.constant 1 : i32
      %parallel_loop3A_545 = arith.addi %parallel_loop3A_543, %parallel_loop3A_544 : i32
      %parallel_loop3A_546 = arith.index_cast %parallel_loop3A_545 : i32 to index
      %parallel_loop3A_547 = arith.constant 128 : index
      %parallel_loop3A_548 = tpu.vector_load %arg10[%parallel_loop3A_546, %parallel_loop3A_547] {strides = array<i32>} : memref<128x200xi32, #tpu.memory_space<vmem>>, vector<16xi32>,
      %parallel_loop3A_549 = arith.constant 128 : i32
      %parallel_loop3A_550 = vector.broadcast %parallel_loop3A_549 : i32 to vector<16xi32>
      %parallel_loop3A_551 = arith.addi %parallel_loop3A_541, %parallel_loop3A_550 : vector<16xi32>
      %parallel_loop3A_552 = tpu.vector_load_idx %arg6[%parallel_loop3A_551] : memref<256xi32, #tpu.memory_space<vmem>>[vector<16xi32>], vector<16xi32>,
      %parallel_loop3A_553 = arith.constant 128 : i32
      %parallel_loop3A_554 = vector.broadcast %parallel_loop3A_553 : i32 to vector<16xi32>
      %parallel_loop3A_555 = arith.addi %parallel_loop3A_548, %parallel_loop3A_554 : vector<16xi32>
      %parallel_loop3A_556 = tpu.vector_load_idx %arg6[%parallel_loop3A_555] : memref<256xi32, #tpu.memory_space<vmem>>[vector<16xi32>], vector<16xi32>,
      %parallel_loop3A_557 = arith.constant 65535 : i32
      %parallel_loop3A_558 = vector.broadcast %parallel_loop3A_557 : i32 to vector<16xi32>
      %parallel_loop3A_559 = arith.andi %parallel_loop3A_552, %parallel_loop3A_558 : vector<16xi32>
      %parallel_loop3A_560 = arith.constant 16 : i32
      %parallel_loop3A_561 = vector.broadcast %parallel_loop3A_560 : i32 to vector<16xi32>
      %parallel_loop3A_562 = arith.shli %parallel_loop3A_556, %parallel_loop3A_561 : vector<16xi32>
      %parallel_loop3A_563 = arith.ori %parallel_loop3A_559, %parallel_loop3A_562 : vector<16xi32>
      %parallel_loop3A_564 = arith.index_cast %parallel_loop3A_296 : i32 to index
      %parallel_loop3A_565 = arith.constant 128 : index
      %parallel_loop3A_566 = tpu.vector_load %arg12[%parallel_loop3A_564, %parallel_loop3A_565] {strides = array<i32>} : memref<64x200xi32, #tpu.memory_space<vmem>>, vector<16xi32>,
      tpu.vector_store %arg12[%parallel_loop3A_564, %parallel_loop3A_565], %parallel_loop3A_563 {strides = array<i32>} : memref<64x200xi32, #tpu.memory_space<vmem>>, vector<16xi32>,
      %parallel_loop3A_567 = arith.constant 2 : i32
      %parallel_loop3A_568 = arith.muli %parallel_loop3A_567, %parallel_loop3A_296 : i32
      %parallel_loop3A_569 = arith.index_cast %parallel_loop3A_568 : i32 to index
      %parallel_loop3A_570 = arith.constant 144 : index
      %parallel_loop3A_571 = tpu.vector_load %arg10[%parallel_loop3A_569, %parallel_loop3A_570] {strides = array<i32>} : memref<128x200xi32, #tpu.memory_space<vmem>>, vector<16xi32>,
      %parallel_loop3A_572 = arith.constant 2 : i32
      %parallel_loop3A_573 = arith.muli %parallel_loop3A_572, %parallel_loop3A_296 : i32
      %parallel_loop3A_574 = arith.constant 1 : i32
      %parallel_loop3A_575 = arith.addi %parallel_loop3A_573, %parallel_loop3A_574 : i32
      %parallel_loop3A_576 = arith.index_cast %parallel_loop3A_575 : i32 to index
      %parallel_loop3A_577 = arith.constant 144 : index
      %parallel_loop3A_578 = tpu.vector_load %arg10[%parallel_loop3A_576, %parallel_loop3A_577] {strides = array<i32>} : memref<128x200xi32, #tpu.memory_space<vmem>>, vector<16xi32>,
      %parallel_loop3A_579 = arith.constant 128 : i32
      %parallel_loop3A_580 = vector.broadcast %parallel_loop3A_579 : i32 to vector<16xi32>
      %parallel_loop3A_581 = arith.addi %parallel_loop3A_571, %parallel_loop3A_580 : vector<16xi32>
      %parallel_loop3A_582 = tpu.vector_load_idx %arg6[%parallel_loop3A_581] : memref<256xi32, #tpu.memory_space<vmem>>[vector<16xi32>], vector<16xi32>,
      %parallel_loop3A_583 = arith.constant 128 : i32
      %parallel_loop3A_584 = vector.broadcast %parallel_loop3A_583 : i32 to vector<16xi32>
      %parallel_loop3A_585 = arith.addi %parallel_loop3A_578, %parallel_loop3A_584 : vector<16xi32>
      %parallel_loop3A_586 = tpu.vector_load_idx %arg6[%parallel_loop3A_585] : memref<256xi32, #tpu.memory_space<vmem>>[vector<16xi32>], vector<16xi32>,
      %parallel_loop3A_587 = arith.constant 65535 : i32
      %parallel_loop3A_588 = vector.broadcast %parallel_loop3A_587 : i32 to vector<16xi32>
      %parallel_loop3A_589 = arith.andi %parallel_loop3A_582, %parallel_loop3A_588 : vector<16xi32>
      %parallel_loop3A_590 = arith.constant 16 : i32
      %parallel_loop3A_591 = vector.broadcast %parallel_loop3A_590 : i32 to vector<16xi32>
      %parallel_loop3A_592 = arith.shli %parallel_loop3A_586, %parallel_loop3A_591 : vector<16xi32>
      %parallel_loop3A_593 = arith.ori %parallel_loop3A_589, %parallel_loop3A_592 : vector<16xi32>
      %parallel_loop3A_594 = arith.index_cast %parallel_loop3A_296 : i32 to index
      %parallel_loop3A_595 = arith.constant 144 : index
      %parallel_loop3A_596 = tpu.vector_load %arg12[%parallel_loop3A_594, %parallel_loop3A_595] {strides = array<i32>} : memref<64x200xi32, #tpu.memory_space<vmem>>, vector<16xi32>,
      tpu.vector_store %arg12[%parallel_loop3A_594, %parallel_loop3A_595], %parallel_loop3A_593 {strides = array<i32>} : memref<64x200xi32, #tpu.memory_space<vmem>>, vector<16xi32>,
      %parallel_loop3A_597 = arith.constant 2 : i32
      %parallel_loop3A_598 = arith.muli %parallel_loop3A_597, %parallel_loop3A_296 : i32
      %parallel_loop3A_599 = arith.index_cast %parallel_loop3A_598 : i32 to index
      %parallel_loop3A_600 = arith.constant 160 : index
      %parallel_loop3A_601 = tpu.vector_load %arg10[%parallel_loop3A_599, %parallel_loop3A_600] {strides = array<i32>} : memref<128x200xi32, #tpu.memory_space<vmem>>, vector<16xi32>,
      %parallel_loop3A_602 = arith.constant 2 : i32
      %parallel_loop3A_603 = arith.muli %parallel_loop3A_602, %parallel_loop3A_296 : i32
      %parallel_loop3A_604 = arith.constant 1 : i32
      %parallel_loop3A_605 = arith.addi %parallel_loop3A_603, %parallel_loop3A_604 : i32
      %parallel_loop3A_606 = arith.index_cast %parallel_loop3A_605 : i32 to index
      %parallel_loop3A_607 = arith.constant 160 : index
      %parallel_loop3A_608 = tpu.vector_load %arg10[%parallel_loop3A_606, %parallel_loop3A_607] {strides = array<i32>} : memref<128x200xi32, #tpu.memory_space<vmem>>, vector<16xi32>,
      %parallel_loop3A_609 = arith.constant 128 : i32
      %parallel_loop3A_610 = vector.broadcast %parallel_loop3A_609 : i32 to vector<16xi32>
      %parallel_loop3A_611 = arith.addi %parallel_loop3A_601, %parallel_loop3A_610 : vector<16xi32>
      %parallel_loop3A_612 = tpu.vector_load_idx %arg6[%parallel_loop3A_611] : memref<256xi32, #tpu.memory_space<vmem>>[vector<16xi32>], vector<16xi32>,
      %parallel_loop3A_613 = arith.constant 128 : i32
      %parallel_loop3A_614 = vector.broadcast %parallel_loop3A_613 : i32 to vector<16xi32>
      %parallel_loop3A_615 = arith.addi %parallel_loop3A_608, %parallel_loop3A_614 : vector<16xi32>
      %parallel_loop3A_616 = tpu.vector_load_idx %arg6[%parallel_loop3A_615] : memref<256xi32, #tpu.memory_space<vmem>>[vector<16xi32>], vector<16xi32>,
      %parallel_loop3A_617 = arith.constant 65535 : i32
      %parallel_loop3A_618 = vector.broadcast %parallel_loop3A_617 : i32 to vector<16xi32>
      %parallel_loop3A_619 = arith.andi %parallel_loop3A_612, %parallel_loop3A_618 : vector<16xi32>
      %parallel_loop3A_620 = arith.constant 16 : i32
      %parallel_loop3A_621 = vector.broadcast %parallel_loop3A_620 : i32 to vector<16xi32>
      %parallel_loop3A_622 = arith.shli %parallel_loop3A_616, %parallel_loop3A_621 : vector<16xi32>
      %parallel_loop3A_623 = arith.ori %parallel_loop3A_619, %parallel_loop3A_622 : vector<16xi32>
      %parallel_loop3A_624 = arith.index_cast %parallel_loop3A_296 : i32 to index
      %parallel_loop3A_625 = arith.constant 160 : index
      %parallel_loop3A_626 = tpu.vector_load %arg12[%parallel_loop3A_624, %parallel_loop3A_625] {strides = array<i32>} : memref<64x200xi32, #tpu.memory_space<vmem>>, vector<16xi32>,
      tpu.vector_store %arg12[%parallel_loop3A_624, %parallel_loop3A_625], %parallel_loop3A_623 {strides = array<i32>} : memref<64x200xi32, #tpu.memory_space<vmem>>, vector<16xi32>,
      %parallel_loop3A_627 = arith.constant 2 : i32
      %parallel_loop3A_628 = arith.muli %parallel_loop3A_627, %parallel_loop3A_296 : i32
      %parallel_loop3A_629 = arith.index_cast %parallel_loop3A_628 : i32 to index
      %parallel_loop3A_630 = arith.constant 176 : index
      %parallel_loop3A_631 = tpu.vector_load %arg10[%parallel_loop3A_629, %parallel_loop3A_630] {strides = array<i32>} : memref<128x200xi32, #tpu.memory_space<vmem>>, vector<16xi32>,
      %parallel_loop3A_632 = arith.constant 2 : i32
      %parallel_loop3A_633 = arith.muli %parallel_loop3A_632, %parallel_loop3A_296 : i32
      %parallel_loop3A_634 = arith.constant 1 : i32
      %parallel_loop3A_635 = arith.addi %parallel_loop3A_633, %parallel_loop3A_634 : i32
      %parallel_loop3A_636 = arith.index_cast %parallel_loop3A_635 : i32 to index
      %parallel_loop3A_637 = arith.constant 176 : index
      %parallel_loop3A_638 = tpu.vector_load %arg10[%parallel_loop3A_636, %parallel_loop3A_637] {strides = array<i32>} : memref<128x200xi32, #tpu.memory_space<vmem>>, vector<16xi32>,
      %parallel_loop3A_639 = arith.constant 128 : i32
      %parallel_loop3A_640 = vector.broadcast %parallel_loop3A_639 : i32 to vector<16xi32>
      %parallel_loop3A_641 = arith.addi %parallel_loop3A_631, %parallel_loop3A_640 : vector<16xi32>
      %parallel_loop3A_642 = tpu.vector_load_idx %arg6[%parallel_loop3A_641] : memref<256xi32, #tpu.memory_space<vmem>>[vector<16xi32>], vector<16xi32>,
      %parallel_loop3A_643 = arith.constant 128 : i32
      %parallel_loop3A_644 = vector.broadcast %parallel_loop3A_643 : i32 to vector<16xi32>
      %parallel_loop3A_645 = arith.addi %parallel_loop3A_638, %parallel_loop3A_644 : vector<16xi32>
      %parallel_loop3A_646 = tpu.vector_load_idx %arg6[%parallel_loop3A_645] : memref<256xi32, #tpu.memory_space<vmem>>[vector<16xi32>], vector<16xi32>,
      %parallel_loop3A_647 = arith.constant 65535 : i32
      %parallel_loop3A_648 = vector.broadcast %parallel_loop3A_647 : i32 to vector<16xi32>
      %parallel_loop3A_649 = arith.andi %parallel_loop3A_642, %parallel_loop3A_648 : vector<16xi32>
      %parallel_loop3A_650 = arith.constant 16 : i32
      %parallel_loop3A_651 = vector.broadcast %parallel_loop3A_650 : i32 to vector<16xi32>
      %parallel_loop3A_652 = arith.shli %parallel_loop3A_646, %parallel_loop3A_651 : vector<16xi32>
      %parallel_loop3A_653 = arith.ori %parallel_loop3A_649, %parallel_loop3A_652 : vector<16xi32>
      %parallel_loop3A_654 = arith.index_cast %parallel_loop3A_296 : i32 to index
      %parallel_loop3A_655 = arith.constant 176 : index
      %parallel_loop3A_656 = tpu.vector_load %arg12[%parallel_loop3A_654, %parallel_loop3A_655] {strides = array<i32>} : memref<64x200xi32, #tpu.memory_space<vmem>>, vector<16xi32>,
      tpu.vector_store %arg12[%parallel_loop3A_654, %parallel_loop3A_655], %parallel_loop3A_653 {strides = array<i32>} : memref<64x200xi32, #tpu.memory_space<vmem>>, vector<16xi32>,
      %parallel_loop3A_657 = arith.constant 2 : i32
      %parallel_loop3A_658 = arith.muli %parallel_loop3A_657, %parallel_loop3A_296 : i32
      %parallel_loop3A_659 = arith.index_cast %parallel_loop3A_658 : i32 to index
      %parallel_loop3A_660 = arith.constant 184 : index
      %parallel_loop3A_661 = tpu.vector_load %arg10[%parallel_loop3A_659, %parallel_loop3A_660] {strides = array<i32>} : memref<128x200xi32, #tpu.memory_space<vmem>>, vector<16xi32>,
      %parallel_loop3A_662 = arith.constant 2 : i32
      %parallel_loop3A_663 = arith.muli %parallel_loop3A_662, %parallel_loop3A_296 : i32
      %parallel_loop3A_664 = arith.constant 1 : i32
      %parallel_loop3A_665 = arith.addi %parallel_loop3A_663, %parallel_loop3A_664 : i32
      %parallel_loop3A_666 = arith.index_cast %parallel_loop3A_665 : i32 to index
      %parallel_loop3A_667 = arith.constant 184 : index
      %parallel_loop3A_668 = tpu.vector_load %arg10[%parallel_loop3A_666, %parallel_loop3A_667] {strides = array<i32>} : memref<128x200xi32, #tpu.memory_space<vmem>>, vector<16xi32>,
      %parallel_loop3A_669 = arith.constant 128 : i32
      %parallel_loop3A_670 = vector.broadcast %parallel_loop3A_669 : i32 to vector<16xi32>
      %parallel_loop3A_671 = arith.addi %parallel_loop3A_661, %parallel_loop3A_670 : vector<16xi32>
      %parallel_loop3A_672 = tpu.vector_load_idx %arg6[%parallel_loop3A_671] : memref<256xi32, #tpu.memory_space<vmem>>[vector<16xi32>], vector<16xi32>,
      %parallel_loop3A_673 = arith.constant 128 : i32
      %parallel_loop3A_674 = vector.broadcast %parallel_loop3A_673 : i32 to vector<16xi32>
      %parallel_loop3A_675 = arith.addi %parallel_loop3A_668, %parallel_loop3A_674 : vector<16xi32>
      %parallel_loop3A_676 = tpu.vector_load_idx %arg6[%parallel_loop3A_675] : memref<256xi32, #tpu.memory_space<vmem>>[vector<16xi32>], vector<16xi32>,
      %parallel_loop3A_677 = arith.constant 65535 : i32
      %parallel_loop3A_678 = vector.broadcast %parallel_loop3A_677 : i32 to vector<16xi32>
      %parallel_loop3A_679 = arith.andi %parallel_loop3A_672, %parallel_loop3A_678 : vector<16xi32>
      %parallel_loop3A_680 = arith.constant 16 : i32
      %parallel_loop3A_681 = vector.broadcast %parallel_loop3A_680 : i32 to vector<16xi32>
      %parallel_loop3A_682 = arith.shli %parallel_loop3A_676, %parallel_loop3A_681 : vector<16xi32>
      %parallel_loop3A_683 = arith.ori %parallel_loop3A_679, %parallel_loop3A_682 : vector<16xi32>
      %parallel_loop3A_684 = arith.index_cast %parallel_loop3A_296 : i32 to index
      %parallel_loop3A_685 = arith.constant 184 : index
      %parallel_loop3A_686 = tpu.vector_load %arg12[%parallel_loop3A_684, %parallel_loop3A_685] {strides = array<i32>} : memref<64x200xi32, #tpu.memory_space<vmem>>, vector<16xi32>,
      tpu.vector_store %arg12[%parallel_loop3A_684, %parallel_loop3A_685], %parallel_loop3A_683 {strides = array<i32>} : memref<64x200xi32, #tpu.memory_space<vmem>>, vector<16xi32>,
    } {sc.loop_unroll_factor = 2 : i64, sc.parallel_access}
    %add3A_228 = arith.constant 128 : i32
    %add3A_229 = arith.addi %mul3A_2, %add3A_228 : i32
    %dma_start3A_230 = tpu.memref_bitcast %arg12 : memref<64x200xi32, #tpu.memory_space<vmem>> -> memref<128x200xi16, #tpu.memory_space<vmem>>
    %dma_start3A_231 = arith.constant 0 : i32
    %dma_start3A_232 = tpu.memref_slice %arg5[%add3A_229, %dma_start3A_231] : memref<16384x200xi16, #tpu.memory_space<hbm>> -> memref<128x200xi16, #tpu.memory_space<hbm>>
    %dma_start3A_233 = arith.constant 0 : i32
    %dma_start3A_234 = tpu.memref_slice %arg5[%add3A_229, %dma_start3A_233] : memref<16384x200xi16, #tpu.memory_space<hbm>> -> memref<128x200xi16, #tpu.memory_space<hbm>>
    %dma_start3A_235 = tpu.memref_bitcast %arg12 : memref<64x200xi32, #tpu.memory_space<vmem>> -> memref<128x200xi16, #tpu.memory_space<vmem>>
    tpu.enqueue_dma source(%dma_start3A_235 : memref<128x200xi16, #tpu.memory_space<vmem>>) target(%dma_start3A_234 : memref<128x200xi16, #tpu.memory_space<hbm>>) target_semaphore(%arg16 : memref<!tpu.dma_semaphore, #tpu.memory_space<semaphore_mem>>)
    %add3A_236 = arith.constant 384 : i32
    %add3A_237 = arith.addi %mul3A_2, %add3A_236 : i32
    %dma_start3A_238 = arith.constant 0 : i32
    %dma_start3A_239 = tpu.memref_slice %arg3[%add3A_237, %dma_start3A_238] : memref<16384x200xi32, #tpu.memory_space<hbm>> -> memref<128x200xi32, #tpu.memory_space<hbm>>
    %dma_start3A_240 = arith.constant 0 : i32
    %dma_start3A_241 = tpu.memref_slice %arg3[%add3A_237, %dma_start3A_240] : memref<16384x200xi32, #tpu.memory_space<hbm>> -> memref<128x200xi32, #tpu.memory_space<hbm>>
    tpu.enqueue_dma source(%dma_start3A_241 : memref<128x200xi32, #tpu.memory_space<hbm>>) target(%arg10 : memref<128x200xi32, #tpu.memory_space<vmem>>) target_semaphore(%arg14 : memref<!tpu.dma_semaphore, #tpu.memory_space<semaphore_mem>>)
    %dma_wait3A_242 = arith.constant 0 : i32
    %dma_wait3A_243 = tpu.memref_slice %arg3[%add3A_216, %dma_wait3A_242] : memref<16384x200xi32, #tpu.memory_space<hbm>> -> memref<128x200xi32, #tpu.memory_space<hbm>>
    %dma_wait3A_244 = arith.constant 0 : i32
    %dma_wait3A_245 = tpu.memref_slice %arg3[%add3A_216, %dma_wait3A_244] : memref<16384x200xi32, #tpu.memory_space<hbm>> -> memref<128x200xi32, #tpu.memory_space<hbm>>
    tpu.wait_dma2 semaphore(%arg13 : memref<!tpu.dma_semaphore, #tpu.memory_space<semaphore_mem>>) src(%dma_wait3A_245 : memref<128x200xi32, #tpu.memory_space<hbm>>) dst(%arg9 : memref<128x200xi32, #tpu.memory_space<vmem>>)
    %dma_wait3A_246 = tpu.memref_bitcast %arg11 : memref<64x200xi32, #tpu.memory_space<vmem>> -> memref<128x200xi16, #tpu.memory_space<vmem>>
    %dma_wait3A_247 = arith.constant 0 : i32
    %dma_wait3A_248 = tpu.memref_slice %arg5[%add3A_208, %dma_wait3A_247] : memref<16384x200xi16, #tpu.memory_space<hbm>> -> memref<128x200xi16, #tpu.memory_space<hbm>>
    %dma_wait3A_249 = arith.constant 0 : i32
    %dma_wait3A_250 = tpu.memref_slice %arg5[%add3A_208, %dma_wait3A_249] : memref<16384x200xi16, #tpu.memory_space<hbm>> -> memref<128x200xi16, #tpu.memory_space<hbm>>
    %dma_wait3A_251 = tpu.memref_bitcast %arg11 : memref<64x200xi32, #tpu.memory_space<vmem>> -> memref<128x200xi16, #tpu.memory_space<vmem>>
    tpu.wait_dma2 semaphore(%arg15 : memref<!tpu.dma_semaphore, #tpu.memory_space<semaphore_mem>>) src(%dma_wait3A_251 : memref<128x200xi16, #tpu.memory_space<vmem>>) dst(%dma_wait3A_250 : memref<128x200xi16, #tpu.memory_space<hbm>>)
    %parallel_loop3A_252 = arith.constant 0 : i32
    %parallel_loop3A_253 = arith.constant 64 : i32
    %parallel_loop3A_254 = arith.constant 1 : i32
    scf.for %parallel_loop3A_296 = %parallel_loop3A_252 to %parallel_loop3A_253 step %parallel_loop3A_254  : i32 {
      %parallel_loop3A_297 = arith.constant 2 : i32
      %parallel_loop3A_298 = arith.muli %parallel_loop3A_297, %parallel_loop3A_296 : i32
      %parallel_loop3A_299 = arith.index_cast %parallel_loop3A_298 : i32 to index
      %parallel_loop3A_300 = arith.constant 0 : index
      %parallel_loop3A_301 = tpu.vector_load %arg9[%parallel_loop3A_299, %parallel_loop3A_300] {strides = array<i32>} : memref<128x200xi32, #tpu.memory_space<vmem>>, vector<16xi32>,
      %parallel_loop3A_302 = arith.constant 2 : i32
      %parallel_loop3A_303 = arith.muli %parallel_loop3A_302, %parallel_loop3A_296 : i32
      %parallel_loop3A_304 = arith.constant 1 : i32
      %parallel_loop3A_305 = arith.addi %parallel_loop3A_303, %parallel_loop3A_304 : i32
      %parallel_loop3A_306 = arith.index_cast %parallel_loop3A_305 : i32 to index
      %parallel_loop3A_307 = arith.constant 0 : index
      %parallel_loop3A_308 = tpu.vector_load %arg9[%parallel_loop3A_306, %parallel_loop3A_307] {strides = array<i32>} : memref<128x200xi32, #tpu.memory_space<vmem>>, vector<16xi32>,
      %parallel_loop3A_309 = arith.constant 128 : i32
      %parallel_loop3A_310 = vector.broadcast %parallel_loop3A_309 : i32 to vector<16xi32>
      %parallel_loop3A_311 = arith.addi %parallel_loop3A_301, %parallel_loop3A_310 : vector<16xi32>
      %parallel_loop3A_312 = tpu.vector_load_idx %arg6[%parallel_loop3A_311] : memref<256xi32, #tpu.memory_space<vmem>>[vector<16xi32>], vector<16xi32>,
      %parallel_loop3A_313 = arith.constant 128 : i32
      %parallel_loop3A_314 = vector.broadcast %parallel_loop3A_313 : i32 to vector<16xi32>
      %parallel_loop3A_315 = arith.addi %parallel_loop3A_308, %parallel_loop3A_314 : vector<16xi32>
      %parallel_loop3A_316 = tpu.vector_load_idx %arg6[%parallel_loop3A_315] : memref<256xi32, #tpu.memory_space<vmem>>[vector<16xi32>], vector<16xi32>,
      %parallel_loop3A_317 = arith.constant 65535 : i32
      %parallel_loop3A_318 = vector.broadcast %parallel_loop3A_317 : i32 to vector<16xi32>
      %parallel_loop3A_319 = arith.andi %parallel_loop3A_312, %parallel_loop3A_318 : vector<16xi32>
      %parallel_loop3A_320 = arith.constant 16 : i32
      %parallel_loop3A_321 = vector.broadcast %parallel_loop3A_320 : i32 to vector<16xi32>
      %parallel_loop3A_322 = arith.shli %parallel_loop3A_316, %parallel_loop3A_321 : vector<16xi32>
      %parallel_loop3A_323 = arith.ori %parallel_loop3A_319, %parallel_loop3A_322 : vector<16xi32>
      %parallel_loop3A_324 = arith.index_cast %parallel_loop3A_296 : i32 to index
      %parallel_loop3A_325 = arith.constant 0 : index
      %parallel_loop3A_326 = tpu.vector_load %arg11[%parallel_loop3A_324, %parallel_loop3A_325] {strides = array<i32>} : memref<64x200xi32, #tpu.memory_space<vmem>>, vector<16xi32>,
      tpu.vector_store %arg11[%parallel_loop3A_324, %parallel_loop3A_325], %parallel_loop3A_323 {strides = array<i32>} : memref<64x200xi32, #tpu.memory_space<vmem>>, vector<16xi32>,
      %parallel_loop3A_327 = arith.constant 2 : i32
      %parallel_loop3A_328 = arith.muli %parallel_loop3A_327, %parallel_loop3A_296 : i32
      %parallel_loop3A_329 = arith.index_cast %parallel_loop3A_328 : i32 to index
      %parallel_loop3A_330 = arith.constant 16 : index
      %parallel_loop3A_331 = tpu.vector_load %arg9[%parallel_loop3A_329, %parallel_loop3A_330] {strides = array<i32>} : memref<128x200xi32, #tpu.memory_space<vmem>>, vector<16xi32>,
      %parallel_loop3A_332 = arith.constant 2 : i32
      %parallel_loop3A_333 = arith.muli %parallel_loop3A_332, %parallel_loop3A_296 : i32
      %parallel_loop3A_334 = arith.constant 1 : i32
      %parallel_loop3A_335 = arith.addi %parallel_loop3A_333, %parallel_loop3A_334 : i32
      %parallel_loop3A_336 = arith.index_cast %parallel_loop3A_335 : i32 to index
      %parallel_loop3A_337 = arith.constant 16 : index
      %parallel_loop3A_338 = tpu.vector_load %arg9[%parallel_loop3A_336, %parallel_loop3A_337] {strides = array<i32>} : memref<128x200xi32, #tpu.memory_space<vmem>>, vector<16xi32>,
      %parallel_loop3A_339 = arith.constant 128 : i32
      %parallel_loop3A_340 = vector.broadcast %parallel_loop3A_339 : i32 to vector<16xi32>
      %parallel_loop3A_341 = arith.addi %parallel_loop3A_331, %parallel_loop3A_340 : vector<16xi32>
      %parallel_loop3A_342 = tpu.vector_load_idx %arg6[%parallel_loop3A_341] : memref<256xi32, #tpu.memory_space<vmem>>[vector<16xi32>], vector<16xi32>,
      %parallel_loop3A_343 = arith.constant 128 : i32
      %parallel_loop3A_344 = vector.broadcast %parallel_loop3A_343 : i32 to vector<16xi32>
      %parallel_loop3A_345 = arith.addi %parallel_loop3A_338, %parallel_loop3A_344 : vector<16xi32>
      %parallel_loop3A_346 = tpu.vector_load_idx %arg6[%parallel_loop3A_345] : memref<256xi32, #tpu.memory_space<vmem>>[vector<16xi32>], vector<16xi32>,
      %parallel_loop3A_347 = arith.constant 65535 : i32
      %parallel_loop3A_348 = vector.broadcast %parallel_loop3A_347 : i32 to vector<16xi32>
      %parallel_loop3A_349 = arith.andi %parallel_loop3A_342, %parallel_loop3A_348 : vector<16xi32>
      %parallel_loop3A_350 = arith.constant 16 : i32
      %parallel_loop3A_351 = vector.broadcast %parallel_loop3A_350 : i32 to vector<16xi32>
      %parallel_loop3A_352 = arith.shli %parallel_loop3A_346, %parallel_loop3A_351 : vector<16xi32>
      %parallel_loop3A_353 = arith.ori %parallel_loop3A_349, %parallel_loop3A_352 : vector<16xi32>
      %parallel_loop3A_354 = arith.index_cast %parallel_loop3A_296 : i32 to index
      %parallel_loop3A_355 = arith.constant 16 : index
      %parallel_loop3A_356 = tpu.vector_load %arg11[%parallel_loop3A_354, %parallel_loop3A_355] {strides = array<i32>} : memref<64x200xi32, #tpu.memory_space<vmem>>, vector<16xi32>,
      tpu.vector_store %arg11[%parallel_loop3A_354, %parallel_loop3A_355], %parallel_loop3A_353 {strides = array<i32>} : memref<64x200xi32, #tpu.memory_space<vmem>>, vector<16xi32>,
      %parallel_loop3A_357 = arith.constant 2 : i32
      %parallel_loop3A_358 = arith.muli %parallel_loop3A_357, %parallel_loop3A_296 : i32
      %parallel_loop3A_359 = arith.index_cast %parallel_loop3A_358 : i32 to index
      %parallel_loop3A_360 = arith.constant 32 : index
      %parallel_loop3A_361 = tpu.vector_load %arg9[%parallel_loop3A_359, %parallel_loop3A_360] {strides = array<i32>} : memref<128x200xi32, #tpu.memory_space<vmem>>, vector<16xi32>,
      %parallel_loop3A_362 = arith.constant 2 : i32
      %parallel_loop3A_363 = arith.muli %parallel_loop3A_362, %parallel_loop3A_296 : i32
      %parallel_loop3A_364 = arith.constant 1 : i32
      %parallel_loop3A_365 = arith.addi %parallel_loop3A_363, %parallel_loop3A_364 : i32
      %parallel_loop3A_366 = arith.index_cast %parallel_loop3A_365 : i32 to index
      %parallel_loop3A_367 = arith.constant 32 : index
      %parallel_loop3A_368 = tpu.vector_load %arg9[%parallel_loop3A_366, %parallel_loop3A_367] {strides = array<i32>} : memref<128x200xi32, #tpu.memory_space<vmem>>, vector<16xi32>,
      %parallel_loop3A_369 = arith.constant 128 : i32
      %parallel_loop3A_370 = vector.broadcast %parallel_loop3A_369 : i32 to vector<16xi32>
      %parallel_loop3A_371 = arith.addi %parallel_loop3A_361, %parallel_loop3A_370 : vector<16xi32>
      %parallel_loop3A_372 = tpu.vector_load_idx %arg6[%parallel_loop3A_371] : memref<256xi32, #tpu.memory_space<vmem>>[vector<16xi32>], vector<16xi32>,
      %parallel_loop3A_373 = arith.constant 128 : i32
      %parallel_loop3A_374 = vector.broadcast %parallel_loop3A_373 : i32 to vector<16xi32>
      %parallel_loop3A_375 = arith.addi %parallel_loop3A_368, %parallel_loop3A_374 : vector<16xi32>
      %parallel_loop3A_376 = tpu.vector_load_idx %arg6[%parallel_loop3A_375] : memref<256xi32, #tpu.memory_space<vmem>>[vector<16xi32>], vector<16xi32>,
      %parallel_loop3A_377 = arith.constant 65535 : i32
      %parallel_loop3A_378 = vector.broadcast %parallel_loop3A_377 : i32 to vector<16xi32>
      %parallel_loop3A_379 = arith.andi %parallel_loop3A_372, %parallel_loop3A_378 : vector<16xi32>
      %parallel_loop3A_380 = arith.constant 16 : i32
      %parallel_loop3A_381 = vector.broadcast %parallel_loop3A_380 : i32 to vector<16xi32>
      %parallel_loop3A_382 = arith.shli %parallel_loop3A_376, %parallel_loop3A_381 : vector<16xi32>
      %parallel_loop3A_383 = arith.ori %parallel_loop3A_379, %parallel_loop3A_382 : vector<16xi32>
      %parallel_loop3A_384 = arith.index_cast %parallel_loop3A_296 : i32 to index
      %parallel_loop3A_385 = arith.constant 32 : index
      %parallel_loop3A_386 = tpu.vector_load %arg11[%parallel_loop3A_384, %parallel_loop3A_385] {strides = array<i32>} : memref<64x200xi32, #tpu.memory_space<vmem>>, vector<16xi32>,
      tpu.vector_store %arg11[%parallel_loop3A_384, %parallel_loop3A_385], %parallel_loop3A_383 {strides = array<i32>} : memref<64x200xi32, #tpu.memory_space<vmem>>, vector<16xi32>,
      %parallel_loop3A_387 = arith.constant 2 : i32
      %parallel_loop3A_388 = arith.muli %parallel_loop3A_387, %parallel_loop3A_296 : i32
      %parallel_loop3A_389 = arith.index_cast %parallel_loop3A_388 : i32 to index
      %parallel_loop3A_390 = arith.constant 48 : index
      %parallel_loop3A_391 = tpu.vector_load %arg9[%parallel_loop3A_389, %parallel_loop3A_390] {strides = array<i32>} : memref<128x200xi32, #tpu.memory_space<vmem>>, vector<16xi32>,
      %parallel_loop3A_392 = arith.constant 2 : i32
      %parallel_loop3A_393 = arith.muli %parallel_loop3A_392, %parallel_loop3A_296 : i32
      %parallel_loop3A_394 = arith.constant 1 : i32
      %parallel_loop3A_395 = arith.addi %parallel_loop3A_393, %parallel_loop3A_394 : i32
      %parallel_loop3A_396 = arith.index_cast %parallel_loop3A_395 : i32 to index
      %parallel_loop3A_397 = arith.constant 48 : index
      %parallel_loop3A_398 = tpu.vector_load %arg9[%parallel_loop3A_396, %parallel_loop3A_397] {strides = array<i32>} : memref<128x200xi32, #tpu.memory_space<vmem>>, vector<16xi32>,
      %parallel_loop3A_399 = arith.constant 128 : i32
      %parallel_loop3A_400 = vector.broadcast %parallel_loop3A_399 : i32 to vector<16xi32>
      %parallel_loop3A_401 = arith.addi %parallel_loop3A_391, %parallel_loop3A_400 : vector<16xi32>
      %parallel_loop3A_402 = tpu.vector_load_idx %arg6[%parallel_loop3A_401] : memref<256xi32, #tpu.memory_space<vmem>>[vector<16xi32>], vector<16xi32>,
      %parallel_loop3A_403 = arith.constant 128 : i32
      %parallel_loop3A_404 = vector.broadcast %parallel_loop3A_403 : i32 to vector<16xi32>
      %parallel_loop3A_405 = arith.addi %parallel_loop3A_398, %parallel_loop3A_404 : vector<16xi32>
      %parallel_loop3A_406 = tpu.vector_load_idx %arg6[%parallel_loop3A_405] : memref<256xi32, #tpu.memory_space<vmem>>[vector<16xi32>], vector<16xi32>,
      %parallel_loop3A_407 = arith.constant 65535 : i32
      %parallel_loop3A_408 = vector.broadcast %parallel_loop3A_407 : i32 to vector<16xi32>
      %parallel_loop3A_409 = arith.andi %parallel_loop3A_402, %parallel_loop3A_408 : vector<16xi32>
      %parallel_loop3A_410 = arith.constant 16 : i32
      %parallel_loop3A_411 = vector.broadcast %parallel_loop3A_410 : i32 to vector<16xi32>
      %parallel_loop3A_412 = arith.shli %parallel_loop3A_406, %parallel_loop3A_411 : vector<16xi32>
      %parallel_loop3A_413 = arith.ori %parallel_loop3A_409, %parallel_loop3A_412 : vector<16xi32>
      %parallel_loop3A_414 = arith.index_cast %parallel_loop3A_296 : i32 to index
      %parallel_loop3A_415 = arith.constant 48 : index
      %parallel_loop3A_416 = tpu.vector_load %arg11[%parallel_loop3A_414, %parallel_loop3A_415] {strides = array<i32>} : memref<64x200xi32, #tpu.memory_space<vmem>>, vector<16xi32>,
      tpu.vector_store %arg11[%parallel_loop3A_414, %parallel_loop3A_415], %parallel_loop3A_413 {strides = array<i32>} : memref<64x200xi32, #tpu.memory_space<vmem>>, vector<16xi32>,
      %parallel_loop3A_417 = arith.constant 2 : i32
      %parallel_loop3A_418 = arith.muli %parallel_loop3A_417, %parallel_loop3A_296 : i32
      %parallel_loop3A_419 = arith.index_cast %parallel_loop3A_418 : i32 to index
      %parallel_loop3A_420 = arith.constant 64 : index
      %parallel_loop3A_421 = tpu.vector_load %arg9[%parallel_loop3A_419, %parallel_loop3A_420] {strides = array<i32>} : memref<128x200xi32, #tpu.memory_space<vmem>>, vector<16xi32>,
      %parallel_loop3A_422 = arith.constant 2 : i32
      %parallel_loop3A_423 = arith.muli %parallel_loop3A_422, %parallel_loop3A_296 : i32
      %parallel_loop3A_424 = arith.constant 1 : i32
      %parallel_loop3A_425 = arith.addi %parallel_loop3A_423, %parallel_loop3A_424 : i32
      %parallel_loop3A_426 = arith.index_cast %parallel_loop3A_425 : i32 to index
      %parallel_loop3A_427 = arith.constant 64 : index
      %parallel_loop3A_428 = tpu.vector_load %arg9[%parallel_loop3A_426, %parallel_loop3A_427] {strides = array<i32>} : memref<128x200xi32, #tpu.memory_space<vmem>>, vector<16xi32>,
      %parallel_loop3A_429 = arith.constant 128 : i32
      %parallel_loop3A_430 = vector.broadcast %parallel_loop3A_429 : i32 to vector<16xi32>
      %parallel_loop3A_431 = arith.addi %parallel_loop3A_421, %parallel_loop3A_430 : vector<16xi32>
      %parallel_loop3A_432 = tpu.vector_load_idx %arg6[%parallel_loop3A_431] : memref<256xi32, #tpu.memory_space<vmem>>[vector<16xi32>], vector<16xi32>,
      %parallel_loop3A_433 = arith.constant 128 : i32
      %parallel_loop3A_434 = vector.broadcast %parallel_loop3A_433 : i32 to vector<16xi32>
      %parallel_loop3A_435 = arith.addi %parallel_loop3A_428, %parallel_loop3A_434 : vector<16xi32>
      %parallel_loop3A_436 = tpu.vector_load_idx %arg6[%parallel_loop3A_435] : memref<256xi32, #tpu.memory_space<vmem>>[vector<16xi32>], vector<16xi32>,
      %parallel_loop3A_437 = arith.constant 65535 : i32
      %parallel_loop3A_438 = vector.broadcast %parallel_loop3A_437 : i32 to vector<16xi32>
      %parallel_loop3A_439 = arith.andi %parallel_loop3A_432, %parallel_loop3A_438 : vector<16xi32>
      %parallel_loop3A_440 = arith.constant 16 : i32
      %parallel_loop3A_441 = vector.broadcast %parallel_loop3A_440 : i32 to vector<16xi32>
      %parallel_loop3A_442 = arith.shli %parallel_loop3A_436, %parallel_loop3A_441 : vector<16xi32>
      %parallel_loop3A_443 = arith.ori %parallel_loop3A_439, %parallel_loop3A_442 : vector<16xi32>
      %parallel_loop3A_444 = arith.index_cast %parallel_loop3A_296 : i32 to index
      %parallel_loop3A_445 = arith.constant 64 : index
      %parallel_loop3A_446 = tpu.vector_load %arg11[%parallel_loop3A_444, %parallel_loop3A_445] {strides = array<i32>} : memref<64x200xi32, #tpu.memory_space<vmem>>, vector<16xi32>,
      tpu.vector_store %arg11[%parallel_loop3A_444, %parallel_loop3A_445], %parallel_loop3A_443 {strides = array<i32>} : memref<64x200xi32, #tpu.memory_space<vmem>>, vector<16xi32>,
      %parallel_loop3A_447 = arith.constant 2 : i32
      %parallel_loop3A_448 = arith.muli %parallel_loop3A_447, %parallel_loop3A_296 : i32
      %parallel_loop3A_449 = arith.index_cast %parallel_loop3A_448 : i32 to index
      %parallel_loop3A_450 = arith.constant 80 : index
      %parallel_loop3A_451 = tpu.vector_load %arg9[%parallel_loop3A_449, %parallel_loop3A_450] {strides = array<i32>} : memref<128x200xi32, #tpu.memory_space<vmem>>, vector<16xi32>,
      %parallel_loop3A_452 = arith.constant 2 : i32
      %parallel_loop3A_453 = arith.muli %parallel_loop3A_452, %parallel_loop3A_296 : i32
      %parallel_loop3A_454 = arith.constant 1 : i32
      %parallel_loop3A_455 = arith.addi %parallel_loop3A_453, %parallel_loop3A_454 : i32
      %parallel_loop3A_456 = arith.index_cast %parallel_loop3A_455 : i32 to index
      %parallel_loop3A_457 = arith.constant 80 : index
      %parallel_loop3A_458 = tpu.vector_load %arg9[%parallel_loop3A_456, %parallel_loop3A_457] {strides = array<i32>} : memref<128x200xi32, #tpu.memory_space<vmem>>, vector<16xi32>,
      %parallel_loop3A_459 = arith.constant 128 : i32
      %parallel_loop3A_460 = vector.broadcast %parallel_loop3A_459 : i32 to vector<16xi32>
      %parallel_loop3A_461 = arith.addi %parallel_loop3A_451, %parallel_loop3A_460 : vector<16xi32>
      %parallel_loop3A_462 = tpu.vector_load_idx %arg6[%parallel_loop3A_461] : memref<256xi32, #tpu.memory_space<vmem>>[vector<16xi32>], vector<16xi32>,
      %parallel_loop3A_463 = arith.constant 128 : i32
      %parallel_loop3A_464 = vector.broadcast %parallel_loop3A_463 : i32 to vector<16xi32>
      %parallel_loop3A_465 = arith.addi %parallel_loop3A_458, %parallel_loop3A_464 : vector<16xi32>
      %parallel_loop3A_466 = tpu.vector_load_idx %arg6[%parallel_loop3A_465] : memref<256xi32, #tpu.memory_space<vmem>>[vector<16xi32>], vector<16xi32>,
      %parallel_loop3A_467 = arith.constant 65535 : i32
      %parallel_loop3A_468 = vector.broadcast %parallel_loop3A_467 : i32 to vector<16xi32>
      %parallel_loop3A_469 = arith.andi %parallel_loop3A_462, %parallel_loop3A_468 : vector<16xi32>
      %parallel_loop3A_470 = arith.constant 16 : i32
      %parallel_loop3A_471 = vector.broadcast %parallel_loop3A_470 : i32 to vector<16xi32>
      %parallel_loop3A_472 = arith.shli %parallel_loop3A_466, %parallel_loop3A_471 : vector<16xi32>
      %parallel_loop3A_473 = arith.ori %parallel_loop3A_469, %parallel_loop3A_472 : vector<16xi32>
      %parallel_loop3A_474 = arith.index_cast %parallel_loop3A_296 : i32 to index
      %parallel_loop3A_475 = arith.constant 80 : index
      %parallel_loop3A_476 = tpu.vector_load %arg11[%parallel_loop3A_474, %parallel_loop3A_475] {strides = array<i32>} : memref<64x200xi32, #tpu.memory_space<vmem>>, vector<16xi32>,
      tpu.vector_store %arg11[%parallel_loop3A_474, %parallel_loop3A_475], %parallel_loop3A_473 {strides = array<i32>} : memref<64x200xi32, #tpu.memory_space<vmem>>, vector<16xi32>,
      %parallel_loop3A_477 = arith.constant 2 : i32
      %parallel_loop3A_478 = arith.muli %parallel_loop3A_477, %parallel_loop3A_296 : i32
      %parallel_loop3A_479 = arith.index_cast %parallel_loop3A_478 : i32 to index
      %parallel_loop3A_480 = arith.constant 96 : index
      %parallel_loop3A_481 = tpu.vector_load %arg9[%parallel_loop3A_479, %parallel_loop3A_480] {strides = array<i32>} : memref<128x200xi32, #tpu.memory_space<vmem>>, vector<16xi32>,
      %parallel_loop3A_482 = arith.constant 2 : i32
      %parallel_loop3A_483 = arith.muli %parallel_loop3A_482, %parallel_loop3A_296 : i32
      %parallel_loop3A_484 = arith.constant 1 : i32
      %parallel_loop3A_485 = arith.addi %parallel_loop3A_483, %parallel_loop3A_484 : i32
      %parallel_loop3A_486 = arith.index_cast %parallel_loop3A_485 : i32 to index
      %parallel_loop3A_487 = arith.constant 96 : index
      %parallel_loop3A_488 = tpu.vector_load %arg9[%parallel_loop3A_486, %parallel_loop3A_487] {strides = array<i32>} : memref<128x200xi32, #tpu.memory_space<vmem>>, vector<16xi32>,
      %parallel_loop3A_489 = arith.constant 128 : i32
      %parallel_loop3A_490 = vector.broadcast %parallel_loop3A_489 : i32 to vector<16xi32>
      %parallel_loop3A_491 = arith.addi %parallel_loop3A_481, %parallel_loop3A_490 : vector<16xi32>
      %parallel_loop3A_492 = tpu.vector_load_idx %arg6[%parallel_loop3A_491] : memref<256xi32, #tpu.memory_space<vmem>>[vector<16xi32>], vector<16xi32>,
      %parallel_loop3A_493 = arith.constant 128 : i32
      %parallel_loop3A_494 = vector.broadcast %parallel_loop3A_493 : i32 to vector<16xi32>
      %parallel_loop3A_495 = arith.addi %parallel_loop3A_488, %parallel_loop3A_494 : vector<16xi32>
      %parallel_loop3A_496 = tpu.vector_load_idx %arg6[%parallel_loop3A_495] : memref<256xi32, #tpu.memory_space<vmem>>[vector<16xi32>], vector<16xi32>,
      %parallel_loop3A_497 = arith.constant 65535 : i32
      %parallel_loop3A_498 = vector.broadcast %parallel_loop3A_497 : i32 to vector<16xi32>
      %parallel_loop3A_499 = arith.andi %parallel_loop3A_492, %parallel_loop3A_498 : vector<16xi32>
      %parallel_loop3A_500 = arith.constant 16 : i32
      %parallel_loop3A_501 = vector.broadcast %parallel_loop3A_500 : i32 to vector<16xi32>
      %parallel_loop3A_502 = arith.shli %parallel_loop3A_496, %parallel_loop3A_501 : vector<16xi32>
      %parallel_loop3A_503 = arith.ori %parallel_loop3A_499, %parallel_loop3A_502 : vector<16xi32>
      %parallel_loop3A_504 = arith.index_cast %parallel_loop3A_296 : i32 to index
      %parallel_loop3A_505 = arith.constant 96 : index
      %parallel_loop3A_506 = tpu.vector_load %arg11[%parallel_loop3A_504, %parallel_loop3A_505] {strides = array<i32>} : memref<64x200xi32, #tpu.memory_space<vmem>>, vector<16xi32>,
      tpu.vector_store %arg11[%parallel_loop3A_504, %parallel_loop3A_505], %parallel_loop3A_503 {strides = array<i32>} : memref<64x200xi32, #tpu.memory_space<vmem>>, vector<16xi32>,
      %parallel_loop3A_507 = arith.constant 2 : i32
      %parallel_loop3A_508 = arith.muli %parallel_loop3A_507, %parallel_loop3A_296 : i32
      %parallel_loop3A_509 = arith.index_cast %parallel_loop3A_508 : i32 to index
      %parallel_loop3A_510 = arith.constant 112 : index
      %parallel_loop3A_511 = tpu.vector_load %arg9[%parallel_loop3A_509, %parallel_loop3A_510] {strides = array<i32>} : memref<128x200xi32, #tpu.memory_space<vmem>>, vector<16xi32>,
      %parallel_loop3A_512 = arith.constant 2 : i32
      %parallel_loop3A_513 = arith.muli %parallel_loop3A_512, %parallel_loop3A_296 : i32
      %parallel_loop3A_514 = arith.constant 1 : i32
      %parallel_loop3A_515 = arith.addi %parallel_loop3A_513, %parallel_loop3A_514 : i32
      %parallel_loop3A_516 = arith.index_cast %parallel_loop3A_515 : i32 to index
      %parallel_loop3A_517 = arith.constant 112 : index
      %parallel_loop3A_518 = tpu.vector_load %arg9[%parallel_loop3A_516, %parallel_loop3A_517] {strides = array<i32>} : memref<128x200xi32, #tpu.memory_space<vmem>>, vector<16xi32>,
      %parallel_loop3A_519 = arith.constant 128 : i32
      %parallel_loop3A_520 = vector.broadcast %parallel_loop3A_519 : i32 to vector<16xi32>
      %parallel_loop3A_521 = arith.addi %parallel_loop3A_511, %parallel_loop3A_520 : vector<16xi32>
      %parallel_loop3A_522 = tpu.vector_load_idx %arg6[%parallel_loop3A_521] : memref<256xi32, #tpu.memory_space<vmem>>[vector<16xi32>], vector<16xi32>,
      %parallel_loop3A_523 = arith.constant 128 : i32
      %parallel_loop3A_524 = vector.broadcast %parallel_loop3A_523 : i32 to vector<16xi32>
      %parallel_loop3A_525 = arith.addi %parallel_loop3A_518, %parallel_loop3A_524 : vector<16xi32>
      %parallel_loop3A_526 = tpu.vector_load_idx %arg6[%parallel_loop3A_525] : memref<256xi32, #tpu.memory_space<vmem>>[vector<16xi32>], vector<16xi32>,
      %parallel_loop3A_527 = arith.constant 65535 : i32
      %parallel_loop3A_528 = vector.broadcast %parallel_loop3A_527 : i32 to vector<16xi32>
      %parallel_loop3A_529 = arith.andi %parallel_loop3A_522, %parallel_loop3A_528 : vector<16xi32>
      %parallel_loop3A_530 = arith.constant 16 : i32
      %parallel_loop3A_531 = vector.broadcast %parallel_loop3A_530 : i32 to vector<16xi32>
      %parallel_loop3A_532 = arith.shli %parallel_loop3A_526, %parallel_loop3A_531 : vector<16xi32>
      %parallel_loop3A_533 = arith.ori %parallel_loop3A_529, %parallel_loop3A_532 : vector<16xi32>
      %parallel_loop3A_534 = arith.index_cast %parallel_loop3A_296 : i32 to index
      %parallel_loop3A_535 = arith.constant 112 : index
      %parallel_loop3A_536 = tpu.vector_load %arg11[%parallel_loop3A_534, %parallel_loop3A_535] {strides = array<i32>} : memref<64x200xi32, #tpu.memory_space<vmem>>, vector<16xi32>,
      tpu.vector_store %arg11[%parallel_loop3A_534, %parallel_loop3A_535], %parallel_loop3A_533 {strides = array<i32>} : memref<64x200xi32, #tpu.memory_space<vmem>>, vector<16xi32>,
      %parallel_loop3A_537 = arith.constant 2 : i32
      %parallel_loop3A_538 = arith.muli %parallel_loop3A_537, %parallel_loop3A_296 : i32
      %parallel_loop3A_539 = arith.index_cast %parallel_loop3A_538 : i32 to index
      %parallel_loop3A_540 = arith.constant 128 : index
      %parallel_loop3A_541 = tpu.vector_load %arg9[%parallel_loop3A_539, %parallel_loop3A_540] {strides = array<i32>} : memref<128x200xi32, #tpu.memory_space<vmem>>, vector<16xi32>,
      %parallel_loop3A_542 = arith.constant 2 : i32
      %parallel_loop3A_543 = arith.muli %parallel_loop3A_542, %parallel_loop3A_296 : i32
      %parallel_loop3A_544 = arith.constant 1 : i32
      %parallel_loop3A_545 = arith.addi %parallel_loop3A_543, %parallel_loop3A_544 : i32
      %parallel_loop3A_546 = arith.index_cast %parallel_loop3A_545 : i32 to index
      %parallel_loop3A_547 = arith.constant 128 : index
      %parallel_loop3A_548 = tpu.vector_load %arg9[%parallel_loop3A_546, %parallel_loop3A_547] {strides = array<i32>} : memref<128x200xi32, #tpu.memory_space<vmem>>, vector<16xi32>,
      %parallel_loop3A_549 = arith.constant 128 : i32
      %parallel_loop3A_550 = vector.broadcast %parallel_loop3A_549 : i32 to vector<16xi32>
      %parallel_loop3A_551 = arith.addi %parallel_loop3A_541, %parallel_loop3A_550 : vector<16xi32>
      %parallel_loop3A_552 = tpu.vector_load_idx %arg6[%parallel_loop3A_551] : memref<256xi32, #tpu.memory_space<vmem>>[vector<16xi32>], vector<16xi32>,
      %parallel_loop3A_553 = arith.constant 128 : i32
      %parallel_loop3A_554 = vector.broadcast %parallel_loop3A_553 : i32 to vector<16xi32>
      %parallel_loop3A_555 = arith.addi %parallel_loop3A_548, %parallel_loop3A_554 : vector<16xi32>
      %parallel_loop3A_556 = tpu.vector_load_idx %arg6[%parallel_loop3A_555] : memref<256xi32, #tpu.memory_space<vmem>>[vector<16xi32>], vector<16xi32>,
      %parallel_loop3A_557 = arith.constant 65535 : i32
      %parallel_loop3A_558 = vector.broadcast %parallel_loop3A_557 : i32 to vector<16xi32>
      %parallel_loop3A_559 = arith.andi %parallel_loop3A_552, %parallel_loop3A_558 : vector<16xi32>
      %parallel_loop3A_560 = arith.constant 16 : i32
      %parallel_loop3A_561 = vector.broadcast %parallel_loop3A_560 : i32 to vector<16xi32>
      %parallel_loop3A_562 = arith.shli %parallel_loop3A_556, %parallel_loop3A_561 : vector<16xi32>
      %parallel_loop3A_563 = arith.ori %parallel_loop3A_559, %parallel_loop3A_562 : vector<16xi32>
      %parallel_loop3A_564 = arith.index_cast %parallel_loop3A_296 : i32 to index
      %parallel_loop3A_565 = arith.constant 128 : index
      %parallel_loop3A_566 = tpu.vector_load %arg11[%parallel_loop3A_564, %parallel_loop3A_565] {strides = array<i32>} : memref<64x200xi32, #tpu.memory_space<vmem>>, vector<16xi32>,
      tpu.vector_store %arg11[%parallel_loop3A_564, %parallel_loop3A_565], %parallel_loop3A_563 {strides = array<i32>} : memref<64x200xi32, #tpu.memory_space<vmem>>, vector<16xi32>,
      %parallel_loop3A_567 = arith.constant 2 : i32
      %parallel_loop3A_568 = arith.muli %parallel_loop3A_567, %parallel_loop3A_296 : i32
      %parallel_loop3A_569 = arith.index_cast %parallel_loop3A_568 : i32 to index
      %parallel_loop3A_570 = arith.constant 144 : index
      %parallel_loop3A_571 = tpu.vector_load %arg9[%parallel_loop3A_569, %parallel_loop3A_570] {strides = array<i32>} : memref<128x200xi32, #tpu.memory_space<vmem>>, vector<16xi32>,
      %parallel_loop3A_572 = arith.constant 2 : i32
      %parallel_loop3A_573 = arith.muli %parallel_loop3A_572, %parallel_loop3A_296 : i32
      %parallel_loop3A_574 = arith.constant 1 : i32
      %parallel_loop3A_575 = arith.addi %parallel_loop3A_573, %parallel_loop3A_574 : i32
      %parallel_loop3A_576 = arith.index_cast %parallel_loop3A_575 : i32 to index
      %parallel_loop3A_577 = arith.constant 144 : index
      %parallel_loop3A_578 = tpu.vector_load %arg9[%parallel_loop3A_576, %parallel_loop3A_577] {strides = array<i32>} : memref<128x200xi32, #tpu.memory_space<vmem>>, vector<16xi32>,
      %parallel_loop3A_579 = arith.constant 128 : i32
      %parallel_loop3A_580 = vector.broadcast %parallel_loop3A_579 : i32 to vector<16xi32>
      %parallel_loop3A_581 = arith.addi %parallel_loop3A_571, %parallel_loop3A_580 : vector<16xi32>
      %parallel_loop3A_582 = tpu.vector_load_idx %arg6[%parallel_loop3A_581] : memref<256xi32, #tpu.memory_space<vmem>>[vector<16xi32>], vector<16xi32>,
      %parallel_loop3A_583 = arith.constant 128 : i32
      %parallel_loop3A_584 = vector.broadcast %parallel_loop3A_583 : i32 to vector<16xi32>
      %parallel_loop3A_585 = arith.addi %parallel_loop3A_578, %parallel_loop3A_584 : vector<16xi32>
      %parallel_loop3A_586 = tpu.vector_load_idx %arg6[%parallel_loop3A_585] : memref<256xi32, #tpu.memory_space<vmem>>[vector<16xi32>], vector<16xi32>,
      %parallel_loop3A_587 = arith.constant 65535 : i32
      %parallel_loop3A_588 = vector.broadcast %parallel_loop3A_587 : i32 to vector<16xi32>
      %parallel_loop3A_589 = arith.andi %parallel_loop3A_582, %parallel_loop3A_588 : vector<16xi32>
      %parallel_loop3A_590 = arith.constant 16 : i32
      %parallel_loop3A_591 = vector.broadcast %parallel_loop3A_590 : i32 to vector<16xi32>
      %parallel_loop3A_592 = arith.shli %parallel_loop3A_586, %parallel_loop3A_591 : vector<16xi32>
      %parallel_loop3A_593 = arith.ori %parallel_loop3A_589, %parallel_loop3A_592 : vector<16xi32>
      %parallel_loop3A_594 = arith.index_cast %parallel_loop3A_296 : i32 to index
      %parallel_loop3A_595 = arith.constant 144 : index
      %parallel_loop3A_596 = tpu.vector_load %arg11[%parallel_loop3A_594, %parallel_loop3A_595] {strides = array<i32>} : memref<64x200xi32, #tpu.memory_space<vmem>>, vector<16xi32>,
      tpu.vector_store %arg11[%parallel_loop3A_594, %parallel_loop3A_595], %parallel_loop3A_593 {strides = array<i32>} : memref<64x200xi32, #tpu.memory_space<vmem>>, vector<16xi32>,
      %parallel_loop3A_597 = arith.constant 2 : i32
      %parallel_loop3A_598 = arith.muli %parallel_loop3A_597, %parallel_loop3A_296 : i32
      %parallel_loop3A_599 = arith.index_cast %parallel_loop3A_598 : i32 to index
      %parallel_loop3A_600 = arith.constant 160 : index
      %parallel_loop3A_601 = tpu.vector_load %arg9[%parallel_loop3A_599, %parallel_loop3A_600] {strides = array<i32>} : memref<128x200xi32, #tpu.memory_space<vmem>>, vector<16xi32>,
      %parallel_loop3A_602 = arith.constant 2 : i32
      %parallel_loop3A_603 = arith.muli %parallel_loop3A_602, %parallel_loop3A_296 : i32
      %parallel_loop3A_604 = arith.constant 1 : i32
      %parallel_loop3A_605 = arith.addi %parallel_loop3A_603, %parallel_loop3A_604 : i32
      %parallel_loop3A_606 = arith.index_cast %parallel_loop3A_605 : i32 to index
      %parallel_loop3A_607 = arith.constant 160 : index
      %parallel_loop3A_608 = tpu.vector_load %arg9[%parallel_loop3A_606, %parallel_loop3A_607] {strides = array<i32>} : memref<128x200xi32, #tpu.memory_space<vmem>>, vector<16xi32>,
      %parallel_loop3A_609 = arith.constant 128 : i32
      %parallel_loop3A_610 = vector.broadcast %parallel_loop3A_609 : i32 to vector<16xi32>
      %parallel_loop3A_611 = arith.addi %parallel_loop3A_601, %parallel_loop3A_610 : vector<16xi32>
      %parallel_loop3A_612 = tpu.vector_load_idx %arg6[%parallel_loop3A_611] : memref<256xi32, #tpu.memory_space<vmem>>[vector<16xi32>], vector<16xi32>,
      %parallel_loop3A_613 = arith.constant 128 : i32
      %parallel_loop3A_614 = vector.broadcast %parallel_loop3A_613 : i32 to vector<16xi32>
      %parallel_loop3A_615 = arith.addi %parallel_loop3A_608, %parallel_loop3A_614 : vector<16xi32>
      %parallel_loop3A_616 = tpu.vector_load_idx %arg6[%parallel_loop3A_615] : memref<256xi32, #tpu.memory_space<vmem>>[vector<16xi32>], vector<16xi32>,
      %parallel_loop3A_617 = arith.constant 65535 : i32
      %parallel_loop3A_618 = vector.broadcast %parallel_loop3A_617 : i32 to vector<16xi32>
      %parallel_loop3A_619 = arith.andi %parallel_loop3A_612, %parallel_loop3A_618 : vector<16xi32>
      %parallel_loop3A_620 = arith.constant 16 : i32
      %parallel_loop3A_621 = vector.broadcast %parallel_loop3A_620 : i32 to vector<16xi32>
      %parallel_loop3A_622 = arith.shli %parallel_loop3A_616, %parallel_loop3A_621 : vector<16xi32>
      %parallel_loop3A_623 = arith.ori %parallel_loop3A_619, %parallel_loop3A_622 : vector<16xi32>
      %parallel_loop3A_624 = arith.index_cast %parallel_loop3A_296 : i32 to index
      %parallel_loop3A_625 = arith.constant 160 : index
      %parallel_loop3A_626 = tpu.vector_load %arg11[%parallel_loop3A_624, %parallel_loop3A_625] {strides = array<i32>} : memref<64x200xi32, #tpu.memory_space<vmem>>, vector<16xi32>,
      tpu.vector_store %arg11[%parallel_loop3A_624, %parallel_loop3A_625], %parallel_loop3A_623 {strides = array<i32>} : memref<64x200xi32, #tpu.memory_space<vmem>>, vector<16xi32>,
      %parallel_loop3A_627 = arith.constant 2 : i32
      %parallel_loop3A_628 = arith.muli %parallel_loop3A_627, %parallel_loop3A_296 : i32
      %parallel_loop3A_629 = arith.index_cast %parallel_loop3A_628 : i32 to index
      %parallel_loop3A_630 = arith.constant 176 : index
      %parallel_loop3A_631 = tpu.vector_load %arg9[%parallel_loop3A_629, %parallel_loop3A_630] {strides = array<i32>} : memref<128x200xi32, #tpu.memory_space<vmem>>, vector<16xi32>,
      %parallel_loop3A_632 = arith.constant 2 : i32
      %parallel_loop3A_633 = arith.muli %parallel_loop3A_632, %parallel_loop3A_296 : i32
      %parallel_loop3A_634 = arith.constant 1 : i32
      %parallel_loop3A_635 = arith.addi %parallel_loop3A_633, %parallel_loop3A_634 : i32
      %parallel_loop3A_636 = arith.index_cast %parallel_loop3A_635 : i32 to index
      %parallel_loop3A_637 = arith.constant 176 : index
      %parallel_loop3A_638 = tpu.vector_load %arg9[%parallel_loop3A_636, %parallel_loop3A_637] {strides = array<i32>} : memref<128x200xi32, #tpu.memory_space<vmem>>, vector<16xi32>,
      %parallel_loop3A_639 = arith.constant 128 : i32
      %parallel_loop3A_640 = vector.broadcast %parallel_loop3A_639 : i32 to vector<16xi32>
      %parallel_loop3A_641 = arith.addi %parallel_loop3A_631, %parallel_loop3A_640 : vector<16xi32>
      %parallel_loop3A_642 = tpu.vector_load_idx %arg6[%parallel_loop3A_641] : memref<256xi32, #tpu.memory_space<vmem>>[vector<16xi32>], vector<16xi32>,
      %parallel_loop3A_643 = arith.constant 128 : i32
      %parallel_loop3A_644 = vector.broadcast %parallel_loop3A_643 : i32 to vector<16xi32>
      %parallel_loop3A_645 = arith.addi %parallel_loop3A_638, %parallel_loop3A_644 : vector<16xi32>
      %parallel_loop3A_646 = tpu.vector_load_idx %arg6[%parallel_loop3A_645] : memref<256xi32, #tpu.memory_space<vmem>>[vector<16xi32>], vector<16xi32>,
      %parallel_loop3A_647 = arith.constant 65535 : i32
      %parallel_loop3A_648 = vector.broadcast %parallel_loop3A_647 : i32 to vector<16xi32>
      %parallel_loop3A_649 = arith.andi %parallel_loop3A_642, %parallel_loop3A_648 : vector<16xi32>
      %parallel_loop3A_650 = arith.constant 16 : i32
      %parallel_loop3A_651 = vector.broadcast %parallel_loop3A_650 : i32 to vector<16xi32>
      %parallel_loop3A_652 = arith.shli %parallel_loop3A_646, %parallel_loop3A_651 : vector<16xi32>
      %parallel_loop3A_653 = arith.ori %parallel_loop3A_649, %parallel_loop3A_652 : vector<16xi32>
      %parallel_loop3A_654 = arith.index_cast %parallel_loop3A_296 : i32 to index
      %parallel_loop3A_655 = arith.constant 176 : index
      %parallel_loop3A_656 = tpu.vector_load %arg11[%parallel_loop3A_654, %parallel_loop3A_655] {strides = array<i32>} : memref<64x200xi32, #tpu.memory_space<vmem>>, vector<16xi32>,
      tpu.vector_store %arg11[%parallel_loop3A_654, %parallel_loop3A_655], %parallel_loop3A_653 {strides = array<i32>} : memref<64x200xi32, #tpu.memory_space<vmem>>, vector<16xi32>,
      %parallel_loop3A_657 = arith.constant 2 : i32
      %parallel_loop3A_658 = arith.muli %parallel_loop3A_657, %parallel_loop3A_296 : i32
      %parallel_loop3A_659 = arith.index_cast %parallel_loop3A_658 : i32 to index
      %parallel_loop3A_660 = arith.constant 184 : index
      %parallel_loop3A_661 = tpu.vector_load %arg9[%parallel_loop3A_659, %parallel_loop3A_660] {strides = array<i32>} : memref<128x200xi32, #tpu.memory_space<vmem>>, vector<16xi32>,
      %parallel_loop3A_662 = arith.constant 2 : i32
      %parallel_loop3A_663 = arith.muli %parallel_loop3A_662, %parallel_loop3A_296 : i32
      %parallel_loop3A_664 = arith.constant 1 : i32
      %parallel_loop3A_665 = arith.addi %parallel_loop3A_663, %parallel_loop3A_664 : i32
      %parallel_loop3A_666 = arith.index_cast %parallel_loop3A_665 : i32 to index
      %parallel_loop3A_667 = arith.constant 184 : index
      %parallel_loop3A_668 = tpu.vector_load %arg9[%parallel_loop3A_666, %parallel_loop3A_667] {strides = array<i32>} : memref<128x200xi32, #tpu.memory_space<vmem>>, vector<16xi32>,
      %parallel_loop3A_669 = arith.constant 128 : i32
      %parallel_loop3A_670 = vector.broadcast %parallel_loop3A_669 : i32 to vector<16xi32>
      %parallel_loop3A_671 = arith.addi %parallel_loop3A_661, %parallel_loop3A_670 : vector<16xi32>
      %parallel_loop3A_672 = tpu.vector_load_idx %arg6[%parallel_loop3A_671] : memref<256xi32, #tpu.memory_space<vmem>>[vector<16xi32>], vector<16xi32>,
      %parallel_loop3A_673 = arith.constant 128 : i32
      %parallel_loop3A_674 = vector.broadcast %parallel_loop3A_673 : i32 to vector<16xi32>
      %parallel_loop3A_675 = arith.addi %parallel_loop3A_668, %parallel_loop3A_674 : vector<16xi32>
      %parallel_loop3A_676 = tpu.vector_load_idx %arg6[%parallel_loop3A_675] : memref<256xi32, #tpu.memory_space<vmem>>[vector<16xi32>], vector<16xi32>,
      %parallel_loop3A_677 = arith.constant 65535 : i32
      %parallel_loop3A_678 = vector.broadcast %parallel_loop3A_677 : i32 to vector<16xi32>
      %parallel_loop3A_679 = arith.andi %parallel_loop3A_672, %parallel_loop3A_678 : vector<16xi32>
      %parallel_loop3A_680 = arith.constant 16 : i32
      %parallel_loop3A_681 = vector.broadcast %parallel_loop3A_680 : i32 to vector<16xi32>
      %parallel_loop3A_682 = arith.shli %parallel_loop3A_676, %parallel_loop3A_681 : vector<16xi32>
      %parallel_loop3A_683 = arith.ori %parallel_loop3A_679, %parallel_loop3A_682 : vector<16xi32>
      %parallel_loop3A_684 = arith.index_cast %parallel_loop3A_296 : i32 to index
      %parallel_loop3A_685 = arith.constant 184 : index
      %parallel_loop3A_686 = tpu.vector_load %arg11[%parallel_loop3A_684, %parallel_loop3A_685] {strides = array<i32>} : memref<64x200xi32, #tpu.memory_space<vmem>>, vector<16xi32>,
      tpu.vector_store %arg11[%parallel_loop3A_684, %parallel_loop3A_685], %parallel_loop3A_683 {strides = array<i32>} : memref<64x200xi32, #tpu.memory_space<vmem>>, vector<16xi32>,
    } {sc.loop_unroll_factor = 2 : i64, sc.parallel_access}
    %add3A_255 = arith.constant 256 : i32
    %add3A_256 = arith.addi %mul3A_2, %add3A_255 : i32
    %dma_start3A_257 = tpu.memref_bitcast %arg11 : memref<64x200xi32, #tpu.memory_space<vmem>> -> memref<128x200xi16, #tpu.memory_space<vmem>>
    %dma_start3A_258 = arith.constant 0 : i32
    %dma_start3A_259 = tpu.memref_slice %arg5[%add3A_256, %dma_start3A_258] : memref<16384x200xi16, #tpu.memory_space<hbm>> -> memref<128x200xi16, #tpu.memory_space<hbm>>
    %dma_start3A_260 = arith.constant 0 : i32
    %dma_start3A_261 = tpu.memref_slice %arg5[%add3A_256, %dma_start3A_260] : memref<16384x200xi16, #tpu.memory_space<hbm>> -> memref<128x200xi16, #tpu.memory_space<hbm>>
    %dma_start3A_262 = tpu.memref_bitcast %arg11 : memref<64x200xi32, #tpu.memory_space<vmem>> -> memref<128x200xi16, #tpu.memory_space<vmem>>
    tpu.enqueue_dma source(%dma_start3A_262 : memref<128x200xi16, #tpu.memory_space<vmem>>) target(%dma_start3A_261 : memref<128x200xi16, #tpu.memory_space<hbm>>) target_semaphore(%arg15 : memref<!tpu.dma_semaphore, #tpu.memory_space<semaphore_mem>>)
    %dma_wait3A_263 = arith.constant 0 : i32
    %dma_wait3A_264 = tpu.memref_slice %arg3[%add3A_237, %dma_wait3A_263] : memref<16384x200xi32, #tpu.memory_space<hbm>> -> memref<128x200xi32, #tpu.memory_space<hbm>>
    %dma_wait3A_265 = arith.constant 0 : i32
    %dma_wait3A_266 = tpu.memref_slice %arg3[%add3A_237, %dma_wait3A_265] : memref<16384x200xi32, #tpu.memory_space<hbm>> -> memref<128x200xi32, #tpu.memory_space<hbm>>
    tpu.wait_dma2 semaphore(%arg14 : memref<!tpu.dma_semaphore, #tpu.memory_space<semaphore_mem>>) src(%dma_wait3A_266 : memref<128x200xi32, #tpu.memory_space<hbm>>) dst(%arg10 : memref<128x200xi32, #tpu.memory_space<vmem>>)
    %dma_wait3A_267 = tpu.memref_bitcast %arg12 : memref<64x200xi32, #tpu.memory_space<vmem>> -> memref<128x200xi16, #tpu.memory_space<vmem>>
    %dma_wait3A_268 = arith.constant 0 : i32
    %dma_wait3A_269 = tpu.memref_slice %arg5[%add3A_229, %dma_wait3A_268] : memref<16384x200xi16, #tpu.memory_space<hbm>> -> memref<128x200xi16, #tpu.memory_space<hbm>>
    %dma_wait3A_270 = arith.constant 0 : i32
    %dma_wait3A_271 = tpu.memref_slice %arg5[%add3A_229, %dma_wait3A_270] : memref<16384x200xi16, #tpu.memory_space<hbm>> -> memref<128x200xi16, #tpu.memory_space<hbm>>
    %dma_wait3A_272 = tpu.memref_bitcast %arg12 : memref<64x200xi32, #tpu.memory_space<vmem>> -> memref<128x200xi16, #tpu.memory_space<vmem>>
    tpu.wait_dma2 semaphore(%arg16 : memref<!tpu.dma_semaphore, #tpu.memory_space<semaphore_mem>>) src(%dma_wait3A_272 : memref<128x200xi16, #tpu.memory_space<vmem>>) dst(%dma_wait3A_271 : memref<128x200xi16, #tpu.memory_space<hbm>>)
    %parallel_loop3A_273 = arith.constant 0 : i32
    %parallel_loop3A_274 = arith.constant 64 : i32
    %parallel_loop3A_275 = arith.constant 1 : i32
    scf.for %parallel_loop3A_296 = %parallel_loop3A_273 to %parallel_loop3A_274 step %parallel_loop3A_275  : i32 {
      %parallel_loop3A_297 = arith.constant 2 : i32
      %parallel_loop3A_298 = arith.muli %parallel_loop3A_297, %parallel_loop3A_296 : i32
      %parallel_loop3A_299 = arith.index_cast %parallel_loop3A_298 : i32 to index
      %parallel_loop3A_300 = arith.constant 0 : index
      %parallel_loop3A_301 = tpu.vector_load %arg10[%parallel_loop3A_299, %parallel_loop3A_300] {strides = array<i32>} : memref<128x200xi32, #tpu.memory_space<vmem>>, vector<16xi32>,
      %parallel_loop3A_302 = arith.constant 2 : i32
      %parallel_loop3A_303 = arith.muli %parallel_loop3A_302, %parallel_loop3A_296 : i32
      %parallel_loop3A_304 = arith.constant 1 : i32
      %parallel_loop3A_305 = arith.addi %parallel_loop3A_303, %parallel_loop3A_304 : i32
      %parallel_loop3A_306 = arith.index_cast %parallel_loop3A_305 : i32 to index
      %parallel_loop3A_307 = arith.constant 0 : index
      %parallel_loop3A_308 = tpu.vector_load %arg10[%parallel_loop3A_306, %parallel_loop3A_307] {strides = array<i32>} : memref<128x200xi32, #tpu.memory_space<vmem>>, vector<16xi32>,
      %parallel_loop3A_309 = arith.constant 128 : i32
      %parallel_loop3A_310 = vector.broadcast %parallel_loop3A_309 : i32 to vector<16xi32>
      %parallel_loop3A_311 = arith.addi %parallel_loop3A_301, %parallel_loop3A_310 : vector<16xi32>
      %parallel_loop3A_312 = tpu.vector_load_idx %arg6[%parallel_loop3A_311] : memref<256xi32, #tpu.memory_space<vmem>>[vector<16xi32>], vector<16xi32>,
      %parallel_loop3A_313 = arith.constant 128 : i32
      %parallel_loop3A_314 = vector.broadcast %parallel_loop3A_313 : i32 to vector<16xi32>
      %parallel_loop3A_315 = arith.addi %parallel_loop3A_308, %parallel_loop3A_314 : vector<16xi32>
      %parallel_loop3A_316 = tpu.vector_load_idx %arg6[%parallel_loop3A_315] : memref<256xi32, #tpu.memory_space<vmem>>[vector<16xi32>], vector<16xi32>,
      %parallel_loop3A_317 = arith.constant 65535 : i32
      %parallel_loop3A_318 = vector.broadcast %parallel_loop3A_317 : i32 to vector<16xi32>
      %parallel_loop3A_319 = arith.andi %parallel_loop3A_312, %parallel_loop3A_318 : vector<16xi32>
      %parallel_loop3A_320 = arith.constant 16 : i32
      %parallel_loop3A_321 = vector.broadcast %parallel_loop3A_320 : i32 to vector<16xi32>
      %parallel_loop3A_322 = arith.shli %parallel_loop3A_316, %parallel_loop3A_321 : vector<16xi32>
      %parallel_loop3A_323 = arith.ori %parallel_loop3A_319, %parallel_loop3A_322 : vector<16xi32>
      %parallel_loop3A_324 = arith.index_cast %parallel_loop3A_296 : i32 to index
      %parallel_loop3A_325 = arith.constant 0 : index
      %parallel_loop3A_326 = tpu.vector_load %arg12[%parallel_loop3A_324, %parallel_loop3A_325] {strides = array<i32>} : memref<64x200xi32, #tpu.memory_space<vmem>>, vector<16xi32>,
      tpu.vector_store %arg12[%parallel_loop3A_324, %parallel_loop3A_325], %parallel_loop3A_323 {strides = array<i32>} : memref<64x200xi32, #tpu.memory_space<vmem>>, vector<16xi32>,
      %parallel_loop3A_327 = arith.constant 2 : i32
      %parallel_loop3A_328 = arith.muli %parallel_loop3A_327, %parallel_loop3A_296 : i32
      %parallel_loop3A_329 = arith.index_cast %parallel_loop3A_328 : i32 to index
      %parallel_loop3A_330 = arith.constant 16 : index
      %parallel_loop3A_331 = tpu.vector_load %arg10[%parallel_loop3A_329, %parallel_loop3A_330] {strides = array<i32>} : memref<128x200xi32, #tpu.memory_space<vmem>>, vector<16xi32>,
      %parallel_loop3A_332 = arith.constant 2 : i32
      %parallel_loop3A_333 = arith.muli %parallel_loop3A_332, %parallel_loop3A_296 : i32
      %parallel_loop3A_334 = arith.constant 1 : i32
      %parallel_loop3A_335 = arith.addi %parallel_loop3A_333, %parallel_loop3A_334 : i32
      %parallel_loop3A_336 = arith.index_cast %parallel_loop3A_335 : i32 to index
      %parallel_loop3A_337 = arith.constant 16 : index
      %parallel_loop3A_338 = tpu.vector_load %arg10[%parallel_loop3A_336, %parallel_loop3A_337] {strides = array<i32>} : memref<128x200xi32, #tpu.memory_space<vmem>>, vector<16xi32>,
      %parallel_loop3A_339 = arith.constant 128 : i32
      %parallel_loop3A_340 = vector.broadcast %parallel_loop3A_339 : i32 to vector<16xi32>
      %parallel_loop3A_341 = arith.addi %parallel_loop3A_331, %parallel_loop3A_340 : vector<16xi32>
      %parallel_loop3A_342 = tpu.vector_load_idx %arg6[%parallel_loop3A_341] : memref<256xi32, #tpu.memory_space<vmem>>[vector<16xi32>], vector<16xi32>,
      %parallel_loop3A_343 = arith.constant 128 : i32
      %parallel_loop3A_344 = vector.broadcast %parallel_loop3A_343 : i32 to vector<16xi32>
      %parallel_loop3A_345 = arith.addi %parallel_loop3A_338, %parallel_loop3A_344 : vector<16xi32>
      %parallel_loop3A_346 = tpu.vector_load_idx %arg6[%parallel_loop3A_345] : memref<256xi32, #tpu.memory_space<vmem>>[vector<16xi32>], vector<16xi32>,
      %parallel_loop3A_347 = arith.constant 65535 : i32
      %parallel_loop3A_348 = vector.broadcast %parallel_loop3A_347 : i32 to vector<16xi32>
      %parallel_loop3A_349 = arith.andi %parallel_loop3A_342, %parallel_loop3A_348 : vector<16xi32>
      %parallel_loop3A_350 = arith.constant 16 : i32
      %parallel_loop3A_351 = vector.broadcast %parallel_loop3A_350 : i32 to vector<16xi32>
      %parallel_loop3A_352 = arith.shli %parallel_loop3A_346, %parallel_loop3A_351 : vector<16xi32>
      %parallel_loop3A_353 = arith.ori %parallel_loop3A_349, %parallel_loop3A_352 : vector<16xi32>
      %parallel_loop3A_354 = arith.index_cast %parallel_loop3A_296 : i32 to index
      %parallel_loop3A_355 = arith.constant 16 : index
      %parallel_loop3A_356 = tpu.vector_load %arg12[%parallel_loop3A_354, %parallel_loop3A_355] {strides = array<i32>} : memref<64x200xi32, #tpu.memory_space<vmem>>, vector<16xi32>,
      tpu.vector_store %arg12[%parallel_loop3A_354, %parallel_loop3A_355], %parallel_loop3A_353 {strides = array<i32>} : memref<64x200xi32, #tpu.memory_space<vmem>>, vector<16xi32>,
      %parallel_loop3A_357 = arith.constant 2 : i32
      %parallel_loop3A_358 = arith.muli %parallel_loop3A_357, %parallel_loop3A_296 : i32
      %parallel_loop3A_359 = arith.index_cast %parallel_loop3A_358 : i32 to index
      %parallel_loop3A_360 = arith.constant 32 : index
      %parallel_loop3A_361 = tpu.vector_load %arg10[%parallel_loop3A_359, %parallel_loop3A_360] {strides = array<i32>} : memref<128x200xi32, #tpu.memory_space<vmem>>, vector<16xi32>,
      %parallel_loop3A_362 = arith.constant 2 : i32
      %parallel_loop3A_363 = arith.muli %parallel_loop3A_362, %parallel_loop3A_296 : i32
      %parallel_loop3A_364 = arith.constant 1 : i32
      %parallel_loop3A_365 = arith.addi %parallel_loop3A_363, %parallel_loop3A_364 : i32
      %parallel_loop3A_366 = arith.index_cast %parallel_loop3A_365 : i32 to index
      %parallel_loop3A_367 = arith.constant 32 : index
      %parallel_loop3A_368 = tpu.vector_load %arg10[%parallel_loop3A_366, %parallel_loop3A_367] {strides = array<i32>} : memref<128x200xi32, #tpu.memory_space<vmem>>, vector<16xi32>,
      %parallel_loop3A_369 = arith.constant 128 : i32
      %parallel_loop3A_370 = vector.broadcast %parallel_loop3A_369 : i32 to vector<16xi32>
      %parallel_loop3A_371 = arith.addi %parallel_loop3A_361, %parallel_loop3A_370 : vector<16xi32>
      %parallel_loop3A_372 = tpu.vector_load_idx %arg6[%parallel_loop3A_371] : memref<256xi32, #tpu.memory_space<vmem>>[vector<16xi32>], vector<16xi32>,
      %parallel_loop3A_373 = arith.constant 128 : i32
      %parallel_loop3A_374 = vector.broadcast %parallel_loop3A_373 : i32 to vector<16xi32>
      %parallel_loop3A_375 = arith.addi %parallel_loop3A_368, %parallel_loop3A_374 : vector<16xi32>
      %parallel_loop3A_376 = tpu.vector_load_idx %arg6[%parallel_loop3A_375] : memref<256xi32, #tpu.memory_space<vmem>>[vector<16xi32>], vector<16xi32>,
      %parallel_loop3A_377 = arith.constant 65535 : i32
      %parallel_loop3A_378 = vector.broadcast %parallel_loop3A_377 : i32 to vector<16xi32>
      %parallel_loop3A_379 = arith.andi %parallel_loop3A_372, %parallel_loop3A_378 : vector<16xi32>
      %parallel_loop3A_380 = arith.constant 16 : i32
      %parallel_loop3A_381 = vector.broadcast %parallel_loop3A_380 : i32 to vector<16xi32>
      %parallel_loop3A_382 = arith.shli %parallel_loop3A_376, %parallel_loop3A_381 : vector<16xi32>
      %parallel_loop3A_383 = arith.ori %parallel_loop3A_379, %parallel_loop3A_382 : vector<16xi32>
      %parallel_loop3A_384 = arith.index_cast %parallel_loop3A_296 : i32 to index
      %parallel_loop3A_385 = arith.constant 32 : index
      %parallel_loop3A_386 = tpu.vector_load %arg12[%parallel_loop3A_384, %parallel_loop3A_385] {strides = array<i32>} : memref<64x200xi32, #tpu.memory_space<vmem>>, vector<16xi32>,
      tpu.vector_store %arg12[%parallel_loop3A_384, %parallel_loop3A_385], %parallel_loop3A_383 {strides = array<i32>} : memref<64x200xi32, #tpu.memory_space<vmem>>, vector<16xi32>,
      %parallel_loop3A_387 = arith.constant 2 : i32
      %parallel_loop3A_388 = arith.muli %parallel_loop3A_387, %parallel_loop3A_296 : i32
      %parallel_loop3A_389 = arith.index_cast %parallel_loop3A_388 : i32 to index
      %parallel_loop3A_390 = arith.constant 48 : index
      %parallel_loop3A_391 = tpu.vector_load %arg10[%parallel_loop3A_389, %parallel_loop3A_390] {strides = array<i32>} : memref<128x200xi32, #tpu.memory_space<vmem>>, vector<16xi32>,
      %parallel_loop3A_392 = arith.constant 2 : i32
      %parallel_loop3A_393 = arith.muli %parallel_loop3A_392, %parallel_loop3A_296 : i32
      %parallel_loop3A_394 = arith.constant 1 : i32
      %parallel_loop3A_395 = arith.addi %parallel_loop3A_393, %parallel_loop3A_394 : i32
      %parallel_loop3A_396 = arith.index_cast %parallel_loop3A_395 : i32 to index
      %parallel_loop3A_397 = arith.constant 48 : index
      %parallel_loop3A_398 = tpu.vector_load %arg10[%parallel_loop3A_396, %parallel_loop3A_397] {strides = array<i32>} : memref<128x200xi32, #tpu.memory_space<vmem>>, vector<16xi32>,
      %parallel_loop3A_399 = arith.constant 128 : i32
      %parallel_loop3A_400 = vector.broadcast %parallel_loop3A_399 : i32 to vector<16xi32>
      %parallel_loop3A_401 = arith.addi %parallel_loop3A_391, %parallel_loop3A_400 : vector<16xi32>
      %parallel_loop3A_402 = tpu.vector_load_idx %arg6[%parallel_loop3A_401] : memref<256xi32, #tpu.memory_space<vmem>>[vector<16xi32>], vector<16xi32>,
      %parallel_loop3A_403 = arith.constant 128 : i32
      %parallel_loop3A_404 = vector.broadcast %parallel_loop3A_403 : i32 to vector<16xi32>
      %parallel_loop3A_405 = arith.addi %parallel_loop3A_398, %parallel_loop3A_404 : vector<16xi32>
      %parallel_loop3A_406 = tpu.vector_load_idx %arg6[%parallel_loop3A_405] : memref<256xi32, #tpu.memory_space<vmem>>[vector<16xi32>], vector<16xi32>,
      %parallel_loop3A_407 = arith.constant 65535 : i32
      %parallel_loop3A_408 = vector.broadcast %parallel_loop3A_407 : i32 to vector<16xi32>
      %parallel_loop3A_409 = arith.andi %parallel_loop3A_402, %parallel_loop3A_408 : vector<16xi32>
      %parallel_loop3A_410 = arith.constant 16 : i32
      %parallel_loop3A_411 = vector.broadcast %parallel_loop3A_410 : i32 to vector<16xi32>
      %parallel_loop3A_412 = arith.shli %parallel_loop3A_406, %parallel_loop3A_411 : vector<16xi32>
      %parallel_loop3A_413 = arith.ori %parallel_loop3A_409, %parallel_loop3A_412 : vector<16xi32>
      %parallel_loop3A_414 = arith.index_cast %parallel_loop3A_296 : i32 to index
      %parallel_loop3A_415 = arith.constant 48 : index
      %parallel_loop3A_416 = tpu.vector_load %arg12[%parallel_loop3A_414, %parallel_loop3A_415] {strides = array<i32>} : memref<64x200xi32, #tpu.memory_space<vmem>>, vector<16xi32>,
      tpu.vector_store %arg12[%parallel_loop3A_414, %parallel_loop3A_415], %parallel_loop3A_413 {strides = array<i32>} : memref<64x200xi32, #tpu.memory_space<vmem>>, vector<16xi32>,
      %parallel_loop3A_417 = arith.constant 2 : i32
      %parallel_loop3A_418 = arith.muli %parallel_loop3A_417, %parallel_loop3A_296 : i32
      %parallel_loop3A_419 = arith.index_cast %parallel_loop3A_418 : i32 to index
      %parallel_loop3A_420 = arith.constant 64 : index
      %parallel_loop3A_421 = tpu.vector_load %arg10[%parallel_loop3A_419, %parallel_loop3A_420] {strides = array<i32>} : memref<128x200xi32, #tpu.memory_space<vmem>>, vector<16xi32>,
      %parallel_loop3A_422 = arith.constant 2 : i32
      %parallel_loop3A_423 = arith.muli %parallel_loop3A_422, %parallel_loop3A_296 : i32
      %parallel_loop3A_424 = arith.constant 1 : i32
      %parallel_loop3A_425 = arith.addi %parallel_loop3A_423, %parallel_loop3A_424 : i32
      %parallel_loop3A_426 = arith.index_cast %parallel_loop3A_425 : i32 to index
      %parallel_loop3A_427 = arith.constant 64 : index
      %parallel_loop3A_428 = tpu.vector_load %arg10[%parallel_loop3A_426, %parallel_loop3A_427] {strides = array<i32>} : memref<128x200xi32, #tpu.memory_space<vmem>>, vector<16xi32>,
      %parallel_loop3A_429 = arith.constant 128 : i32
      %parallel_loop3A_430 = vector.broadcast %parallel_loop3A_429 : i32 to vector<16xi32>
      %parallel_loop3A_431 = arith.addi %parallel_loop3A_421, %parallel_loop3A_430 : vector<16xi32>
      %parallel_loop3A_432 = tpu.vector_load_idx %arg6[%parallel_loop3A_431] : memref<256xi32, #tpu.memory_space<vmem>>[vector<16xi32>], vector<16xi32>,
      %parallel_loop3A_433 = arith.constant 128 : i32
      %parallel_loop3A_434 = vector.broadcast %parallel_loop3A_433 : i32 to vector<16xi32>
      %parallel_loop3A_435 = arith.addi %parallel_loop3A_428, %parallel_loop3A_434 : vector<16xi32>
      %parallel_loop3A_436 = tpu.vector_load_idx %arg6[%parallel_loop3A_435] : memref<256xi32, #tpu.memory_space<vmem>>[vector<16xi32>], vector<16xi32>,
      %parallel_loop3A_437 = arith.constant 65535 : i32
      %parallel_loop3A_438 = vector.broadcast %parallel_loop3A_437 : i32 to vector<16xi32>
      %parallel_loop3A_439 = arith.andi %parallel_loop3A_432, %parallel_loop3A_438 : vector<16xi32>
      %parallel_loop3A_440 = arith.constant 16 : i32
      %parallel_loop3A_441 = vector.broadcast %parallel_loop3A_440 : i32 to vector<16xi32>
      %parallel_loop3A_442 = arith.shli %parallel_loop3A_436, %parallel_loop3A_441 : vector<16xi32>
      %parallel_loop3A_443 = arith.ori %parallel_loop3A_439, %parallel_loop3A_442 : vector<16xi32>
      %parallel_loop3A_444 = arith.index_cast %parallel_loop3A_296 : i32 to index
      %parallel_loop3A_445 = arith.constant 64 : index
      %parallel_loop3A_446 = tpu.vector_load %arg12[%parallel_loop3A_444, %parallel_loop3A_445] {strides = array<i32>} : memref<64x200xi32, #tpu.memory_space<vmem>>, vector<16xi32>,
      tpu.vector_store %arg12[%parallel_loop3A_444, %parallel_loop3A_445], %parallel_loop3A_443 {strides = array<i32>} : memref<64x200xi32, #tpu.memory_space<vmem>>, vector<16xi32>,
      %parallel_loop3A_447 = arith.constant 2 : i32
      %parallel_loop3A_448 = arith.muli %parallel_loop3A_447, %parallel_loop3A_296 : i32
      %parallel_loop3A_449 = arith.index_cast %parallel_loop3A_448 : i32 to index
      %parallel_loop3A_450 = arith.constant 80 : index
      %parallel_loop3A_451 = tpu.vector_load %arg10[%parallel_loop3A_449, %parallel_loop3A_450] {strides = array<i32>} : memref<128x200xi32, #tpu.memory_space<vmem>>, vector<16xi32>,
      %parallel_loop3A_452 = arith.constant 2 : i32
      %parallel_loop3A_453 = arith.muli %parallel_loop3A_452, %parallel_loop3A_296 : i32
      %parallel_loop3A_454 = arith.constant 1 : i32
      %parallel_loop3A_455 = arith.addi %parallel_loop3A_453, %parallel_loop3A_454 : i32
      %parallel_loop3A_456 = arith.index_cast %parallel_loop3A_455 : i32 to index
      %parallel_loop3A_457 = arith.constant 80 : index
      %parallel_loop3A_458 = tpu.vector_load %arg10[%parallel_loop3A_456, %parallel_loop3A_457] {strides = array<i32>} : memref<128x200xi32, #tpu.memory_space<vmem>>, vector<16xi32>,
      %parallel_loop3A_459 = arith.constant 128 : i32
      %parallel_loop3A_460 = vector.broadcast %parallel_loop3A_459 : i32 to vector<16xi32>
      %parallel_loop3A_461 = arith.addi %parallel_loop3A_451, %parallel_loop3A_460 : vector<16xi32>
      %parallel_loop3A_462 = tpu.vector_load_idx %arg6[%parallel_loop3A_461] : memref<256xi32, #tpu.memory_space<vmem>>[vector<16xi32>], vector<16xi32>,
      %parallel_loop3A_463 = arith.constant 128 : i32
      %parallel_loop3A_464 = vector.broadcast %parallel_loop3A_463 : i32 to vector<16xi32>
      %parallel_loop3A_465 = arith.addi %parallel_loop3A_458, %parallel_loop3A_464 : vector<16xi32>
      %parallel_loop3A_466 = tpu.vector_load_idx %arg6[%parallel_loop3A_465] : memref<256xi32, #tpu.memory_space<vmem>>[vector<16xi32>], vector<16xi32>,
      %parallel_loop3A_467 = arith.constant 65535 : i32
      %parallel_loop3A_468 = vector.broadcast %parallel_loop3A_467 : i32 to vector<16xi32>
      %parallel_loop3A_469 = arith.andi %parallel_loop3A_462, %parallel_loop3A_468 : vector<16xi32>
      %parallel_loop3A_470 = arith.constant 16 : i32
      %parallel_loop3A_471 = vector.broadcast %parallel_loop3A_470 : i32 to vector<16xi32>
      %parallel_loop3A_472 = arith.shli %parallel_loop3A_466, %parallel_loop3A_471 : vector<16xi32>
      %parallel_loop3A_473 = arith.ori %parallel_loop3A_469, %parallel_loop3A_472 : vector<16xi32>
      %parallel_loop3A_474 = arith.index_cast %parallel_loop3A_296 : i32 to index
      %parallel_loop3A_475 = arith.constant 80 : index
      %parallel_loop3A_476 = tpu.vector_load %arg12[%parallel_loop3A_474, %parallel_loop3A_475] {strides = array<i32>} : memref<64x200xi32, #tpu.memory_space<vmem>>, vector<16xi32>,
      tpu.vector_store %arg12[%parallel_loop3A_474, %parallel_loop3A_475], %parallel_loop3A_473 {strides = array<i32>} : memref<64x200xi32, #tpu.memory_space<vmem>>, vector<16xi32>,
      %parallel_loop3A_477 = arith.constant 2 : i32
      %parallel_loop3A_478 = arith.muli %parallel_loop3A_477, %parallel_loop3A_296 : i32
      %parallel_loop3A_479 = arith.index_cast %parallel_loop3A_478 : i32 to index
      %parallel_loop3A_480 = arith.constant 96 : index
      %parallel_loop3A_481 = tpu.vector_load %arg10[%parallel_loop3A_479, %parallel_loop3A_480] {strides = array<i32>} : memref<128x200xi32, #tpu.memory_space<vmem>>, vector<16xi32>,
      %parallel_loop3A_482 = arith.constant 2 : i32
      %parallel_loop3A_483 = arith.muli %parallel_loop3A_482, %parallel_loop3A_296 : i32
      %parallel_loop3A_484 = arith.constant 1 : i32
      %parallel_loop3A_485 = arith.addi %parallel_loop3A_483, %parallel_loop3A_484 : i32
      %parallel_loop3A_486 = arith.index_cast %parallel_loop3A_485 : i32 to index
      %parallel_loop3A_487 = arith.constant 96 : index
      %parallel_loop3A_488 = tpu.vector_load %arg10[%parallel_loop3A_486, %parallel_loop3A_487] {strides = array<i32>} : memref<128x200xi32, #tpu.memory_space<vmem>>, vector<16xi32>,
      %parallel_loop3A_489 = arith.constant 128 : i32
      %parallel_loop3A_490 = vector.broadcast %parallel_loop3A_489 : i32 to vector<16xi32>
      %parallel_loop3A_491 = arith.addi %parallel_loop3A_481, %parallel_loop3A_490 : vector<16xi32>
      %parallel_loop3A_492 = tpu.vector_load_idx %arg6[%parallel_loop3A_491] : memref<256xi32, #tpu.memory_space<vmem>>[vector<16xi32>], vector<16xi32>,
      %parallel_loop3A_493 = arith.constant 128 : i32
      %parallel_loop3A_494 = vector.broadcast %parallel_loop3A_493 : i32 to vector<16xi32>
      %parallel_loop3A_495 = arith.addi %parallel_loop3A_488, %parallel_loop3A_494 : vector<16xi32>
      %parallel_loop3A_496 = tpu.vector_load_idx %arg6[%parallel_loop3A_495] : memref<256xi32, #tpu.memory_space<vmem>>[vector<16xi32>], vector<16xi32>,
      %parallel_loop3A_497 = arith.constant 65535 : i32
      %parallel_loop3A_498 = vector.broadcast %parallel_loop3A_497 : i32 to vector<16xi32>
      %parallel_loop3A_499 = arith.andi %parallel_loop3A_492, %parallel_loop3A_498 : vector<16xi32>
      %parallel_loop3A_500 = arith.constant 16 : i32
      %parallel_loop3A_501 = vector.broadcast %parallel_loop3A_500 : i32 to vector<16xi32>
      %parallel_loop3A_502 = arith.shli %parallel_loop3A_496, %parallel_loop3A_501 : vector<16xi32>
      %parallel_loop3A_503 = arith.ori %parallel_loop3A_499, %parallel_loop3A_502 : vector<16xi32>
      %parallel_loop3A_504 = arith.index_cast %parallel_loop3A_296 : i32 to index
      %parallel_loop3A_505 = arith.constant 96 : index
      %parallel_loop3A_506 = tpu.vector_load %arg12[%parallel_loop3A_504, %parallel_loop3A_505] {strides = array<i32>} : memref<64x200xi32, #tpu.memory_space<vmem>>, vector<16xi32>,
      tpu.vector_store %arg12[%parallel_loop3A_504, %parallel_loop3A_505], %parallel_loop3A_503 {strides = array<i32>} : memref<64x200xi32, #tpu.memory_space<vmem>>, vector<16xi32>,
      %parallel_loop3A_507 = arith.constant 2 : i32
      %parallel_loop3A_508 = arith.muli %parallel_loop3A_507, %parallel_loop3A_296 : i32
      %parallel_loop3A_509 = arith.index_cast %parallel_loop3A_508 : i32 to index
      %parallel_loop3A_510 = arith.constant 112 : index
      %parallel_loop3A_511 = tpu.vector_load %arg10[%parallel_loop3A_509, %parallel_loop3A_510] {strides = array<i32>} : memref<128x200xi32, #tpu.memory_space<vmem>>, vector<16xi32>,
      %parallel_loop3A_512 = arith.constant 2 : i32
      %parallel_loop3A_513 = arith.muli %parallel_loop3A_512, %parallel_loop3A_296 : i32
      %parallel_loop3A_514 = arith.constant 1 : i32
      %parallel_loop3A_515 = arith.addi %parallel_loop3A_513, %parallel_loop3A_514 : i32
      %parallel_loop3A_516 = arith.index_cast %parallel_loop3A_515 : i32 to index
      %parallel_loop3A_517 = arith.constant 112 : index
      %parallel_loop3A_518 = tpu.vector_load %arg10[%parallel_loop3A_516, %parallel_loop3A_517] {strides = array<i32>} : memref<128x200xi32, #tpu.memory_space<vmem>>, vector<16xi32>,
      %parallel_loop3A_519 = arith.constant 128 : i32
      %parallel_loop3A_520 = vector.broadcast %parallel_loop3A_519 : i32 to vector<16xi32>
      %parallel_loop3A_521 = arith.addi %parallel_loop3A_511, %parallel_loop3A_520 : vector<16xi32>
      %parallel_loop3A_522 = tpu.vector_load_idx %arg6[%parallel_loop3A_521] : memref<256xi32, #tpu.memory_space<vmem>>[vector<16xi32>], vector<16xi32>,
      %parallel_loop3A_523 = arith.constant 128 : i32
      %parallel_loop3A_524 = vector.broadcast %parallel_loop3A_523 : i32 to vector<16xi32>
      %parallel_loop3A_525 = arith.addi %parallel_loop3A_518, %parallel_loop3A_524 : vector<16xi32>
      %parallel_loop3A_526 = tpu.vector_load_idx %arg6[%parallel_loop3A_525] : memref<256xi32, #tpu.memory_space<vmem>>[vector<16xi32>], vector<16xi32>,
      %parallel_loop3A_527 = arith.constant 65535 : i32
      %parallel_loop3A_528 = vector.broadcast %parallel_loop3A_527 : i32 to vector<16xi32>
      %parallel_loop3A_529 = arith.andi %parallel_loop3A_522, %parallel_loop3A_528 : vector<16xi32>
      %parallel_loop3A_530 = arith.constant 16 : i32
      %parallel_loop3A_531 = vector.broadcast %parallel_loop3A_530 : i32 to vector<16xi32>
      %parallel_loop3A_532 = arith.shli %parallel_loop3A_526, %parallel_loop3A_531 : vector<16xi32>
      %parallel_loop3A_533 = arith.ori %parallel_loop3A_529, %parallel_loop3A_532 : vector<16xi32>
      %parallel_loop3A_534 = arith.index_cast %parallel_loop3A_296 : i32 to index
      %parallel_loop3A_535 = arith.constant 112 : index
      %parallel_loop3A_536 = tpu.vector_load %arg12[%parallel_loop3A_534, %parallel_loop3A_535] {strides = array<i32>} : memref<64x200xi32, #tpu.memory_space<vmem>>, vector<16xi32>,
      tpu.vector_store %arg12[%parallel_loop3A_534, %parallel_loop3A_535], %parallel_loop3A_533 {strides = array<i32>} : memref<64x200xi32, #tpu.memory_space<vmem>>, vector<16xi32>,
      %parallel_loop3A_537 = arith.constant 2 : i32
      %parallel_loop3A_538 = arith.muli %parallel_loop3A_537, %parallel_loop3A_296 : i32
      %parallel_loop3A_539 = arith.index_cast %parallel_loop3A_538 : i32 to index
      %parallel_loop3A_540 = arith.constant 128 : index
      %parallel_loop3A_541 = tpu.vector_load %arg10[%parallel_loop3A_539, %parallel_loop3A_540] {strides = array<i32>} : memref<128x200xi32, #tpu.memory_space<vmem>>, vector<16xi32>,
      %parallel_loop3A_542 = arith.constant 2 : i32
      %parallel_loop3A_543 = arith.muli %parallel_loop3A_542, %parallel_loop3A_296 : i32
      %parallel_loop3A_544 = arith.constant 1 : i32
      %parallel_loop3A_545 = arith.addi %parallel_loop3A_543, %parallel_loop3A_544 : i32
      %parallel_loop3A_546 = arith.index_cast %parallel_loop3A_545 : i32 to index
      %parallel_loop3A_547 = arith.constant 128 : index
      %parallel_loop3A_548 = tpu.vector_load %arg10[%parallel_loop3A_546, %parallel_loop3A_547] {strides = array<i32>} : memref<128x200xi32, #tpu.memory_space<vmem>>, vector<16xi32>,
      %parallel_loop3A_549 = arith.constant 128 : i32
      %parallel_loop3A_550 = vector.broadcast %parallel_loop3A_549 : i32 to vector<16xi32>
      %parallel_loop3A_551 = arith.addi %parallel_loop3A_541, %parallel_loop3A_550 : vector<16xi32>
      %parallel_loop3A_552 = tpu.vector_load_idx %arg6[%parallel_loop3A_551] : memref<256xi32, #tpu.memory_space<vmem>>[vector<16xi32>], vector<16xi32>,
      %parallel_loop3A_553 = arith.constant 128 : i32
      %parallel_loop3A_554 = vector.broadcast %parallel_loop3A_553 : i32 to vector<16xi32>
      %parallel_loop3A_555 = arith.addi %parallel_loop3A_548, %parallel_loop3A_554 : vector<16xi32>
      %parallel_loop3A_556 = tpu.vector_load_idx %arg6[%parallel_loop3A_555] : memref<256xi32, #tpu.memory_space<vmem>>[vector<16xi32>], vector<16xi32>,
      %parallel_loop3A_557 = arith.constant 65535 : i32
      %parallel_loop3A_558 = vector.broadcast %parallel_loop3A_557 : i32 to vector<16xi32>
      %parallel_loop3A_559 = arith.andi %parallel_loop3A_552, %parallel_loop3A_558 : vector<16xi32>
      %parallel_loop3A_560 = arith.constant 16 : i32
      %parallel_loop3A_561 = vector.broadcast %parallel_loop3A_560 : i32 to vector<16xi32>
      %parallel_loop3A_562 = arith.shli %parallel_loop3A_556, %parallel_loop3A_561 : vector<16xi32>
      %parallel_loop3A_563 = arith.ori %parallel_loop3A_559, %parallel_loop3A_562 : vector<16xi32>
      %parallel_loop3A_564 = arith.index_cast %parallel_loop3A_296 : i32 to index
      %parallel_loop3A_565 = arith.constant 128 : index
      %parallel_loop3A_566 = tpu.vector_load %arg12[%parallel_loop3A_564, %parallel_loop3A_565] {strides = array<i32>} : memref<64x200xi32, #tpu.memory_space<vmem>>, vector<16xi32>,
      tpu.vector_store %arg12[%parallel_loop3A_564, %parallel_loop3A_565], %parallel_loop3A_563 {strides = array<i32>} : memref<64x200xi32, #tpu.memory_space<vmem>>, vector<16xi32>,
      %parallel_loop3A_567 = arith.constant 2 : i32
      %parallel_loop3A_568 = arith.muli %parallel_loop3A_567, %parallel_loop3A_296 : i32
      %parallel_loop3A_569 = arith.index_cast %parallel_loop3A_568 : i32 to index
      %parallel_loop3A_570 = arith.constant 144 : index
      %parallel_loop3A_571 = tpu.vector_load %arg10[%parallel_loop3A_569, %parallel_loop3A_570] {strides = array<i32>} : memref<128x200xi32, #tpu.memory_space<vmem>>, vector<16xi32>,
      %parallel_loop3A_572 = arith.constant 2 : i32
      %parallel_loop3A_573 = arith.muli %parallel_loop3A_572, %parallel_loop3A_296 : i32
      %parallel_loop3A_574 = arith.constant 1 : i32
      %parallel_loop3A_575 = arith.addi %parallel_loop3A_573, %parallel_loop3A_574 : i32
      %parallel_loop3A_576 = arith.index_cast %parallel_loop3A_575 : i32 to index
      %parallel_loop3A_577 = arith.constant 144 : index
      %parallel_loop3A_578 = tpu.vector_load %arg10[%parallel_loop3A_576, %parallel_loop3A_577] {strides = array<i32>} : memref<128x200xi32, #tpu.memory_space<vmem>>, vector<16xi32>,
      %parallel_loop3A_579 = arith.constant 128 : i32
      %parallel_loop3A_580 = vector.broadcast %parallel_loop3A_579 : i32 to vector<16xi32>
      %parallel_loop3A_581 = arith.addi %parallel_loop3A_571, %parallel_loop3A_580 : vector<16xi32>
      %parallel_loop3A_582 = tpu.vector_load_idx %arg6[%parallel_loop3A_581] : memref<256xi32, #tpu.memory_space<vmem>>[vector<16xi32>], vector<16xi32>,
      %parallel_loop3A_583 = arith.constant 128 : i32
      %parallel_loop3A_584 = vector.broadcast %parallel_loop3A_583 : i32 to vector<16xi32>
      %parallel_loop3A_585 = arith.addi %parallel_loop3A_578, %parallel_loop3A_584 : vector<16xi32>
      %parallel_loop3A_586 = tpu.vector_load_idx %arg6[%parallel_loop3A_585] : memref<256xi32, #tpu.memory_space<vmem>>[vector<16xi32>], vector<16xi32>,
      %parallel_loop3A_587 = arith.constant 65535 : i32
      %parallel_loop3A_588 = vector.broadcast %parallel_loop3A_587 : i32 to vector<16xi32>
      %parallel_loop3A_589 = arith.andi %parallel_loop3A_582, %parallel_loop3A_588 : vector<16xi32>
      %parallel_loop3A_590 = arith.constant 16 : i32
      %parallel_loop3A_591 = vector.broadcast %parallel_loop3A_590 : i32 to vector<16xi32>
      %parallel_loop3A_592 = arith.shli %parallel_loop3A_586, %parallel_loop3A_591 : vector<16xi32>
      %parallel_loop3A_593 = arith.ori %parallel_loop3A_589, %parallel_loop3A_592 : vector<16xi32>
      %parallel_loop3A_594 = arith.index_cast %parallel_loop3A_296 : i32 to index
      %parallel_loop3A_595 = arith.constant 144 : index
      %parallel_loop3A_596 = tpu.vector_load %arg12[%parallel_loop3A_594, %parallel_loop3A_595] {strides = array<i32>} : memref<64x200xi32, #tpu.memory_space<vmem>>, vector<16xi32>,
      tpu.vector_store %arg12[%parallel_loop3A_594, %parallel_loop3A_595], %parallel_loop3A_593 {strides = array<i32>} : memref<64x200xi32, #tpu.memory_space<vmem>>, vector<16xi32>,
      %parallel_loop3A_597 = arith.constant 2 : i32
      %parallel_loop3A_598 = arith.muli %parallel_loop3A_597, %parallel_loop3A_296 : i32
      %parallel_loop3A_599 = arith.index_cast %parallel_loop3A_598 : i32 to index
      %parallel_loop3A_600 = arith.constant 160 : index
      %parallel_loop3A_601 = tpu.vector_load %arg10[%parallel_loop3A_599, %parallel_loop3A_600] {strides = array<i32>} : memref<128x200xi32, #tpu.memory_space<vmem>>, vector<16xi32>,
      %parallel_loop3A_602 = arith.constant 2 : i32
      %parallel_loop3A_603 = arith.muli %parallel_loop3A_602, %parallel_loop3A_296 : i32
      %parallel_loop3A_604 = arith.constant 1 : i32
      %parallel_loop3A_605 = arith.addi %parallel_loop3A_603, %parallel_loop3A_604 : i32
      %parallel_loop3A_606 = arith.index_cast %parallel_loop3A_605 : i32 to index
      %parallel_loop3A_607 = arith.constant 160 : index
      %parallel_loop3A_608 = tpu.vector_load %arg10[%parallel_loop3A_606, %parallel_loop3A_607] {strides = array<i32>} : memref<128x200xi32, #tpu.memory_space<vmem>>, vector<16xi32>,
      %parallel_loop3A_609 = arith.constant 128 : i32
      %parallel_loop3A_610 = vector.broadcast %parallel_loop3A_609 : i32 to vector<16xi32>
      %parallel_loop3A_611 = arith.addi %parallel_loop3A_601, %parallel_loop3A_610 : vector<16xi32>
      %parallel_loop3A_612 = tpu.vector_load_idx %arg6[%parallel_loop3A_611] : memref<256xi32, #tpu.memory_space<vmem>>[vector<16xi32>], vector<16xi32>,
      %parallel_loop3A_613 = arith.constant 128 : i32
      %parallel_loop3A_614 = vector.broadcast %parallel_loop3A_613 : i32 to vector<16xi32>
      %parallel_loop3A_615 = arith.addi %parallel_loop3A_608, %parallel_loop3A_614 : vector<16xi32>
      %parallel_loop3A_616 = tpu.vector_load_idx %arg6[%parallel_loop3A_615] : memref<256xi32, #tpu.memory_space<vmem>>[vector<16xi32>], vector<16xi32>,
      %parallel_loop3A_617 = arith.constant 65535 : i32
      %parallel_loop3A_618 = vector.broadcast %parallel_loop3A_617 : i32 to vector<16xi32>
      %parallel_loop3A_619 = arith.andi %parallel_loop3A_612, %parallel_loop3A_618 : vector<16xi32>
      %parallel_loop3A_620 = arith.constant 16 : i32
      %parallel_loop3A_621 = vector.broadcast %parallel_loop3A_620 : i32 to vector<16xi32>
      %parallel_loop3A_622 = arith.shli %parallel_loop3A_616, %parallel_loop3A_621 : vector<16xi32>
      %parallel_loop3A_623 = arith.ori %parallel_loop3A_619, %parallel_loop3A_622 : vector<16xi32>
      %parallel_loop3A_624 = arith.index_cast %parallel_loop3A_296 : i32 to index
      %parallel_loop3A_625 = arith.constant 160 : index
      %parallel_loop3A_626 = tpu.vector_load %arg12[%parallel_loop3A_624, %parallel_loop3A_625] {strides = array<i32>} : memref<64x200xi32, #tpu.memory_space<vmem>>, vector<16xi32>,
      tpu.vector_store %arg12[%parallel_loop3A_624, %parallel_loop3A_625], %parallel_loop3A_623 {strides = array<i32>} : memref<64x200xi32, #tpu.memory_space<vmem>>, vector<16xi32>,
      %parallel_loop3A_627 = arith.constant 2 : i32
      %parallel_loop3A_628 = arith.muli %parallel_loop3A_627, %parallel_loop3A_296 : i32
      %parallel_loop3A_629 = arith.index_cast %parallel_loop3A_628 : i32 to index
      %parallel_loop3A_630 = arith.constant 176 : index
      %parallel_loop3A_631 = tpu.vector_load %arg10[%parallel_loop3A_629, %parallel_loop3A_630] {strides = array<i32>} : memref<128x200xi32, #tpu.memory_space<vmem>>, vector<16xi32>,
      %parallel_loop3A_632 = arith.constant 2 : i32
      %parallel_loop3A_633 = arith.muli %parallel_loop3A_632, %parallel_loop3A_296 : i32
      %parallel_loop3A_634 = arith.constant 1 : i32
      %parallel_loop3A_635 = arith.addi %parallel_loop3A_633, %parallel_loop3A_634 : i32
      %parallel_loop3A_636 = arith.index_cast %parallel_loop3A_635 : i32 to index
      %parallel_loop3A_637 = arith.constant 176 : index
      %parallel_loop3A_638 = tpu.vector_load %arg10[%parallel_loop3A_636, %parallel_loop3A_637] {strides = array<i32>} : memref<128x200xi32, #tpu.memory_space<vmem>>, vector<16xi32>,
      %parallel_loop3A_639 = arith.constant 128 : i32
      %parallel_loop3A_640 = vector.broadcast %parallel_loop3A_639 : i32 to vector<16xi32>
      %parallel_loop3A_641 = arith.addi %parallel_loop3A_631, %parallel_loop3A_640 : vector<16xi32>
      %parallel_loop3A_642 = tpu.vector_load_idx %arg6[%parallel_loop3A_641] : memref<256xi32, #tpu.memory_space<vmem>>[vector<16xi32>], vector<16xi32>,
      %parallel_loop3A_643 = arith.constant 128 : i32
      %parallel_loop3A_644 = vector.broadcast %parallel_loop3A_643 : i32 to vector<16xi32>
      %parallel_loop3A_645 = arith.addi %parallel_loop3A_638, %parallel_loop3A_644 : vector<16xi32>
      %parallel_loop3A_646 = tpu.vector_load_idx %arg6[%parallel_loop3A_645] : memref<256xi32, #tpu.memory_space<vmem>>[vector<16xi32>], vector<16xi32>,
      %parallel_loop3A_647 = arith.constant 65535 : i32
      %parallel_loop3A_648 = vector.broadcast %parallel_loop3A_647 : i32 to vector<16xi32>
      %parallel_loop3A_649 = arith.andi %parallel_loop3A_642, %parallel_loop3A_648 : vector<16xi32>
      %parallel_loop3A_650 = arith.constant 16 : i32
      %parallel_loop3A_651 = vector.broadcast %parallel_loop3A_650 : i32 to vector<16xi32>
      %parallel_loop3A_652 = arith.shli %parallel_loop3A_646, %parallel_loop3A_651 : vector<16xi32>
      %parallel_loop3A_653 = arith.ori %parallel_loop3A_649, %parallel_loop3A_652 : vector<16xi32>
      %parallel_loop3A_654 = arith.index_cast %parallel_loop3A_296 : i32 to index
      %parallel_loop3A_655 = arith.constant 176 : index
      %parallel_loop3A_656 = tpu.vector_load %arg12[%parallel_loop3A_654, %parallel_loop3A_655] {strides = array<i32>} : memref<64x200xi32, #tpu.memory_space<vmem>>, vector<16xi32>,
      tpu.vector_store %arg12[%parallel_loop3A_654, %parallel_loop3A_655], %parallel_loop3A_653 {strides = array<i32>} : memref<64x200xi32, #tpu.memory_space<vmem>>, vector<16xi32>,
      %parallel_loop3A_657 = arith.constant 2 : i32
      %parallel_loop3A_658 = arith.muli %parallel_loop3A_657, %parallel_loop3A_296 : i32
      %parallel_loop3A_659 = arith.index_cast %parallel_loop3A_658 : i32 to index
      %parallel_loop3A_660 = arith.constant 184 : index
      %parallel_loop3A_661 = tpu.vector_load %arg10[%parallel_loop3A_659, %parallel_loop3A_660] {strides = array<i32>} : memref<128x200xi32, #tpu.memory_space<vmem>>, vector<16xi32>,
      %parallel_loop3A_662 = arith.constant 2 : i32
      %parallel_loop3A_663 = arith.muli %parallel_loop3A_662, %parallel_loop3A_296 : i32
      %parallel_loop3A_664 = arith.constant 1 : i32
      %parallel_loop3A_665 = arith.addi %parallel_loop3A_663, %parallel_loop3A_664 : i32
      %parallel_loop3A_666 = arith.index_cast %parallel_loop3A_665 : i32 to index
      %parallel_loop3A_667 = arith.constant 184 : index
      %parallel_loop3A_668 = tpu.vector_load %arg10[%parallel_loop3A_666, %parallel_loop3A_667] {strides = array<i32>} : memref<128x200xi32, #tpu.memory_space<vmem>>, vector<16xi32>,
      %parallel_loop3A_669 = arith.constant 128 : i32
      %parallel_loop3A_670 = vector.broadcast %parallel_loop3A_669 : i32 to vector<16xi32>
      %parallel_loop3A_671 = arith.addi %parallel_loop3A_661, %parallel_loop3A_670 : vector<16xi32>
      %parallel_loop3A_672 = tpu.vector_load_idx %arg6[%parallel_loop3A_671] : memref<256xi32, #tpu.memory_space<vmem>>[vector<16xi32>], vector<16xi32>,
      %parallel_loop3A_673 = arith.constant 128 : i32
      %parallel_loop3A_674 = vector.broadcast %parallel_loop3A_673 : i32 to vector<16xi32>
      %parallel_loop3A_675 = arith.addi %parallel_loop3A_668, %parallel_loop3A_674 : vector<16xi32>
      %parallel_loop3A_676 = tpu.vector_load_idx %arg6[%parallel_loop3A_675] : memref<256xi32, #tpu.memory_space<vmem>>[vector<16xi32>], vector<16xi32>,
      %parallel_loop3A_677 = arith.constant 65535 : i32
      %parallel_loop3A_678 = vector.broadcast %parallel_loop3A_677 : i32 to vector<16xi32>
      %parallel_loop3A_679 = arith.andi %parallel_loop3A_672, %parallel_loop3A_678 : vector<16xi32>
      %parallel_loop3A_680 = arith.constant 16 : i32
      %parallel_loop3A_681 = vector.broadcast %parallel_loop3A_680 : i32 to vector<16xi32>
      %parallel_loop3A_682 = arith.shli %parallel_loop3A_676, %parallel_loop3A_681 : vector<16xi32>
      %parallel_loop3A_683 = arith.ori %parallel_loop3A_679, %parallel_loop3A_682 : vector<16xi32>
      %parallel_loop3A_684 = arith.index_cast %parallel_loop3A_296 : i32 to index
      %parallel_loop3A_685 = arith.constant 184 : index
      %parallel_loop3A_686 = tpu.vector_load %arg12[%parallel_loop3A_684, %parallel_loop3A_685] {strides = array<i32>} : memref<64x200xi32, #tpu.memory_space<vmem>>, vector<16xi32>,
      tpu.vector_store %arg12[%parallel_loop3A_684, %parallel_loop3A_685], %parallel_loop3A_683 {strides = array<i32>} : memref<64x200xi32, #tpu.memory_space<vmem>>, vector<16xi32>,
    } {sc.loop_unroll_factor = 2 : i64, sc.parallel_access}
    %add3A_276 = arith.constant 384 : i32
    %add3A_277 = arith.addi %mul3A_2, %add3A_276 : i32
    %dma_start3A_278 = tpu.memref_bitcast %arg12 : memref<64x200xi32, #tpu.memory_space<vmem>> -> memref<128x200xi16, #tpu.memory_space<vmem>>
    %dma_start3A_279 = arith.constant 0 : i32
    %dma_start3A_280 = tpu.memref_slice %arg5[%add3A_277, %dma_start3A_279] : memref<16384x200xi16, #tpu.memory_space<hbm>> -> memref<128x200xi16, #tpu.memory_space<hbm>>
    %dma_start3A_281 = arith.constant 0 : i32
    %dma_start3A_282 = tpu.memref_slice %arg5[%add3A_277, %dma_start3A_281] : memref<16384x200xi16, #tpu.memory_space<hbm>> -> memref<128x200xi16, #tpu.memory_space<hbm>>
    %dma_start3A_283 = tpu.memref_bitcast %arg12 : memref<64x200xi32, #tpu.memory_space<vmem>> -> memref<128x200xi16, #tpu.memory_space<vmem>>
    tpu.enqueue_dma source(%dma_start3A_283 : memref<128x200xi16, #tpu.memory_space<vmem>>) target(%dma_start3A_282 : memref<128x200xi16, #tpu.memory_space<hbm>>) target_semaphore(%arg16 : memref<!tpu.dma_semaphore, #tpu.memory_space<semaphore_mem>>)
    %dma_wait3A_284 = tpu.memref_bitcast %arg11 : memref<64x200xi32, #tpu.memory_space<vmem>> -> memref<128x200xi16, #tpu.memory_space<vmem>>
    %dma_wait3A_285 = arith.constant 0 : i32
    %dma_wait3A_286 = tpu.memref_slice %arg5[%add3A_256, %dma_wait3A_285] : memref<16384x200xi16, #tpu.memory_space<hbm>> -> memref<128x200xi16, #tpu.memory_space<hbm>>
    %dma_wait3A_287 = arith.constant 0 : i32
    %dma_wait3A_288 = tpu.memref_slice %arg5[%add3A_256, %dma_wait3A_287] : memref<16384x200xi16, #tpu.memory_space<hbm>> -> memref<128x200xi16, #tpu.memory_space<hbm>>
    %dma_wait3A_289 = tpu.memref_bitcast %arg11 : memref<64x200xi32, #tpu.memory_space<vmem>> -> memref<128x200xi16, #tpu.memory_space<vmem>>
    tpu.wait_dma2 semaphore(%arg15 : memref<!tpu.dma_semaphore, #tpu.memory_space<semaphore_mem>>) src(%dma_wait3A_289 : memref<128x200xi16, #tpu.memory_space<vmem>>) dst(%dma_wait3A_288 : memref<128x200xi16, #tpu.memory_space<hbm>>)
    %dma_wait3A_290 = tpu.memref_bitcast %arg12 : memref<64x200xi32, #tpu.memory_space<vmem>> -> memref<128x200xi16, #tpu.memory_space<vmem>>
    %dma_wait3A_291 = arith.constant 0 : i32
    %dma_wait3A_292 = tpu.memref_slice %arg5[%add3A_277, %dma_wait3A_291] : memref<16384x200xi16, #tpu.memory_space<hbm>> -> memref<128x200xi16, #tpu.memory_space<hbm>>
    %dma_wait3A_293 = arith.constant 0 : i32
    %dma_wait3A_294 = tpu.memref_slice %arg5[%add3A_277, %dma_wait3A_293] : memref<16384x200xi16, #tpu.memory_space<hbm>> -> memref<128x200xi16, #tpu.memory_space<hbm>>
    %dma_wait3A_295 = tpu.memref_bitcast %arg12 : memref<64x200xi32, #tpu.memory_space<vmem>> -> memref<128x200xi16, #tpu.memory_space<vmem>>
    tpu.wait_dma2 semaphore(%arg16 : memref<!tpu.dma_semaphore, #tpu.memory_space<semaphore_mem>>) src(%dma_wait3A_295 : memref<128x200xi16, #tpu.memory_space<vmem>>) dst(%dma_wait3A_294 : memref<128x200xi16, #tpu.memory_space<hbm>>)
    return
  }
}

</mosaic_0001>

<sc_bundles>
// kernel: kernel.3.cloned.1.call-start
scs
__scs_entry_jumppad:
0x0: {  	(pc) =	sbr.rel $0x88, $3  }
0x1: {  	(tag) =	ssettag $0x0;
	lr =	simm.s32 $0x1  }
0x2: {  	[smem:$0x3F9E] =	sst lr;
	_ =	strace $0xD0000000  }
0x3: {  	_ = 	snop  }
0x4: {  	_ = 	snop  }
0x5: {  	_ = 	snop  }
0x6: {  	_ = 	snop  }
0x7: {  	_ = 	snop  }
__scs_overlays_trampoline_lowered:
0x8: {  	[smem:$0x3FAD] =	sst s0  }
0x9: {  	[smem:$0x3FAE] =	sst s1  }
0xa: {  	[smem:$0x3FAF] =	sst s2  }
0xb: {  	[smem:$0x3FB0] =	sst s3  }
0xc: {  	[smem:$0x3FB1] =	sst s4  }
0xd: {  	[smem:$0x3FB2] =	sst s5  }
0xe: {  	[smem:$0x3FB3] =	sst s6  }
0xf: {  	[smem:$0x3FB4] =	sst s7  }
0x10: {  	[smem:$0x3FB5] =	sst s8  }
0x11: {  	[smem:$0x3FB6] =	sst s9;
	s0 =	simm.s32 @!p0 $0x0  }
0x12: {  	s1 =	sld [smem:$0x3F9C];
	s0 =	simm.s32 @p0 $0x1  }
0x13: {  	[smem:$0x3FB7] =	sst s0;
	s0 =	simm.s32 @!p1 $0x0  }
0x14: {  	s2 =	sld [smem:$0x3F9B];
	s0 =	simm.s32 @p1 $0x1  }
0x15: {  	[smem:$0x3FB8] =	sst s0;
	s0 =	simm.s32 @!p2 $0x0  }
0x16: {  	s3 =	sld [smem:$0x3FDB];
	s0 =	simm.s32 @p2 $0x1  }
0x17: {  	s4 =	simm.s32 $0x1BF5;
	[smem:$0x3FBA] =	sst s0  }
0x18: {  	s0 =	sld [smem:$0x3F9D];
	_ =	swait.ge [sflag:s4], $0x0  }
0x19: {  	s7 =	sld [smem:$0x3F9E]  }
0x1a: {  	s8 =	sadd.s32 $0xFFFFE003, lr  }
0x1b: {  	s9 =	sadd.s32 $0xFFFFFEF7, lr;
	s5 =	simm.s32 $0xFFFFFFFF;
	p2 =	slt.u32 s8, $0xFFFFF086  }
0x1c: {  	p1 =	slt.u32 s9, $0xF7A;
	s5 =	simm.s32 @!p2 $0x0  }
0x1d: {  	s5 =	simm.s32 @p1 $0x1;
	p0 =	seq.s32 s7, s2  }
0x1e: {  	s7 =	smul.u32 @!p0 $0xF7A, s2;
	p2 =	seq.s32 @!p0 s5, $0x0  }
0x1f: {  	s9 =	smul.u32 $0xF7A, s1;
	s8 =	simm.s32 @!p0 $0x1BF5;
	p2 =	por !p2, p0  }
0x20: {  	[sflag:s8] =	ssyncset.s32 @!p0 $0xFFFFF086;
	s6 =	sadd.s32 @!p0 s3, s7;
	s7 =	simm.s32 @!p0 $0x108  }
0x21: {  	s3 =	sadd.s32 s3, s9;
	s6 =	sadd.s32 @!p0 $0x88, s6;
	s7 =	simm.s32 @p2 $0x1082  }
0x22: {  	[simem:s7], [sflag:s8] =	dma.local @!p0 [hbm:s6], $0xF7A  }
0x23: {  	s9 =	sor.u32 $0xD0000000, s2;
	s6 =	simm.s32 $0x108;
	_ =	swait.ge @!p0 [sflag:s8], $0x0  }
0x24: {  	s3 =	sadd.s32 $0x88, s3;
	s6 =	simm.s32 @!p1 $0x1082;
	[sflag:s4] =	ssyncset.s32 $0xFFFFF086  }
0x25: {  	[simem:s6], [sflag:s4] =	dma.local [hbm:s3], $0xF7A  }
0x26: {  	[smem:$0x3F9E] =	sst s1;
	(tag) =	ssettag s2;
	_ =	strace s9  }
0x27: {  	s1 =	sld [smem:$0x3FAE]  }
0x28: {  	s2 =	sld [smem:$0x3FAF]  }
0x29: {  	s4 =	sld [smem:$0x3FB1]  }
0x2a: {  	p0 =	seq.s32 s5, $0x0;
	s5 =	sld [smem:$0x3FB2]  }
0x2b: {  	s6 =	sld [smem:$0x3FB3]  }
0x2c: {  	s7 =	sld [smem:$0x3FB4]  }
0x2d: {  	s3 =	simm.s32 $0x108;
	s8 =	sld [smem:$0x3FB5]  }
0x2e: {  	s3 =	simm.s32 @!p0 $0x1082;
	s9 =	sld [smem:$0x3FB6]  }
0x2f: {  	lr =	sadd.s32 s0, s3;
	s0 =	sld [smem:$0x3FAD]  }
0x30: {  	s3 =	sld [smem:$0x3FB0]  }
0x31: {  	[smem:$0x3FB9] =	sst s10  }
0x32: {  	s10 =	sld [smem:$0x3FB7];
	_ =	sdelay $0x3  }
0x33: {  	p0 =	seq.s32 s10, $0x1;
	s10 =	sld [smem:$0x3FB9];
	_ =	sdelay $0x3  }
0x34: {  	[smem:$0x3FB9] =	sst s10  }
0x35: {  	s10 =	sld [smem:$0x3FB8];
	_ =	sdelay $0x3  }
0x36: {  	p1 =	seq.s32 s10, $0x1;
	s10 =	sld [smem:$0x3FB9];
	_ =	sdelay $0x3  }
0x37: {  	[smem:$0x3FB9] =	sst s10  }
0x38: {  	s10 =	sld [smem:$0x3FBA]  }
0x39: {  	_ = 	snop;
	(pc) =	sbr.ind lr, $3  }
0x3a: {  	_ = 	snop  }
0x3b: {  	_ = 	snop  }
0x3c: {  	p2 =	seq.s32 s10, $0x1;
	s10 =	sld [smem:$0x3FB9]  }
0x3d: {  	_ =	shalt  }
0x3e: {  	_ =	shalt  }
0x3f: {  	_ =	shalt  }
0x40: {  	_ =	shalt  }
0x41: {  	_ =	shalt  }
0x42: {  	_ =	shalt  }
0x43: {  	_ =	shalt  }
0x44: {  	_ =	shalt  }
0x45: {  	_ =	shalt  }
0x46: {  	_ =	shalt  }
0x47: {  	_ =	shalt  }
0x48: {  	_ =	shalt  }
0x49: {  	_ =	shalt  }
0x4a: {  	_ =	shalt  }
0x4b: {  	_ =	shalt  }
0x4c: {  	_ =	shalt  }
0x4d: {  	_ =	shalt  }
0x4e: {  	_ =	shalt  }
0x4f: {  	_ =	shalt  }
0x50: {  	_ =	shalt  }
0x51: {  	_ =	shalt  }
0x52: {  	_ =	shalt  }
0x53: {  	_ =	shalt  }
0x54: {  	_ =	shalt  }
0x55: {  	_ =	shalt  }
0x56: {  	_ =	shalt  }
0x57: {  	_ =	shalt  }
0x58: {  	_ =	shalt  }
0x59: {  	_ =	shalt  }
0x5a: {  	_ =	shalt  }
0x5b: {  	_ =	shalt  }
0x5c: {  	_ =	shalt  }
0x5d: {  	_ =	shalt  }
0x5e: {  	_ =	shalt  }
0x5f: {  	_ =	shalt  }
0x60: {  	_ =	shalt  }
0x61: {  	_ =	shalt  }
0x62: {  	_ =	shalt  }
0x63: {  	_ =	shalt  }
0x64: {  	_ =	shalt  }
0x65: {  	_ =	shalt  }
0x66: {  	_ =	shalt  }
0x67: {  	_ =	shalt  }
0x68: {  	_ =	shalt  }
0x69: {  	_ =	shalt  }
0x6a: {  	_ =	shalt  }
0x6b: {  	_ =	shalt  }
0x6c: {  	_ =	shalt  }
0x6d: {  	_ =	shalt  }
0x6e: {  	_ =	shalt  }
0x6f: {  	_ =	shalt  }
0x70: {  	_ =	shalt  }
0x71: {  	_ =	shalt  }
0x72: {  	_ =	shalt  }
0x73: {  	_ =	shalt  }
0x74: {  	_ =	shalt  }
0x75: {  	_ =	shalt  }
0x76: {  	_ =	shalt  }
0x77: {  	_ =	shalt  }
0x78: {  	_ =	shalt  }
0x79: {  	_ =	shalt  }
0x7a: {  	_ =	shalt  }
0x7b: {  	_ =	shalt  }
0x7c: {  	_ =	shalt  }
0x7d: {  	_ =	shalt  }
0x7e: {  	_ =	shalt  }
0x7f: {  	_ =	shalt  }
0x80: {  	_ =	shalt  }
0x81: {  	_ =	shalt  }
0x82: {  	_ =	shalt  }
0x83: {  	_ =	shalt  }
0x84: {  	_ =	shalt  }
0x85: {  	_ =	shalt  }
0x86: {  	_ =	shalt  }
0x87: {  	_ =	shalt  }
.Lfunc_end0:
.L_simem_size_0:
called_computation_lowered:
.L_overlay_start_0:
0x88: {  	s2 =	sld [smem:$0x3FD9]  }
0x89: {  	s3 =	sld [smem:$0x3FFE];
	_ =	sdelay $0x1  }
0x8a: {  	s1 =	srdreg.scid  }
0x8b: {  	s0 =	sand.u32 $0x1, s1  }
0x8c: {  	s17 =	sshll.u32 s0, $0xA;
	s2 =	sadd.s32 s3, s2  }
0x8d: {  	s2 =	sadd.s32 s2, s17  }
0x8e: {  	[smem:$0x3FC5] =	sst s2  }
0x8f: {  	_ = 	snop  }
0x90: {  	s2 =	sld [smem:$0x3FC7]  }
0x91: {  	s18 =	sld [smem:$0x3FD0];
	(tm) =	ssettm $0x1  }
0x92: {  	s4 =	sld [smem:$0x3FFB];
	_ =	sdelay $0x3  }
0x93: {  	_ =	strace s4  }
0x94: {  	s4 =	sld [smem:$0x3FFC];
	_ =	sdelay $0x3  }
0x95: {  	_ =	strace s4  }
0x96: {  	s4 =	sld [smem:$0x3FFD];
	_ =	sdelay $0x3  }
0x97: {  	_ =	strace s4  }
0x98: {  	_ =	strace $0x8FFFFFFF  }
0x99: {  	s19 =	sld [smem:$0x3FDB];
	_ =	sdelay $0x1  }
0x9a: {  	s5 =	simm.s32 $_scs_section_size  }
0x9b: {  	s6 =	simm.s32 $_size__tile_overlayer_lowered;
	s7 =	simm.s32 $_tile_overlayer_lowered  }
0x9c: {  	s22 =	simm.s32 $0x1BFF;
	s21 =	sshll.u32 s7, $0x1;
	s4 =	sadd.s32 s5, s19  }
0x9d: {  	s8 =	simm.s32 $0x0;
	s20 =	sshll.u32 s6, $0x1;
	s6 =	sadd.s32 s21, s4  }
0x9e: {  	[timem:s8], [sflag:s22] =	dma.local [hbm:s6], s20  }
0x9f: {  	_ =	swait.ge [sflag:s22], s20  }
0xa0: {  	s5 =	ssub.s32 $0x0, s20;
	[sflag:s22] =	ssyncset.done $0x0  }
0xa1: {  	[sflag:s22] =	ssyncadd.s32 s5;
	_ =	sdelay $0x1  }
0xa2: {  	s23 =	simm.s32 $0x1B8B  }
0xa3: {  	_ =	swait.ge [sflag:s23], $0x1  }
0xa4: {  	[sflag:s23] =	ssyncset.done $0x0  }
0xa5: {  	s25 =	simm.s32 $0x1B8E;
	s24 =	sld [smem:$0x3FFE];
	[sflag:s23] =	ssyncadd.s32 $0xFFFFFFFF  }
0xa6: {  	s26 =	simm.s32 $execute0_lowered;
	[smem:$0x3FD2] =	sst s25  }
0xa7: {  	s6 =	sshll.u32 s26, $0x1;
	_ =	strace $0x80000046;
	[dreg:$0x1] =	wrdreg $0xFFFFFFFF  }
0xa8: {  	s28 =	simm.s32 $_size_execute0_lowered;
	s4 =	sadd.s32 s4, s6;
	[dreg:$0x0] =	wrdreg $0x0  }
0xa9: {  	s6 =	sshll.u32 s28, $0x1;
	[dreg:$0x2] =	wrdreg s4  }
0xaa: {  	[dreg:$0x3] =	wrdreg s6  }
0xab: {  	[dreg:$0x4] =	wrdreg $0xC0  }
0xac: {  	_ =	task [dreg:s8], $0x5FFFF  }
0xad: {  	[dreg:$0x1] =	wrdreg $0xFFFFFFFF  }
0xae: {  	[dreg:$0x0] =	wrdreg $0x60  }
0xaf: {  	[dreg:$0x2] =	wrdreg s2  }
0xb0: {  	[dreg:$0x3] =	wrdreg s24  }
0xb1: {  	[dreg:$0x4] =	wrdreg s18  }
0xb2: {  	[dreg:$0x5] =	wrdreg $0x9  }
0xb3: {  	_ =	task.clear_ibuf [dreg:s8], $0x6FFFF;
	_ =	strace $0x90000046  }
0xb4: {  	s29 =	simm.s32 $0x9;
	_ =	strace $0x80000048  }
0xb5: {  	_ =	swait.ge [sflag:s29], $0x1  }
0xb6: {  	[sflag:s29] =	ssyncadd.s32 $0xFFFFFFFF  }
0xb7: {  	_ =	strace $0x90000048  }
0xb8: {  	_ =	sfence  }
0xb9: {  	s30 =	sld [smem:$0x0];
	_ =	sdelay $0x2  }
0xba: {  	s31 =	sshll.u32 s1, $0xD;
	s1 =	sshrl.u32 s1, $0x2  }
0xbb: {  	s3 =	sand.u32 $0x4000, s31;
	s1 =	sadd.s32 s1, s30  }
0xbc: {  	s0 =	sor.u32 s3, s0;
	s1 =	sshll.u32 s1, $0x11  }
0xbd: {  	s0 =	sor.u32 s1, s0  }
0xbe: {  	s0 =	sadd.s32 $0x8F2B, s0  }
0xbf: {  	[sflag:s0] =	ssyncadd.remote.s32 $0x1  }
0xc0: {  	_ =	sfence.sel $0xFFFF  }
0xc1: {  	[dreg:$0x0] =	wrdreg $0xFFFFFFFF;
	(pc) =	sbr.abs _section_cstart, $3  }
0xc2: {  	[dreg:$0x1] =	wrdreg $0xFFFFFFFF  }
0xc3: {  	_ =	task.clear_ibuf [dreg:s8], $0x2FFFF;
	_ =	strace $0x9FFFFFFF  }
0xc4: {  	(tm) =	ssettm $0x7FFFFFFF  }
0xc5: {  	_ =	shalt  }
tec
execute0_lowered:
.L_overlay_start_1:
0x0: {  	(tag) =	ssettag $0x1  }
0x1: {  	s0 =	rddreg [dreg:$0x1];
	s4 =	simm.s32 $0x0;
	s1 =	srdreg.scid  }
0x2: {  	s3 =	stileid.u32;
	[smem:$0x7FF] =	sst s4;
	s1 =	sand.u32 $0x1, s1  }
0x3: {  	s2 =	sadd.s32 $0x400, s0;
	s3 =	sshll.u32 s3, $0xA;
	s5 =	sshll.u32 s1, $0x9  }
0x4: {  	s0 =	sadd.s32 $0x80400, s0;
	s1 =	ssub.s32 $0x2, s1;
	s3 =	sor.u32 s5, s3  }
0x5: {  	_ =	strace $0x80000047;
	s19 =	sshrl.u32 s1, $0x1;
	s6 =	sshll.u32 s3, $0x5  }
0x6: {  	v1 =	vlaneseq.u32;
	s7 =	sshll.u32 s3, $0x8;
	s1 =	ssub.s32 s1, s19;
	s3 =	sshll.u32 s3, $0x4  }
0x7: {  	v0 =	vmul.u32 $0x2, v1;
	s20 =	sadd.s32 s2, s6;
	s21 =	sor.u32 $0x8000, s7;
	s8 =	sor.u32 $0x10000, s7  }
0x8: {  	v1 =	vmul.u32 $0x80, v1;
	s3 =	sadd.s32 s0, s3;
	s25 =	sor.u32 $0x18000, s7;
	[smem:$0x7F5] =	sst s20  }
0x9: {  	v2 =	vor.u32 $0x1, v0;
	s31 =	smax.u32 s1, $0x1;
	s22 =	sshrl.u32 s21, $0x3;
	[smem:$0x7F7] =	sst s3  }
0xa: {  	v3 =	vor.u32 $0x800, v1;
	v4 =	vor.u32 $0x20, v0;
	v5 =	vor.u32 $0x21, v0;
	s23 =	sshrl.u32 s8, $0x3;
	[smem:$0x7FD] =	sst s31;
	s6 =	sadd.s32 s2, s22  }
0xb: {  	v6 =	vor.u32 $0x1000, v1;
	v7 =	vor.u32 $0x40, v0;
	v8 =	vor.u32 $0x41, v0;
	s26 =	sshrl.u32 s25, $0x3;
	s3 =	sadd.s32 s2, s23;
	[smem:$0x7F6] =	sst s6  }
0xc: {  	v9 =	vor.u32 $0x1800, v1;
	v10 =	vor.u32 $0x60, v0;
	v11 =	vor.u32 $0x61, v0;
	s28 =	sshrl.u32 s8, $0x4;
	s2 =	sadd.s32 s2, s26;
	[smem:$0x7F8] =	sst s3  }
0xd: {  	v12 =	vor.u32 $0x2000, v1;
	v13 =	vor.u32 $0x80, v0;
	v14 =	vor.u32 $0x81, v0;
	s24 =	sshrl.u32 s21, $0x4;
	s29 =	sadd.s32 s0, s28;
	[smem:$0x7FA] =	sst s2  }
0xe: {  	v15 =	vor.u32 $0x2800, v1;
	v16 =	vor.u32 $0xA0, v0;
	v17 =	vor.u32 $0xA1, v0;
	s30 =	sshrl.u32 s25, $0x4;
	s3 =	sadd.s32 s0, s24;
	[smem:$0x7FB] =	sst s29  }
0xf: {  	s5 =	simm.s32 $0x200;
	v18 =	vor.u32 $0x3000, v1;
	v19 =	vor.u32 $0xC0, v0;
	v20 =	vor.u32 $0xC1, v0;
	s0 =	sadd.s32 s0, s30;
	[smem:$0x7F9] =	sst s3  }
0x10: {  	v21 =	vor.u32 $0x3800, v1;
	v22 =	vor.u32 $0xE0, v0;
	v23 =	vor.u32 $0xE1, v0;
	s6 =	simm.s32 $0x400;
	s2 =	simm.s32 $0x0;
	[smem:$0x7FC] =	sst s0  }
.LBB2_1:
0x11: {  	s0 =	sld [smem:$0x7F5];
	_ =	sdelay $0x1  }
0x12: {  	s1 =	simm.s32 $0x4180;
	s17 =	sld [smem:$0x7F6]  }
0x13: {  	[tilespmem:s1], [sflag:$0x1] =	stream.linear.gather [hbm4b:s0+s4], $0x8000, $0x38;
	[tilespmem:$0x1C180] =	vst v63  }
0x14: {  	[smem:$0x7F4] =	sst s2;
	s18 =	simm.s32 $0xC180  }
0x15: {  	[tilespmem:s18], [sflag:$0x2] =	stream.linear.gather [hbm4b:s17+s4], $0x8000, $0x38;
	[tilespmem:$0x1C180] =	vst v63  }
0x16: {  	s19 =	rddreg [dreg:$0x2];
	s20 =	simm.s32 $0x4100;
	s3 =	simm.s32 $0x5  }
0x17: {  	[tilespmem:s20], [sflag:$0x5] =	stream.linear.gather [hbm4b:s19+s4], $0x80, $0x38;
	[tilespmem:$0x1C180] =	vst v63  }
0x18: {  	_ =	swait.ge [sflag:s3], $0x80  }
0x19: {  	[sflag:s3] =	ssyncset.done $0x0  }
0x1a: {  	[sflag:s3] =	ssyncadd.s32 $0xFFFFFF80  }
0x1b: {  	v24 =	vld [tilespmem:$0x4100];
	_ =	sdelay $0x4  }
0x1c: {  	v24 =	vxor.u32 $0x80000000, v24  }
0x1d: {  	(xrf0) =	vmax.scan.msk.u32 $0xffff, v24;
	_ =	sdelay $0x5  }
0x1e: {  	v24, _, _ =	vpop (xrf0)  }
0x1f: {  	(v2sf) =	vpush v24, $0xF;
	_ =	sdelay $0xe  }
0x20: {  	s21 =	spop (v2sf)  }
0x21: {  	s22 =	sshll.u32 s21, $0x2  }
0x22: {  	s1 =	sand.u32 $0xFFFFFE00, s22  }
0x23: {  	s1 =	sadd.s32 $0x200, s1  }
0x24: {  	s25 =	rddreg [dreg:$0x0];
	s23 =	sand.u32 $0x7F, s21;
	s24 =	sshrl.u32 s1, $0x3  }
0x25: {  	s26 =	simm.s32 $0x100;
	v24 =	vor.u32 s23, v1;
	s1 =	sadd.s32 s25, s24  }
0x26: {  	[tilespmem:s26], [sflag:$0x5] =	stream.strided.gather [hbm4b:s1+s5], $0x4000, s6, s5, $0x38;
	[tilespmem:$0x1C180] =	vst v63  }
0x27: {  	_ =	swait.ge [sflag:s3], $0x4000  }
0x28: {  	[sflag:s3] =	ssyncset.done $0x0  }
0x29: {  	[sflag:s3] =	ssyncadd.s32 $0xFFFFC000  }
0x2a: {  	v24 =	vld.idx.msk [tilespmem:v24+s26+$0x0], $0xffff;
	_ =	sdelay $0x3  }
0x2b: {  	v25 =	vor.u32 s23, v3  }
0x2c: {  	v26 =	vshll.u32 v24, $0x10  }
0x2d: {  	v26 =	vshra.s32 v26, $0x10  }
0x2e: {  	v24 =	vshra.s32 v24, $0x10;
	[tilespmem:v0+s4+$0x0] =	vst.idx.msk $0xffff, v26  }
0x2f: {  	[tilespmem:v2+s4+$0x0] =	vst.idx.msk $0xffff, v24  }
0x30: {  	v24 =	vld.idx.msk [tilespmem:v25+s26+$0x0], $0xffff;
	_ =	sdelay $0x3  }
0x31: {  	v25 =	vor.u32 s23, v6  }
0x32: {  	v26 =	vshll.u32 v24, $0x10  }
0x33: {  	v26 =	vshra.s32 v26, $0x10  }
0x34: {  	v24 =	vshra.s32 v24, $0x10;
	[tilespmem:v4+s4+$0x0] =	vst.idx.msk $0xffff, v26  }
0x35: {  	[tilespmem:v5+s4+$0x0] =	vst.idx.msk $0xffff, v24  }
0x36: {  	v24 =	vld.idx.msk [tilespmem:v25+s26+$0x0], $0xffff;
	_ =	sdelay $0x3  }
0x37: {  	v25 =	vor.u32 s23, v9  }
0x38: {  	v26 =	vshll.u32 v24, $0x10  }
0x39: {  	v26 =	vshra.s32 v26, $0x10  }
0x3a: {  	v24 =	vshra.s32 v24, $0x10;
	[tilespmem:v7+s4+$0x0] =	vst.idx.msk $0xffff, v26  }
0x3b: {  	[tilespmem:v8+s4+$0x0] =	vst.idx.msk $0xffff, v24  }
0x3c: {  	v24 =	vld.idx.msk [tilespmem:v25+s26+$0x0], $0xffff;
	_ =	sdelay $0x3  }
0x3d: {  	v25 =	vor.u32 s23, v12  }
0x3e: {  	v26 =	vshll.u32 v24, $0x10  }
0x3f: {  	v26 =	vshra.s32 v26, $0x10  }
0x40: {  	v24 =	vshra.s32 v24, $0x10;
	[tilespmem:v10+s4+$0x0] =	vst.idx.msk $0xffff, v26  }
0x41: {  	[tilespmem:v11+s4+$0x0] =	vst.idx.msk $0xffff, v24  }
0x42: {  	v24 =	vld.idx.msk [tilespmem:v25+s26+$0x0], $0xffff;
	_ =	sdelay $0x3  }
0x43: {  	v25 =	vor.u32 s23, v15  }
0x44: {  	v26 =	vshll.u32 v24, $0x10  }
0x45: {  	v26 =	vshra.s32 v26, $0x10  }
0x46: {  	v24 =	vshra.s32 v24, $0x10;
	[tilespmem:v13+s4+$0x0] =	vst.idx.msk $0xffff, v26  }
0x47: {  	[tilespmem:v14+s4+$0x0] =	vst.idx.msk $0xffff, v24  }
0x48: {  	v24 =	vld.idx.msk [tilespmem:v25+s26+$0x0], $0xffff;
	_ =	sdelay $0x3  }
0x49: {  	v25 =	vor.u32 s23, v18  }
0x4a: {  	v26 =	vshll.u32 v24, $0x10  }
0x4b: {  	v26 =	vshra.s32 v26, $0x10  }
0x4c: {  	v24 =	vshra.s32 v24, $0x10;
	[tilespmem:v16+s4+$0x0] =	vst.idx.msk $0xffff, v26  }
0x4d: {  	[tilespmem:v17+s4+$0x0] =	vst.idx.msk $0xffff, v24  }
0x4e: {  	v24 =	vld.idx.msk [tilespmem:v25+s26+$0x0], $0xffff;
	_ =	sdelay $0x3  }
0x4f: {  	v25 =	vor.u32 s23, v21  }
0x50: {  	v26 =	vshll.u32 v24, $0x10  }
0x51: {  	v26 =	vshra.s32 v26, $0x10  }
0x52: {  	v24 =	vshra.s32 v24, $0x10;
	[tilespmem:v19+s4+$0x0] =	vst.idx.msk $0xffff, v26  }
0x53: {  	[tilespmem:v20+s4+$0x0] =	vst.idx.msk $0xffff, v24  }
0x54: {  	v24 =	vld.idx.msk [tilespmem:v25+s26+$0x0], $0xffff;
	_ =	sdelay $0x4  }
0x55: {  	v25 =	vshll.u32 v24, $0x10  }
0x56: {  	v25 =	vshra.s32 v25, $0x10  }
0x57: {  	v24 =	vshra.s32 v24, $0x10;
	[tilespmem:v22+s4+$0x0] =	vst.idx.msk $0xffff, v25  }
0x58: {  	s6 =	simm.s32 $0x1;
	[tilespmem:v23+s4+$0x0] =	vst.idx.msk $0xffff, v24  }
0x59: {  	s7 =	sand.u32 $0x7800, s4;
	_ =	swait.ge [sflag:s6], $0x8000  }
0x5a: {  	s8 =	sadd.s32 $0x4180, s7;
	s0 =	sand.u32 $0x300, s26;
	[sflag:s6] =	ssyncset.done $0x0  }
0x5b: {  	s1 =	sadd.s32 s0, s8;
	[sflag:s6] =	ssyncadd.s32 $0xFFFF8000  }
0x5c: {  	v24 =	vld [tilespmem:s1+$0x0]  }
0x5d: {  	v25 =	vld [tilespmem:s1+$0x80];
	_ =	sdelay $0x3  }
0x5e: {  	v24 =	vadd.s32 $0x80, v24  }
0x5f: {  	v25 =	vadd.s32 $0x80, v25;
	_ =	sdelay $0x3  }
0x60: {  	v24 =	vld.idx.msk [tilespmem:v24+s4+$0x0], $0xffff  }
0x61: {  	v25 =	vld.idx.msk [tilespmem:v25+s4+$0x0], $0xffff;
	_ =	sdelay $0x2  }
0x62: {  	s9 =	simm.s32 $0x0  }
0x63: {  	s10 =	simm.s32 $0x80;
	s11 =	sand.u32 $0x3800, s9  }
0x64: {  	s5 =	sor.u32 $0x14180, s11;
	s3 =	sand.u32 $0x380, s10;
	v24 =	vand.u32 $0xFFFF, v24;
	v25 =	vshll.u32 v25, $0x10  }
0x65: {  	s15 =	sadd.s32 s3, s5;
	v24 =	vor.u32 v24, v25  }
0x66: {  	[tilespmem:s15+$0x0] =	vst v24  }
0x67: {  	v24 =	vld [tilespmem:s1+$0x10]  }
0x68: {  	v25 =	vld [tilespmem:s1+$0x90];
	_ =	sdelay $0x2  }
0x69: {  	s0 =	sand.u32 $0x200, s9  }
0x6a: {  	s0 =	sor.u32 s0, s8;
	v24 =	vadd.s32 $0x80, v24  }
0x6b: {  	v26 =	vld [tilespmem:s0+$0x0];
	v25 =	vadd.s32 $0x80, v25  }
0x6c: {  	v27 =	vld [tilespmem:s0+$0x80];
	_ =	sdelay $0x2  }
0x6d: {  	v24 =	vld.idx.msk [tilespmem:v24+s4+$0x0], $0xffff  }
0x6e: {  	v26 =	vadd.s32 $0x80, v26;
	v25 =	vld.idx.msk [tilespmem:v25+s4+$0x0], $0xffff  }
0x6f: {  	v27 =	vadd.s32 $0x80, v27;
	_ =	sdelay $0x3  }
0x70: {  	v26 =	vld.idx.msk [tilespmem:v26+s4+$0x0], $0xffff;
	v24 =	vand.u32 $0xFFFF, v24;
	v25 =	vshll.u32 v25, $0x10  }
0x71: {  	v27 =	vld.idx.msk [tilespmem:v27+s4+$0x0], $0xffff;
	v24 =	vor.u32 v24, v25  }
0x72: {  	[tilespmem:s15+$0x10] =	vst v24  }
0x73: {  	v24 =	vld [tilespmem:s1+$0x20]  }
0x74: {  	v25 =	vld [tilespmem:s1+$0xA0]  }
0x75: {  	s12 =	simm.s32 $0x0  }
0x76: {  	s2 =	sand.u32 $0x300, s12;
	v26 =	vand.u32 $0xFFFF, v26;
	v27 =	vshll.u32 v27, $0x10  }
0x77: {  	s14 =	sadd.s32 s2, s5;
	v26 =	vor.u32 v26, v27  }
0x78: {  	[tilespmem:s14+$0x0] =	vst v26;
	v24 =	vadd.s32 $0x80, v24  }
0x79: {  	v26 =	vld [tilespmem:s0+$0x10];
	v25 =	vadd.s32 $0x80, v25  }
0x7a: {  	v27 =	vld [tilespmem:s0+$0x90];
	_ =	sdelay $0x2  }
0x7b: {  	v24 =	vld.idx.msk [tilespmem:v24+s4+$0x0], $0xffff  }
0x7c: {  	v26 =	vadd.s32 $0x80, v26;
	v25 =	vld.idx.msk [tilespmem:v25+s4+$0x0], $0xffff  }
0x7d: {  	v27 =	vadd.s32 $0x80, v27;
	_ =	sdelay $0x3  }
0x7e: {  	v26 =	vld.idx.msk [tilespmem:v26+s4+$0x0], $0xffff;
	v24 =	vand.u32 $0xFFFF, v24;
	v25 =	vshll.u32 v25, $0x10  }
0x7f: {  	v27 =	vld.idx.msk [tilespmem:v27+s4+$0x0], $0xffff;
	v24 =	vor.u32 v24, v25  }
0x80: {  	[tilespmem:s15+$0x20] =	vst v24  }
0x81: {  	v24 =	vld [tilespmem:s1+$0x30]  }
0x82: {  	v25 =	vld [tilespmem:s1+$0xB0];
	_ =	sdelay $0x1  }
0x83: {  	v26 =	vand.u32 $0xFFFF, v26;
	v27 =	vshll.u32 v27, $0x10  }
0x84: {  	v26 =	vor.u32 v26, v27  }
0x85: {  	[tilespmem:s14+$0x10] =	vst v26;
	v24 =	vadd.s32 $0x80, v24  }
0x86: {  	v26 =	vld [tilespmem:s0+$0x20];
	v25 =	vadd.s32 $0x80, v25  }
0x87: {  	v27 =	vld [tilespmem:s0+$0xA0];
	_ =	sdelay $0x2  }
0x88: {  	v24 =	vld.idx.msk [tilespmem:v24+s4+$0x0], $0xffff  }
0x89: {  	v26 =	vadd.s32 $0x80, v26;
	v25 =	vld.idx.msk [tilespmem:v25+s4+$0x0], $0xffff  }
0x8a: {  	v27 =	vadd.s32 $0x80, v27;
	_ =	sdelay $0x3  }
0x8b: {  	v26 =	vld.idx.msk [tilespmem:v26+s4+$0x0], $0xffff;
	v24 =	vand.u32 $0xFFFF, v24;
	v25 =	vshll.u32 v25, $0x10  }
0x8c: {  	v27 =	vld.idx.msk [tilespmem:v27+s4+$0x0], $0xffff;
	v24 =	vor.u32 v24, v25  }
0x8d: {  	[tilespmem:s15+$0x30] =	vst v24  }
0x8e: {  	v24 =	vld [tilespmem:s1+$0x40]  }
0x8f: {  	v25 =	vld [tilespmem:s1+$0xC0];
	_ =	sdelay $0x1  }
0x90: {  	v26 =	vand.u32 $0xFFFF, v26;
	v27 =	vshll.u32 v27, $0x10  }
0x91: {  	v26 =	vor.u32 v26, v27  }
0x92: {  	[tilespmem:s14+$0x20] =	vst v26;
	v24 =	vadd.s32 $0x80, v24  }
0x93: {  	v26 =	vld [tilespmem:s0+$0x30];
	v25 =	vadd.s32 $0x80, v25  }
0x94: {  	v27 =	vld [tilespmem:s0+$0xB0];
	_ =	sdelay $0x2  }
0x95: {  	v24 =	vld.idx.msk [tilespmem:v24+s4+$0x0], $0xffff  }
0x96: {  	v26 =	vadd.s32 $0x80, v26;
	v25 =	vld.idx.msk [tilespmem:v25+s4+$0x0], $0xffff  }
0x97: {  	v27 =	vadd.s32 $0x80, v27;
	_ =	sdelay $0x3  }
0x98: {  	v26 =	vld.idx.msk [tilespmem:v26+s4+$0x0], $0xffff;
	v24 =	vand.u32 $0xFFFF, v24;
	v25 =	vshll.u32 v25, $0x10  }
0x99: {  	v27 =	vld.idx.msk [tilespmem:v27+s4+$0x0], $0xffff;
	v24 =	vor.u32 v24, v25  }
0x9a: {  	[tilespmem:s15+$0x40] =	vst v24  }
0x9b: {  	s13 =	simm.s32 $0x400;
	v24 =	vld [tilespmem:s1+$0x50]  }
0x9c: {  	s16 =	simm.s32 $0x300;
	s2 =	sand.u32 $0x7800, s13;
	v25 =	vld [tilespmem:s1+$0xD0]  }
0x9d: {  	s18 =	sand.u32 $0x300, s16;
	s17 =	sadd.s32 $0x4180, s2  }
0x9e: {  	s2 =	sadd.s32 s18, s17;
	v26 =	vand.u32 $0xFFFF, v26;
	v27 =	vshll.u32 v27, $0x10  }
0x9f: {  	v26 =	vor.u32 v26, v27;
	v27 =	vld [tilespmem:s2+$0x0]  }
0xa0: {  	[tilespmem:s14+$0x30] =	vst v26;
	v26 =	vld [tilespmem:s2+$0x80];
	v24 =	vadd.s32 $0x80, v24  }
0xa1: {  	v28 =	vld [tilespmem:s0+$0x40];
	v25 =	vadd.s32 $0x80, v25  }
0xa2: {  	v29 =	vld [tilespmem:s0+$0xC0];
	_ =	sdelay $0x1  }
0xa3: {  	v27 =	vadd.s32 $0x80, v27  }
0xa4: {  	v26 =	vadd.s32 $0x80, v26;
	v24 =	vld.idx.msk [tilespmem:v24+s4+$0x0], $0xffff  }
0xa5: {  	v28 =	vadd.s32 $0x80, v28;
	v25 =	vld.idx.msk [tilespmem:v25+s4+$0x0], $0xffff  }
0xa6: {  	v29 =	vadd.s32 $0x80, v29;
	_ =	sdelay $0x1  }
0xa7: {  	v27 =	vld.idx.msk [tilespmem:v27+s4+$0x0], $0xffff  }
0xa8: {  	v26 =	vld.idx.msk [tilespmem:v26+s4+$0x0], $0xffff  }
0xa9: {  	v28 =	vld.idx.msk [tilespmem:v28+s4+$0x0], $0xffff;
	v24 =	vand.u32 $0xFFFF, v24;
	v25 =	vshll.u32 v25, $0x10  }
0xaa: {  	v29 =	vld.idx.msk [tilespmem:v29+s4+$0x0], $0xffff;
	v24 =	vor.u32 v24, v25  }
0xab: {  	s19 =	simm.s32 $0x200;
	[tilespmem:s15+$0x50] =	vst v24  }
0xac: {  	s7 =	simm.s32 $0x180;
	s20 =	sand.u32 $0x200, s19;
	s3 =	sand.u32 $0x3800, s19;
	v24 =	vld [tilespmem:s1+$0x60]  }
0xad: {  	s21 =	sand.u32 $0x380, s7;
	s5 =	sor.u32 s20, s17;
	s3 =	sor.u32 $0x14180, s3;
	v26 =	vshll.u32 v26, $0x10;
	v25 =	vand.u32 $0xFFFF, v27;
	v27 =	vld [tilespmem:s1+$0xE0]  }
0xae: {  	s25 =	sadd.s32 s21, s3;
	v30 =	vld [tilespmem:s5+$0x0];
	v25 =	vor.u32 v25, v26  }
0xaf: {  	v26 =	vand.u32 $0xFFFF, v28;
	v28 =	vshll.u32 v29, $0x10;
	v29 =	vld [tilespmem:s5+$0x80];
	[tilespmem:s25+$0x0] =	vst v25  }
0xb0: {  	v25 =	vor.u32 v26, v28;
	v26 =	vld [tilespmem:s2+$0x10]  }
0xb1: {  	[tilespmem:s14+$0x40] =	vst v25;
	v25 =	vld [tilespmem:s2+$0x90];
	v24 =	vadd.s32 $0x80, v24  }
0xb2: {  	v28 =	vld [tilespmem:s0+$0x50];
	v27 =	vadd.s32 $0x80, v27  }
0xb3: {  	v30 =	vadd.s32 $0x80, v30;
	v31 =	vld [tilespmem:s0+$0xD0]  }
0xb4: {  	v29 =	vadd.s32 $0x80, v29  }
0xb5: {  	v26 =	vadd.s32 $0x80, v26  }
0xb6: {  	v25 =	vadd.s32 $0x80, v25;
	v24 =	vld.idx.msk [tilespmem:v24+s4+$0x0], $0xffff  }
0xb7: {  	v28 =	vadd.s32 $0x80, v28;
	v27 =	vld.idx.msk [tilespmem:v27+s4+$0x0], $0xffff  }
0xb8: {  	v30 =	vld.idx.msk [tilespmem:v30+s4+$0x0], $0xffff;
	v31 =	vadd.s32 $0x80, v31  }
0xb9: {  	v29 =	vld.idx.msk [tilespmem:v29+s4+$0x0], $0xffff  }
0xba: {  	v26 =	vld.idx.msk [tilespmem:v26+s4+$0x0], $0xffff  }
0xbb: {  	v25 =	vld.idx.msk [tilespmem:v25+s4+$0x0], $0xffff  }
0xbc: {  	v28 =	vld.idx.msk [tilespmem:v28+s4+$0x0], $0xffff;
	v24 =	vand.u32 $0xFFFF, v24;
	v27 =	vshll.u32 v27, $0x10  }
0xbd: {  	s22 =	simm.s32 $0x100;
	v31 =	vld.idx.msk [tilespmem:v31+s4+$0x0], $0xffff;
	v24 =	vor.u32 v24, v27  }
0xbe: {  	s6 =	sand.u32 $0x300, s22;
	v29 =	vshll.u32 v29, $0x10;
	v27 =	vand.u32 $0xFFFF, v30;
	[tilespmem:s15+$0x60] =	vst v24  }
0xbf: {  	s26 =	sadd.s32 s6, s3;
	v24 =	vor.u32 v27, v29;
	v27 =	vld [tilespmem:s1+$0x70]  }
0xc0: {  	v25 =	vshll.u32 v25, $0x10;
	[tilespmem:s26+$0x0] =	vst v24;
	v24 =	vand.u32 $0xFFFF, v26;
	v26 =	vld [tilespmem:s1+$0xF0]  }
0xc1: {  	v29 =	vld [tilespmem:s5+$0x10];
	v24 =	vor.u32 v24, v25  }
0xc2: {  	v25 =	vand.u32 $0xFFFF, v28;
	v28 =	vshll.u32 v31, $0x10;
	v30 =	vld [tilespmem:s5+$0x90];
	[tilespmem:s25+$0x10] =	vst v24  }
0xc3: {  	v24 =	vor.u32 v25, v28;
	v25 =	vld [tilespmem:s2+$0x20]  }
0xc4: {  	[tilespmem:s14+$0x50] =	vst v24;
	v24 =	vld [tilespmem:s2+$0xA0];
	v27 =	vadd.s32 $0x80, v27  }
0xc5: {  	v28 =	vld [tilespmem:s0+$0x60];
	v26 =	vadd.s32 $0x80, v26  }
0xc6: {  	v31 =	vld [tilespmem:s0+$0xE0];
	v29 =	vadd.s32 $0x80, v29  }
0xc7: {  	v30 =	vadd.s32 $0x80, v30  }
0xc8: {  	v25 =	vadd.s32 $0x80, v25  }
0xc9: {  	v24 =	vadd.s32 $0x80, v24;
	v27 =	vld.idx.msk [tilespmem:v27+s4+$0x0], $0xffff  }
0xca: {  	v28 =	vadd.s32 $0x80, v28;
	v26 =	vld.idx.msk [tilespmem:v26+s4+$0x0], $0xffff  }
0xcb: {  	v31 =	vadd.s32 $0x80, v31;
	v29 =	vld.idx.msk [tilespmem:v29+s4+$0x0], $0xffff  }
0xcc: {  	v30 =	vld.idx.msk [tilespmem:v30+s4+$0x0], $0xffff  }
0xcd: {  	s23 =	sand.u32 $0x3, s4;
	v25 =	vld.idx.msk [tilespmem:v25+s4+$0x0], $0xffff  }
0xce: {  	s1 =	sshll.u32 s23, $0x8;
	v24 =	vld.idx.msk [tilespmem:v24+s4+$0x0], $0xffff  }
0xcf: {  	s1 =	sadd.s32 $0x0, s1;
	v28 =	vld.idx.msk [tilespmem:v28+s4+$0x0], $0xffff;
	v27 =	vand.u32 $0xFFFF, v27;
	v26 =	vshll.u32 v26, $0x10  }
0xd0: {  	s6 =	sadd.s32 $0x100, s1;
	v31 =	vld.idx.msk [tilespmem:v31+s4+$0x0], $0xffff;
	v26 =	vor.u32 v27, v26  }
0xd1: {  	s9 =	sadd.s32 $0x180, s1;
	s24 =	sor.u32 $0x400, s6;
	v27 =	vand.u32 $0xFFFF, v29;
	v29 =	vshll.u32 v30, $0x10;
	[tilespmem:s15+$0x70] =	vst v26  }
0xd2: {  	s1 =	sor.u32 $0x400, s9;
	v26 =	vor.u32 v27, v29;
	v27 =	vld [tilespmem:s24+$0x4180]  }
0xd3: {  	[tilespmem:s26+$0x10] =	vst v26;
	v25 =	vand.u32 $0xFFFF, v25;
	v24 =	vshll.u32 v24, $0x10;
	v26 =	vld [tilespmem:s1+$0x4180]  }
0xd4: {  	v29 =	vld [tilespmem:s5+$0x20];
	v24 =	vor.u32 v25, v24  }
0xd5: {  	v25 =	vand.u32 $0xFFFF, v28;
	v28 =	vshll.u32 v31, $0x10;
	v30 =	vld [tilespmem:s5+$0xA0];
	[tilespmem:s25+$0x20] =	vst v24  }
0xd6: {  	v24 =	vor.u32 v25, v28;
	v25 =	vld [tilespmem:s2+$0x30]  }
0xd7: {  	[tilespmem:s14+$0x60] =	vst v24;
	v24 =	vld [tilespmem:s2+$0xB0];
	v27 =	vadd.s32 $0x80, v27  }
0xd8: {  	v28 =	vld [tilespmem:s0+$0x70];
	v26 =	vadd.s32 $0x80, v26  }
0xd9: {  	v31 =	vld [tilespmem:s0+$0xF0];
	v29 =	vadd.s32 $0x80, v29  }
0xda: {  	v30 =	vadd.s32 $0x80, v30  }
0xdb: {  	v25 =	vadd.s32 $0x80, v25  }
0xdc: {  	v24 =	vadd.s32 $0x80, v24;
	v27 =	vld.idx.msk [tilespmem:v27+s4+$0x0], $0xffff  }
0xdd: {  	v28 =	vadd.s32 $0x80, v28;
	v26 =	vld.idx.msk [tilespmem:v26+s4+$0x0], $0xffff  }
0xde: {  	v31 =	vadd.s32 $0x80, v31;
	v29 =	vld.idx.msk [tilespmem:v29+s4+$0x0], $0xffff  }
0xdf: {  	v30 =	vld.idx.msk [tilespmem:v30+s4+$0x0], $0xffff  }
0xe0: {  	v25 =	vld.idx.msk [tilespmem:v25+s4+$0x0], $0xffff  }
0xe1: {  	v24 =	vld.idx.msk [tilespmem:v24+s4+$0x0], $0xffff  }
0xe2: {  	v28 =	vld.idx.msk [tilespmem:v28+s4+$0x0], $0xffff;
	v27 =	vand.u32 $0xFFFF, v27;
	v26 =	vshll.u32 v26, $0x10  }
0xe3: {  	v31 =	vld.idx.msk [tilespmem:v31+s4+$0x0], $0xffff;
	v26 =	vor.u32 v27, v26  }
0xe4: {  	s3 =	sor.u32 $0x410, s6;
	v27 =	vand.u32 $0xFFFF, v29;
	v29 =	vshll.u32 v30, $0x10;
	[tilespmem:s15+$0x400] =	vst v26  }
0xe5: {  	s7 =	sor.u32 $0x410, s9;
	v26 =	vor.u32 v27, v29;
	v27 =	vld [tilespmem:s3+$0x4180]  }
0xe6: {  	p0 =	por $0x0, $0x0;
	s1 =	simm.s32 $0x1;
	[tilespmem:s26+$0x20] =	vst v26;
	v25 =	vand.u32 $0xFFFF, v25;
	v24 =	vshll.u32 v24, $0x10;
	v26 =	vld [tilespmem:s7+$0x4180]  }
0xe7: {  	s1 =	simm.s32 @!p0 $0x0;
	v29 =	vld [tilespmem:s5+$0x30];
	v24 =	vor.u32 v25, v24  }
0xe8: {  	s8 =	sshll.u32 s1, $0x9;
	v25 =	vand.u32 $0xFFFF, v28;
	v28 =	vshll.u32 v31, $0x10;
	v30 =	vld [tilespmem:s5+$0xB0];
	[tilespmem:s25+$0x30] =	vst v24  }
0xe9: {  	s8 =	sadd.s32 $0x0, s8;
	v24 =	vor.u32 v25, v28;
	v25 =	vld [tilespmem:s2+$0x40]  }
0xea: {  	s31 =	simm.s32 $0x800;
	s0 =	sor.u32 $0x400, s8;
	[tilespmem:s14+$0x70] =	vst v24;
	v24 =	vld [tilespmem:s2+$0xC0]  }
0xeb: {  	s16 =	sand.u32 $0x7800, s31;
	s7 =	sadd.s32 $0x80, s8;
	v28 =	vld [tilespmem:s0+$0x4180];
	s0 =	simm.s32 $0x500;
	v27 =	vadd.s32 $0x80, v27  }
0xec: {  	s3 =	sadd.s32 $0x4180, s16;
	s10 =	sor.u32 $0x400, s7;
	v26 =	vadd.s32 $0x80, v26;
	s17 =	sand.u32 $0x300, s0  }
0xed: {  	v31 =	vld [tilespmem:s10+$0x4180];
	v29 =	vadd.s32 $0x80, v29;
	s30 =	sadd.s32 s17, s3  }
0xee: {  	v30 =	vadd.s32 $0x80, v30;
	v32 =	vld [tilespmem:s30+$0x0]  }
0xef: {  	v33 =	vld [tilespmem:s30+$0x80];
	v25 =	vadd.s32 $0x80, v25  }
0xf0: {  	v24 =	vadd.s32 $0x80, v24;
	v27 =	vld.idx.msk [tilespmem:v27+s4+$0x0], $0xffff  }
0xf1: {  	v28 =	vadd.s32 $0x80, v28;
	v26 =	vld.idx.msk [tilespmem:v26+s4+$0x0], $0xffff  }
0xf2: {  	v31 =	vadd.s32 $0x80, v31;
	v29 =	vld.idx.msk [tilespmem:v29+s4+$0x0], $0xffff  }
0xf3: {  	v30 =	vld.idx.msk [tilespmem:v30+s4+$0x0], $0xffff  }
0xf4: {  	v25 =	vld.idx.msk [tilespmem:v25+s4+$0x0], $0xffff  }
0xf5: {  	s20 =	simm.s32 $0x400;
	v24 =	vld.idx.msk [tilespmem:v24+s4+$0x0], $0xffff  }
0xf6: {  	s21 =	sand.u32 $0x200, s20;
	v28 =	vld.idx.msk [tilespmem:v28+s4+$0x0], $0xffff;
	v27 =	vand.u32 $0xFFFF, v27;
	v26 =	vshll.u32 v26, $0x10  }
0xf7: {  	s3 =	sor.u32 s21, s3;
	v31 =	vld.idx.msk [tilespmem:v31+s4+$0x0], $0xffff;
	v26 =	vor.u32 v27, v26  }
0xf8: {  	s11 =	sor.u32 $0x420, s6;
	v34 =	vld [tilespmem:s3+$0x0];
	v27 =	vand.u32 $0xFFFF, v29;
	v29 =	vshll.u32 v30, $0x10;
	[tilespmem:s15+$0x410] =	vst v26  }
0xf9: {  	s12 =	sor.u32 $0x420, s9;
	v26 =	vor.u32 v27, v29;
	v27 =	vld [tilespmem:s11+$0x4180]  }
0xfa: {  	[tilespmem:s26+$0x30] =	vst v26;
	v25 =	vand.u32 $0xFFFF, v25;
	v24 =	vshll.u32 v24, $0x10;
	v26 =	vld [tilespmem:s12+$0x4180]  }
0xfb: {  	v29 =	vld [tilespmem:s5+$0x40];
	v24 =	vor.u32 v25, v24  }
0xfc: {  	v25 =	vand.u32 $0xFFFF, v28;
	v28 =	vshll.u32 v31, $0x10;
	v30 =	vld [tilespmem:s5+$0xC0];
	[tilespmem:s25+$0x40] =	vst v24  }
0xfd: {  	v32 =	vadd.s32 $0x80, v32;
	v24 =	vor.u32 v25, v28;
	v25 =	vld [tilespmem:s2+$0x50]  }
0xfe: {  	s13 =	sor.u32 $0x410, s8;
	[tilespmem:s14+$0x400] =	vst v24;
	v24 =	vld [tilespmem:s2+$0xD0];
	v27 =	vadd.s32 $0x80, v27  }
0xff: {  	s10 =	sor.u32 $0x410, s7;
	v28 =	vld [tilespmem:s13+$0x4180];
	v26 =	vadd.s32 $0x80, v26  }
0x100: {  	v31 =	vld [tilespmem:s10+$0x4180];
	v29 =	vadd.s32 $0x80, v29  }
0x101: {  	v40 =	vld [tilespmem:s3+$0x80];
	v30 =	vadd.s32 $0x80, v30  }
0x102: {  	v32 =	vld.idx.msk [tilespmem:v32+s4+$0x0], $0xffff;
	v25 =	vadd.s32 $0x80, v25  }
0x103: {  	v24 =	vadd.s32 $0x80, v24;
	v27 =	vld.idx.msk [tilespmem:v27+s4+$0x0], $0xffff  }
0x104: {  	v28 =	vadd.s32 $0x80, v28;
	v26 =	vld.idx.msk [tilespmem:v26+s4+$0x0], $0xffff  }
0x105: {  	v31 =	vadd.s32 $0x80, v31;
	v29 =	vld.idx.msk [tilespmem:v29+s4+$0x0], $0xffff  }
0x106: {  	v33 =	vadd.s32 $0x80, v33;
	v30 =	vld.idx.msk [tilespmem:v30+s4+$0x0], $0xffff  }
0x107: {  	v25 =	vld.idx.msk [tilespmem:v25+s4+$0x0], $0xffff  }
0x108: {  	v24 =	vld.idx.msk [tilespmem:v24+s4+$0x0], $0xffff  }
0x109: {  	v28 =	vld.idx.msk [tilespmem:v28+s4+$0x0], $0xffff;
	v27 =	vand.u32 $0xFFFF, v27;
	v26 =	vshll.u32 v26, $0x10  }
0x10a: {  	v31 =	vld.idx.msk [tilespmem:v31+s4+$0x0], $0xffff;
	v26 =	vor.u32 v27, v26  }
0x10b: {  	s18 =	sor.u32 $0x430, s6;
	v27 =	vand.u32 $0xFFFF, v29;
	v29 =	vld.idx.msk [tilespmem:v33+s4+$0x0], $0xffff;
	v30 =	vshll.u32 v30, $0x10;
	[tilespmem:s15+$0x420] =	vst v26  }
0x10c: {  	s19 =	sor.u32 $0x430, s9;
	v26 =	vor.u32 v27, v30;
	v27 =	vld [tilespmem:s18+$0x4180]  }
0x10d: {  	v34 =	vadd.s32 $0x80, v34;
	[tilespmem:s26+$0x40] =	vst v26;
	v25 =	vand.u32 $0xFFFF, v25;
	v24 =	vshll.u32 v24, $0x10;
	v26 =	vld [tilespmem:s19+$0x4180]  }
0x10e: {  	v30 =	vld [tilespmem:s5+$0x50];
	v24 =	vor.u32 v25, v24  }
0x10f: {  	s1 =	simm.s32 $0x280;
	s11 =	sand.u32 $0x3800, s20;
	v25 =	vld [tilespmem:s5+$0xD0];
	[tilespmem:s25+$0x50] =	vst v24  }
0x110: {  	s23 =	sand.u32 $0x380, s1;
	s22 =	sor.u32 $0x14180, s11;
	v32 =	vand.u32 $0xFFFF, v32;
	v24 =	vld [tilespmem:s2+$0x60];
	v29 =	vshll.u32 v29, $0x10  }
0x111: {  	s28 =	sadd.s32 s23, s22;
	v39 =	vld [tilespmem:s2+$0xE0];
	v29 =	vor.u32 v32, v29;
	v27 =	vadd.s32 $0x80, v27  }
0x112: {  	v34 =	vld.idx.msk [tilespmem:v34+s4+$0x0], $0xffff;
	v28 =	vand.u32 $0xFFFF, v28;
	v31 =	vshll.u32 v31, $0x10;
	v26 =	vadd.s32 $0x80, v26;
	[tilespmem:s28+$0x0] =	vst v29  }
0x113: {  	v28 =	vor.u32 v28, v31;
	v29 =	vadd.s32 $0x80, v30;
	v30 =	vld [tilespmem:s30+$0x10]  }
0x114: {  	s10 =	sor.u32 $0x420, s8;
	[tilespmem:s14+$0x410] =	vst v28;
	v25 =	vadd.s32 $0x80, v25;
	v35 =	vld [tilespmem:s30+$0x90]  }
0x115: {  	v50 =	vld [tilespmem:s10+$0x4180];
	v24 =	vadd.s32 $0x80, v24  }
0x116: {  	v33 =	vadd.s32 $0x80, v39;
	v27 =	vld.idx.msk [tilespmem:v27+s4+$0x0], $0xffff  }
0x117: {  	v32 =	vadd.s32 $0x80, v40;
	v26 =	vld.idx.msk [tilespmem:v26+s4+$0x0], $0xffff  }
0x118: {  	v29 =	vld.idx.msk [tilespmem:v29+s4+$0x0], $0xffff;
	v30 =	vadd.s32 $0x80, v30  }
0x119: {  	v25 =	vld.idx.msk [tilespmem:v25+s4+$0x0], $0xffff;
	v35 =	vadd.s32 $0x80, v35  }
0x11a: {  	v24 =	vld.idx.msk [tilespmem:v24+s4+$0x0], $0xffff  }
0x11b: {  	v33 =	vld.idx.msk [tilespmem:v33+s4+$0x0], $0xffff  }
0x11c: {  	v32 =	vld.idx.msk [tilespmem:v32+s4+$0x0], $0xffff;
	v27 =	vand.u32 $0xFFFF, v27;
	v26 =	vshll.u32 v26, $0x10  }
0x11d: {  	v30 =	vld.idx.msk [tilespmem:v30+s4+$0x0], $0xffff;
	v26 =	vor.u32 v27, v26  }
0x11e: {  	s6 =	sor.u32 $0x438, s6;
	v27 =	vand.u32 $0xFFFF, v29;
	v29 =	vld.idx.msk [tilespmem:v35+s4+$0x0], $0xffff;
	v25 =	vshll.u32 v25, $0x10;
	[tilespmem:s15+$0x430] =	vst v26  }
0x11f: {  	s24 =	sor.u32 $0x438, s9;
	v25 =	vor.u32 v27, v25;
	v26 =	vld [tilespmem:s6+$0x4180]  }
0x120: {  	[tilespmem:s26+$0x50] =	vst v25;
	v24 =	vand.u32 $0xFFFF, v24;
	v25 =	vshll.u32 v33, $0x10;
	v27 =	vld [tilespmem:s24+$0x4180]  }
0x121: {  	s9 =	simm.s32 $0x200;
	v41 =	vld [tilespmem:s5+$0x60];
	v24 =	vor.u32 v24, v25  }
0x122: {  	v32 =	vshll.u32 v32, $0x10;
	s6 =	sand.u32 $0x300, s9;
	v25 =	vand.u32 $0xFFFF, v34;
	v42 =	vld [tilespmem:s5+$0xE0];
	[tilespmem:s25+$0x60] =	vst v24  }
0x123: {  	s29 =	sadd.s32 s6, s22;
	v24 =	vor.u32 v25, v32;
	v25 =	vld [tilespmem:s2+$0x70]  }
0x124: {  	[tilespmem:s29+$0x0] =	vst v24;
	v24 =	vand.u32 $0xFFFF, v30;
	v29 =	vshll.u32 v29, $0x10;
	v30 =	vld [tilespmem:s2+$0xF0];
	v26 =	vadd.s32 $0x80, v26  }
0x125: {  	v43 =	vld [tilespmem:s3+$0x10];
	v24 =	vor.u32 v24, v29;
	v27 =	vadd.s32 $0x80, v27  }
0x126: {  	v29 =	vld [tilespmem:s3+$0x90];
	[tilespmem:s28+$0x10] =	vst v24;
	v33 =	vadd.s32 $0x80, v41  }
0x127: {  	v44 =	vld [tilespmem:s30+$0x20];
	v34 =	vadd.s32 $0x80, v42  }
0x128: {  	v36 =	vld [tilespmem:s30+$0xA0];
	v37 =	vadd.s32 $0x80, v25  }
0x129: {  	v30 =	vadd.s32 $0x80, v30;
	v24 =	vld.idx.msk [tilespmem:v26+s4+$0x0], $0xffff  }
0x12a: {  	v26 =	vadd.s32 $0x80, v43;
	v25 =	vld.idx.msk [tilespmem:v27+s4+$0x0], $0xffff  }
0x12b: {  	v27 =	vadd.s32 $0x80, v29;
	v29 =	vld.idx.msk [tilespmem:v33+s4+$0x0], $0xffff  }
0x12c: {  	v45 =	vadd.s32 $0x80, v44;
	v46 =	vld.idx.msk [tilespmem:v34+s4+$0x0], $0xffff  }
0x12d: {  	v47 =	vadd.s32 $0x80, v36;
	v48 =	vld.idx.msk [tilespmem:v37+s4+$0x0], $0xffff  }
0x12e: {  	v30 =	vld.idx.msk [tilespmem:v30+s4+$0x0], $0xffff  }
0x12f: {  	v26 =	vld.idx.msk [tilespmem:v26+s4+$0x0], $0xffff  }
0x130: {  	s6 =	simm.s32 $0x2;
	v27 =	vld.idx.msk [tilespmem:v27+s4+$0x0], $0xffff  }
0x131: {  	s11 =	sand.u32 $0x3, s6;
	v31 =	vld.idx.msk [tilespmem:v45+s4+$0x0], $0xffff;
	v28 =	vand.u32 $0xFFFF, v29;
	v49 =	vshll.u32 v46, $0x10  }
0x132: {  	s12 =	sor.u32 $0x420, s7;
	s9 =	sshll.u32 s11, $0x8;
	v29 =	vld.idx.msk [tilespmem:v47+s4+$0x0], $0xffff;
	v28 =	vor.u32 v28, v49  }
0x133: {  	v51 =	vld [tilespmem:s12+$0x4180];
	s9 =	sadd.s32 $0x400, s9;
	[tilespmem:s26+$0x60] =	vst v28;
	v28 =	vand.u32 $0xFFFF, v48;
	v30 =	vshll.u32 v30, $0x10  }
0x134: {  	s2 =	sadd.s32 $0x100, s9;
	v52 =	vld [tilespmem:s5+$0x70];
	v28 =	vor.u32 v28, v30  }
0x135: {  	s16 =	sadd.s32 $0x180, s9;
	s13 =	sor.u32 $0x400, s2;
	v30 =	vld [tilespmem:s5+$0xF0];
	v26 =	vand.u32 $0xFFFF, v26;
	v27 =	vshll.u32 v27, $0x10;
	[tilespmem:s25+$0x70] =	vst v28  }
0x136: {  	s17 =	sor.u32 $0x400, s16;
	v26 =	vor.u32 v26, v27;
	v27 =	vld [tilespmem:s13+$0x4180]  }
0x137: {  	v28 =	vshll.u32 v29, $0x10;
	v29 =	vld [tilespmem:s17+$0x4180];
	[tilespmem:s29+$0x10] =	vst v26;
	v26 =	vand.u32 $0xFFFF, v31;
	v31 =	vadd.s32 $0x80, v50  }
0x138: {  	v53 =	vld [tilespmem:s3+$0x20];
	v26 =	vor.u32 v26, v28;
	v28 =	vadd.s32 $0x80, v51  }
0x139: {  	v54 =	vld [tilespmem:s3+$0xA0];
	[tilespmem:s28+$0x20] =	vst v26;
	v26 =	vadd.s32 $0x80, v52  }
0x13a: {  	v30 =	vadd.s32 $0x80, v30;
	v55 =	vld [tilespmem:s30+$0x30]  }
0x13b: {  	v56 =	vld [tilespmem:s30+$0xB0];
	v27 =	vadd.s32 $0x80, v27  }
0x13c: {  	v29 =	vadd.s32 $0x80, v29;
	v31 =	vld.idx.msk [tilespmem:v31+s4+$0x0], $0xffff  }
0x13d: {  	v32 =	vadd.s32 $0x80, v53;
	v28 =	vld.idx.msk [tilespmem:v28+s4+$0x0], $0xffff  }
0x13e: {  	v33 =	vadd.s32 $0x80, v54;
	v26 =	vld.idx.msk [tilespmem:v26+s4+$0x0], $0xffff  }
0x13f: {  	v30 =	vld.idx.msk [tilespmem:v30+s4+$0x0], $0xffff;
	v34 =	vadd.s32 $0x80, v55  }
0x140: {  	v35 =	vadd.s32 $0x80, v56;
	v27 =	vld.idx.msk [tilespmem:v27+s4+$0x0], $0xffff  }
0x141: {  	v29 =	vld.idx.msk [tilespmem:v29+s4+$0x0], $0xffff  }
0x142: {  	v32 =	vld.idx.msk [tilespmem:v32+s4+$0x0], $0xffff  }
0x143: {  	p0 =	por !p0, !p0;
	s5 =	simm.s32 $0x1;
	v31 =	vand.u32 $0xFFFF, v31;
	v33 =	vld.idx.msk [tilespmem:v33+s4+$0x0], $0xffff;
	v28 =	vshll.u32 v28, $0x10  }
0x144: {  	s5 =	simm.s32 @!p0 $0x0;
	v28 =	vor.u32 v31, v28;
	v34 =	vld.idx.msk [tilespmem:v34+s4+$0x0], $0xffff  }
0x145: {  	s18 =	sor.u32 $0x430, s8;
	s5 =	sshll.u32 s5, $0x9;
	v26 =	vand.u32 $0xFFFF, v26;
	v30 =	vshll.u32 v30, $0x10;
	v31 =	vld.idx.msk [tilespmem:v35+s4+$0x0], $0xffff;
	[tilespmem:s14+$0x420] =	vst v28  }
0x146: {  	s19 =	sor.u32 $0x430, s7;
	s5 =	sadd.s32 $0x400, s5;
	v26 =	vor.u32 v26, v30;
	v28 =	vld [tilespmem:s18+$0x4180]  }
0x147: {  	s9 =	sadd.s32 $0x80, s5;
	s20 =	sor.u32 $0x400, s5;
	[tilespmem:s26+$0x70] =	vst v26;
	v26 =	vand.u32 $0xFFFF, v27;
	v27 =	vshll.u32 v29, $0x10;
	v29 =	vld [tilespmem:s19+$0x4180]  }
0x148: {  	s21 =	sor.u32 $0x400, s9;
	v30 =	vld [tilespmem:s20+$0x4180];
	v26 =	vor.u32 v26, v27  }
0x149: {  	s22 =	sor.u32 $0x410, s2;
	v58 =	vld [tilespmem:s21+$0x4180];
	v27 =	vand.u32 $0xFFFF, v32;
	v57 =	vshll.u32 v33, $0x10;
	[tilespmem:s25+$0x400] =	vst v26  }
0x14a: {  	s23 =	sor.u32 $0x410, s16;
	v26 =	vor.u32 v27, v57;
	v27 =	vld [tilespmem:s22+$0x4180]  }
0x14b: {  	v59 =	vld [tilespmem:s23+$0x4180];
	[tilespmem:s29+$0x20] =	vst v26;
	v26 =	vand.u32 $0xFFFF, v34;
	v31 =	vshll.u32 v31, $0x10;
	v28 =	vadd.s32 $0x80, v28  }
0x14c: {  	v60 =	vld [tilespmem:s3+$0x30];
	v26 =	vor.u32 v26, v31;
	v29 =	vadd.s32 $0x80, v29  }
0x14d: {  	v31 =	vld [tilespmem:s3+$0xB0];
	[tilespmem:s28+$0x30] =	vst v26;
	v26 =	vadd.s32 $0x80, v30  }
0x14e: {  	v33 =	vadd.s32 $0x80, v58;
	v30 =	vld [tilespmem:s30+$0x40]  }
0x14f: {  	v61 =	vld [tilespmem:s30+$0xC0];
	v27 =	vadd.s32 $0x80, v27  }
0x150: {  	v32 =	vadd.s32 $0x80, v59;
	v28 =	vld.idx.msk [tilespmem:v28+s4+$0x0], $0xffff  }
0x151: {  	v34 =	vadd.s32 $0x80, v60;
	v29 =	vld.idx.msk [tilespmem:v29+s4+$0x0], $0xffff  }
0x152: {  	v31 =	vadd.s32 $0x80, v31;
	v26 =	vld.idx.msk [tilespmem:v26+s4+$0x0], $0xffff  }
0x153: {  	v33 =	vld.idx.msk [tilespmem:v33+s4+$0x0], $0xffff;
	v30 =	vadd.s32 $0x80, v30  }
0x154: {  	v35 =	vadd.s32 $0x80, v61;
	v27 =	vld.idx.msk [tilespmem:v27+s4+$0x0], $0xffff  }
0x155: {  	v32 =	vld.idx.msk [tilespmem:v32+s4+$0x0], $0xffff  }
0x156: {  	s10 =	simm.s32 $0x1;
	p0 =	por !p0, !p0;
	v34 =	vld.idx.msk [tilespmem:v34+s4+$0x0], $0xffff;
	v28 =	vand.u32 $0xFFFF, v28;
	v29 =	vshll.u32 v29, $0x10  }
0x157: {  	s7 =	sor.u32 $0x438, s7;
	s17 =	sor.u32 $0x438, s8;
	s10 =	simm.s32 @!p0 $0x0;
	v31 =	vld.idx.msk [tilespmem:v31+s4+$0x0], $0xffff;
	v28 =	vor.u32 v28, v29  }
0x158: {  	s13 =	smov.u32 s14;
	p0 =	por !p0, !p0;
	s18 =	sor.u32 $0x420, s9;
	v30 =	vld.idx.msk [tilespmem:v30+s4+$0x0], $0xffff;
	[tilespmem:s14+$0x430] =	vst v28  }
0x159: {  	s10 =	sshll.u32 s10, $0x9;
	s19 =	sor.u32 $0x420, s5;
	v26 =	vand.u32 $0xFFFF, v26;
	v29 =	vshll.u32 v33, $0x10;
	v35 =	vld.idx.msk [tilespmem:v35+s4+$0x0], $0xffff;
	[dreg:$0x4] =	wrdreg s18  }
0x15a: {  	s24 =	sor.u32 $0x410, s5;
	s10 =	sadd.s32 $0x800, s10;
	v26 =	vor.u32 v26, v29;
	[dreg:$0x8] =	wrdreg s19  }
0x15b: {  	s12 =	sor.u32 $0x410, s9;
	s11 =	sor.u32 $0x410, s10;
	s8 =	sor.u32 $0x430, s10;
	v62 =	vld [tilespmem:s17+$0x4180];
	[tilespmem:s26+$0x400] =	vst v26;
	v26 =	vand.u32 $0xFFFF, v27;
	v27 =	vshll.u32 v32, $0x10  }
0x15c: {  	s20 =	sor.u32 $0x420, s2;
	s23 =	sor.u32 $0x430, s5;
	s22 =	sor.u32 $0x420, s10;
	v63 =	vld [tilespmem:s7+$0x4180];
	v26 =	vor.u32 v26, v27  }
0x15d: {  	s14 =	sor.u32 $0x438, s9;
	s18 =	sor.u32 $0x400, s10;
	s17 =	sor.u32 $0x438, s5;
	v28 =	vld [tilespmem:s24+$0x4180];
	[tilespmem:s25+$0x410] =	vst v26  }
0x15e: {  	s5 =	sadd.s32 $0x80, s10;
	s10 =	sor.u32 $0x438, s10;
	v29 =	vld [tilespmem:s12+$0x4180];
	v34 =	vand.u32 $0xFFFF, v34;
	v31 =	vshll.u32 v31, $0x10;
	[dreg:$0xc] =	wrdreg s22  }
0x15f: {  	v24 =	vand.u32 $0xFFFF, v24;
	v25 =	vshll.u32 v25, $0x10;
	s24 =	sor.u32 $0x420, s16;
	s19 =	sor.u32 $0x400, s5;
	s12 =	sor.u32 $0x410, s5;
	v31 =	vor.u32 v34, v31;
	v26 =	vld [tilespmem:s20+$0x4180]  }
0x160: {  	v24 =	vor.u32 v24, v25;
	s21 =	sor.u32 $0x430, s9;
	s9 =	sor.u32 $0x420, s5;
	s7 =	sor.u32 $0x430, s5;
	v25 =	vand.u32 $0xFFFF, v30;
	v27 =	vld [tilespmem:s24+$0x4180];
	[tilespmem:s29+$0x30] =	vst v31;
	v31 =	vshll.u32 v35, $0x10  }
0x161: {  	s20 =	sor.u32 $0x438, s5;
	[tilespmem:s15+$0x438] =	vst v24;
	s24 =	simm.s32 $0x4;
	s15 =	simm.s32 $0x800;
	v24 =	vadd.s32 $0x80, v62;
	v30 =	vld [tilespmem:s3+$0x40];
	v31 =	vor.u32 v25, v31;
	v25 =	vadd.s32 $0x80, v63  }
.LBB2_2:
0x162: {  	[smem:$0x7EC] =	sst s7  }
0x163: {  	[smem:$0x7F2] =	sst s14;
	s5 =	simm.s32 $0x1  }
0x164: {  	[dreg:$0x1c] =	wrdreg s17;
	v32 =	vld [tilespmem:s3+$0xC0];
	[tilespmem:s28+$0x40] =	vst v31;
	s5 =	simm.s32 @!p0 $0x0  }
0x165: {  	[dreg:$0x10] =	wrdreg s20;
	s31 =	sadd.s32 $0x400, s31;
	v31 =	vld [tilespmem:s30+$0x50];
	s5 =	sshll.u32 s5, $0x9  }
0x166: {  	s0 =	sadd.s32 $0x200, s0;
	s22 =	sand.u32 $0x7800, s31;
	v33 =	vld [tilespmem:s30+$0xD0];
	s20 =	sadd.s32 s5, s31;
	v26 =	vadd.s32 $0x80, v26  }
0x167: {  	v24 =	vld.idx.msk [tilespmem:v24+s4+$0x0], $0xffff;
	s7 =	sand.u32 $0x300, s0;
	s17 =	sadd.s32 $0x4180, s22;
	v27 =	vadd.s32 $0x80, v27;
	s14 =	sor.u32 $0x400, s20  }
0x168: {  	v25 =	vld.idx.msk [tilespmem:v25+s4+$0x0], $0xffff;
	v30 =	vadd.s32 $0x80, v30;
	[smem:$0x7EE] =	sst s14;
	s14 =	sadd.s32 s7, s17  }
0x169: {  	v32 =	vadd.s32 $0x80, v32;
	v34 =	vld [tilespmem:s14+$0x0]  }
0x16a: {  	v35 =	vld [tilespmem:s14+$0x80];
	v31 =	vadd.s32 $0x80, v31  }
0x16b: {  	v33 =	vadd.s32 $0x80, v33;
	v26 =	vld.idx.msk [tilespmem:v26+s4+$0x0], $0xffff  }
0x16c: {  	v28 =	vadd.s32 $0x80, v28;
	v27 =	vld.idx.msk [tilespmem:v27+s4+$0x0], $0xffff  }
0x16d: {  	v29 =	vadd.s32 $0x80, v29;
	v30 =	vld.idx.msk [tilespmem:v30+s4+$0x0], $0xffff  }
0x16e: {  	v24 =	vand.u32 $0xFFFF, v24;
	v25 =	vshll.u32 v25, $0x10;
	v32 =	vld.idx.msk [tilespmem:v32+s4+$0x0], $0xffff;
	v34 =	vadd.s32 $0x80, v34  }
0x16f: {  	[smem:$0x7EB] =	sst s21;
	s21 =	sadd.s32 $0x80, s20;
	v24 =	vor.u32 v24, v25;
	v35 =	vadd.s32 $0x80, v35;
	v31 =	vld.idx.msk [tilespmem:v31+s4+$0x0], $0xffff  }
0x170: {  	[smem:$0x7F0] =	sst s10;
	s22 =	sor.u32 $0x400, s21;
	[tilespmem:s13+$0x438] =	vst v24;
	v25 =	vld.idx.msk [tilespmem:v33+s4+$0x0], $0xffff  }
0x171: {  	s7 =	sor.u32 $0x410, s20;
	[smem:$0x7EF] =	sst s22;
	v24 =	vld.idx.msk [tilespmem:v28+s4+$0x0], $0xffff  }
0x172: {  	[dreg:$0x18] =	wrdreg s7;
	s22 =	sor.u32 $0x430, s21;
	v28 =	vld.idx.msk [tilespmem:v29+s4+$0x0], $0xffff;
	v26 =	vand.u32 $0xFFFF, v26;
	v27 =	vshll.u32 v27, $0x10  }
0x173: {  	s10 =	sor.u32 $0x410, s21;
	[smem:$0x7ED] =	sst s22;
	s22 =	sor.u32 $0x438, s21;
	v26 =	vor.u32 v26, v27;
	v29 =	vld.idx.msk [tilespmem:v34+s4+$0x0], $0xffff  }
0x174: {  	s5 =	sor.u32 $0x420, s21;
	s21 =	sor.u32 $0x430, s2;
	[smem:$0x7F3] =	sst s22;
	v30 =	vand.u32 $0xFFFF, v30;
	v32 =	vshll.u32 v32, $0x10;
	v27 =	vld.idx.msk [tilespmem:v35+s4+$0x0], $0xffff;
	[tilespmem:s25+$0x420] =	vst v26  }
0x175: {  	s22 =	smov.u32 s26;
	s26 =	smov.u32 s29;
	s13 =	sor.u32 $0x430, s16;
	v26 =	vor.u32 v30, v32;
	v30 =	vld [tilespmem:s21+$0x4180]  }
0x176: {  	[dreg:$0x14] =	wrdreg s10;
	s7 =	smov.u32 s8;
	s8 =	smov.u32 s23;
	v25 =	vshll.u32 v25, $0x10;
	[tilespmem:s26+$0x40] =	vst v26;
	v26 =	vand.u32 $0xFFFF, v31;
	v31 =	vld [tilespmem:s13+$0x4180]  }
0x177: {  	s23 =	sor.u32 $0x420, s20;
	s10 =	sor.u32 $0x430, s20;
	s21 =	sadd.s32 $0xFFFFFF00, s0;
	v51 =	vld [tilespmem:s3+$0x50];
	v25 =	vor.u32 v26, v25  }
0x178: {  	s1 =	sadd.s32 $0x100, s1;
	s20 =	sor.u32 $0x438, s20;
	v24 =	vand.u32 $0xFFFF, v24;
	v26 =	vld [tilespmem:s3+$0xD0];
	s13 =	sand.u32 $0x200, s21;
	[tilespmem:s28+$0x50] =	vst v25;
	v25 =	vshll.u32 v28, $0x10  }
0x179: {  	[smem:$0x7F1] =	sst s20;
	s20 =	sand.u32 $0x3800, s21;
	s17 =	sor.u32 s13, s17;
	v28 =	vld [tilespmem:s30+$0x60];
	v24 =	vor.u32 v24, v25  }
0x17a: {  	s21 =	sor.u32 $0x14180, s20;
	s13 =	sand.u32 $0x380, s1;
	v52 =	vld [tilespmem:s17+$0x0];
	v25 =	vand.u32 $0xFFFF, v29;
	v27 =	vshll.u32 v27, $0x10;
	v30 =	vadd.s32 $0x80, v30  }
0x17b: {  	s20 =	sadd.s32 s13, s21;
	v29 =	vld [tilespmem:s30+$0xE0];
	[tilespmem:s22+$0x410] =	vst v24;
	v25 =	vor.u32 v25, v27;
	v24 =	vadd.s32 $0x80, v31  }
0x17c: {  	v27 =	vld [tilespmem:s17+$0x80];
	[tilespmem:s20+$0x0] =	vst v25;
	v25 =	vadd.s32 $0x80, v51  }
0x17d: {  	v26 =	vadd.s32 $0x80, v26;
	v31 =	vld [tilespmem:s14+$0x10]  }
0x17e: {  	v53 =	vld [tilespmem:s14+$0x90];
	v28 =	vadd.s32 $0x80, v28  }
0x17f: {  	v33 =	vadd.s32 $0x80, v52;
	v30 =	vld.idx.msk [tilespmem:v30+s4+$0x0], $0xffff  }
0x180: {  	v29 =	vadd.s32 $0x80, v29;
	v24 =	vld.idx.msk [tilespmem:v24+s4+$0x0], $0xffff  }
0x181: {  	v27 =	vadd.s32 $0x80, v27;
	v25 =	vld.idx.msk [tilespmem:v25+s4+$0x0], $0xffff  }
0x182: {  	v26 =	vld.idx.msk [tilespmem:v26+s4+$0x0], $0xffff;
	v31 =	vadd.s32 $0x80, v31  }
0x183: {  	v32 =	vadd.s32 $0x80, v53;
	v28 =	vld.idx.msk [tilespmem:v28+s4+$0x0], $0xffff  }
0x184: {  	v33 =	vld.idx.msk [tilespmem:v33+s4+$0x0], $0xffff  }
0x185: {  	v29 =	vld.idx.msk [tilespmem:v29+s4+$0x0], $0xffff  }
0x186: {  	v27 =	vld.idx.msk [tilespmem:v27+s4+$0x0], $0xffff;
	v30 =	vand.u32 $0xFFFF, v30;
	v24 =	vshll.u32 v24, $0x10  }
0x187: {  	s29 =	sadd.s32 $0xFFFFFF80, s1;
	v24 =	vor.u32 v30, v24;
	v31 =	vld.idx.msk [tilespmem:v31+s4+$0x0], $0xffff  }
0x188: {  	s29 =	sand.u32 $0x300, s29;
	s13 =	sor.u32 $0x438, s2;
	v25 =	vand.u32 $0xFFFF, v25;
	v26 =	vshll.u32 v26, $0x10;
	v30 =	vld.idx.msk [tilespmem:v32+s4+$0x0], $0xffff;
	[tilespmem:s25+$0x430] =	vst v24  }
0x189: {  	s29 =	sadd.s32 s29, s21;
	s21 =	sor.u32 $0x438, s16;
	v24 =	vor.u32 v25, v26;
	v25 =	vld [tilespmem:s13+$0x4180]  }
0x18a: {  	[tilespmem:s26+$0x50] =	vst v24;
	v24 =	vand.u32 $0xFFFF, v28;
	v28 =	vld [tilespmem:s21+$0x4180];
	v26 =	vshll.u32 v29, $0x10  }
0x18b: {  	v54 =	vld [tilespmem:s3+$0x60];
	v24 =	vor.u32 v24, v26  }
0x18c: {  	v29 =	vand.u32 $0xFFFF, v33;
	v26 =	vshll.u32 v27, $0x10;
	v27 =	vld [tilespmem:s3+$0xE0];
	[tilespmem:s28+$0x60] =	vst v24  }
0x18d: {  	v24 =	vor.u32 v29, v26;
	v26 =	vld [tilespmem:s30+$0x70]  }
0x18e: {  	[tilespmem:s29+$0x0] =	vst v24;
	v24 =	vand.u32 $0xFFFF, v31;
	v29 =	vshll.u32 v30, $0x10;
	v30 =	vld [tilespmem:s30+$0xF0];
	v25 =	vadd.s32 $0x80, v25  }
0x18f: {  	v31 =	vld [tilespmem:s17+$0x10];
	v24 =	vor.u32 v24, v29;
	v28 =	vadd.s32 $0x80, v28  }
0x190: {  	s30 =	smov.u32 s14;
	v29 =	vld [tilespmem:s17+$0x90];
	[tilespmem:s20+$0x10] =	vst v24;
	v24 =	vadd.s32 $0x80, v54  }
0x191: {  	v55 =	vld [tilespmem:s30+$0x20];
	v27 =	vadd.s32 $0x80, v27  }
0x192: {  	v56 =	vld [tilespmem:s30+$0xA0];
	v26 =	vadd.s32 $0x80, v26  }
0x193: {  	v30 =	vadd.s32 $0x80, v30;
	v25 =	vld.idx.msk [tilespmem:v25+s4+$0x0], $0xffff  }
0x194: {  	v31 =	vadd.s32 $0x80, v31;
	v28 =	vld.idx.msk [tilespmem:v28+s4+$0x0], $0xffff  }
0x195: {  	v29 =	vadd.s32 $0x80, v29;
	v24 =	vld.idx.msk [tilespmem:v24+s4+$0x0], $0xffff  }
0x196: {  	v32 =	vadd.s32 $0x80, v55;
	v27 =	vld.idx.msk [tilespmem:v27+s4+$0x0], $0xffff  }
0x197: {  	v33 =	vadd.s32 $0x80, v56;
	v26 =	vld.idx.msk [tilespmem:v26+s4+$0x0], $0xffff  }
0x198: {  	v30 =	vld.idx.msk [tilespmem:v30+s4+$0x0], $0xffff  }
0x199: {  	v31 =	vld.idx.msk [tilespmem:v31+s4+$0x0], $0xffff  }
0x19a: {  	s6 =	sadd.s32 $0x2, s6;
	v29 =	vld.idx.msk [tilespmem:v29+s4+$0x0], $0xffff;
	v25 =	vand.u32 $0xFFFF, v25;
	v28 =	vshll.u32 v28, $0x10  }
0x19b: {  	s16 =	rddreg [dreg:$0xc];
	s13 =	sand.u32 $0x3, s6;
	v24 =	vand.u32 $0xFFFF, v24;
	v25 =	vor.u32 v25, v28;
	v32 =	vld.idx.msk [tilespmem:v32+s4+$0x0], $0xffff;
	v27 =	vshll.u32 v27, $0x10  }
0x19c: {  	s2 =	sshll.u32 s13, $0x8;
	s14 =	rddreg [dreg:$0x8];
	v28 =	vld.idx.msk [tilespmem:v33+s4+$0x0], $0xffff;
	[tilespmem:s25+$0x438] =	vst v25;
	s25 =	smov.u32 s28;
	v24 =	vor.u32 v24, v27  }
0x19d: {  	s28 =	smov.u32 s20;
	v25 =	vld [tilespmem:s14+$0x4180];
	s20 =	smov.u32 s16;
	s16 =	rddreg [dreg:$0x4];
	[tilespmem:s26+$0x60] =	vst v24  }
0x19e: {  	s14 =	sadd.s32 s2, s15;
	v24 =	vand.u32 $0xFFFF, v26;
	v26 =	vshll.u32 v30, $0x10;
	v27 =	vld [tilespmem:s16+$0x4180]  }
0x19f: {  	s21 =	smov.u32 s23;
	s2 =	sadd.s32 $0x100, s14;
	v30 =	vand.u32 $0xFFFF, v31;
	v31 =	vld [tilespmem:s3+$0x70];
	v24 =	vor.u32 v24, v26  }
0x1a0: {  	[dreg:$0xc] =	wrdreg s21;
	s21 =	sor.u32 $0x400, s2;
	v26 =	vshll.u32 v29, $0x10;
	v29 =	vld [tilespmem:s3+$0xF0];
	s16 =	sadd.s32 $0x180, s14;
	[tilespmem:s25+$0x70] =	vst v24  }
0x1a1: {  	v24 =	vor.u32 v30, v26;
	s23 =	sor.u32 $0x400, s16;
	v26 =	vld [tilespmem:s21+$0x4180]  }
0x1a2: {  	s3 =	smov.u32 s17;
	[tilespmem:s29+$0x10] =	vst v24;
	v24 =	vand.u32 $0xFFFF, v32;
	v28 =	vshll.u32 v28, $0x10;
	v30 =	vld [tilespmem:s23+$0x4180];
	v25 =	vadd.s32 $0x80, v25  }
0x1a3: {  	v57 =	vld [tilespmem:s3+$0x20];
	v24 =	vor.u32 v24, v28;
	v27 =	vadd.s32 $0x80, v27  }
0x1a4: {  	v28 =	vld [tilespmem:s3+$0xA0];
	[tilespmem:s28+$0x20] =	vst v24;
	v24 =	vadd.s32 $0x80, v31  }
0x1a5: {  	v31 =	vld [tilespmem:s30+$0x30];
	v29 =	vadd.s32 $0x80, v29  }
0x1a6: {  	v58 =	vld [tilespmem:s30+$0xB0];
	v26 =	vadd.s32 $0x80, v26  }
0x1a7: {  	v30 =	vadd.s32 $0x80, v30;
	v25 =	vld.idx.msk [tilespmem:v25+s4+$0x0], $0xffff  }
0x1a8: {  	v32 =	vadd.s32 $0x80, v57;
	v27 =	vld.idx.msk [tilespmem:v27+s4+$0x0], $0xffff  }
0x1a9: {  	v28 =	vadd.s32 $0x80, v28;
	v24 =	vld.idx.msk [tilespmem:v24+s4+$0x0], $0xffff  }
0x1aa: {  	v31 =	vadd.s32 $0x80, v31;
	v29 =	vld.idx.msk [tilespmem:v29+s4+$0x0], $0xffff  }
0x1ab: {  	v26 =	vld.idx.msk [tilespmem:v26+s4+$0x0], $0xffff  }
0x1ac: {  	v33 =	vadd.s32 $0x80, v58;
	v30 =	vld.idx.msk [tilespmem:v30+s4+$0x0], $0xffff  }
0x1ad: {  	v25 =	vand.u32 $0xFFFF, v25;
	v32 =	vld.idx.msk [tilespmem:v32+s4+$0x0], $0xffff;
	v27 =	vshll.u32 v27, $0x10  }
0x1ae: {  	v28 =	vld.idx.msk [tilespmem:v28+s4+$0x0], $0xffff;
	v25 =	vor.u32 v25, v27  }
0x1af: {  	v31 =	vld.idx.msk [tilespmem:v31+s4+$0x0], $0xffff;
	[tilespmem:s22+$0x420] =	vst v25  }
0x1b0: {  	v24 =	vand.u32 $0xFFFF, v24;
	v29 =	vshll.u32 v29, $0x10;
	v25 =	vld [tilespmem:s8+$0x4180];
	s8 =	smov.u32 s10;
	s10 =	sld [smem:$0x7EB]  }
0x1b1: {  	v27 =	vld.idx.msk [tilespmem:v33+s4+$0x0], $0xffff;
	v24 =	vor.u32 v24, v29  }
0x1b2: {  	[tilespmem:s26+$0x70] =	vst v24  }
0x1b3: {  	s14 =	sld [smem:$0x7ED];
	v24 =	vand.u32 $0xFFFF, v26;
	v26 =	vshll.u32 v30, $0x10;
	v29 =	vld [tilespmem:s10+$0x4180]  }
0x1b4: {  	[dreg:$0x8] =	wrdreg s20;
	s20 =	smov.u32 s9;
	v30 =	vand.u32 $0xFFFF, v32;
	v59 =	vld [tilespmem:s18+$0x4180];
	v24 =	vor.u32 v24, v26;
	v26 =	vshll.u32 v28, $0x10  }
0x1b5: {  	[dreg:$0x4] =	wrdreg s20;
	s20 =	sor.u32 $0x410, s2;
	v28 =	vld [tilespmem:s19+$0x4180];
	[tilespmem:s25+$0x400] =	vst v24;
	v24 =	vor.u32 v30, v26  }
0x1b6: {  	s23 =	smov.u32 s7;
	s7 =	smov.u32 s14;
	s14 =	sor.u32 $0x410, s16;
	v26 =	vld [tilespmem:s20+$0x4180];
	[tilespmem:s29+$0x20] =	vst v24;
	v24 =	vand.u32 $0xFFFF, v31;
	v27 =	vshll.u32 v27, $0x10  }
0x1b7: {  	v30 =	vld [tilespmem:s14+$0x4180];
	v24 =	vor.u32 v24, v27;
	v25 =	vadd.s32 $0x80, v25  }
0x1b8: {  	v31 =	vld [tilespmem:s3+$0x30];
	[tilespmem:s28+$0x30] =	vst v24;
	v27 =	vadd.s32 $0x80, v29  }
0x1b9: {  	v60 =	vld [tilespmem:s30+$0x40]  }
0x1ba: {  	v24 =	vadd.s32 $0x80, v59;
	v29 =	vld [tilespmem:s3+$0xB0]  }
0x1bb: {  	v28 =	vadd.s32 $0x80, v28;
	v61 =	vld [tilespmem:s30+$0xC0]  }
0x1bc: {  	v26 =	vadd.s32 $0x80, v26;
	v25 =	vld.idx.msk [tilespmem:v25+s4+$0x0], $0xffff  }
0x1bd: {  	v30 =	vadd.s32 $0x80, v30;
	v27 =	vld.idx.msk [tilespmem:v27+s4+$0x0], $0xffff  }
0x1be: {  	s13 =	sld [smem:$0x7EC];
	v31 =	vadd.s32 $0x80, v31  }
0x1bf: {  	v24 =	vld.idx.msk [tilespmem:v24+s4+$0x0], $0xffff;
	v29 =	vadd.s32 $0x80, v29  }
0x1c0: {  	s17 =	sld [smem:$0x7EE];
	v32 =	vadd.s32 $0x80, v60;
	v28 =	vld.idx.msk [tilespmem:v28+s4+$0x0], $0xffff  }
0x1c1: {  	s21 =	smov.u32 s13;
	s13 =	sld [smem:$0x7EF];
	v33 =	vadd.s32 $0x80, v61;
	v26 =	vld.idx.msk [tilespmem:v26+s4+$0x0], $0xffff  }
0x1c2: {  	v30 =	vld.idx.msk [tilespmem:v30+s4+$0x0], $0xffff;
	v25 =	vand.u32 $0xFFFF, v25;
	v27 =	vshll.u32 v27, $0x10  }
0x1c3: {  	s18 =	smov.u32 s17;
	s17 =	rddreg [dreg:$0x1c];
	v31 =	vld.idx.msk [tilespmem:v31+s4+$0x0], $0xffff;
	v25 =	vor.u32 v25, v27  }
0x1c4: {  	s19 =	smov.u32 s13;
	s13 =	smov.u32 s22;
	v29 =	vld.idx.msk [tilespmem:v29+s4+$0x0], $0xffff;
	[tilespmem:s22+$0x430] =	vst v25;
	s22 =	sld [smem:$0x7F1]  }
0x1c5: {  	s14 =	sld [smem:$0x7F2];
	v32 =	vld.idx.msk [tilespmem:v32+s4+$0x0], $0xffff;
	v24 =	vand.u32 $0xFFFF, v24;
	v28 =	vshll.u32 v28, $0x10  }
0x1c6: {  	s20 =	sld [smem:$0x7F0];
	v24 =	vor.u32 v24, v28;
	v27 =	vld.idx.msk [tilespmem:v33+s4+$0x0], $0xffff  }
0x1c7: {  	s24 =	sadd.s32 $0x2, s24;
	v25 =	vld [tilespmem:s17+$0x4180];
	[tilespmem:s26+$0x400] =	vst v24;
	s10 =	smov.u32 s22;
	s22 =	sld [smem:$0x7F3]  }
0x1c8: {  	p1 =	slt.u32 s24, $0x3E;
	s9 =	smov.u32 s5;
	s5 =	sor.u32 $0x420, s2;
	v24 =	vand.u32 $0xFFFF, v26;
	v26 =	vshll.u32 v30, $0x10;
	v62 =	vld [tilespmem:s14+$0x4180]  }
.Ltmp0:
0x1c9: {  	s17 =	smov.u32 s20;
	s20 =	rddreg [dreg:$0x10];
	v30 =	vand.u32 $0xFFFF, v31;
	v28 =	vld [tilespmem:s11+$0x4180];
	v24 =	vor.u32 v24, v26;
	v26 =	vshll.u32 v29, $0x10;
	(pc) =	sbr.rel @p1 .LBB2_2-.Ltmp0, $4  }
0x1ca: {  	s14 =	smov.u32 s20;
	v29 =	vld [tilespmem:s12+$0x4180];
	[tilespmem:s25+$0x410] =	vst v24;
	v24 =	vor.u32 v30, v26;
	s20 =	smov.u32 s22;
	s22 =	rddreg [dreg:$0x18]  }
0x1cb: {  	v26 =	vld [tilespmem:s5+$0x4180];
	[tilespmem:s29+$0x30] =	vst v24;
	s11 =	smov.u32 s22;
	s22 =	rddreg [dreg:$0x14]  }
0x1cc: {  	v31 =	vand.u32 $0xFFFF, v32;
	v63 =	vshll.u32 v27, $0x10;
	v30 =	vld [tilespmem:s3+$0x40];
	s12 =	smov.u32 s22;
	s22 =	sor.u32 $0x420, s16  }
0x1cd: {  	p0 =	por !p0, !p0;
	s15 =	smov.u32 s31;
	v31 =	vor.u32 v31, v63;
	v24 =	vadd.s32 $0x80, v25;
	v25 =	vadd.s32 $0x80, v62;
	v27 =	vld [tilespmem:s22+$0x4180]  }
0x1ce: {  	v32 =	vld [tilespmem:s3+$0xC0];
	_ =	sdelay $0x3  }
0x1cf: {  	v30 =	vadd.s32 $0x80, v30  }
0x1d0: {  	v32 =	vadd.s32 $0x80, v32;
	_ =	sdelay $0x3  }
0x1d1: {  	v30 =	vld.idx.msk [tilespmem:v30+s4+$0x0], $0xffff  }
0x1d2: {  	v32 =	vld.idx.msk [tilespmem:v32+s4+$0x0], $0xffff;
	_ =	sdelay $0x4  }
0x1d3: {  	[tilespmem:s28+$0x40] =	vst v31;
	v30 =	vand.u32 $0xFFFF, v30;
	v31 =	vshll.u32 v32, $0x10  }
0x1d4: {  	v49 =	vld [tilespmem:s30+$0x50];
	v30 =	vor.u32 v30, v31  }
0x1d5: {  	v31 =	vld [tilespmem:s30+$0xD0];
	[tilespmem:s29+$0x40] =	vst v30  }
0x1d6: {  	v30 =	vld [tilespmem:s3+$0x50]  }
0x1d7: {  	v33 =	vld [tilespmem:s3+$0xD0];
	_ =	sdelay $0x1  }
0x1d8: {  	v32 =	vadd.s32 $0x80, v49  }
0x1d9: {  	v31 =	vadd.s32 $0x80, v31  }
0x1da: {  	v30 =	vadd.s32 $0x80, v30  }
0x1db: {  	v33 =	vadd.s32 $0x80, v33;
	_ =	sdelay $0x1  }
0x1dc: {  	v32 =	vld.idx.msk [tilespmem:v32+s4+$0x0], $0xffff  }
0x1dd: {  	v31 =	vld.idx.msk [tilespmem:v31+s4+$0x0], $0xffff  }
0x1de: {  	v30 =	vld.idx.msk [tilespmem:v30+s4+$0x0], $0xffff  }
0x1df: {  	v33 =	vld.idx.msk [tilespmem:v33+s4+$0x0], $0xffff;
	_ =	sdelay $0x2  }
0x1e0: {  	v32 =	vand.u32 $0xFFFF, v32;
	v31 =	vshll.u32 v31, $0x10  }
0x1e1: {  	v31 =	vor.u32 v32, v31  }
0x1e2: {  	[tilespmem:s28+$0x50] =	vst v31;
	v30 =	vand.u32 $0xFFFF, v30;
	v31 =	vshll.u32 v33, $0x10  }
0x1e3: {  	v50 =	vld [tilespmem:s30+$0x60];
	v30 =	vor.u32 v30, v31  }
0x1e4: {  	v31 =	vld [tilespmem:s30+$0xE0];
	[tilespmem:s29+$0x50] =	vst v30  }
0x1e5: {  	v30 =	vld [tilespmem:s3+$0x60]  }
0x1e6: {  	v51 =	vld [tilespmem:s3+$0xE0];
	_ =	sdelay $0x1  }
0x1e7: {  	v32 =	vadd.s32 $0x80, v50  }
0x1e8: {  	v31 =	vadd.s32 $0x80, v31  }
0x1e9: {  	v30 =	vadd.s32 $0x80, v30  }
0x1ea: {  	v33 =	vadd.s32 $0x80, v51;
	_ =	sdelay $0x1  }
0x1eb: {  	v32 =	vld.idx.msk [tilespmem:v32+s4+$0x0], $0xffff  }
0x1ec: {  	v31 =	vld.idx.msk [tilespmem:v31+s4+$0x0], $0xffff  }
0x1ed: {  	v30 =	vld.idx.msk [tilespmem:v30+s4+$0x0], $0xffff  }
0x1ee: {  	v33 =	vld.idx.msk [tilespmem:v33+s4+$0x0], $0xffff;
	_ =	sdelay $0x2  }
0x1ef: {  	v32 =	vand.u32 $0xFFFF, v32;
	v31 =	vshll.u32 v31, $0x10  }
0x1f0: {  	v31 =	vor.u32 v32, v31  }
0x1f1: {  	[tilespmem:s28+$0x60] =	vst v31;
	v30 =	vand.u32 $0xFFFF, v30;
	v31 =	vshll.u32 v33, $0x10  }
0x1f2: {  	v52 =	vld [tilespmem:s30+$0x70];
	v30 =	vor.u32 v30, v31  }
0x1f3: {  	v31 =	vld [tilespmem:s30+$0xF0];
	[tilespmem:s29+$0x60] =	vst v30  }
0x1f4: {  	v30 =	vld [tilespmem:s3+$0x70]  }
0x1f5: {  	v53 =	vld [tilespmem:s3+$0xF0];
	_ =	sdelay $0x1  }
0x1f6: {  	v32 =	vadd.s32 $0x80, v52  }
0x1f7: {  	v31 =	vadd.s32 $0x80, v31  }
0x1f8: {  	v30 =	vadd.s32 $0x80, v30  }
0x1f9: {  	v33 =	vadd.s32 $0x80, v53;
	_ =	sdelay $0x1  }
0x1fa: {  	v32 =	vld.idx.msk [tilespmem:v32+s4+$0x0], $0xffff  }
0x1fb: {  	v31 =	vld.idx.msk [tilespmem:v31+s4+$0x0], $0xffff  }
0x1fc: {  	v30 =	vld.idx.msk [tilespmem:v30+s4+$0x0], $0xffff  }
0x1fd: {  	s0 =	sadd.s32 $0x2, s6;
	v33 =	vld.idx.msk [tilespmem:v33+s4+$0x0], $0xffff  }
0x1fe: {  	s0 =	sand.u32 $0x3, s0  }
0x1ff: {  	s0 =	sshll.u32 s0, $0x8  }
0x200: {  	s0 =	sadd.s32 s0, s15;
	v32 =	vand.u32 $0xFFFF, v32;
	v31 =	vshll.u32 v31, $0x10  }
0x201: {  	s1 =	sadd.s32 $0x100, s0;
	v31 =	vor.u32 v32, v31  }
0x202: {  	s0 =	sadd.s32 $0x180, s0;
	s5 =	sor.u32 $0x400, s1;
	[tilespmem:s28+$0x70] =	vst v31;
	v30 =	vand.u32 $0xFFFF, v30;
	v31 =	vshll.u32 v33, $0x10  }
0x203: {  	s6 =	sor.u32 $0x400, s0;
	v54 =	vld [tilespmem:s5+$0x4180];
	v30 =	vor.u32 v30, v31  }
0x204: {  	v31 =	vld [tilespmem:s6+$0x4180];
	[tilespmem:s29+$0x70] =	vst v30  }
0x205: {  	v30 =	vld [tilespmem:s18+$0x4180]  }
0x206: {  	v55 =	vld [tilespmem:s19+$0x4180];
	_ =	sdelay $0x1  }
0x207: {  	v32 =	vadd.s32 $0x80, v54  }
0x208: {  	v31 =	vadd.s32 $0x80, v31  }
0x209: {  	v30 =	vadd.s32 $0x80, v30  }
0x20a: {  	v33 =	vadd.s32 $0x80, v55;
	_ =	sdelay $0x1  }
0x20b: {  	v32 =	vld.idx.msk [tilespmem:v32+s4+$0x0], $0xffff  }
0x20c: {  	v31 =	vld.idx.msk [tilespmem:v31+s4+$0x0], $0xffff  }
0x20d: {  	v30 =	vld.idx.msk [tilespmem:v30+s4+$0x0], $0xffff  }
0x20e: {  	v33 =	vld.idx.msk [tilespmem:v33+s4+$0x0], $0xffff;
	_ =	sdelay $0x2  }
0x20f: {  	v32 =	vand.u32 $0xFFFF, v32;
	v31 =	vshll.u32 v31, $0x10  }
0x210: {  	v31 =	vor.u32 v32, v31  }
0x211: {  	s15 =	sor.u32 $0x410, s1;
	[tilespmem:s28+$0x400] =	vst v31;
	v30 =	vand.u32 $0xFFFF, v30;
	v31 =	vshll.u32 v33, $0x10  }
0x212: {  	s18 =	sor.u32 $0x410, s0;
	v56 =	vld [tilespmem:s15+$0x4180];
	v30 =	vor.u32 v30, v31  }
0x213: {  	v31 =	vld [tilespmem:s18+$0x4180];
	[tilespmem:s29+$0x400] =	vst v30  }
0x214: {  	v28 =	vadd.s32 $0x80, v28;
	v30 =	vld [tilespmem:s11+$0x4180]  }
0x215: {  	v29 =	vadd.s32 $0x80, v29;
	v57 =	vld [tilespmem:s12+$0x4180];
	_ =	sdelay $0x1  }
0x216: {  	v32 =	vadd.s32 $0x80, v56  }
0x217: {  	v31 =	vadd.s32 $0x80, v31  }
0x218: {  	v28 =	vld.idx.msk [tilespmem:v28+s4+$0x0], $0xffff;
	v30 =	vadd.s32 $0x80, v30  }
0x219: {  	v29 =	vld.idx.msk [tilespmem:v29+s4+$0x0], $0xffff;
	v33 =	vadd.s32 $0x80, v57;
	_ =	sdelay $0x1  }
0x21a: {  	v32 =	vld.idx.msk [tilespmem:v32+s4+$0x0], $0xffff  }
0x21b: {  	v31 =	vld.idx.msk [tilespmem:v31+s4+$0x0], $0xffff  }
0x21c: {  	v30 =	vld.idx.msk [tilespmem:v30+s4+$0x0], $0xffff  }
0x21d: {  	v28 =	vand.u32 $0xFFFF, v28;
	v29 =	vshll.u32 v29, $0x10;
	v33 =	vld.idx.msk [tilespmem:v33+s4+$0x0], $0xffff  }
0x21e: {  	v28 =	vor.u32 v28, v29  }
0x21f: {  	[tilespmem:s26+$0x410] =	vst v28  }
0x220: {  	s19 =	rddreg [dreg:$0x8];
	v28 =	vand.u32 $0xFFFF, v32;
	v29 =	vshll.u32 v31, $0x10  }
0x221: {  	s22 =	rddreg [dreg:$0x4];
	v31 =	vld [tilespmem:s19+$0x4180];
	v28 =	vor.u32 v28, v29  }
0x222: {  	s24 =	sor.u32 $0x420, s1;
	v29 =	vld [tilespmem:s22+$0x4180];
	[tilespmem:s28+$0x410] =	vst v28;
	v28 =	vand.u32 $0xFFFF, v30;
	v30 =	vshll.u32 v33, $0x10  }
0x223: {  	v26 =	vadd.s32 $0x80, v26;
	s5 =	sor.u32 $0x420, s0;
	v58 =	vld [tilespmem:s24+$0x4180];
	v28 =	vor.u32 v28, v30  }
0x224: {  	v27 =	vadd.s32 $0x80, v27;
	v30 =	vld [tilespmem:s5+$0x4180];
	[tilespmem:s29+$0x410] =	vst v28  }
0x225: {  	s6 =	rddreg [dreg:$0xc];
	v59 =	vld [tilespmem:s9+$0x4180]  }
0x226: {  	v31 =	vadd.s32 $0x80, v31;
	v28 =	vld [tilespmem:s6+$0x4180]  }
0x227: {  	v29 =	vadd.s32 $0x80, v29  }
0x228: {  	v26 =	vld.idx.msk [tilespmem:v26+s4+$0x0], $0xffff;
	v32 =	vadd.s32 $0x80, v58  }
0x229: {  	v27 =	vld.idx.msk [tilespmem:v27+s4+$0x0], $0xffff;
	v30 =	vadd.s32 $0x80, v30  }
0x22a: {  	v33 =	vadd.s32 $0x80, v59  }
0x22b: {  	v31 =	vld.idx.msk [tilespmem:v31+s4+$0x0], $0xffff;
	v28 =	vadd.s32 $0x80, v28  }
0x22c: {  	v29 =	vld.idx.msk [tilespmem:v29+s4+$0x0], $0xffff  }
0x22d: {  	v32 =	vld.idx.msk [tilespmem:v32+s4+$0x0], $0xffff  }
0x22e: {  	v26 =	vand.u32 $0xFFFF, v26;
	v27 =	vshll.u32 v27, $0x10;
	v30 =	vld.idx.msk [tilespmem:v30+s4+$0x0], $0xffff  }
0x22f: {  	v26 =	vor.u32 v26, v27;
	v27 =	vld.idx.msk [tilespmem:v33+s4+$0x0], $0xffff  }
0x230: {  	v28 =	vld.idx.msk [tilespmem:v28+s4+$0x0], $0xffff  }
0x231: {  	[tilespmem:s25+$0x420] =	vst v26;
	s9 =	sor.u32 $0x430, s2;
	v26 =	vand.u32 $0xFFFF, v31;
	v29 =	vshll.u32 v29, $0x10  }
0x232: {  	s11 =	sor.u32 $0x430, s16;
	v31 =	vld [tilespmem:s9+$0x4180];
	v26 =	vor.u32 v26, v29  }
0x233: {  	v29 =	vld [tilespmem:s11+$0x4180];
	[tilespmem:s26+$0x420] =	vst v26;
	v26 =	vand.u32 $0xFFFF, v32;
	v30 =	vshll.u32 v30, $0x10  }
0x234: {  	v60 =	vld [tilespmem:s23+$0x4180];
	v26 =	vor.u32 v26, v30  }
0x235: {  	s12 =	sor.u32 $0x430, s1;
	v30 =	vld [tilespmem:s21+$0x4180];
	[tilespmem:s28+$0x420] =	vst v26;
	v27 =	vshll.u32 v27, $0x10;
	v26 =	vand.u32 $0xFFFF, v28  }
0x236: {  	s15 =	sor.u32 $0x430, s0;
	v28 =	vld [tilespmem:s12+$0x4180];
	v26 =	vor.u32 v26, v27  }
0x237: {  	v27 =	vadd.s32 $0x80, v31;
	v31 =	vld [tilespmem:s15+$0x4180];
	[tilespmem:s29+$0x420] =	vst v26  }
0x238: {  	v26 =	vadd.s32 $0x80, v29;
	v29 =	vld [tilespmem:s8+$0x4180]  }
0x239: {  	v32 =	vadd.s32 $0x80, v60;
	v61 =	vld [tilespmem:s7+$0x4180]  }
0x23a: {  	v30 =	vadd.s32 $0x80, v30  }
0x23b: {  	v28 =	vadd.s32 $0x80, v28  }
0x23c: {  	v27 =	vld.idx.msk [tilespmem:v27+s4+$0x0], $0xffff;
	v31 =	vadd.s32 $0x80, v31  }
0x23d: {  	v26 =	vld.idx.msk [tilespmem:v26+s4+$0x0], $0xffff;
	v29 =	vadd.s32 $0x80, v29  }
0x23e: {  	v32 =	vld.idx.msk [tilespmem:v32+s4+$0x0], $0xffff;
	v33 =	vadd.s32 $0x80, v61  }
0x23f: {  	v30 =	vld.idx.msk [tilespmem:v30+s4+$0x0], $0xffff  }
0x240: {  	v28 =	vld.idx.msk [tilespmem:v28+s4+$0x0], $0xffff  }
0x241: {  	v31 =	vld.idx.msk [tilespmem:v31+s4+$0x0], $0xffff  }
0x242: {  	v27 =	vand.u32 $0xFFFF, v27;
	v26 =	vshll.u32 v26, $0x10;
	v29 =	vld.idx.msk [tilespmem:v29+s4+$0x0], $0xffff  }
0x243: {  	v26 =	vor.u32 v27, v26;
	v27 =	vld.idx.msk [tilespmem:v33+s4+$0x0], $0xffff  }
0x244: {  	s18 =	sor.u32 $0x438, s2;
	v30 =	vshll.u32 v30, $0x10;
	[tilespmem:s25+$0x430] =	vst v26;
	v26 =	vand.u32 $0xFFFF, v32  }
0x245: {  	s19 =	sor.u32 $0x438, s16;
	v62 =	vld [tilespmem:s18+$0x4180];
	v26 =	vor.u32 v26, v30  }
0x246: {  	v30 =	vld [tilespmem:s19+$0x4180];
	[tilespmem:s26+$0x430] =	vst v26;
	v26 =	vand.u32 $0xFFFF, v28;
	v28 =	vshll.u32 v31, $0x10  }
0x247: {  	v31 =	vld [tilespmem:s17+$0x4180];
	v26 =	vor.u32 v26, v28  }
0x248: {  	s1 =	sor.u32 $0x438, s1;
	v28 =	vld [tilespmem:s14+$0x4180];
	[tilespmem:s28+$0x430] =	vst v26;
	v26 =	vand.u32 $0xFFFF, v29;
	v27 =	vshll.u32 v27, $0x10  }
0x249: {  	s0 =	sor.u32 $0x438, s0;
	v29 =	vld [tilespmem:s1+$0x4180];
	v26 =	vor.u32 v26, v27  }
0x24a: {  	v63 =	vld [tilespmem:s0+$0x4180];
	v27 =	vadd.s32 $0x80, v62;
	[tilespmem:s29+$0x430] =	vst v26  }
0x24b: {  	v26 =	vadd.s32 $0x80, v30;
	v30 =	vld [tilespmem:s10+$0x4180]  }
0x24c: {  	v36 =	vld [tilespmem:s20+$0x4180];
	v31 =	vadd.s32 $0x80, v31  }
0x24d: {  	v24 =	vld.idx.msk [tilespmem:v24+s4+$0x0], $0xffff;
	v28 =	vadd.s32 $0x80, v28  }
0x24e: {  	v25 =	vld.idx.msk [tilespmem:v25+s4+$0x0], $0xffff;
	v29 =	vadd.s32 $0x80, v29  }
0x24f: {  	v32 =	vadd.s32 $0x80, v63;
	v27 =	vld.idx.msk [tilespmem:v27+s4+$0x0], $0xffff  }
0x250: {  	v26 =	vld.idx.msk [tilespmem:v26+s4+$0x0], $0xffff;
	v30 =	vadd.s32 $0x80, v30  }
0x251: {  	v33 =	vadd.s32 $0x80, v36;
	v31 =	vld.idx.msk [tilespmem:v31+s4+$0x0], $0xffff  }
0x252: {  	v28 =	vld.idx.msk [tilespmem:v28+s4+$0x0], $0xffff  }
0x253: {  	v29 =	vld.idx.msk [tilespmem:v29+s4+$0x0], $0xffff  }
0x254: {  	v32 =	vld.idx.msk [tilespmem:v32+s4+$0x0], $0xffff  }
0x255: {  	v30 =	vld.idx.msk [tilespmem:v30+s4+$0x0], $0xffff  }
0x256: {  	v33 =	vld.idx.msk [tilespmem:v33+s4+$0x0], $0xffff  }
0x257: {  	v24 =	vand.u32 $0xFFFF, v24;
	v25 =	vshll.u32 v25, $0x10  }
0x258: {  	v24 =	vor.u32 v24, v25;
	v25 =	vand.u32 $0xFFFF, v27;
	v26 =	vshll.u32 v26, $0x10  }
0x259: {  	[tilespmem:s13+$0x438] =	vst v24;
	v24 =	vor.u32 v25, v26;
	v25 =	vand.u32 $0xFFFF, v31;
	v26 =	vshll.u32 v28, $0x10  }
0x25a: {  	[tilespmem:s25+$0x438] =	vst v24;
	v24 =	vor.u32 v25, v26;
	v25 =	vand.u32 $0xFFFF, v29;
	v26 =	vshll.u32 v32, $0x10  }
0x25b: {  	[tilespmem:s26+$0x438] =	vst v24;
	v24 =	vor.u32 v25, v26;
	v25 =	vand.u32 $0xFFFF, v30;
	v26 =	vshll.u32 v33, $0x10  }
0x25c: {  	[tilespmem:s28+$0x438] =	vst v24;
	v24 =	vor.u32 v25, v26  }
0x25d: {  	[tilespmem:s29+$0x438] =	vst v24  }
0x25e: {  	s1 =	sld [smem:$0x7F7];
	_ =	sdelay $0x1  }
0x25f: {  	s3 =	simm.s32 $0x400;
	s2 =	simm.s32 $0x200;
	s21 =	simm.s32 $0x14180  }
0x260: {  	[hbm4b:s1+s2] =	stream.strided.scatter [tilespmem:s21], [sflag:$0x3], $0x400, s3, s2, $0x38;
	[tilespmem:$0x1C180] =	vst v63  }
0x261: {  	s5 =	simm.s32 $0x14580;
	s22 =	sadd.s32 $0x40, s1  }
0x262: {  	[hbm4b:s22+s2] =	stream.strided.scatter [tilespmem:s5], [sflag:$0x3], $0x400, s3, s2, $0x38;
	[tilespmem:$0x1C180] =	vst v63  }
0x263: {  	s24 =	simm.s32 $0x14980;
	s23 =	sadd.s32 $0x100, s1  }
0x264: {  	[hbm4b:s23+s2] =	stream.strided.scatter [tilespmem:s24], [sflag:$0x3], $0x400, s3, s2, $0x38;
	[tilespmem:$0x1C180] =	vst v63  }
0x265: {  	s26 =	simm.s32 $0x14D80;
	s25 =	sadd.s32 $0x140, s1  }
0x266: {  	[hbm4b:s25+s2] =	stream.strided.scatter [tilespmem:s26], [sflag:$0x3], $0x400, s3, s2, $0x38;
	[tilespmem:$0x1C180] =	vst v63  }
0x267: {  	s6 =	simm.s32 $0x15180;
	s5 =	sadd.s32 $0x200, s1  }
0x268: {  	[hbm4b:s5+s2] =	stream.strided.scatter [tilespmem:s6], [sflag:$0x3], $0x400, s3, s2, $0x38;
	[tilespmem:$0x1C180] =	vst v63  }
0x269: {  	s8 =	simm.s32 $0x15580;
	s7 =	sadd.s32 $0x240, s1  }
0x26a: {  	[hbm4b:s7+s2] =	stream.strided.scatter [tilespmem:s8], [sflag:$0x3], $0x400, s3, s2, $0x38;
	[tilespmem:$0x1C180] =	vst v63  }
0x26b: {  	s10 =	simm.s32 $0x15980;
	s9 =	sadd.s32 $0x300, s1  }
0x26c: {  	[hbm4b:s9+s2] =	stream.strided.scatter [tilespmem:s10], [sflag:$0x3], $0x400, s3, s2, $0x38;
	[tilespmem:$0x1C180] =	vst v63  }
0x26d: {  	s12 =	simm.s32 $0x15D80;
	s11 =	sadd.s32 $0x340, s1  }
0x26e: {  	[hbm4b:s11+s2] =	stream.strided.scatter [tilespmem:s12], [sflag:$0x3], $0x400, s3, s2, $0x38;
	[tilespmem:$0x1C180] =	vst v63  }
0x26f: {  	s14 =	simm.s32 $0x16180;
	s13 =	sadd.s32 $0x400, s1  }
0x270: {  	[hbm4b:s13+s2] =	stream.strided.scatter [tilespmem:s14], [sflag:$0x3], $0x400, s3, s2, $0x38;
	[tilespmem:$0x1C180] =	vst v63  }
0x271: {  	s16 =	simm.s32 $0x16580;
	s15 =	sadd.s32 $0x440, s1  }
0x272: {  	[hbm4b:s15+s2] =	stream.strided.scatter [tilespmem:s16], [sflag:$0x3], $0x400, s3, s2, $0x38;
	[tilespmem:$0x1C180] =	vst v63  }
0x273: {  	s18 =	simm.s32 $0x16980;
	s17 =	sadd.s32 $0x500, s1  }
0x274: {  	[hbm4b:s17+s2] =	stream.strided.scatter [tilespmem:s18], [sflag:$0x3], $0x400, s3, s2, $0x38;
	[tilespmem:$0x1C180] =	vst v63  }
0x275: {  	s20 =	simm.s32 $0x16D80;
	s19 =	sadd.s32 $0x540, s1  }
0x276: {  	[hbm4b:s19+s2] =	stream.strided.scatter [tilespmem:s20], [sflag:$0x3], $0x400, s3, s2, $0x38;
	[tilespmem:$0x1C180] =	vst v63  }
0x277: {  	s21 =	sadd.s32 $0x600, s1;
	s22 =	simm.s32 $0x17180  }
0x278: {  	[hbm4b:s21+s2] =	stream.strided.scatter [tilespmem:s22], [sflag:$0x3], $0x400, s3, s2, $0x38;
	[tilespmem:$0x1C180] =	vst v63  }
0x279: {  	s23 =	sadd.s32 $0x640, s1;
	s24 =	simm.s32 $0x17580  }
0x27a: {  	[hbm4b:s23+s2] =	stream.strided.scatter [tilespmem:s24], [sflag:$0x3], $0x400, s3, s2, $0x38;
	[tilespmem:$0x1C180] =	vst v63  }
0x27b: {  	s25 =	sadd.s32 $0x700, s1;
	s26 =	simm.s32 $0x17980  }
0x27c: {  	[hbm4b:s25+s2] =	stream.strided.scatter [tilespmem:s26], [sflag:$0x3], $0x400, s3, s2, $0x38;
	[tilespmem:$0x1C180] =	vst v63  }
0x27d: {  	s6 =	sadd.s32 $0x740, s1;
	s7 =	simm.s32 $0x17D80;
	s8 =	sld [smem:$0x7F8]  }
0x27e: {  	[hbm4b:s6+s2] =	stream.strided.scatter [tilespmem:s7], [sflag:$0x3], $0x400, s3, s2, $0x38;
	[tilespmem:$0x1C180] =	vst v63  }
0x27f: {  	s1 =	simm.s32 $0x0;
	s9 =	simm.s32 $0x4180;
	s10 =	simm.s32 $0x2  }
0x280: {  	[tilespmem:s9], [sflag:$0x1] =	stream.linear.gather [hbm4b:s8+s1], $0x8000, $0x38;
	[tilespmem:$0x1C180] =	vst v63  }
0x281: {  	s11 =	simm.s32 $0x100;
	s12 =	sand.u32 $0x7800, s1;
	_ =	swait.ge [sflag:s10], $0x8000  }
0x282: {  	s0 =	sand.u32 $0x300, s11;
	s2 =	sadd.s32 $0xC180, s12;
	[sflag:s10] =	ssyncset.done $0x0  }
0x283: {  	s13 =	sadd.s32 s0, s2;
	[sflag:s10] =	ssyncadd.s32 $0xFFFF8000  }
0x284: {  	v24 =	vld [tilespmem:s13+$0x0]  }
0x285: {  	v25 =	vld [tilespmem:s13+$0x80];
	_ =	sdelay $0x3  }
0x286: {  	v24 =	vadd.s32 $0x80, v24  }
0x287: {  	v25 =	vadd.s32 $0x80, v25;
	_ =	sdelay $0x3  }
0x288: {  	v24 =	vld.idx.msk [tilespmem:v24+s4+$0x0], $0xffff  }
0x289: {  	v25 =	vld.idx.msk [tilespmem:v25+s4+$0x0], $0xffff;
	_ =	sdelay $0x2  }
0x28a: {  	s14 =	simm.s32 $0x0  }
0x28b: {  	s16 =	simm.s32 $0x80;
	s17 =	sand.u32 $0x3800, s14  }
0x28c: {  	s5 =	sand.u32 $0x380, s16;
	s6 =	sor.u32 $0x18180, s17;
	v24 =	vand.u32 $0xFFFF, v24;
	v25 =	vshll.u32 v25, $0x10  }
0x28d: {  	s15 =	sadd.s32 s5, s6;
	v24 =	vor.u32 v24, v25  }
0x28e: {  	[tilespmem:s15+$0x0] =	vst v24  }
0x28f: {  	v24 =	vld [tilespmem:s13+$0x10]  }
0x290: {  	v25 =	vld [tilespmem:s13+$0x90];
	_ =	sdelay $0x2  }
0x291: {  	s0 =	sand.u32 $0x200, s14  }
0x292: {  	s0 =	sor.u32 s0, s2;
	v24 =	vadd.s32 $0x80, v24  }
0x293: {  	v26 =	vld [tilespmem:s0+$0x0];
	v25 =	vadd.s32 $0x80, v25  }
0x294: {  	v27 =	vld [tilespmem:s0+$0x80];
	_ =	sdelay $0x2  }
0x295: {  	v24 =	vld.idx.msk [tilespmem:v24+s4+$0x0], $0xffff  }
0x296: {  	v26 =	vadd.s32 $0x80, v26;
	v25 =	vld.idx.msk [tilespmem:v25+s4+$0x0], $0xffff  }
0x297: {  	v27 =	vadd.s32 $0x80, v27;
	_ =	sdelay $0x3  }
0x298: {  	v26 =	vld.idx.msk [tilespmem:v26+s4+$0x0], $0xffff;
	v24 =	vand.u32 $0xFFFF, v24;
	v25 =	vshll.u32 v25, $0x10  }
0x299: {  	v27 =	vld.idx.msk [tilespmem:v27+s4+$0x0], $0xffff;
	v24 =	vor.u32 v24, v25  }
0x29a: {  	[tilespmem:s15+$0x10] =	vst v24  }
0x29b: {  	v24 =	vld [tilespmem:s13+$0x20]  }
0x29c: {  	v25 =	vld [tilespmem:s13+$0xA0]  }
0x29d: {  	s18 =	simm.s32 $0x0  }
0x29e: {  	s2 =	sand.u32 $0x300, s18;
	v26 =	vand.u32 $0xFFFF, v26;
	v27 =	vshll.u32 v27, $0x10  }
0x29f: {  	s14 =	sadd.s32 s2, s6;
	v26 =	vor.u32 v26, v27  }
0x2a0: {  	[tilespmem:s14+$0x0] =	vst v26;
	v24 =	vadd.s32 $0x80, v24  }
0x2a1: {  	v26 =	vld [tilespmem:s0+$0x10];
	v25 =	vadd.s32 $0x80, v25  }
0x2a2: {  	v27 =	vld [tilespmem:s0+$0x90];
	_ =	sdelay $0x2  }
0x2a3: {  	v24 =	vld.idx.msk [tilespmem:v24+s4+$0x0], $0xffff  }
0x2a4: {  	v26 =	vadd.s32 $0x80, v26;
	v25 =	vld.idx.msk [tilespmem:v25+s4+$0x0], $0xffff  }
0x2a5: {  	v27 =	vadd.s32 $0x80, v27;
	_ =	sdelay $0x3  }
0x2a6: {  	v26 =	vld.idx.msk [tilespmem:v26+s4+$0x0], $0xffff;
	v24 =	vand.u32 $0xFFFF, v24;
	v25 =	vshll.u32 v25, $0x10  }
0x2a7: {  	v27 =	vld.idx.msk [tilespmem:v27+s4+$0x0], $0xffff;
	v24 =	vor.u32 v24, v25  }
0x2a8: {  	[tilespmem:s15+$0x20] =	vst v24  }
0x2a9: {  	v24 =	vld [tilespmem:s13+$0x30]  }
0x2aa: {  	v25 =	vld [tilespmem:s13+$0xB0];
	_ =	sdelay $0x1  }
0x2ab: {  	v26 =	vand.u32 $0xFFFF, v26;
	v27 =	vshll.u32 v27, $0x10  }
0x2ac: {  	v26 =	vor.u32 v26, v27  }
0x2ad: {  	[tilespmem:s14+$0x10] =	vst v26;
	v24 =	vadd.s32 $0x80, v24  }
0x2ae: {  	v26 =	vld [tilespmem:s0+$0x20];
	v25 =	vadd.s32 $0x80, v25  }
0x2af: {  	v27 =	vld [tilespmem:s0+$0xA0];
	_ =	sdelay $0x2  }
0x2b0: {  	v24 =	vld.idx.msk [tilespmem:v24+s4+$0x0], $0xffff  }
0x2b1: {  	v26 =	vadd.s32 $0x80, v26;
	v25 =	vld.idx.msk [tilespmem:v25+s4+$0x0], $0xffff  }
0x2b2: {  	v27 =	vadd.s32 $0x80, v27;
	_ =	sdelay $0x3  }
0x2b3: {  	v26 =	vld.idx.msk [tilespmem:v26+s4+$0x0], $0xffff;
	v24 =	vand.u32 $0xFFFF, v24;
	v25 =	vshll.u32 v25, $0x10  }
0x2b4: {  	v27 =	vld.idx.msk [tilespmem:v27+s4+$0x0], $0xffff;
	v24 =	vor.u32 v24, v25  }
0x2b5: {  	[tilespmem:s15+$0x30] =	vst v24  }
0x2b6: {  	v24 =	vld [tilespmem:s13+$0x40]  }
0x2b7: {  	v25 =	vld [tilespmem:s13+$0xC0];
	_ =	sdelay $0x1  }
0x2b8: {  	v26 =	vand.u32 $0xFFFF, v26;
	v27 =	vshll.u32 v27, $0x10  }
0x2b9: {  	v26 =	vor.u32 v26, v27  }
0x2ba: {  	[tilespmem:s14+$0x20] =	vst v26;
	v24 =	vadd.s32 $0x80, v24  }
0x2bb: {  	v26 =	vld [tilespmem:s0+$0x30];
	v25 =	vadd.s32 $0x80, v25  }
0x2bc: {  	v27 =	vld [tilespmem:s0+$0xB0];
	_ =	sdelay $0x2  }
0x2bd: {  	v24 =	vld.idx.msk [tilespmem:v24+s4+$0x0], $0xffff  }
0x2be: {  	v26 =	vadd.s32 $0x80, v26;
	v25 =	vld.idx.msk [tilespmem:v25+s4+$0x0], $0xffff  }
0x2bf: {  	v27 =	vadd.s32 $0x80, v27;
	_ =	sdelay $0x3  }
0x2c0: {  	v26 =	vld.idx.msk [tilespmem:v26+s4+$0x0], $0xffff;
	v24 =	vand.u32 $0xFFFF, v24;
	v25 =	vshll.u32 v25, $0x10  }
0x2c1: {  	v27 =	vld.idx.msk [tilespmem:v27+s4+$0x0], $0xffff;
	v24 =	vor.u32 v24, v25  }
0x2c2: {  	[tilespmem:s15+$0x40] =	vst v24  }
0x2c3: {  	s19 =	simm.s32 $0x400;
	v24 =	vld [tilespmem:s13+$0x50]  }
0x2c4: {  	s20 =	simm.s32 $0x300;
	s2 =	sand.u32 $0x7800, s19;
	v25 =	vld [tilespmem:s13+$0xD0]  }
0x2c5: {  	s22 =	sand.u32 $0x300, s20;
	s21 =	sadd.s32 $0xC180, s2  }
0x2c6: {  	s2 =	sadd.s32 s22, s21;
	v26 =	vand.u32 $0xFFFF, v26;
	v27 =	vshll.u32 v27, $0x10  }
0x2c7: {  	v26 =	vor.u32 v26, v27;
	v27 =	vld [tilespmem:s2+$0x0]  }
0x2c8: {  	[tilespmem:s14+$0x30] =	vst v26;
	v26 =	vld [tilespmem:s2+$0x80];
	v24 =	vadd.s32 $0x80, v24  }
0x2c9: {  	v28 =	vld [tilespmem:s0+$0x40];
	v25 =	vadd.s32 $0x80, v25  }
0x2ca: {  	v29 =	vld [tilespmem:s0+$0xC0];
	_ =	sdelay $0x1  }
0x2cb: {  	v27 =	vadd.s32 $0x80, v27  }
0x2cc: {  	v26 =	vadd.s32 $0x80, v26;
	v24 =	vld.idx.msk [tilespmem:v24+s4+$0x0], $0xffff  }
0x2cd: {  	v28 =	vadd.s32 $0x80, v28;
	v25 =	vld.idx.msk [tilespmem:v25+s4+$0x0], $0xffff  }
0x2ce: {  	v29 =	vadd.s32 $0x80, v29;
	_ =	sdelay $0x1  }
0x2cf: {  	v27 =	vld.idx.msk [tilespmem:v27+s4+$0x0], $0xffff  }
0x2d0: {  	v26 =	vld.idx.msk [tilespmem:v26+s4+$0x0], $0xffff  }
0x2d1: {  	v28 =	vld.idx.msk [tilespmem:v28+s4+$0x0], $0xffff;
	v24 =	vand.u32 $0xFFFF, v24;
	v25 =	vshll.u32 v25, $0x10  }
0x2d2: {  	v29 =	vld.idx.msk [tilespmem:v29+s4+$0x0], $0xffff;
	v24 =	vor.u32 v24, v25  }
0x2d3: {  	s23 =	simm.s32 $0x200;
	[tilespmem:s15+$0x50] =	vst v24  }
0x2d4: {  	s24 =	sand.u32 $0x200, s23;
	s25 =	sand.u32 $0x3800, s23;
	s26 =	simm.s32 $0x180;
	v24 =	vld [tilespmem:s13+$0x60]  }
0x2d5: {  	s8 =	sor.u32 $0x18180, s25;
	s5 =	sor.u32 s24, s21;
	s10 =	sand.u32 $0x380, s26;
	v26 =	vshll.u32 v26, $0x10;
	v25 =	vand.u32 $0xFFFF, v27;
	v27 =	vld [tilespmem:s13+$0xE0]  }
0x2d6: {  	v30 =	vld [tilespmem:s5+$0x0];
	s25 =	sadd.s32 s10, s8;
	v25 =	vor.u32 v25, v26  }
0x2d7: {  	v26 =	vand.u32 $0xFFFF, v28;
	v28 =	vshll.u32 v29, $0x10;
	v29 =	vld [tilespmem:s5+$0x80];
	[tilespmem:s25+$0x0] =	vst v25  }
0x2d8: {  	v25 =	vor.u32 v26, v28;
	v26 =	vld [tilespmem:s2+$0x10]  }
0x2d9: {  	[tilespmem:s14+$0x40] =	vst v25;
	v25 =	vld [tilespmem:s2+$0x90];
	v24 =	vadd.s32 $0x80, v24  }
0x2da: {  	v28 =	vld [tilespmem:s0+$0x50];
	v27 =	vadd.s32 $0x80, v27  }
0x2db: {  	v30 =	vadd.s32 $0x80, v30;
	v31 =	vld [tilespmem:s0+$0xD0]  }
0x2dc: {  	v29 =	vadd.s32 $0x80, v29  }
0x2dd: {  	v26 =	vadd.s32 $0x80, v26  }
0x2de: {  	v25 =	vadd.s32 $0x80, v25;
	v24 =	vld.idx.msk [tilespmem:v24+s4+$0x0], $0xffff  }
0x2df: {  	v28 =	vadd.s32 $0x80, v28;
	v27 =	vld.idx.msk [tilespmem:v27+s4+$0x0], $0xffff  }
0x2e0: {  	v30 =	vld.idx.msk [tilespmem:v30+s4+$0x0], $0xffff;
	v31 =	vadd.s32 $0x80, v31  }
0x2e1: {  	v29 =	vld.idx.msk [tilespmem:v29+s4+$0x0], $0xffff  }
0x2e2: {  	v26 =	vld.idx.msk [tilespmem:v26+s4+$0x0], $0xffff  }
0x2e3: {  	v25 =	vld.idx.msk [tilespmem:v25+s4+$0x0], $0xffff  }
0x2e4: {  	v28 =	vld.idx.msk [tilespmem:v28+s4+$0x0], $0xffff;
	v24 =	vand.u32 $0xFFFF, v24;
	v27 =	vshll.u32 v27, $0x10  }
0x2e5: {  	s11 =	simm.s32 $0x100;
	v31 =	vld.idx.msk [tilespmem:v31+s4+$0x0], $0xffff;
	v24 =	vor.u32 v24, v27  }
0x2e6: {  	s7 =	sand.u32 $0x300, s11;
	v29 =	vshll.u32 v29, $0x10;
	v27 =	vand.u32 $0xFFFF, v30;
	[tilespmem:s15+$0x60] =	vst v24  }
0x2e7: {  	s26 =	sadd.s32 s7, s8;
	v24 =	vor.u32 v27, v29;
	v27 =	vld [tilespmem:s13+$0x70]  }
0x2e8: {  	v25 =	vshll.u32 v25, $0x10;
	[tilespmem:s26+$0x0] =	vst v24;
	v24 =	vand.u32 $0xFFFF, v26;
	v26 =	vld [tilespmem:s13+$0xF0]  }
0x2e9: {  	v29 =	vld [tilespmem:s5+$0x10];
	v24 =	vor.u32 v24, v25  }
0x2ea: {  	v25 =	vand.u32 $0xFFFF, v28;
	v28 =	vshll.u32 v31, $0x10;
	v30 =	vld [tilespmem:s5+$0x90];
	[tilespmem:s25+$0x10] =	vst v24  }
0x2eb: {  	v24 =	vor.u32 v25, v28;
	v25 =	vld [tilespmem:s2+$0x20]  }
0x2ec: {  	[tilespmem:s14+$0x50] =	vst v24;
	v24 =	vld [tilespmem:s2+$0xA0];
	v27 =	vadd.s32 $0x80, v27  }
0x2ed: {  	v28 =	vld [tilespmem:s0+$0x60];
	v26 =	vadd.s32 $0x80, v26  }
0x2ee: {  	v31 =	vld [tilespmem:s0+$0xE0];
	v29 =	vadd.s32 $0x80, v29  }
0x2ef: {  	v30 =	vadd.s32 $0x80, v30  }
0x2f0: {  	v25 =	vadd.s32 $0x80, v25  }
0x2f1: {  	v24 =	vadd.s32 $0x80, v24;
	v27 =	vld.idx.msk [tilespmem:v27+s4+$0x0], $0xffff  }
0x2f2: {  	v28 =	vadd.s32 $0x80, v28;
	v26 =	vld.idx.msk [tilespmem:v26+s4+$0x0], $0xffff  }
0x2f3: {  	v31 =	vadd.s32 $0x80, v31;
	v29 =	vld.idx.msk [tilespmem:v29+s4+$0x0], $0xffff  }
0x2f4: {  	v30 =	vld.idx.msk [tilespmem:v30+s4+$0x0], $0xffff  }
0x2f5: {  	s1 =	sand.u32 $0x3, s1;
	v25 =	vld.idx.msk [tilespmem:v25+s4+$0x0], $0xffff  }
0x2f6: {  	s1 =	sshll.u32 s1, $0x8;
	v24 =	vld.idx.msk [tilespmem:v24+s4+$0x0], $0xffff  }
0x2f7: {  	s1 =	sadd.s32 $0x0, s1;
	v28 =	vld.idx.msk [tilespmem:v28+s4+$0x0], $0xffff;
	v27 =	vand.u32 $0xFFFF, v27;
	v26 =	vshll.u32 v26, $0x10  }
0x2f8: {  	s6 =	sadd.s32 $0x100, s1;
	v31 =	vld.idx.msk [tilespmem:v31+s4+$0x0], $0xffff;
	v26 =	vor.u32 v27, v26  }
0x2f9: {  	s9 =	sadd.s32 $0x180, s1;
	s12 =	sor.u32 $0x400, s6;
	v27 =	vand.u32 $0xFFFF, v29;
	v29 =	vshll.u32 v30, $0x10;
	[tilespmem:s15+$0x70] =	vst v26  }
0x2fa: {  	s1 =	sor.u32 $0x400, s9;
	v26 =	vor.u32 v27, v29;
	v27 =	vld [tilespmem:s12+$0xC180]  }
0x2fb: {  	[tilespmem:s26+$0x10] =	vst v26;
	v25 =	vand.u32 $0xFFFF, v25;
	v24 =	vshll.u32 v24, $0x10;
	v26 =	vld [tilespmem:s1+$0xC180]  }
0x2fc: {  	v29 =	vld [tilespmem:s5+$0x20];
	v24 =	vor.u32 v25, v24  }
0x2fd: {  	v25 =	vand.u32 $0xFFFF, v28;
	v28 =	vshll.u32 v31, $0x10;
	v30 =	vld [tilespmem:s5+$0xA0];
	[tilespmem:s25+$0x20] =	vst v24  }
0x2fe: {  	v24 =	vor.u32 v25, v28;
	v25 =	vld [tilespmem:s2+$0x30]  }
0x2ff: {  	[tilespmem:s14+$0x60] =	vst v24;
	v24 =	vld [tilespmem:s2+$0xB0];
	v27 =	vadd.s32 $0x80, v27  }
0x300: {  	v28 =	vld [tilespmem:s0+$0x70];
	v26 =	vadd.s32 $0x80, v26  }
0x301: {  	v31 =	vld [tilespmem:s0+$0xF0];
	v29 =	vadd.s32 $0x80, v29  }
0x302: {  	v30 =	vadd.s32 $0x80, v30  }
0x303: {  	v25 =	vadd.s32 $0x80, v25  }
0x304: {  	v24 =	vadd.s32 $0x80, v24;
	v27 =	vld.idx.msk [tilespmem:v27+s4+$0x0], $0xffff  }
0x305: {  	v28 =	vadd.s32 $0x80, v28;
	v26 =	vld.idx.msk [tilespmem:v26+s4+$0x0], $0xffff  }
0x306: {  	v31 =	vadd.s32 $0x80, v31;
	v29 =	vld.idx.msk [tilespmem:v29+s4+$0x0], $0xffff  }
0x307: {  	v30 =	vld.idx.msk [tilespmem:v30+s4+$0x0], $0xffff  }
0x308: {  	v25 =	vld.idx.msk [tilespmem:v25+s4+$0x0], $0xffff  }
0x309: {  	v24 =	vld.idx.msk [tilespmem:v24+s4+$0x0], $0xffff  }
0x30a: {  	v28 =	vld.idx.msk [tilespmem:v28+s4+$0x0], $0xffff;
	v27 =	vand.u32 $0xFFFF, v27;
	v26 =	vshll.u32 v26, $0x10  }
0x30b: {  	v31 =	vld.idx.msk [tilespmem:v31+s4+$0x0], $0xffff;
	v26 =	vor.u32 v27, v26  }
0x30c: {  	s13 =	sor.u32 $0x410, s6;
	v27 =	vand.u32 $0xFFFF, v29;
	v29 =	vshll.u32 v30, $0x10;
	[tilespmem:s15+$0x400] =	vst v26  }
0x30d: {  	s16 =	sor.u32 $0x410, s9;
	v26 =	vor.u32 v27, v29;
	v27 =	vld [tilespmem:s13+$0xC180]  }
0x30e: {  	p0 =	por $0x0, $0x0;
	s1 =	simm.s32 $0x1;
	[tilespmem:s26+$0x20] =	vst v26;
	v25 =	vand.u32 $0xFFFF, v25;
	v24 =	vshll.u32 v24, $0x10;
	v26 =	vld [tilespmem:s16+$0xC180]  }
0x30f: {  	s1 =	simm.s32 @!p0 $0x0;
	v29 =	vld [tilespmem:s5+$0x30];
	v24 =	vor.u32 v25, v24  }
0x310: {  	s17 =	sshll.u32 s1, $0x9;
	v25 =	vand.u32 $0xFFFF, v28;
	v28 =	vshll.u32 v31, $0x10;
	v30 =	vld [tilespmem:s5+$0xB0];
	[tilespmem:s25+$0x30] =	vst v24  }
0x311: {  	s8 =	sadd.s32 $0x0, s17;
	v24 =	vor.u32 v25, v28;
	v25 =	vld [tilespmem:s2+$0x40]  }
0x312: {  	s31 =	simm.s32 $0x800;
	s0 =	sor.u32 $0x400, s8;
	[tilespmem:s14+$0x70] =	vst v24;
	v24 =	vld [tilespmem:s2+$0xC0]  }
0x313: {  	s22 =	sand.u32 $0x7800, s31;
	s7 =	sadd.s32 $0x80, s8;
	v28 =	vld [tilespmem:s0+$0xC180];
	s0 =	simm.s32 $0x500;
	v27 =	vadd.s32 $0x80, v27  }
0x314: {  	s3 =	sadd.s32 $0xC180, s22;
	s18 =	sor.u32 $0x400, s7;
	v26 =	vadd.s32 $0x80, v26;
	s24 =	sand.u32 $0x300, s0  }
0x315: {  	v31 =	vld [tilespmem:s18+$0xC180];
	v29 =	vadd.s32 $0x80, v29;
	s30 =	sadd.s32 s24, s3  }
0x316: {  	v30 =	vadd.s32 $0x80, v30;
	v37 =	vld [tilespmem:s30+$0x0]  }
0x317: {  	v38 =	vld [tilespmem:s30+$0x80];
	v25 =	vadd.s32 $0x80, v25  }
0x318: {  	v24 =	vadd.s32 $0x80, v24;
	v27 =	vld.idx.msk [tilespmem:v27+s4+$0x0], $0xffff  }
0x319: {  	v28 =	vadd.s32 $0x80, v28;
	v26 =	vld.idx.msk [tilespmem:v26+s4+$0x0], $0xffff  }
0x31a: {  	v31 =	vadd.s32 $0x80, v31;
	v29 =	vld.idx.msk [tilespmem:v29+s4+$0x0], $0xffff  }
0x31b: {  	v30 =	vld.idx.msk [tilespmem:v30+s4+$0x0], $0xffff  }
0x31c: {  	v25 =	vld.idx.msk [tilespmem:v25+s4+$0x0], $0xffff  }
0x31d: {  	s12 =	simm.s32 $0x400;
	v24 =	vld.idx.msk [tilespmem:v24+s4+$0x0], $0xffff  }
0x31e: {  	s13 =	sand.u32 $0x200, s12;
	v28 =	vld.idx.msk [tilespmem:v28+s4+$0x0], $0xffff;
	v27 =	vand.u32 $0xFFFF, v27;
	v26 =	vshll.u32 v26, $0x10  }
0x31f: {  	s3 =	sor.u32 s13, s3;
	v31 =	vld.idx.msk [tilespmem:v31+s4+$0x0], $0xffff;
	v26 =	vor.u32 v27, v26  }
0x320: {  	s19 =	sor.u32 $0x420, s6;
	v34 =	vld [tilespmem:s3+$0x0];
	v27 =	vand.u32 $0xFFFF, v29;
	v29 =	vshll.u32 v30, $0x10;
	[tilespmem:s15+$0x410] =	vst v26  }
0x321: {  	s20 =	sor.u32 $0x420, s9;
	v26 =	vor.u32 v27, v29;
	v27 =	vld [tilespmem:s19+$0xC180]  }
0x322: {  	[tilespmem:s26+$0x30] =	vst v26;
	v25 =	vand.u32 $0xFFFF, v25;
	v24 =	vshll.u32 v24, $0x10;
	v26 =	vld [tilespmem:s20+$0xC180]  }
0x323: {  	v29 =	vld [tilespmem:s5+$0x40];
	v24 =	vor.u32 v25, v24  }
0x324: {  	v25 =	vand.u32 $0xFFFF, v28;
	v28 =	vshll.u32 v31, $0x10;
	v30 =	vld [tilespmem:s5+$0xC0];
	[tilespmem:s25+$0x40] =	vst v24  }
0x325: {  	v32 =	vadd.s32 $0x80, v37;
	v24 =	vor.u32 v25, v28;
	v25 =	vld [tilespmem:s2+$0x50]  }
0x326: {  	s21 =	sor.u32 $0x410, s8;
	[tilespmem:s14+$0x400] =	vst v24;
	v24 =	vld [tilespmem:s2+$0xD0];
	v27 =	vadd.s32 $0x80, v27  }
0x327: {  	s23 =	sor.u32 $0x410, s7;
	v28 =	vld [tilespmem:s21+$0xC180];
	v26 =	vadd.s32 $0x80, v26  }
0x328: {  	v31 =	vld [tilespmem:s23+$0xC180];
	v29 =	vadd.s32 $0x80, v29  }
0x329: {  	v40 =	vld [tilespmem:s3+$0x80];
	v30 =	vadd.s32 $0x80, v30  }
0x32a: {  	v32 =	vld.idx.msk [tilespmem:v32+s4+$0x0], $0xffff;
	v25 =	vadd.s32 $0x80, v25  }
0x32b: {  	v24 =	vadd.s32 $0x80, v24;
	v27 =	vld.idx.msk [tilespmem:v27+s4+$0x0], $0xffff  }
0x32c: {  	v28 =	vadd.s32 $0x80, v28;
	v26 =	vld.idx.msk [tilespmem:v26+s4+$0x0], $0xffff  }
0x32d: {  	v31 =	vadd.s32 $0x80, v31;
	v29 =	vld.idx.msk [tilespmem:v29+s4+$0x0], $0xffff  }
0x32e: {  	v33 =	vadd.s32 $0x80, v38;
	v30 =	vld.idx.msk [tilespmem:v30+s4+$0x0], $0xffff  }
0x32f: {  	v25 =	vld.idx.msk [tilespmem:v25+s4+$0x0], $0xffff  }
0x330: {  	v24 =	vld.idx.msk [tilespmem:v24+s4+$0x0], $0xffff  }
0x331: {  	v28 =	vld.idx.msk [tilespmem:v28+s4+$0x0], $0xffff;
	v27 =	vand.u32 $0xFFFF, v27;
	v26 =	vshll.u32 v26, $0x10  }
0x332: {  	v31 =	vld.idx.msk [tilespmem:v31+s4+$0x0], $0xffff;
	v26 =	vor.u32 v27, v26  }
0x333: {  	s10 =	sor.u32 $0x430, s6;
	v27 =	vand.u32 $0xFFFF, v29;
	v29 =	vld.idx.msk [tilespmem:v33+s4+$0x0], $0xffff;
	v30 =	vshll.u32 v30, $0x10;
	[tilespmem:s15+$0x420] =	vst v26  }
0x334: {  	s11 =	sor.u32 $0x430, s9;
	v26 =	vor.u32 v27, v30;
	v27 =	vld [tilespmem:s10+$0xC180]  }
0x335: {  	v34 =	vadd.s32 $0x80, v34;
	[tilespmem:s26+$0x40] =	vst v26;
	v25 =	vand.u32 $0xFFFF, v25;
	v24 =	vshll.u32 v24, $0x10;
	v26 =	vld [tilespmem:s11+$0xC180]  }
0x336: {  	v30 =	vld [tilespmem:s5+$0x50];
	v24 =	vor.u32 v25, v24  }
0x337: {  	s1 =	simm.s32 $0x280;
	s16 =	sand.u32 $0x3800, s12;
	v25 =	vld [tilespmem:s5+$0xD0];
	[tilespmem:s25+$0x50] =	vst v24  }
0x338: {  	s17 =	sor.u32 $0x18180, s16;
	s18 =	sand.u32 $0x380, s1;
	v32 =	vand.u32 $0xFFFF, v32;
	v24 =	vld [tilespmem:s2+$0x60];
	v29 =	vshll.u32 v29, $0x10  }
0x339: {  	s28 =	sadd.s32 s18, s17;
	v39 =	vld [tilespmem:s2+$0xE0];
	v29 =	vor.u32 v32, v29;
	v27 =	vadd.s32 $0x80, v27  }
0x33a: {  	v34 =	vld.idx.msk [tilespmem:v34+s4+$0x0], $0xffff;
	v28 =	vand.u32 $0xFFFF, v28;
	v31 =	vshll.u32 v31, $0x10;
	v26 =	vadd.s32 $0x80, v26;
	[tilespmem:s28+$0x0] =	vst v29  }
0x33b: {  	v28 =	vor.u32 v28, v31;
	v29 =	vadd.s32 $0x80, v30;
	v30 =	vld [tilespmem:s30+$0x10]  }
0x33c: {  	s21 =	sor.u32 $0x420, s8;
	[tilespmem:s14+$0x410] =	vst v28;
	v25 =	vadd.s32 $0x80, v25;
	v35 =	vld [tilespmem:s30+$0x90]  }
0x33d: {  	v50 =	vld [tilespmem:s21+$0xC180];
	v24 =	vadd.s32 $0x80, v24  }
0x33e: {  	v33 =	vadd.s32 $0x80, v39;
	v27 =	vld.idx.msk [tilespmem:v27+s4+$0x0], $0xffff  }
0x33f: {  	v32 =	vadd.s32 $0x80, v40;
	v26 =	vld.idx.msk [tilespmem:v26+s4+$0x0], $0xffff  }
0x340: {  	v29 =	vld.idx.msk [tilespmem:v29+s4+$0x0], $0xffff;
	v30 =	vadd.s32 $0x80, v30  }
0x341: {  	v25 =	vld.idx.msk [tilespmem:v25+s4+$0x0], $0xffff;
	v35 =	vadd.s32 $0x80, v35  }
0x342: {  	v24 =	vld.idx.msk [tilespmem:v24+s4+$0x0], $0xffff  }
0x343: {  	v33 =	vld.idx.msk [tilespmem:v33+s4+$0x0], $0xffff  }
0x344: {  	v32 =	vld.idx.msk [tilespmem:v32+s4+$0x0], $0xffff;
	v27 =	vand.u32 $0xFFFF, v27;
	v26 =	vshll.u32 v26, $0x10  }
0x345: {  	v30 =	vld.idx.msk [tilespmem:v30+s4+$0x0], $0xffff;
	v26 =	vor.u32 v27, v26  }
0x346: {  	s6 =	sor.u32 $0x438, s6;
	v27 =	vand.u32 $0xFFFF, v29;
	v29 =	vld.idx.msk [tilespmem:v35+s4+$0x0], $0xffff;
	v25 =	vshll.u32 v25, $0x10;
	[tilespmem:s15+$0x430] =	vst v26  }
0x347: {  	s19 =	sor.u32 $0x438, s9;
	v25 =	vor.u32 v27, v25;
	v26 =	vld [tilespmem:s6+$0xC180]  }
0x348: {  	[tilespmem:s26+$0x50] =	vst v25;
	v24 =	vand.u32 $0xFFFF, v24;
	v25 =	vshll.u32 v33, $0x10;
	v27 =	vld [tilespmem:s19+$0xC180]  }
0x349: {  	s20 =	simm.s32 $0x200;
	v41 =	vld [tilespmem:s5+$0x60];
	v24 =	vor.u32 v24, v25  }
0x34a: {  	v32 =	vshll.u32 v32, $0x10;
	s6 =	sand.u32 $0x300, s20;
	v25 =	vand.u32 $0xFFFF, v34;
	v42 =	vld [tilespmem:s5+$0xE0];
	[tilespmem:s25+$0x60] =	vst v24  }
0x34b: {  	s29 =	sadd.s32 s6, s17;
	v24 =	vor.u32 v25, v32;
	v25 =	vld [tilespmem:s2+$0x70]  }
0x34c: {  	[tilespmem:s29+$0x0] =	vst v24;
	v24 =	vand.u32 $0xFFFF, v30;
	v29 =	vshll.u32 v29, $0x10;
	v30 =	vld [tilespmem:s2+$0xF0];
	v26 =	vadd.s32 $0x80, v26  }
0x34d: {  	v43 =	vld [tilespmem:s3+$0x10];
	v24 =	vor.u32 v24, v29;
	v27 =	vadd.s32 $0x80, v27  }
0x34e: {  	v29 =	vld [tilespmem:s3+$0x90];
	[tilespmem:s28+$0x10] =	vst v24;
	v33 =	vadd.s32 $0x80, v41  }
0x34f: {  	v44 =	vld [tilespmem:s30+$0x20];
	v34 =	vadd.s32 $0x80, v42  }
0x350: {  	v36 =	vld [tilespmem:s30+$0xA0];
	v37 =	vadd.s32 $0x80, v25  }
0x351: {  	v30 =	vadd.s32 $0x80, v30;
	v24 =	vld.idx.msk [tilespmem:v26+s4+$0x0], $0xffff  }
0x352: {  	v26 =	vadd.s32 $0x80, v43;
	v25 =	vld.idx.msk [tilespmem:v27+s4+$0x0], $0xffff  }
0x353: {  	v27 =	vadd.s32 $0x80, v29;
	v29 =	vld.idx.msk [tilespmem:v33+s4+$0x0], $0xffff  }
0x354: {  	v45 =	vadd.s32 $0x80, v44;
	v46 =	vld.idx.msk [tilespmem:v34+s4+$0x0], $0xffff  }
0x355: {  	v47 =	vadd.s32 $0x80, v36;
	v48 =	vld.idx.msk [tilespmem:v37+s4+$0x0], $0xffff  }
0x356: {  	v30 =	vld.idx.msk [tilespmem:v30+s4+$0x0], $0xffff  }
0x357: {  	v26 =	vld.idx.msk [tilespmem:v26+s4+$0x0], $0xffff  }
0x358: {  	s6 =	simm.s32 $0x2;
	v27 =	vld.idx.msk [tilespmem:v27+s4+$0x0], $0xffff  }
0x359: {  	s22 =	sand.u32 $0x3, s6;
	v31 =	vld.idx.msk [tilespmem:v45+s4+$0x0], $0xffff;
	v28 =	vand.u32 $0xFFFF, v29;
	v49 =	vshll.u32 v46, $0x10  }
0x35a: {  	s23 =	sor.u32 $0x420, s7;
	s9 =	sshll.u32 s22, $0x8;
	v29 =	vld.idx.msk [tilespmem:v47+s4+$0x0], $0xffff;
	v28 =	vor.u32 v28, v49  }
0x35b: {  	v51 =	vld [tilespmem:s23+$0xC180];
	s9 =	sadd.s32 $0x400, s9;
	[tilespmem:s26+$0x60] =	vst v28;
	v28 =	vand.u32 $0xFFFF, v48;
	v30 =	vshll.u32 v30, $0x10  }
0x35c: {  	s2 =	sadd.s32 $0x100, s9;
	v52 =	vld [tilespmem:s5+$0x70];
	v28 =	vor.u32 v28, v30  }
0x35d: {  	s16 =	sadd.s32 $0x180, s9;
	s24 =	sor.u32 $0x400, s2;
	v30 =	vld [tilespmem:s5+$0xF0];
	v26 =	vand.u32 $0xFFFF, v26;
	v27 =	vshll.u32 v27, $0x10;
	[tilespmem:s25+$0x70] =	vst v28  }
0x35e: {  	s9 =	sor.u32 $0x400, s16;
	v26 =	vor.u32 v26, v27;
	v27 =	vld [tilespmem:s24+$0xC180]  }
0x35f: {  	v28 =	vshll.u32 v29, $0x10;
	v29 =	vld [tilespmem:s9+$0xC180];
	[tilespmem:s29+$0x10] =	vst v26;
	v26 =	vand.u32 $0xFFFF, v31;
	v31 =	vadd.s32 $0x80, v50  }
0x360: {  	v53 =	vld [tilespmem:s3+$0x20];
	v26 =	vor.u32 v26, v28;
	v28 =	vadd.s32 $0x80, v51  }
0x361: {  	v54 =	vld [tilespmem:s3+$0xA0];
	[tilespmem:s28+$0x20] =	vst v26;
	v26 =	vadd.s32 $0x80, v52  }
0x362: {  	v30 =	vadd.s32 $0x80, v30;
	v55 =	vld [tilespmem:s30+$0x30]  }
0x363: {  	v56 =	vld [tilespmem:s30+$0xB0];
	v27 =	vadd.s32 $0x80, v27  }
0x364: {  	v29 =	vadd.s32 $0x80, v29;
	v31 =	vld.idx.msk [tilespmem:v31+s4+$0x0], $0xffff  }
0x365: {  	v32 =	vadd.s32 $0x80, v53;
	v28 =	vld.idx.msk [tilespmem:v28+s4+$0x0], $0xffff  }
0x366: {  	v33 =	vadd.s32 $0x80, v54;
	v26 =	vld.idx.msk [tilespmem:v26+s4+$0x0], $0xffff  }
0x367: {  	v30 =	vld.idx.msk [tilespmem:v30+s4+$0x0], $0xffff;
	v34 =	vadd.s32 $0x80, v55  }
0x368: {  	v35 =	vadd.s32 $0x80, v56;
	v27 =	vld.idx.msk [tilespmem:v27+s4+$0x0], $0xffff  }
0x369: {  	v29 =	vld.idx.msk [tilespmem:v29+s4+$0x0], $0xffff  }
0x36a: {  	v32 =	vld.idx.msk [tilespmem:v32+s4+$0x0], $0xffff  }
0x36b: {  	p0 =	por !p0, !p0;
	s5 =	simm.s32 $0x1;
	v31 =	vand.u32 $0xFFFF, v31;
	v33 =	vld.idx.msk [tilespmem:v33+s4+$0x0], $0xffff;
	v28 =	vshll.u32 v28, $0x10  }
0x36c: {  	s5 =	simm.s32 @!p0 $0x0;
	v28 =	vor.u32 v31, v28;
	v34 =	vld.idx.msk [tilespmem:v34+s4+$0x0], $0xffff  }
0x36d: {  	s10 =	sor.u32 $0x430, s8;
	s5 =	sshll.u32 s5, $0x9;
	v26 =	vand.u32 $0xFFFF, v26;
	v30 =	vshll.u32 v30, $0x10;
	v31 =	vld.idx.msk [tilespmem:v35+s4+$0x0], $0xffff;
	[tilespmem:s14+$0x420] =	vst v28  }
0x36e: {  	s11 =	sor.u32 $0x430, s7;
	s5 =	sadd.s32 $0x400, s5;
	v26 =	vor.u32 v26, v30;
	v28 =	vld [tilespmem:s10+$0xC180]  }
0x36f: {  	s12 =	sadd.s32 $0x80, s5;
	s17 =	sor.u32 $0x400, s5;
	[tilespmem:s26+$0x70] =	vst v26;
	v26 =	vand.u32 $0xFFFF, v27;
	v27 =	vshll.u32 v29, $0x10;
	v29 =	vld [tilespmem:s11+$0xC180]  }
0x370: {  	s18 =	sor.u32 $0x400, s12;
	v30 =	vld [tilespmem:s17+$0xC180];
	v26 =	vor.u32 v26, v27  }
0x371: {  	s19 =	sor.u32 $0x410, s2;
	v58 =	vld [tilespmem:s18+$0xC180];
	v27 =	vand.u32 $0xFFFF, v32;
	v57 =	vshll.u32 v33, $0x10;
	[tilespmem:s25+$0x400] =	vst v26  }
0x372: {  	s20 =	sor.u32 $0x410, s16;
	v26 =	vor.u32 v27, v57;
	v27 =	vld [tilespmem:s19+$0xC180]  }
0x373: {  	v59 =	vld [tilespmem:s20+$0xC180];
	[tilespmem:s29+$0x20] =	vst v26;
	v26 =	vand.u32 $0xFFFF, v34;
	v31 =	vshll.u32 v31, $0x10;
	v28 =	vadd.s32 $0x80, v28  }
0x374: {  	v60 =	vld [tilespmem:s3+$0x30];
	v26 =	vor.u32 v26, v31;
	v29 =	vadd.s32 $0x80, v29  }
0x375: {  	v31 =	vld [tilespmem:s3+$0xB0];
	[tilespmem:s28+$0x30] =	vst v26;
	v26 =	vadd.s32 $0x80, v30  }
0x376: {  	v33 =	vadd.s32 $0x80, v58;
	v30 =	vld [tilespmem:s30+$0x40]  }
0x377: {  	v61 =	vld [tilespmem:s30+$0xC0];
	v27 =	vadd.s32 $0x80, v27  }
0x378: {  	v32 =	vadd.s32 $0x80, v59;
	v28 =	vld.idx.msk [tilespmem:v28+s4+$0x0], $0xffff  }
0x379: {  	v34 =	vadd.s32 $0x80, v60;
	v29 =	vld.idx.msk [tilespmem:v29+s4+$0x0], $0xffff  }
0x37a: {  	v31 =	vadd.s32 $0x80, v31;
	v26 =	vld.idx.msk [tilespmem:v26+s4+$0x0], $0xffff  }
0x37b: {  	v33 =	vld.idx.msk [tilespmem:v33+s4+$0x0], $0xffff;
	v30 =	vadd.s32 $0x80, v30  }
0x37c: {  	v35 =	vadd.s32 $0x80, v61;
	v27 =	vld.idx.msk [tilespmem:v27+s4+$0x0], $0xffff  }
0x37d: {  	v32 =	vld.idx.msk [tilespmem:v32+s4+$0x0], $0xffff  }
0x37e: {  	s13 =	smov.u32 s14;
	s7 =	sor.u32 $0x438, s7;
	v34 =	vld.idx.msk [tilespmem:v34+s4+$0x0], $0xffff;
	v28 =	vand.u32 $0xFFFF, v28;
	v29 =	vshll.u32 v29, $0x10  }
0x37f: {  	s21 =	sor.u32 $0x438, s8;
	p0 =	por !p0, !p0;
	s22 =	sor.u32 $0x410, s5;
	v31 =	vld.idx.msk [tilespmem:v31+s4+$0x0], $0xffff;
	v28 =	vor.u32 v28, v29  }
0x380: {  	s23 =	sor.u32 $0x430, s5;
	s10 =	simm.s32 $0x1;
	s18 =	sor.u32 $0x420, s12;
	v30 =	vld.idx.msk [tilespmem:v30+s4+$0x0], $0xffff;
	[tilespmem:s14+$0x430] =	vst v28  }
0x381: {  	s10 =	simm.s32 @!p0 $0x0;
	s19 =	sor.u32 $0x420, s5;
	v26 =	vand.u32 $0xFFFF, v26;
	v29 =	vshll.u32 v33, $0x10;
	v35 =	vld.idx.msk [tilespmem:v35+s4+$0x0], $0xffff;
	[dreg:$0x5] =	wrdreg s18  }
0x382: {  	s24 =	sor.u32 $0x410, s12;
	s10 =	sshll.u32 s10, $0x9;
	v26 =	vor.u32 v26, v29;
	[dreg:$0x9] =	wrdreg s19  }
0x383: {  	s17 =	sor.u32 $0x438, s5;
	p0 =	por !p0, !p0;
	s10 =	sadd.s32 $0x800, s10;
	v62 =	vld [tilespmem:s21+$0xC180];
	[tilespmem:s26+$0x400] =	vst v26;
	v26 =	vand.u32 $0xFFFF, v27;
	v27 =	vshll.u32 v32, $0x10  }
0x384: {  	s20 =	sor.u32 $0x420, s2;
	s5 =	sadd.s32 $0x80, s10;
	s11 =	sor.u32 $0x410, s10;
	v63 =	vld [tilespmem:s7+$0xC180];
	v26 =	vor.u32 v26, v27  }
0x385: {  	s9 =	sor.u32 $0x420, s5;
	s14 =	sor.u32 $0x438, s12;
	v28 =	vld [tilespmem:s22+$0xC180];
	s22 =	sor.u32 $0x420, s10;
	[tilespmem:s25+$0x410] =	vst v26  }
0x386: {  	s18 =	sor.u32 $0x400, s10;
	s19 =	sor.u32 $0x400, s5;
	v29 =	vld [tilespmem:s24+$0xC180];
	v34 =	vand.u32 $0xFFFF, v34;
	v31 =	vshll.u32 v31, $0x10;
	[dreg:$0xd] =	wrdreg s22  }
0x387: {  	v24 =	vand.u32 $0xFFFF, v24;
	v25 =	vshll.u32 v25, $0x10;
	s21 =	sor.u32 $0x430, s12;
	s12 =	sor.u32 $0x410, s5;
	s24 =	sor.u32 $0x420, s16;
	v31 =	vor.u32 v34, v31;
	v26 =	vld [tilespmem:s20+$0xC180]  }
0x388: {  	v24 =	vor.u32 v24, v25;
	s8 =	sor.u32 $0x430, s10;
	s7 =	sor.u32 $0x430, s5;
	s10 =	sor.u32 $0x438, s10;
	v25 =	vand.u32 $0xFFFF, v30;
	v27 =	vld [tilespmem:s24+$0xC180];
	[tilespmem:s29+$0x30] =	vst v31;
	v31 =	vshll.u32 v35, $0x10  }
0x389: {  	s20 =	sor.u32 $0x438, s5;
	[tilespmem:s15+$0x438] =	vst v24;
	s24 =	simm.s32 $0x4;
	s15 =	simm.s32 $0x800;
	v24 =	vadd.s32 $0x80, v62;
	v30 =	vld [tilespmem:s3+$0x40];
	v31 =	vor.u32 v25, v31;
	v25 =	vadd.s32 $0x80, v63  }
.LBB2_4:
0x38a: {  	[smem:$0x7E3] =	sst s7  }
0x38b: {  	[smem:$0x7E9] =	sst s14;
	s5 =	simm.s32 $0x1  }
0x38c: {  	[dreg:$0x1d] =	wrdreg s17;
	v32 =	vld [tilespmem:s3+$0xC0];
	[tilespmem:s28+$0x40] =	vst v31;
	s5 =	simm.s32 @!p0 $0x0  }
0x38d: {  	[dreg:$0x11] =	wrdreg s20;
	s31 =	sadd.s32 $0x400, s31;
	v31 =	vld [tilespmem:s30+$0x50];
	s5 =	sshll.u32 s5, $0x9  }
0x38e: {  	s0 =	sadd.s32 $0x200, s0;
	s22 =	sand.u32 $0x7800, s31;
	v33 =	vld [tilespmem:s30+$0xD0];
	s20 =	sadd.s32 s5, s31;
	v26 =	vadd.s32 $0x80, v26  }
0x38f: {  	v24 =	vld.idx.msk [tilespmem:v24+s4+$0x0], $0xffff;
	s7 =	sand.u32 $0x300, s0;
	s17 =	sadd.s32 $0xC180, s22;
	v27 =	vadd.s32 $0x80, v27;
	s14 =	sor.u32 $0x400, s20  }
0x390: {  	v25 =	vld.idx.msk [tilespmem:v25+s4+$0x0], $0xffff;
	v30 =	vadd.s32 $0x80, v30;
	[smem:$0x7E5] =	sst s14;
	s14 =	sadd.s32 s7, s17  }
0x391: {  	v32 =	vadd.s32 $0x80, v32;
	v34 =	vld [tilespmem:s14+$0x0]  }
0x392: {  	v35 =	vld [tilespmem:s14+$0x80];
	v31 =	vadd.s32 $0x80, v31  }
0x393: {  	v33 =	vadd.s32 $0x80, v33;
	v26 =	vld.idx.msk [tilespmem:v26+s4+$0x0], $0xffff  }
0x394: {  	v28 =	vadd.s32 $0x80, v28;
	v27 =	vld.idx.msk [tilespmem:v27+s4+$0x0], $0xffff  }
0x395: {  	v29 =	vadd.s32 $0x80, v29;
	v30 =	vld.idx.msk [tilespmem:v30+s4+$0x0], $0xffff  }
0x396: {  	v24 =	vand.u32 $0xFFFF, v24;
	v25 =	vshll.u32 v25, $0x10;
	v32 =	vld.idx.msk [tilespmem:v32+s4+$0x0], $0xffff;
	v34 =	vadd.s32 $0x80, v34  }
0x397: {  	[smem:$0x7E2] =	sst s21;
	s21 =	sadd.s32 $0x80, s20;
	v24 =	vor.u32 v24, v25;
	v35 =	vadd.s32 $0x80, v35;
	v31 =	vld.idx.msk [tilespmem:v31+s4+$0x0], $0xffff  }
0x398: {  	[smem:$0x7E7] =	sst s10;
	s22 =	sor.u32 $0x400, s21;
	[tilespmem:s13+$0x438] =	vst v24;
	v25 =	vld.idx.msk [tilespmem:v33+s4+$0x0], $0xffff  }
0x399: {  	s7 =	sor.u32 $0x410, s20;
	[smem:$0x7E6] =	sst s22;
	v24 =	vld.idx.msk [tilespmem:v28+s4+$0x0], $0xffff  }
0x39a: {  	[dreg:$0x19] =	wrdreg s7;
	s22 =	sor.u32 $0x430, s21;
	v28 =	vld.idx.msk [tilespmem:v29+s4+$0x0], $0xffff;
	v26 =	vand.u32 $0xFFFF, v26;
	v27 =	vshll.u32 v27, $0x10  }
0x39b: {  	s10 =	sor.u32 $0x410, s21;
	[smem:$0x7E4] =	sst s22;
	s22 =	sor.u32 $0x438, s21;
	v26 =	vor.u32 v26, v27;
	v29 =	vld.idx.msk [tilespmem:v34+s4+$0x0], $0xffff  }
0x39c: {  	s5 =	sor.u32 $0x420, s21;
	s21 =	sor.u32 $0x430, s2;
	[smem:$0x7EA] =	sst s22;
	v30 =	vand.u32 $0xFFFF, v30;
	v32 =	vshll.u32 v32, $0x10;
	v27 =	vld.idx.msk [tilespmem:v35+s4+$0x0], $0xffff;
	[tilespmem:s25+$0x420] =	vst v26  }
0x39d: {  	s22 =	smov.u32 s26;
	s26 =	smov.u32 s29;
	s13 =	sor.u32 $0x430, s16;
	v26 =	vor.u32 v30, v32;
	v30 =	vld [tilespmem:s21+$0xC180]  }
0x39e: {  	[dreg:$0x15] =	wrdreg s10;
	s7 =	smov.u32 s8;
	s8 =	smov.u32 s23;
	v25 =	vshll.u32 v25, $0x10;
	[tilespmem:s26+$0x40] =	vst v26;
	v26 =	vand.u32 $0xFFFF, v31;
	v31 =	vld [tilespmem:s13+$0xC180]  }
0x39f: {  	s23 =	sor.u32 $0x420, s20;
	s10 =	sor.u32 $0x430, s20;
	s21 =	sadd.s32 $0xFFFFFF00, s0;
	v51 =	vld [tilespmem:s3+$0x50];
	v25 =	vor.u32 v26, v25  }
0x3a0: {  	s1 =	sadd.s32 $0x100, s1;
	s20 =	sor.u32 $0x438, s20;
	v24 =	vand.u32 $0xFFFF, v24;
	v26 =	vld [tilespmem:s3+$0xD0];
	s13 =	sand.u32 $0x200, s21;
	[tilespmem:s28+$0x50] =	vst v25;
	v25 =	vshll.u32 v28, $0x10  }
0x3a1: {  	[smem:$0x7E8] =	sst s20;
	s20 =	sand.u32 $0x3800, s21;
	s17 =	sor.u32 s13, s17;
	v28 =	vld [tilespmem:s30+$0x60];
	v24 =	vor.u32 v24, v25  }
0x3a2: {  	s21 =	sor.u32 $0x18180, s20;
	s13 =	sand.u32 $0x380, s1;
	v52 =	vld [tilespmem:s17+$0x0];
	v25 =	vand.u32 $0xFFFF, v29;
	v27 =	vshll.u32 v27, $0x10;
	v30 =	vadd.s32 $0x80, v30  }
0x3a3: {  	s20 =	sadd.s32 s13, s21;
	v29 =	vld [tilespmem:s30+$0xE0];
	[tilespmem:s22+$0x410] =	vst v24;
	v25 =	vor.u32 v25, v27;
	v24 =	vadd.s32 $0x80, v31  }
0x3a4: {  	v27 =	vld [tilespmem:s17+$0x80];
	[tilespmem:s20+$0x0] =	vst v25;
	v25 =	vadd.s32 $0x80, v51  }
0x3a5: {  	v26 =	vadd.s32 $0x80, v26;
	v31 =	vld [tilespmem:s14+$0x10]  }
0x3a6: {  	v53 =	vld [tilespmem:s14+$0x90];
	v28 =	vadd.s32 $0x80, v28  }
0x3a7: {  	v33 =	vadd.s32 $0x80, v52;
	v30 =	vld.idx.msk [tilespmem:v30+s4+$0x0], $0xffff  }
0x3a8: {  	v29 =	vadd.s32 $0x80, v29;
	v24 =	vld.idx.msk [tilespmem:v24+s4+$0x0], $0xffff  }
0x3a9: {  	v27 =	vadd.s32 $0x80, v27;
	v25 =	vld.idx.msk [tilespmem:v25+s4+$0x0], $0xffff  }
0x3aa: {  	v26 =	vld.idx.msk [tilespmem:v26+s4+$0x0], $0xffff;
	v31 =	vadd.s32 $0x80, v31  }
0x3ab: {  	v32 =	vadd.s32 $0x80, v53;
	v28 =	vld.idx.msk [tilespmem:v28+s4+$0x0], $0xffff  }
0x3ac: {  	v33 =	vld.idx.msk [tilespmem:v33+s4+$0x0], $0xffff  }
0x3ad: {  	v29 =	vld.idx.msk [tilespmem:v29+s4+$0x0], $0xffff  }
0x3ae: {  	v27 =	vld.idx.msk [tilespmem:v27+s4+$0x0], $0xffff;
	v30 =	vand.u32 $0xFFFF, v30;
	v24 =	vshll.u32 v24, $0x10  }
0x3af: {  	s29 =	sadd.s32 $0xFFFFFF80, s1;
	v24 =	vor.u32 v30, v24;
	v31 =	vld.idx.msk [tilespmem:v31+s4+$0x0], $0xffff  }
0x3b0: {  	s29 =	sand.u32 $0x300, s29;
	s13 =	sor.u32 $0x438, s2;
	v25 =	vand.u32 $0xFFFF, v25;
	v26 =	vshll.u32 v26, $0x10;
	v30 =	vld.idx.msk [tilespmem:v32+s4+$0x0], $0xffff;
	[tilespmem:s25+$0x430] =	vst v24  }
0x3b1: {  	s29 =	sadd.s32 s29, s21;
	s21 =	sor.u32 $0x438, s16;
	v24 =	vor.u32 v25, v26;
	v25 =	vld [tilespmem:s13+$0xC180]  }
0x3b2: {  	[tilespmem:s26+$0x50] =	vst v24;
	v24 =	vand.u32 $0xFFFF, v28;
	v28 =	vld [tilespmem:s21+$0xC180];
	v26 =	vshll.u32 v29, $0x10  }
0x3b3: {  	v54 =	vld [tilespmem:s3+$0x60];
	v24 =	vor.u32 v24, v26  }
0x3b4: {  	v29 =	vand.u32 $0xFFFF, v33;
	v26 =	vshll.u32 v27, $0x10;
	v27 =	vld [tilespmem:s3+$0xE0];
	[tilespmem:s28+$0x60] =	vst v24  }
0x3b5: {  	v24 =	vor.u32 v29, v26;
	v26 =	vld [tilespmem:s30+$0x70]  }
0x3b6: {  	[tilespmem:s29+$0x0] =	vst v24;
	v24 =	vand.u32 $0xFFFF, v31;
	v29 =	vshll.u32 v30, $0x10;
	v30 =	vld [tilespmem:s30+$0xF0];
	v25 =	vadd.s32 $0x80, v25  }
0x3b7: {  	v31 =	vld [tilespmem:s17+$0x10];
	v24 =	vor.u32 v24, v29;
	v28 =	vadd.s32 $0x80, v28  }
0x3b8: {  	s30 =	smov.u32 s14;
	v29 =	vld [tilespmem:s17+$0x90];
	[tilespmem:s20+$0x10] =	vst v24;
	v24 =	vadd.s32 $0x80, v54  }
0x3b9: {  	v55 =	vld [tilespmem:s30+$0x20];
	v27 =	vadd.s32 $0x80, v27  }
0x3ba: {  	v56 =	vld [tilespmem:s30+$0xA0];
	v26 =	vadd.s32 $0x80, v26  }
0x3bb: {  	v30 =	vadd.s32 $0x80, v30;
	v25 =	vld.idx.msk [tilespmem:v25+s4+$0x0], $0xffff  }
0x3bc: {  	v31 =	vadd.s32 $0x80, v31;
	v28 =	vld.idx.msk [tilespmem:v28+s4+$0x0], $0xffff  }
0x3bd: {  	v29 =	vadd.s32 $0x80, v29;
	v24 =	vld.idx.msk [tilespmem:v24+s4+$0x0], $0xffff  }
0x3be: {  	v32 =	vadd.s32 $0x80, v55;
	v27 =	vld.idx.msk [tilespmem:v27+s4+$0x0], $0xffff  }
0x3bf: {  	v33 =	vadd.s32 $0x80, v56;
	v26 =	vld.idx.msk [tilespmem:v26+s4+$0x0], $0xffff  }
0x3c0: {  	v30 =	vld.idx.msk [tilespmem:v30+s4+$0x0], $0xffff  }
0x3c1: {  	v31 =	vld.idx.msk [tilespmem:v31+s4+$0x0], $0xffff  }
0x3c2: {  	s6 =	sadd.s32 $0x2, s6;
	v29 =	vld.idx.msk [tilespmem:v29+s4+$0x0], $0xffff;
	v25 =	vand.u32 $0xFFFF, v25;
	v28 =	vshll.u32 v28, $0x10  }
0x3c3: {  	s16 =	rddreg [dreg:$0xd];
	s13 =	sand.u32 $0x3, s6;
	v24 =	vand.u32 $0xFFFF, v24;
	v25 =	vor.u32 v25, v28;
	v32 =	vld.idx.msk [tilespmem:v32+s4+$0x0], $0xffff;
	v27 =	vshll.u32 v27, $0x10  }
0x3c4: {  	s2 =	sshll.u32 s13, $0x8;
	s14 =	rddreg [dreg:$0x9];
	v28 =	vld.idx.msk [tilespmem:v33+s4+$0x0], $0xffff;
	[tilespmem:s25+$0x438] =	vst v25;
	s25 =	smov.u32 s28;
	v24 =	vor.u32 v24, v27  }
0x3c5: {  	s28 =	smov.u32 s20;
	v25 =	vld [tilespmem:s14+$0xC180];
	s20 =	smov.u32 s16;
	s16 =	rddreg [dreg:$0x5];
	[tilespmem:s26+$0x60] =	vst v24  }
0x3c6: {  	s14 =	sadd.s32 s2, s15;
	v24 =	vand.u32 $0xFFFF, v26;
	v26 =	vshll.u32 v30, $0x10;
	v27 =	vld [tilespmem:s16+$0xC180]  }
0x3c7: {  	s21 =	smov.u32 s23;
	s2 =	sadd.s32 $0x100, s14;
	v30 =	vand.u32 $0xFFFF, v31;
	v31 =	vld [tilespmem:s3+$0x70];
	v24 =	vor.u32 v24, v26  }
0x3c8: {  	[dreg:$0xd] =	wrdreg s21;
	s21 =	sor.u32 $0x400, s2;
	v26 =	vshll.u32 v29, $0x10;
	v29 =	vld [tilespmem:s3+$0xF0];
	s16 =	sadd.s32 $0x180, s14;
	[tilespmem:s25+$0x70] =	vst v24  }
0x3c9: {  	v24 =	vor.u32 v30, v26;
	s23 =	sor.u32 $0x400, s16;
	v26 =	vld [tilespmem:s21+$0xC180]  }
0x3ca: {  	s3 =	smov.u32 s17;
	[tilespmem:s29+$0x10] =	vst v24;
	v24 =	vand.u32 $0xFFFF, v32;
	v28 =	vshll.u32 v28, $0x10;
	v30 =	vld [tilespmem:s23+$0xC180];
	v25 =	vadd.s32 $0x80, v25  }
0x3cb: {  	v57 =	vld [tilespmem:s3+$0x20];
	v24 =	vor.u32 v24, v28;
	v27 =	vadd.s32 $0x80, v27  }
0x3cc: {  	v28 =	vld [tilespmem:s3+$0xA0];
	[tilespmem:s28+$0x20] =	vst v24;
	v24 =	vadd.s32 $0x80, v31  }
0x3cd: {  	v31 =	vld [tilespmem:s30+$0x30];
	v29 =	vadd.s32 $0x80, v29  }
0x3ce: {  	v58 =	vld [tilespmem:s30+$0xB0];
	v26 =	vadd.s32 $0x80, v26  }
0x3cf: {  	v30 =	vadd.s32 $0x80, v30;
	v25 =	vld.idx.msk [tilespmem:v25+s4+$0x0], $0xffff  }
0x3d0: {  	v32 =	vadd.s32 $0x80, v57;
	v27 =	vld.idx.msk [tilespmem:v27+s4+$0x0], $0xffff  }
0x3d1: {  	v28 =	vadd.s32 $0x80, v28;
	v24 =	vld.idx.msk [tilespmem:v24+s4+$0x0], $0xffff  }
0x3d2: {  	v31 =	vadd.s32 $0x80, v31;
	v29 =	vld.idx.msk [tilespmem:v29+s4+$0x0], $0xffff  }
0x3d3: {  	v26 =	vld.idx.msk [tilespmem:v26+s4+$0x0], $0xffff  }
0x3d4: {  	v33 =	vadd.s32 $0x80, v58;
	v30 =	vld.idx.msk [tilespmem:v30+s4+$0x0], $0xffff  }
0x3d5: {  	v25 =	vand.u32 $0xFFFF, v25;
	v32 =	vld.idx.msk [tilespmem:v32+s4+$0x0], $0xffff;
	v27 =	vshll.u32 v27, $0x10  }
0x3d6: {  	v28 =	vld.idx.msk [tilespmem:v28+s4+$0x0], $0xffff;
	v25 =	vor.u32 v25, v27  }
0x3d7: {  	v31 =	vld.idx.msk [tilespmem:v31+s4+$0x0], $0xffff;
	[tilespmem:s22+$0x420] =	vst v25  }
0x3d8: {  	v24 =	vand.u32 $0xFFFF, v24;
	v29 =	vshll.u32 v29, $0x10;
	v25 =	vld [tilespmem:s8+$0xC180];
	s8 =	smov.u32 s10;
	s10 =	sld [smem:$0x7E2]  }
0x3d9: {  	v27 =	vld.idx.msk [tilespmem:v33+s4+$0x0], $0xffff;
	v24 =	vor.u32 v24, v29  }
0x3da: {  	[tilespmem:s26+$0x70] =	vst v24  }
0x3db: {  	s14 =	sld [smem:$0x7E4];
	v24 =	vand.u32 $0xFFFF, v26;
	v26 =	vshll.u32 v30, $0x10;
	v29 =	vld [tilespmem:s10+$0xC180]  }
0x3dc: {  	[dreg:$0x9] =	wrdreg s20;
	s20 =	smov.u32 s9;
	v30 =	vand.u32 $0xFFFF, v32;
	v59 =	vld [tilespmem:s18+$0xC180];
	v24 =	vor.u32 v24, v26;
	v26 =	vshll.u32 v28, $0x10  }
0x3dd: {  	[dreg:$0x5] =	wrdreg s20;
	s20 =	sor.u32 $0x410, s2;
	v28 =	vld [tilespmem:s19+$0xC180];
	[tilespmem:s25+$0x400] =	vst v24;
	v24 =	vor.u32 v30, v26  }
0x3de: {  	s23 =	smov.u32 s7;
	s7 =	smov.u32 s14;
	s14 =	sor.u32 $0x410, s16;
	v26 =	vld [tilespmem:s20+$0xC180];
	[tilespmem:s29+$0x20] =	vst v24;
	v24 =	vand.u32 $0xFFFF, v31;
	v27 =	vshll.u32 v27, $0x10  }
0x3df: {  	v30 =	vld [tilespmem:s14+$0xC180];
	v24 =	vor.u32 v24, v27;
	v25 =	vadd.s32 $0x80, v25  }
0x3e0: {  	v31 =	vld [tilespmem:s3+$0x30];
	[tilespmem:s28+$0x30] =	vst v24;
	v27 =	vadd.s32 $0x80, v29  }
0x3e1: {  	v60 =	vld [tilespmem:s30+$0x40]  }
0x3e2: {  	v24 =	vadd.s32 $0x80, v59;
	v29 =	vld [tilespmem:s3+$0xB0]  }
0x3e3: {  	v28 =	vadd.s32 $0x80, v28;
	v61 =	vld [tilespmem:s30+$0xC0]  }
0x3e4: {  	v26 =	vadd.s32 $0x80, v26;
	v25 =	vld.idx.msk [tilespmem:v25+s4+$0x0], $0xffff  }
0x3e5: {  	v30 =	vadd.s32 $0x80, v30;
	v27 =	vld.idx.msk [tilespmem:v27+s4+$0x0], $0xffff  }
0x3e6: {  	s13 =	sld [smem:$0x7E3];
	v31 =	vadd.s32 $0x80, v31  }
0x3e7: {  	v24 =	vld.idx.msk [tilespmem:v24+s4+$0x0], $0xffff;
	v29 =	vadd.s32 $0x80, v29  }
0x3e8: {  	s17 =	sld [smem:$0x7E5];
	v32 =	vadd.s32 $0x80, v60;
	v28 =	vld.idx.msk [tilespmem:v28+s4+$0x0], $0xffff  }
0x3e9: {  	s21 =	smov.u32 s13;
	s13 =	sld [smem:$0x7E6];
	v33 =	vadd.s32 $0x80, v61;
	v26 =	vld.idx.msk [tilespmem:v26+s4+$0x0], $0xffff  }
0x3ea: {  	v30 =	vld.idx.msk [tilespmem:v30+s4+$0x0], $0xffff;
	v25 =	vand.u32 $0xFFFF, v25;
	v27 =	vshll.u32 v27, $0x10  }
0x3eb: {  	s18 =	smov.u32 s17;
	s17 =	rddreg [dreg:$0x1d];
	v31 =	vld.idx.msk [tilespmem:v31+s4+$0x0], $0xffff;
	v25 =	vor.u32 v25, v27  }
0x3ec: {  	s19 =	smov.u32 s13;
	s13 =	smov.u32 s22;
	v29 =	vld.idx.msk [tilespmem:v29+s4+$0x0], $0xffff;
	[tilespmem:s22+$0x430] =	vst v25;
	s22 =	sld [smem:$0x7E8]  }
0x3ed: {  	s14 =	sld [smem:$0x7E9];
	v32 =	vld.idx.msk [tilespmem:v32+s4+$0x0], $0xffff;
	v24 =	vand.u32 $0xFFFF, v24;
	v28 =	vshll.u32 v28, $0x10  }
0x3ee: {  	s20 =	sld [smem:$0x7E7];
	v24 =	vor.u32 v24, v28;
	v27 =	vld.idx.msk [tilespmem:v33+s4+$0x0], $0xffff  }
0x3ef: {  	s24 =	sadd.s32 $0x2, s24;
	v25 =	vld [tilespmem:s17+$0xC180];
	[tilespmem:s26+$0x400] =	vst v24;
	s10 =	smov.u32 s22;
	s22 =	sld [smem:$0x7EA]  }
0x3f0: {  	p1 =	slt.u32 s24, $0x3E;
	s9 =	smov.u32 s5;
	s5 =	sor.u32 $0x420, s2;
	v24 =	vand.u32 $0xFFFF, v26;
	v26 =	vshll.u32 v30, $0x10;
	v62 =	vld [tilespmem:s14+$0xC180]  }
.Ltmp1:
0x3f1: {  	s17 =	smov.u32 s20;
	s20 =	rddreg [dreg:$0x11];
	v30 =	vand.u32 $0xFFFF, v31;
	v28 =	vld [tilespmem:s11+$0xC180];
	v24 =	vor.u32 v24, v26;
	v26 =	vshll.u32 v29, $0x10;
	(pc) =	sbr.rel @p1 .LBB2_4-.Ltmp1, $4  }
0x3f2: {  	s14 =	smov.u32 s20;
	v29 =	vld [tilespmem:s12+$0xC180];
	[tilespmem:s25+$0x410] =	vst v24;
	v24 =	vor.u32 v30, v26;
	s20 =	smov.u32 s22;
	s22 =	rddreg [dreg:$0x19]  }
0x3f3: {  	v26 =	vld [tilespmem:s5+$0xC180];
	[tilespmem:s29+$0x30] =	vst v24;
	s11 =	smov.u32 s22;
	s22 =	rddreg [dreg:$0x15]  }
0x3f4: {  	v31 =	vand.u32 $0xFFFF, v32;
	v63 =	vshll.u32 v27, $0x10;
	v30 =	vld [tilespmem:s3+$0x40];
	s12 =	smov.u32 s22;
	s22 =	sor.u32 $0x420, s16  }
0x3f5: {  	p0 =	por !p0, !p0;
	s15 =	smov.u32 s31;
	v31 =	vor.u32 v31, v63;
	v24 =	vadd.s32 $0x80, v25;
	v25 =	vadd.s32 $0x80, v62;
	v27 =	vld [tilespmem:s22+$0xC180]  }
0x3f6: {  	v32 =	vld [tilespmem:s3+$0xC0];
	_ =	sdelay $0x3  }
0x3f7: {  	v30 =	vadd.s32 $0x80, v30  }
0x3f8: {  	v32 =	vadd.s32 $0x80, v32;
	_ =	sdelay $0x3  }
0x3f9: {  	v30 =	vld.idx.msk [tilespmem:v30+s4+$0x0], $0xffff  }
0x3fa: {  	v32 =	vld.idx.msk [tilespmem:v32+s4+$0x0], $0xffff;
	_ =	sdelay $0x4  }
0x3fb: {  	[tilespmem:s28+$0x40] =	vst v31;
	v30 =	vand.u32 $0xFFFF, v30;
	v31 =	vshll.u32 v32, $0x10  }
0x3fc: {  	v49 =	vld [tilespmem:s30+$0x50];
	v30 =	vor.u32 v30, v31  }
0x3fd: {  	v31 =	vld [tilespmem:s30+$0xD0];
	[tilespmem:s29+$0x40] =	vst v30  }
0x3fe: {  	v30 =	vld [tilespmem:s3+$0x50]  }
0x3ff: {  	v33 =	vld [tilespmem:s3+$0xD0];
	_ =	sdelay $0x1  }
0x400: {  	v32 =	vadd.s32 $0x80, v49  }
0x401: {  	v31 =	vadd.s32 $0x80, v31  }
0x402: {  	v30 =	vadd.s32 $0x80, v30  }
0x403: {  	v33 =	vadd.s32 $0x80, v33;
	_ =	sdelay $0x1  }
0x404: {  	v32 =	vld.idx.msk [tilespmem:v32+s4+$0x0], $0xffff  }
0x405: {  	v31 =	vld.idx.msk [tilespmem:v31+s4+$0x0], $0xffff  }
0x406: {  	v30 =	vld.idx.msk [tilespmem:v30+s4+$0x0], $0xffff  }
0x407: {  	v33 =	vld.idx.msk [tilespmem:v33+s4+$0x0], $0xffff;
	_ =	sdelay $0x2  }
0x408: {  	v32 =	vand.u32 $0xFFFF, v32;
	v31 =	vshll.u32 v31, $0x10  }
0x409: {  	v31 =	vor.u32 v32, v31  }
0x40a: {  	[tilespmem:s28+$0x50] =	vst v31;
	v30 =	vand.u32 $0xFFFF, v30;
	v31 =	vshll.u32 v33, $0x10  }
0x40b: {  	v50 =	vld [tilespmem:s30+$0x60];
	v30 =	vor.u32 v30, v31  }
0x40c: {  	v31 =	vld [tilespmem:s30+$0xE0];
	[tilespmem:s29+$0x50] =	vst v30  }
0x40d: {  	v30 =	vld [tilespmem:s3+$0x60]  }
0x40e: {  	v51 =	vld [tilespmem:s3+$0xE0];
	_ =	sdelay $0x1  }
0x40f: {  	v32 =	vadd.s32 $0x80, v50  }
0x410: {  	v31 =	vadd.s32 $0x80, v31  }
0x411: {  	v30 =	vadd.s32 $0x80, v30  }
0x412: {  	v33 =	vadd.s32 $0x80, v51;
	_ =	sdelay $0x1  }
0x413: {  	v32 =	vld.idx.msk [tilespmem:v32+s4+$0x0], $0xffff  }
0x414: {  	v31 =	vld.idx.msk [tilespmem:v31+s4+$0x0], $0xffff  }
0x415: {  	v30 =	vld.idx.msk [tilespmem:v30+s4+$0x0], $0xffff  }
0x416: {  	v33 =	vld.idx.msk [tilespmem:v33+s4+$0x0], $0xffff;
	_ =	sdelay $0x2  }
0x417: {  	v32 =	vand.u32 $0xFFFF, v32;
	v31 =	vshll.u32 v31, $0x10  }
0x418: {  	v31 =	vor.u32 v32, v31  }
0x419: {  	[tilespmem:s28+$0x60] =	vst v31;
	v30 =	vand.u32 $0xFFFF, v30;
	v31 =	vshll.u32 v33, $0x10  }
0x41a: {  	v52 =	vld [tilespmem:s30+$0x70];
	v30 =	vor.u32 v30, v31  }
0x41b: {  	v31 =	vld [tilespmem:s30+$0xF0];
	[tilespmem:s29+$0x60] =	vst v30  }
0x41c: {  	v30 =	vld [tilespmem:s3+$0x70]  }
0x41d: {  	v53 =	vld [tilespmem:s3+$0xF0];
	_ =	sdelay $0x1  }
0x41e: {  	v32 =	vadd.s32 $0x80, v52  }
0x41f: {  	v31 =	vadd.s32 $0x80, v31  }
0x420: {  	v30 =	vadd.s32 $0x80, v30  }
0x421: {  	v33 =	vadd.s32 $0x80, v53;
	_ =	sdelay $0x1  }
0x422: {  	v32 =	vld.idx.msk [tilespmem:v32+s4+$0x0], $0xffff  }
0x423: {  	v31 =	vld.idx.msk [tilespmem:v31+s4+$0x0], $0xffff  }
0x424: {  	v30 =	vld.idx.msk [tilespmem:v30+s4+$0x0], $0xffff  }
0x425: {  	s0 =	sadd.s32 $0x2, s6;
	v33 =	vld.idx.msk [tilespmem:v33+s4+$0x0], $0xffff  }
0x426: {  	s0 =	sand.u32 $0x3, s0  }
0x427: {  	s0 =	sshll.u32 s0, $0x8  }
0x428: {  	s0 =	sadd.s32 s0, s15;
	v32 =	vand.u32 $0xFFFF, v32;
	v31 =	vshll.u32 v31, $0x10  }
0x429: {  	s1 =	sadd.s32 $0x100, s0;
	v31 =	vor.u32 v32, v31  }
0x42a: {  	s0 =	sadd.s32 $0x180, s0;
	s5 =	sor.u32 $0x400, s1;
	[tilespmem:s28+$0x70] =	vst v31;
	v30 =	vand.u32 $0xFFFF, v30;
	v31 =	vshll.u32 v33, $0x10  }
0x42b: {  	s6 =	sor.u32 $0x400, s0;
	v54 =	vld [tilespmem:s5+$0xC180];
	v30 =	vor.u32 v30, v31  }
0x42c: {  	v31 =	vld [tilespmem:s6+$0xC180];
	[tilespmem:s29+$0x70] =	vst v30  }
0x42d: {  	v30 =	vld [tilespmem:s18+$0xC180]  }
0x42e: {  	v55 =	vld [tilespmem:s19+$0xC180];
	_ =	sdelay $0x1  }
0x42f: {  	v32 =	vadd.s32 $0x80, v54  }
0x430: {  	v31 =	vadd.s32 $0x80, v31  }
0x431: {  	v30 =	vadd.s32 $0x80, v30  }
0x432: {  	v33 =	vadd.s32 $0x80, v55;
	_ =	sdelay $0x1  }
0x433: {  	v32 =	vld.idx.msk [tilespmem:v32+s4+$0x0], $0xffff  }
0x434: {  	v31 =	vld.idx.msk [tilespmem:v31+s4+$0x0], $0xffff  }
0x435: {  	v30 =	vld.idx.msk [tilespmem:v30+s4+$0x0], $0xffff  }
0x436: {  	v33 =	vld.idx.msk [tilespmem:v33+s4+$0x0], $0xffff;
	_ =	sdelay $0x2  }
0x437: {  	v32 =	vand.u32 $0xFFFF, v32;
	v31 =	vshll.u32 v31, $0x10  }
0x438: {  	v31 =	vor.u32 v32, v31  }
0x439: {  	s15 =	sor.u32 $0x410, s1;
	[tilespmem:s28+$0x400] =	vst v31;
	v30 =	vand.u32 $0xFFFF, v30;
	v31 =	vshll.u32 v33, $0x10  }
0x43a: {  	s18 =	sor.u32 $0x410, s0;
	v56 =	vld [tilespmem:s15+$0xC180];
	v30 =	vor.u32 v30, v31  }
0x43b: {  	v31 =	vld [tilespmem:s18+$0xC180];
	[tilespmem:s29+$0x400] =	vst v30  }
0x43c: {  	v28 =	vadd.s32 $0x80, v28;
	v30 =	vld [tilespmem:s11+$0xC180]  }
0x43d: {  	v29 =	vadd.s32 $0x80, v29;
	v57 =	vld [tilespmem:s12+$0xC180];
	_ =	sdelay $0x1  }
0x43e: {  	v32 =	vadd.s32 $0x80, v56  }
0x43f: {  	v31 =	vadd.s32 $0x80, v31  }
0x440: {  	v28 =	vld.idx.msk [tilespmem:v28+s4+$0x0], $0xffff;
	v30 =	vadd.s32 $0x80, v30  }
0x441: {  	v29 =	vld.idx.msk [tilespmem:v29+s4+$0x0], $0xffff;
	v33 =	vadd.s32 $0x80, v57;
	_ =	sdelay $0x1  }
0x442: {  	v32 =	vld.idx.msk [tilespmem:v32+s4+$0x0], $0xffff  }
0x443: {  	v31 =	vld.idx.msk [tilespmem:v31+s4+$0x0], $0xffff  }
0x444: {  	v30 =	vld.idx.msk [tilespmem:v30+s4+$0x0], $0xffff  }
0x445: {  	v28 =	vand.u32 $0xFFFF, v28;
	v29 =	vshll.u32 v29, $0x10;
	v33 =	vld.idx.msk [tilespmem:v33+s4+$0x0], $0xffff  }
0x446: {  	v28 =	vor.u32 v28, v29  }
0x447: {  	[tilespmem:s26+$0x410] =	vst v28  }
0x448: {  	s19 =	rddreg [dreg:$0x9];
	v28 =	vand.u32 $0xFFFF, v32;
	v29 =	vshll.u32 v31, $0x10  }
0x449: {  	s22 =	rddreg [dreg:$0x5];
	v31 =	vld [tilespmem:s19+$0xC180];
	v28 =	vor.u32 v28, v29  }
0x44a: {  	s24 =	sor.u32 $0x420, s1;
	v29 =	vld [tilespmem:s22+$0xC180];
	[tilespmem:s28+$0x410] =	vst v28;
	v28 =	vand.u32 $0xFFFF, v30;
	v30 =	vshll.u32 v33, $0x10  }
0x44b: {  	v26 =	vadd.s32 $0x80, v26;
	s5 =	sor.u32 $0x420, s0;
	v58 =	vld [tilespmem:s24+$0xC180];
	v28 =	vor.u32 v28, v30  }
0x44c: {  	v27 =	vadd.s32 $0x80, v27;
	v30 =	vld [tilespmem:s5+$0xC180];
	[tilespmem:s29+$0x410] =	vst v28  }
0x44d: {  	s6 =	rddreg [dreg:$0xd];
	v59 =	vld [tilespmem:s9+$0xC180]  }
0x44e: {  	v31 =	vadd.s32 $0x80, v31;
	v28 =	vld [tilespmem:s6+$0xC180]  }
0x44f: {  	v29 =	vadd.s32 $0x80, v29  }
0x450: {  	v26 =	vld.idx.msk [tilespmem:v26+s4+$0x0], $0xffff;
	v32 =	vadd.s32 $0x80, v58  }
0x451: {  	v27 =	vld.idx.msk [tilespmem:v27+s4+$0x0], $0xffff;
	v30 =	vadd.s32 $0x80, v30  }
0x452: {  	v33 =	vadd.s32 $0x80, v59  }
0x453: {  	v31 =	vld.idx.msk [tilespmem:v31+s4+$0x0], $0xffff;
	v28 =	vadd.s32 $0x80, v28  }
0x454: {  	v29 =	vld.idx.msk [tilespmem:v29+s4+$0x0], $0xffff  }
0x455: {  	v32 =	vld.idx.msk [tilespmem:v32+s4+$0x0], $0xffff  }
0x456: {  	v26 =	vand.u32 $0xFFFF, v26;
	v27 =	vshll.u32 v27, $0x10;
	v30 =	vld.idx.msk [tilespmem:v30+s4+$0x0], $0xffff  }
0x457: {  	v26 =	vor.u32 v26, v27;
	v27 =	vld.idx.msk [tilespmem:v33+s4+$0x0], $0xffff  }
0x458: {  	v28 =	vld.idx.msk [tilespmem:v28+s4+$0x0], $0xffff  }
0x459: {  	[tilespmem:s25+$0x420] =	vst v26;
	s9 =	sor.u32 $0x430, s2;
	v26 =	vand.u32 $0xFFFF, v31;
	v29 =	vshll.u32 v29, $0x10  }
0x45a: {  	s11 =	sor.u32 $0x430, s16;
	v31 =	vld [tilespmem:s9+$0xC180];
	v26 =	vor.u32 v26, v29  }
0x45b: {  	v29 =	vld [tilespmem:s11+$0xC180];
	[tilespmem:s26+$0x420] =	vst v26;
	v26 =	vand.u32 $0xFFFF, v32;
	v30 =	vshll.u32 v30, $0x10  }
0x45c: {  	v60 =	vld [tilespmem:s23+$0xC180];
	v26 =	vor.u32 v26, v30  }
0x45d: {  	s12 =	sor.u32 $0x430, s1;
	v30 =	vld [tilespmem:s21+$0xC180];
	[tilespmem:s28+$0x420] =	vst v26;
	v27 =	vshll.u32 v27, $0x10;
	v26 =	vand.u32 $0xFFFF, v28  }
0x45e: {  	s15 =	sor.u32 $0x430, s0;
	v28 =	vld [tilespmem:s12+$0xC180];
	v26 =	vor.u32 v26, v27  }
0x45f: {  	v27 =	vadd.s32 $0x80, v31;
	v31 =	vld [tilespmem:s15+$0xC180];
	[tilespmem:s29+$0x420] =	vst v26  }
0x460: {  	v26 =	vadd.s32 $0x80, v29;
	v29 =	vld [tilespmem:s8+$0xC180]  }
0x461: {  	v32 =	vadd.s32 $0x80, v60;
	v61 =	vld [tilespmem:s7+$0xC180]  }
0x462: {  	v30 =	vadd.s32 $0x80, v30  }
0x463: {  	v28 =	vadd.s32 $0x80, v28  }
0x464: {  	v27 =	vld.idx.msk [tilespmem:v27+s4+$0x0], $0xffff;
	v31 =	vadd.s32 $0x80, v31  }
0x465: {  	v26 =	vld.idx.msk [tilespmem:v26+s4+$0x0], $0xffff;
	v29 =	vadd.s32 $0x80, v29  }
0x466: {  	v32 =	vld.idx.msk [tilespmem:v32+s4+$0x0], $0xffff;
	v33 =	vadd.s32 $0x80, v61  }
0x467: {  	v30 =	vld.idx.msk [tilespmem:v30+s4+$0x0], $0xffff  }
0x468: {  	v28 =	vld.idx.msk [tilespmem:v28+s4+$0x0], $0xffff  }
0x469: {  	v31 =	vld.idx.msk [tilespmem:v31+s4+$0x0], $0xffff  }
0x46a: {  	v27 =	vand.u32 $0xFFFF, v27;
	v26 =	vshll.u32 v26, $0x10;
	v29 =	vld.idx.msk [tilespmem:v29+s4+$0x0], $0xffff  }
0x46b: {  	v26 =	vor.u32 v27, v26;
	v27 =	vld.idx.msk [tilespmem:v33+s4+$0x0], $0xffff  }
0x46c: {  	s18 =	sor.u32 $0x438, s2;
	v30 =	vshll.u32 v30, $0x10;
	[tilespmem:s25+$0x430] =	vst v26;
	v26 =	vand.u32 $0xFFFF, v32  }
0x46d: {  	s19 =	sor.u32 $0x438, s16;
	v62 =	vld [tilespmem:s18+$0xC180];
	v26 =	vor.u32 v26, v30  }
0x46e: {  	v30 =	vld [tilespmem:s19+$0xC180];
	[tilespmem:s26+$0x430] =	vst v26;
	v26 =	vand.u32 $0xFFFF, v28;
	v28 =	vshll.u32 v31, $0x10  }
0x46f: {  	v31 =	vld [tilespmem:s17+$0xC180];
	v26 =	vor.u32 v26, v28  }
0x470: {  	s1 =	sor.u32 $0x438, s1;
	v28 =	vld [tilespmem:s14+$0xC180];
	[tilespmem:s28+$0x430] =	vst v26;
	v26 =	vand.u32 $0xFFFF, v29;
	v27 =	vshll.u32 v27, $0x10  }
0x471: {  	s0 =	sor.u32 $0x438, s0;
	v29 =	vld [tilespmem:s1+$0xC180];
	v26 =	vor.u32 v26, v27  }
0x472: {  	v63 =	vld [tilespmem:s0+$0xC180];
	v27 =	vadd.s32 $0x80, v62;
	[tilespmem:s29+$0x430] =	vst v26  }
0x473: {  	v26 =	vadd.s32 $0x80, v30;
	v30 =	vld [tilespmem:s10+$0xC180]  }
0x474: {  	v36 =	vld [tilespmem:s20+$0xC180];
	v31 =	vadd.s32 $0x80, v31  }
0x475: {  	v24 =	vld.idx.msk [tilespmem:v24+s4+$0x0], $0xffff;
	v28 =	vadd.s32 $0x80, v28  }
0x476: {  	v25 =	vld.idx.msk [tilespmem:v25+s4+$0x0], $0xffff;
	v29 =	vadd.s32 $0x80, v29  }
0x477: {  	v32 =	vadd.s32 $0x80, v63;
	v27 =	vld.idx.msk [tilespmem:v27+s4+$0x0], $0xffff  }
0x478: {  	v26 =	vld.idx.msk [tilespmem:v26+s4+$0x0], $0xffff;
	v30 =	vadd.s32 $0x80, v30  }
0x479: {  	v33 =	vadd.s32 $0x80, v36;
	v31 =	vld.idx.msk [tilespmem:v31+s4+$0x0], $0xffff  }
0x47a: {  	v28 =	vld.idx.msk [tilespmem:v28+s4+$0x0], $0xffff  }
0x47b: {  	v29 =	vld.idx.msk [tilespmem:v29+s4+$0x0], $0xffff  }
0x47c: {  	v32 =	vld.idx.msk [tilespmem:v32+s4+$0x0], $0xffff  }
0x47d: {  	v30 =	vld.idx.msk [tilespmem:v30+s4+$0x0], $0xffff  }
0x47e: {  	v33 =	vld.idx.msk [tilespmem:v33+s4+$0x0], $0xffff  }
0x47f: {  	v24 =	vand.u32 $0xFFFF, v24;
	v25 =	vshll.u32 v25, $0x10  }
0x480: {  	v24 =	vor.u32 v24, v25;
	v25 =	vand.u32 $0xFFFF, v27;
	v26 =	vshll.u32 v26, $0x10  }
0x481: {  	[tilespmem:s13+$0x438] =	vst v24;
	v24 =	vor.u32 v25, v26;
	v25 =	vand.u32 $0xFFFF, v31;
	v26 =	vshll.u32 v28, $0x10  }
0x482: {  	[tilespmem:s25+$0x438] =	vst v24;
	v24 =	vor.u32 v25, v26;
	v25 =	vand.u32 $0xFFFF, v29;
	v26 =	vshll.u32 v32, $0x10  }
0x483: {  	[tilespmem:s26+$0x438] =	vst v24;
	v24 =	vor.u32 v25, v26;
	v25 =	vand.u32 $0xFFFF, v30;
	v26 =	vshll.u32 v33, $0x10  }
0x484: {  	[tilespmem:s28+$0x438] =	vst v24;
	v24 =	vor.u32 v25, v26  }
0x485: {  	[tilespmem:s29+$0x438] =	vst v24  }
0x486: {  	s1 =	sld [smem:$0x7F9];
	_ =	sdelay $0x1  }
0x487: {  	s3 =	simm.s32 $0x400;
	s2 =	simm.s32 $0x200;
	s21 =	simm.s32 $0x18180  }
0x488: {  	[hbm4b:s1+s2] =	stream.strided.scatter [tilespmem:s21], [sflag:$0x4], $0x400, s3, s2, $0x38;
	[tilespmem:$0x1C180] =	vst v63  }
0x489: {  	s5 =	simm.s32 $0x18580;
	s22 =	sadd.s32 $0x40, s1  }
0x48a: {  	[hbm4b:s22+s2] =	stream.strided.scatter [tilespmem:s5], [sflag:$0x4], $0x400, s3, s2, $0x38;
	[tilespmem:$0x1C180] =	vst v63  }
0x48b: {  	s24 =	simm.s32 $0x18980;
	s23 =	sadd.s32 $0x100, s1  }
0x48c: {  	[hbm4b:s23+s2] =	stream.strided.scatter [tilespmem:s24], [sflag:$0x4], $0x400, s3, s2, $0x38;
	[tilespmem:$0x1C180] =	vst v63  }
0x48d: {  	s26 =	simm.s32 $0x18D80;
	s25 =	sadd.s32 $0x140, s1  }
0x48e: {  	[hbm4b:s25+s2] =	stream.strided.scatter [tilespmem:s26], [sflag:$0x4], $0x400, s3, s2, $0x38;
	[tilespmem:$0x1C180] =	vst v63  }
0x48f: {  	s6 =	simm.s32 $0x19180;
	s5 =	sadd.s32 $0x200, s1  }
0x490: {  	[hbm4b:s5+s2] =	stream.strided.scatter [tilespmem:s6], [sflag:$0x4], $0x400, s3, s2, $0x38;
	[tilespmem:$0x1C180] =	vst v63  }
0x491: {  	s8 =	simm.s32 $0x19580;
	s7 =	sadd.s32 $0x240, s1  }
0x492: {  	[hbm4b:s7+s2] =	stream.strided.scatter [tilespmem:s8], [sflag:$0x4], $0x400, s3, s2, $0x38;
	[tilespmem:$0x1C180] =	vst v63  }
0x493: {  	s10 =	simm.s32 $0x19980;
	s9 =	sadd.s32 $0x300, s1  }
0x494: {  	[hbm4b:s9+s2] =	stream.strided.scatter [tilespmem:s10], [sflag:$0x4], $0x400, s3, s2, $0x38;
	[tilespmem:$0x1C180] =	vst v63  }
0x495: {  	s12 =	simm.s32 $0x19D80;
	s11 =	sadd.s32 $0x340, s1  }
0x496: {  	[hbm4b:s11+s2] =	stream.strided.scatter [tilespmem:s12], [sflag:$0x4], $0x400, s3, s2, $0x38;
	[tilespmem:$0x1C180] =	vst v63  }
0x497: {  	s14 =	simm.s32 $0x1A180;
	s13 =	sadd.s32 $0x400, s1  }
0x498: {  	[hbm4b:s13+s2] =	stream.strided.scatter [tilespmem:s14], [sflag:$0x4], $0x400, s3, s2, $0x38;
	[tilespmem:$0x1C180] =	vst v63  }
0x499: {  	s16 =	simm.s32 $0x1A580;
	s15 =	sadd.s32 $0x440, s1  }
0x49a: {  	[hbm4b:s15+s2] =	stream.strided.scatter [tilespmem:s16], [sflag:$0x4], $0x400, s3, s2, $0x38;
	[tilespmem:$0x1C180] =	vst v63  }
0x49b: {  	s18 =	simm.s32 $0x1A980;
	s17 =	sadd.s32 $0x500, s1  }
0x49c: {  	[hbm4b:s17+s2] =	stream.strided.scatter [tilespmem:s18], [sflag:$0x4], $0x400, s3, s2, $0x38;
	[tilespmem:$0x1C180] =	vst v63  }
0x49d: {  	s20 =	simm.s32 $0x1AD80;
	s19 =	sadd.s32 $0x540, s1  }
0x49e: {  	[hbm4b:s19+s2] =	stream.strided.scatter [tilespmem:s20], [sflag:$0x4], $0x400, s3, s2, $0x38;
	[tilespmem:$0x1C180] =	vst v63  }
0x49f: {  	s21 =	sadd.s32 $0x600, s1;
	s22 =	simm.s32 $0x1B180  }
0x4a0: {  	[hbm4b:s21+s2] =	stream.strided.scatter [tilespmem:s22], [sflag:$0x4], $0x400, s3, s2, $0x38;
	[tilespmem:$0x1C180] =	vst v63  }
0x4a1: {  	s23 =	sadd.s32 $0x640, s1;
	s24 =	simm.s32 $0x1B580  }
0x4a2: {  	[hbm4b:s23+s2] =	stream.strided.scatter [tilespmem:s24], [sflag:$0x4], $0x400, s3, s2, $0x38;
	[tilespmem:$0x1C180] =	vst v63  }
0x4a3: {  	s25 =	sadd.s32 $0x700, s1;
	s26 =	simm.s32 $0x1B980  }
0x4a4: {  	[hbm4b:s25+s2] =	stream.strided.scatter [tilespmem:s26], [sflag:$0x4], $0x400, s3, s2, $0x38;
	[tilespmem:$0x1C180] =	vst v63  }
0x4a5: {  	s5 =	sadd.s32 $0x740, s1;
	s6 =	simm.s32 $0x1BD80;
	s7 =	sld [smem:$0x7FA]  }
0x4a6: {  	[hbm4b:s5+s2] =	stream.strided.scatter [tilespmem:s6], [sflag:$0x4], $0x400, s3, s2, $0x38;
	[tilespmem:$0x1C180] =	vst v63  }
0x4a7: {  	s1 =	simm.s32 $0x0;
	s8 =	simm.s32 $0xC180;
	s9 =	simm.s32 $0x1  }
0x4a8: {  	[tilespmem:s8], [sflag:$0x2] =	stream.linear.gather [hbm4b:s7+s1], $0x8000, $0x38;
	[tilespmem:$0x1C180] =	vst v63  }
0x4a9: {  	_ =	swait.ge [sflag:s9], $0x8000  }
0x4aa: {  	[sflag:s9] =	ssyncset.done $0x0  }
0x4ab: {  	s10 =	simm.s32 $0x3;
	[sflag:s9] =	ssyncadd.s32 $0xFFFF8000  }
0x4ac: {  	s11 =	simm.s32 $0x100;
	s12 =	sand.u32 $0x7800, s1;
	_ =	swait.ge [sflag:s10], $0x4000  }
0x4ad: {  	s0 =	sand.u32 $0x300, s11;
	s2 =	sadd.s32 $0x4180, s12;
	[sflag:s10] =	ssyncset.done $0x0  }
0x4ae: {  	s13 =	sadd.s32 s0, s2;
	[sflag:s10] =	ssyncadd.s32 $0xFFFFC000  }
0x4af: {  	v24 =	vld [tilespmem:s13+$0x0]  }
0x4b0: {  	v25 =	vld [tilespmem:s13+$0x80];
	_ =	sdelay $0x3  }
0x4b1: {  	v24 =	vadd.s32 $0x80, v24  }
0x4b2: {  	v25 =	vadd.s32 $0x80, v25;
	_ =	sdelay $0x3  }
0x4b3: {  	v24 =	vld.idx.msk [tilespmem:v24+s4+$0x0], $0xffff  }
0x4b4: {  	v25 =	vld.idx.msk [tilespmem:v25+s4+$0x0], $0xffff;
	_ =	sdelay $0x2  }
0x4b5: {  	s14 =	simm.s32 $0x0  }
0x4b6: {  	s16 =	simm.s32 $0x80;
	s17 =	sand.u32 $0x3800, s14  }
0x4b7: {  	s6 =	sor.u32 $0x14180, s17;
	s5 =	sand.u32 $0x380, s16;
	v24 =	vand.u32 $0xFFFF, v24;
	v25 =	vshll.u32 v25, $0x10  }
0x4b8: {  	s15 =	sadd.s32 s5, s6;
	v24 =	vor.u32 v24, v25  }
0x4b9: {  	[tilespmem:s15+$0x0] =	vst v24  }
0x4ba: {  	v24 =	vld [tilespmem:s13+$0x10]  }
0x4bb: {  	v25 =	vld [tilespmem:s13+$0x90];
	_ =	sdelay $0x2  }
0x4bc: {  	s0 =	sand.u32 $0x200, s14  }
0x4bd: {  	s0 =	sor.u32 s0, s2;
	v24 =	vadd.s32 $0x80, v24  }
0x4be: {  	v26 =	vld [tilespmem:s0+$0x0];
	v25 =	vadd.s32 $0x80, v25  }
0x4bf: {  	v27 =	vld [tilespmem:s0+$0x80];
	_ =	sdelay $0x2  }
0x4c0: {  	v24 =	vld.idx.msk [tilespmem:v24+s4+$0x0], $0xffff  }
0x4c1: {  	v26 =	vadd.s32 $0x80, v26;
	v25 =	vld.idx.msk [tilespmem:v25+s4+$0x0], $0xffff  }
0x4c2: {  	v27 =	vadd.s32 $0x80, v27;
	_ =	sdelay $0x3  }
0x4c3: {  	v26 =	vld.idx.msk [tilespmem:v26+s4+$0x0], $0xffff;
	v24 =	vand.u32 $0xFFFF, v24;
	v25 =	vshll.u32 v25, $0x10  }
0x4c4: {  	v27 =	vld.idx.msk [tilespmem:v27+s4+$0x0], $0xffff;
	v24 =	vor.u32 v24, v25  }
0x4c5: {  	[tilespmem:s15+$0x10] =	vst v24  }
0x4c6: {  	v24 =	vld [tilespmem:s13+$0x20]  }
0x4c7: {  	v25 =	vld [tilespmem:s13+$0xA0]  }
0x4c8: {  	s18 =	simm.s32 $0x0  }
0x4c9: {  	s2 =	sand.u32 $0x300, s18;
	v26 =	vand.u32 $0xFFFF, v26;
	v27 =	vshll.u32 v27, $0x10  }
0x4ca: {  	s14 =	sadd.s32 s2, s6;
	v26 =	vor.u32 v26, v27  }
0x4cb: {  	[tilespmem:s14+$0x0] =	vst v26;
	v24 =	vadd.s32 $0x80, v24  }
0x4cc: {  	v26 =	vld [tilespmem:s0+$0x10];
	v25 =	vadd.s32 $0x80, v25  }
0x4cd: {  	v27 =	vld [tilespmem:s0+$0x90];
	_ =	sdelay $0x2  }
0x4ce: {  	v24 =	vld.idx.msk [tilespmem:v24+s4+$0x0], $0xffff  }
0x4cf: {  	v26 =	vadd.s32 $0x80, v26;
	v25 =	vld.idx.msk [tilespmem:v25+s4+$0x0], $0xffff  }
0x4d0: {  	v27 =	vadd.s32 $0x80, v27;
	_ =	sdelay $0x3  }
0x4d1: {  	v26 =	vld.idx.msk [tilespmem:v26+s4+$0x0], $0xffff;
	v24 =	vand.u32 $0xFFFF, v24;
	v25 =	vshll.u32 v25, $0x10  }
0x4d2: {  	v27 =	vld.idx.msk [tilespmem:v27+s4+$0x0], $0xffff;
	v24 =	vor.u32 v24, v25  }
0x4d3: {  	[tilespmem:s15+$0x20] =	vst v24  }
0x4d4: {  	v24 =	vld [tilespmem:s13+$0x30]  }
0x4d5: {  	v25 =	vld [tilespmem:s13+$0xB0];
	_ =	sdelay $0x1  }
0x4d6: {  	v26 =	vand.u32 $0xFFFF, v26;
	v27 =	vshll.u32 v27, $0x10  }
0x4d7: {  	v26 =	vor.u32 v26, v27  }
0x4d8: {  	[tilespmem:s14+$0x10] =	vst v26;
	v24 =	vadd.s32 $0x80, v24  }
0x4d9: {  	v26 =	vld [tilespmem:s0+$0x20];
	v25 =	vadd.s32 $0x80, v25  }
0x4da: {  	v27 =	vld [tilespmem:s0+$0xA0];
	_ =	sdelay $0x2  }
0x4db: {  	v24 =	vld.idx.msk [tilespmem:v24+s4+$0x0], $0xffff  }
0x4dc: {  	v26 =	vadd.s32 $0x80, v26;
	v25 =	vld.idx.msk [tilespmem:v25+s4+$0x0], $0xffff  }
0x4dd: {  	v27 =	vadd.s32 $0x80, v27;
	_ =	sdelay $0x3  }
0x4de: {  	v26 =	vld.idx.msk [tilespmem:v26+s4+$0x0], $0xffff;
	v24 =	vand.u32 $0xFFFF, v24;
	v25 =	vshll.u32 v25, $0x10  }
0x4df: {  	v27 =	vld.idx.msk [tilespmem:v27+s4+$0x0], $0xffff;
	v24 =	vor.u32 v24, v25  }
0x4e0: {  	[tilespmem:s15+$0x30] =	vst v24  }
0x4e1: {  	v24 =	vld [tilespmem:s13+$0x40]  }
0x4e2: {  	v25 =	vld [tilespmem:s13+$0xC0];
	_ =	sdelay $0x1  }
0x4e3: {  	v26 =	vand.u32 $0xFFFF, v26;
	v27 =	vshll.u32 v27, $0x10  }
0x4e4: {  	v26 =	vor.u32 v26, v27  }
0x4e5: {  	[tilespmem:s14+$0x20] =	vst v26;
	v24 =	vadd.s32 $0x80, v24  }
0x4e6: {  	v26 =	vld [tilespmem:s0+$0x30];
	v25 =	vadd.s32 $0x80, v25  }
0x4e7: {  	v27 =	vld [tilespmem:s0+$0xB0];
	_ =	sdelay $0x2  }
0x4e8: {  	v24 =	vld.idx.msk [tilespmem:v24+s4+$0x0], $0xffff  }
0x4e9: {  	v26 =	vadd.s32 $0x80, v26;
	v25 =	vld.idx.msk [tilespmem:v25+s4+$0x0], $0xffff  }
0x4ea: {  	v27 =	vadd.s32 $0x80, v27;
	_ =	sdelay $0x3  }
0x4eb: {  	v26 =	vld.idx.msk [tilespmem:v26+s4+$0x0], $0xffff;
	v24 =	vand.u32 $0xFFFF, v24;
	v25 =	vshll.u32 v25, $0x10  }
0x4ec: {  	v27 =	vld.idx.msk [tilespmem:v27+s4+$0x0], $0xffff;
	v24 =	vor.u32 v24, v25  }
0x4ed: {  	[tilespmem:s15+$0x40] =	vst v24  }
0x4ee: {  	s19 =	simm.s32 $0x400;
	v24 =	vld [tilespmem:s13+$0x50]  }
0x4ef: {  	s20 =	simm.s32 $0x300;
	s2 =	sand.u32 $0x7800, s19;
	v25 =	vld [tilespmem:s13+$0xD0]  }
0x4f0: {  	s22 =	sand.u32 $0x300, s20;
	s21 =	sadd.s32 $0x4180, s2  }
0x4f1: {  	s2 =	sadd.s32 s22, s21;
	v26 =	vand.u32 $0xFFFF, v26;
	v27 =	vshll.u32 v27, $0x10  }
0x4f2: {  	v26 =	vor.u32 v26, v27;
	v27 =	vld [tilespmem:s2+$0x0]  }
0x4f3: {  	[tilespmem:s14+$0x30] =	vst v26;
	v26 =	vld [tilespmem:s2+$0x80];
	v24 =	vadd.s32 $0x80, v24  }
0x4f4: {  	v28 =	vld [tilespmem:s0+$0x40];
	v25 =	vadd.s32 $0x80, v25  }
0x4f5: {  	v29 =	vld [tilespmem:s0+$0xC0];
	_ =	sdelay $0x1  }
0x4f6: {  	v27 =	vadd.s32 $0x80, v27  }
0x4f7: {  	v26 =	vadd.s32 $0x80, v26;
	v24 =	vld.idx.msk [tilespmem:v24+s4+$0x0], $0xffff  }
0x4f8: {  	v28 =	vadd.s32 $0x80, v28;
	v25 =	vld.idx.msk [tilespmem:v25+s4+$0x0], $0xffff  }
0x4f9: {  	v29 =	vadd.s32 $0x80, v29;
	_ =	sdelay $0x1  }
0x4fa: {  	v27 =	vld.idx.msk [tilespmem:v27+s4+$0x0], $0xffff  }
0x4fb: {  	v26 =	vld.idx.msk [tilespmem:v26+s4+$0x0], $0xffff  }
0x4fc: {  	v28 =	vld.idx.msk [tilespmem:v28+s4+$0x0], $0xffff;
	v24 =	vand.u32 $0xFFFF, v24;
	v25 =	vshll.u32 v25, $0x10  }
0x4fd: {  	v29 =	vld.idx.msk [tilespmem:v29+s4+$0x0], $0xffff;
	v24 =	vor.u32 v24, v25  }
0x4fe: {  	s23 =	simm.s32 $0x200;
	[tilespmem:s15+$0x50] =	vst v24  }
0x4ff: {  	s24 =	sand.u32 $0x200, s23;
	s25 =	sand.u32 $0x3800, s23;
	s26 =	simm.s32 $0x180;
	v24 =	vld [tilespmem:s13+$0x60]  }
0x500: {  	s8 =	sor.u32 $0x14180, s25;
	s5 =	sor.u32 s24, s21;
	s10 =	sand.u32 $0x380, s26;
	v26 =	vshll.u32 v26, $0x10;
	v25 =	vand.u32 $0xFFFF, v27;
	v27 =	vld [tilespmem:s13+$0xE0]  }
0x501: {  	v30 =	vld [tilespmem:s5+$0x0];
	s25 =	sadd.s32 s10, s8;
	v25 =	vor.u32 v25, v26  }
0x502: {  	v26 =	vand.u32 $0xFFFF, v28;
	v28 =	vshll.u32 v29, $0x10;
	v29 =	vld [tilespmem:s5+$0x80];
	[tilespmem:s25+$0x0] =	vst v25  }
0x503: {  	v25 =	vor.u32 v26, v28;
	v26 =	vld [tilespmem:s2+$0x10]  }
0x504: {  	[tilespmem:s14+$0x40] =	vst v25;
	v25 =	vld [tilespmem:s2+$0x90];
	v24 =	vadd.s32 $0x80, v24  }
0x505: {  	v28 =	vld [tilespmem:s0+$0x50];
	v27 =	vadd.s32 $0x80, v27  }
0x506: {  	v30 =	vadd.s32 $0x80, v30;
	v31 =	vld [tilespmem:s0+$0xD0]  }
0x507: {  	v29 =	vadd.s32 $0x80, v29  }
0x508: {  	v26 =	vadd.s32 $0x80, v26  }
0x509: {  	v25 =	vadd.s32 $0x80, v25;
	v24 =	vld.idx.msk [tilespmem:v24+s4+$0x0], $0xffff  }
0x50a: {  	v28 =	vadd.s32 $0x80, v28;
	v27 =	vld.idx.msk [tilespmem:v27+s4+$0x0], $0xffff  }
0x50b: {  	v30 =	vld.idx.msk [tilespmem:v30+s4+$0x0], $0xffff;
	v31 =	vadd.s32 $0x80, v31  }
0x50c: {  	v29 =	vld.idx.msk [tilespmem:v29+s4+$0x0], $0xffff  }
0x50d: {  	v26 =	vld.idx.msk [tilespmem:v26+s4+$0x0], $0xffff  }
0x50e: {  	v25 =	vld.idx.msk [tilespmem:v25+s4+$0x0], $0xffff  }
0x50f: {  	v28 =	vld.idx.msk [tilespmem:v28+s4+$0x0], $0xffff;
	v24 =	vand.u32 $0xFFFF, v24;
	v27 =	vshll.u32 v27, $0x10  }
0x510: {  	s11 =	simm.s32 $0x100;
	v31 =	vld.idx.msk [tilespmem:v31+s4+$0x0], $0xffff;
	v24 =	vor.u32 v24, v27  }
0x511: {  	s7 =	sand.u32 $0x300, s11;
	v29 =	vshll.u32 v29, $0x10;
	v27 =	vand.u32 $0xFFFF, v30;
	[tilespmem:s15+$0x60] =	vst v24  }
0x512: {  	s26 =	sadd.s32 s7, s8;
	v24 =	vor.u32 v27, v29;
	v27 =	vld [tilespmem:s13+$0x70]  }
0x513: {  	v25 =	vshll.u32 v25, $0x10;
	[tilespmem:s26+$0x0] =	vst v24;
	v24 =	vand.u32 $0xFFFF, v26;
	v26 =	vld [tilespmem:s13+$0xF0]  }
0x514: {  	v29 =	vld [tilespmem:s5+$0x10];
	v24 =	vor.u32 v24, v25  }
0x515: {  	v25 =	vand.u32 $0xFFFF, v28;
	v28 =	vshll.u32 v31, $0x10;
	v30 =	vld [tilespmem:s5+$0x90];
	[tilespmem:s25+$0x10] =	vst v24  }
0x516: {  	v24 =	vor.u32 v25, v28;
	v25 =	vld [tilespmem:s2+$0x20]  }
0x517: {  	[tilespmem:s14+$0x50] =	vst v24;
	v24 =	vld [tilespmem:s2+$0xA0];
	v27 =	vadd.s32 $0x80, v27  }
0x518: {  	v28 =	vld [tilespmem:s0+$0x60];
	v26 =	vadd.s32 $0x80, v26  }
0x519: {  	v31 =	vld [tilespmem:s0+$0xE0];
	v29 =	vadd.s32 $0x80, v29  }
0x51a: {  	v30 =	vadd.s32 $0x80, v30  }
0x51b: {  	v25 =	vadd.s32 $0x80, v25  }
0x51c: {  	v24 =	vadd.s32 $0x80, v24;
	v27 =	vld.idx.msk [tilespmem:v27+s4+$0x0], $0xffff  }
0x51d: {  	v28 =	vadd.s32 $0x80, v28;
	v26 =	vld.idx.msk [tilespmem:v26+s4+$0x0], $0xffff  }
0x51e: {  	v31 =	vadd.s32 $0x80, v31;
	v29 =	vld.idx.msk [tilespmem:v29+s4+$0x0], $0xffff  }
0x51f: {  	v30 =	vld.idx.msk [tilespmem:v30+s4+$0x0], $0xffff  }
0x520: {  	s1 =	sand.u32 $0x3, s1;
	v25 =	vld.idx.msk [tilespmem:v25+s4+$0x0], $0xffff  }
0x521: {  	s1 =	sshll.u32 s1, $0x8;
	v24 =	vld.idx.msk [tilespmem:v24+s4+$0x0], $0xffff  }
0x522: {  	s1 =	sadd.s32 $0x0, s1;
	v28 =	vld.idx.msk [tilespmem:v28+s4+$0x0], $0xffff;
	v27 =	vand.u32 $0xFFFF, v27;
	v26 =	vshll.u32 v26, $0x10  }
0x523: {  	s6 =	sadd.s32 $0x100, s1;
	v31 =	vld.idx.msk [tilespmem:v31+s4+$0x0], $0xffff;
	v26 =	vor.u32 v27, v26  }
0x524: {  	s9 =	sadd.s32 $0x180, s1;
	s12 =	sor.u32 $0x400, s6;
	v27 =	vand.u32 $0xFFFF, v29;
	v29 =	vshll.u32 v30, $0x10;
	[tilespmem:s15+$0x70] =	vst v26  }
0x525: {  	s1 =	sor.u32 $0x400, s9;
	v26 =	vor.u32 v27, v29;
	v27 =	vld [tilespmem:s12+$0x4180]  }
0x526: {  	[tilespmem:s26+$0x10] =	vst v26;
	v25 =	vand.u32 $0xFFFF, v25;
	v24 =	vshll.u32 v24, $0x10;
	v26 =	vld [tilespmem:s1+$0x4180]  }
0x527: {  	v29 =	vld [tilespmem:s5+$0x20];
	v24 =	vor.u32 v25, v24  }
0x528: {  	v25 =	vand.u32 $0xFFFF, v28;
	v28 =	vshll.u32 v31, $0x10;
	v30 =	vld [tilespmem:s5+$0xA0];
	[tilespmem:s25+$0x20] =	vst v24  }
0x529: {  	v24 =	vor.u32 v25, v28;
	v25 =	vld [tilespmem:s2+$0x30]  }
0x52a: {  	[tilespmem:s14+$0x60] =	vst v24;
	v24 =	vld [tilespmem:s2+$0xB0];
	v27 =	vadd.s32 $0x80, v27  }
0x52b: {  	v28 =	vld [tilespmem:s0+$0x70];
	v26 =	vadd.s32 $0x80, v26  }
0x52c: {  	v31 =	vld [tilespmem:s0+$0xF0];
	v29 =	vadd.s32 $0x80, v29  }
0x52d: {  	v30 =	vadd.s32 $0x80, v30  }
0x52e: {  	v25 =	vadd.s32 $0x80, v25  }
0x52f: {  	v24 =	vadd.s32 $0x80, v24;
	v27 =	vld.idx.msk [tilespmem:v27+s4+$0x0], $0xffff  }
0x530: {  	v28 =	vadd.s32 $0x80, v28;
	v26 =	vld.idx.msk [tilespmem:v26+s4+$0x0], $0xffff  }
0x531: {  	v31 =	vadd.s32 $0x80, v31;
	v29 =	vld.idx.msk [tilespmem:v29+s4+$0x0], $0xffff  }
0x532: {  	v30 =	vld.idx.msk [tilespmem:v30+s4+$0x0], $0xffff  }
0x533: {  	v25 =	vld.idx.msk [tilespmem:v25+s4+$0x0], $0xffff  }
0x534: {  	v24 =	vld.idx.msk [tilespmem:v24+s4+$0x0], $0xffff  }
0x535: {  	v28 =	vld.idx.msk [tilespmem:v28+s4+$0x0], $0xffff;
	v27 =	vand.u32 $0xFFFF, v27;
	v26 =	vshll.u32 v26, $0x10  }
0x536: {  	v31 =	vld.idx.msk [tilespmem:v31+s4+$0x0], $0xffff;
	v26 =	vor.u32 v27, v26  }
0x537: {  	s13 =	sor.u32 $0x410, s6;
	v27 =	vand.u32 $0xFFFF, v29;
	v29 =	vshll.u32 v30, $0x10;
	[tilespmem:s15+$0x400] =	vst v26  }
0x538: {  	s16 =	sor.u32 $0x410, s9;
	v26 =	vor.u32 v27, v29;
	v27 =	vld [tilespmem:s13+$0x4180]  }
0x539: {  	p0 =	por $0x0, $0x0;
	s1 =	simm.s32 $0x1;
	[tilespmem:s26+$0x20] =	vst v26;
	v25 =	vand.u32 $0xFFFF, v25;
	v24 =	vshll.u32 v24, $0x10;
	v26 =	vld [tilespmem:s16+$0x4180]  }
0x53a: {  	s1 =	simm.s32 @!p0 $0x0;
	v29 =	vld [tilespmem:s5+$0x30];
	v24 =	vor.u32 v25, v24  }
0x53b: {  	s17 =	sshll.u32 s1, $0x9;
	v25 =	vand.u32 $0xFFFF, v28;
	v28 =	vshll.u32 v31, $0x10;
	v30 =	vld [tilespmem:s5+$0xB0];
	[tilespmem:s25+$0x30] =	vst v24  }
0x53c: {  	s8 =	sadd.s32 $0x0, s17;
	v24 =	vor.u32 v25, v28;
	v25 =	vld [tilespmem:s2+$0x40]  }
0x53d: {  	s31 =	simm.s32 $0x800;
	s0 =	sor.u32 $0x400, s8;
	[tilespmem:s14+$0x70] =	vst v24;
	v24 =	vld [tilespmem:s2+$0xC0]  }
0x53e: {  	s22 =	sand.u32 $0x7800, s31;
	s7 =	sadd.s32 $0x80, s8;
	v28 =	vld [tilespmem:s0+$0x4180];
	s0 =	simm.s32 $0x500;
	v27 =	vadd.s32 $0x80, v27  }
0x53f: {  	s3 =	sadd.s32 $0x4180, s22;
	s18 =	sor.u32 $0x400, s7;
	v26 =	vadd.s32 $0x80, v26;
	s24 =	sand.u32 $0x300, s0  }
0x540: {  	v31 =	vld [tilespmem:s18+$0x4180];
	v29 =	vadd.s32 $0x80, v29;
	s30 =	sadd.s32 s24, s3  }
0x541: {  	v30 =	vadd.s32 $0x80, v30;
	v37 =	vld [tilespmem:s30+$0x0]  }
0x542: {  	v38 =	vld [tilespmem:s30+$0x80];
	v25 =	vadd.s32 $0x80, v25  }
0x543: {  	v24 =	vadd.s32 $0x80, v24;
	v27 =	vld.idx.msk [tilespmem:v27+s4+$0x0], $0xffff  }
0x544: {  	v28 =	vadd.s32 $0x80, v28;
	v26 =	vld.idx.msk [tilespmem:v26+s4+$0x0], $0xffff  }
0x545: {  	v31 =	vadd.s32 $0x80, v31;
	v29 =	vld.idx.msk [tilespmem:v29+s4+$0x0], $0xffff  }
0x546: {  	v30 =	vld.idx.msk [tilespmem:v30+s4+$0x0], $0xffff  }
0x547: {  	v25 =	vld.idx.msk [tilespmem:v25+s4+$0x0], $0xffff  }
0x548: {  	s12 =	simm.s32 $0x400;
	v24 =	vld.idx.msk [tilespmem:v24+s4+$0x0], $0xffff  }
0x549: {  	s13 =	sand.u32 $0x200, s12;
	v28 =	vld.idx.msk [tilespmem:v28+s4+$0x0], $0xffff;
	v27 =	vand.u32 $0xFFFF, v27;
	v26 =	vshll.u32 v26, $0x10  }
0x54a: {  	s3 =	sor.u32 s13, s3;
	v31 =	vld.idx.msk [tilespmem:v31+s4+$0x0], $0xffff;
	v26 =	vor.u32 v27, v26  }
0x54b: {  	s19 =	sor.u32 $0x420, s6;
	v34 =	vld [tilespmem:s3+$0x0];
	v27 =	vand.u32 $0xFFFF, v29;
	v29 =	vshll.u32 v30, $0x10;
	[tilespmem:s15+$0x410] =	vst v26  }
0x54c: {  	s20 =	sor.u32 $0x420, s9;
	v26 =	vor.u32 v27, v29;
	v27 =	vld [tilespmem:s19+$0x4180]  }
0x54d: {  	[tilespmem:s26+$0x30] =	vst v26;
	v25 =	vand.u32 $0xFFFF, v25;
	v24 =	vshll.u32 v24, $0x10;
	v26 =	vld [tilespmem:s20+$0x4180]  }
0x54e: {  	v29 =	vld [tilespmem:s5+$0x40];
	v24 =	vor.u32 v25, v24  }
0x54f: {  	v25 =	vand.u32 $0xFFFF, v28;
	v28 =	vshll.u32 v31, $0x10;
	v30 =	vld [tilespmem:s5+$0xC0];
	[tilespmem:s25+$0x40] =	vst v24  }
0x550: {  	v32 =	vadd.s32 $0x80, v37;
	v24 =	vor.u32 v25, v28;
	v25 =	vld [tilespmem:s2+$0x50]  }
0x551: {  	s21 =	sor.u32 $0x410, s8;
	[tilespmem:s14+$0x400] =	vst v24;
	v24 =	vld [tilespmem:s2+$0xD0];
	v27 =	vadd.s32 $0x80, v27  }
0x552: {  	s23 =	sor.u32 $0x410, s7;
	v28 =	vld [tilespmem:s21+$0x4180];
	v26 =	vadd.s32 $0x80, v26  }
0x553: {  	v31 =	vld [tilespmem:s23+$0x4180];
	v29 =	vadd.s32 $0x80, v29  }
0x554: {  	v40 =	vld [tilespmem:s3+$0x80];
	v30 =	vadd.s32 $0x80, v30  }
0x555: {  	v32 =	vld.idx.msk [tilespmem:v32+s4+$0x0], $0xffff;
	v25 =	vadd.s32 $0x80, v25  }
0x556: {  	v24 =	vadd.s32 $0x80, v24;
	v27 =	vld.idx.msk [tilespmem:v27+s4+$0x0], $0xffff  }
0x557: {  	v28 =	vadd.s32 $0x80, v28;
	v26 =	vld.idx.msk [tilespmem:v26+s4+$0x0], $0xffff  }
0x558: {  	v31 =	vadd.s32 $0x80, v31;
	v29 =	vld.idx.msk [tilespmem:v29+s4+$0x0], $0xffff  }
0x559: {  	v33 =	vadd.s32 $0x80, v38;
	v30 =	vld.idx.msk [tilespmem:v30+s4+$0x0], $0xffff  }
0x55a: {  	v25 =	vld.idx.msk [tilespmem:v25+s4+$0x0], $0xffff  }
0x55b: {  	v24 =	vld.idx.msk [tilespmem:v24+s4+$0x0], $0xffff  }
0x55c: {  	v28 =	vld.idx.msk [tilespmem:v28+s4+$0x0], $0xffff;
	v27 =	vand.u32 $0xFFFF, v27;
	v26 =	vshll.u32 v26, $0x10  }
0x55d: {  	v31 =	vld.idx.msk [tilespmem:v31+s4+$0x0], $0xffff;
	v26 =	vor.u32 v27, v26  }
0x55e: {  	s10 =	sor.u32 $0x430, s6;
	v27 =	vand.u32 $0xFFFF, v29;
	v29 =	vld.idx.msk [tilespmem:v33+s4+$0x0], $0xffff;
	v30 =	vshll.u32 v30, $0x10;
	[tilespmem:s15+$0x420] =	vst v26  }
0x55f: {  	s11 =	sor.u32 $0x430, s9;
	v26 =	vor.u32 v27, v30;
	v27 =	vld [tilespmem:s10+$0x4180]  }
0x560: {  	v34 =	vadd.s32 $0x80, v34;
	[tilespmem:s26+$0x40] =	vst v26;
	v25 =	vand.u32 $0xFFFF, v25;
	v24 =	vshll.u32 v24, $0x10;
	v26 =	vld [tilespmem:s11+$0x4180]  }
0x561: {  	v30 =	vld [tilespmem:s5+$0x50];
	v24 =	vor.u32 v25, v24  }
0x562: {  	s1 =	simm.s32 $0x280;
	s16 =	sand.u32 $0x3800, s12;
	v25 =	vld [tilespmem:s5+$0xD0];
	[tilespmem:s25+$0x50] =	vst v24  }
0x563: {  	s17 =	sor.u32 $0x14180, s16;
	s18 =	sand.u32 $0x380, s1;
	v32 =	vand.u32 $0xFFFF, v32;
	v24 =	vld [tilespmem:s2+$0x60];
	v29 =	vshll.u32 v29, $0x10  }
0x564: {  	s28 =	sadd.s32 s18, s17;
	v39 =	vld [tilespmem:s2+$0xE0];
	v29 =	vor.u32 v32, v29;
	v27 =	vadd.s32 $0x80, v27  }
0x565: {  	v34 =	vld.idx.msk [tilespmem:v34+s4+$0x0], $0xffff;
	v28 =	vand.u32 $0xFFFF, v28;
	v31 =	vshll.u32 v31, $0x10;
	v26 =	vadd.s32 $0x80, v26;
	[tilespmem:s28+$0x0] =	vst v29  }
0x566: {  	v28 =	vor.u32 v28, v31;
	v29 =	vadd.s32 $0x80, v30;
	v30 =	vld [tilespmem:s30+$0x10]  }
0x567: {  	s21 =	sor.u32 $0x420, s8;
	[tilespmem:s14+$0x410] =	vst v28;
	v25 =	vadd.s32 $0x80, v25;
	v35 =	vld [tilespmem:s30+$0x90]  }
0x568: {  	v50 =	vld [tilespmem:s21+$0x4180];
	v24 =	vadd.s32 $0x80, v24  }
0x569: {  	v33 =	vadd.s32 $0x80, v39;
	v27 =	vld.idx.msk [tilespmem:v27+s4+$0x0], $0xffff  }
0x56a: {  	v32 =	vadd.s32 $0x80, v40;
	v26 =	vld.idx.msk [tilespmem:v26+s4+$0x0], $0xffff  }
0x56b: {  	v29 =	vld.idx.msk [tilespmem:v29+s4+$0x0], $0xffff;
	v30 =	vadd.s32 $0x80, v30  }
0x56c: {  	v25 =	vld.idx.msk [tilespmem:v25+s4+$0x0], $0xffff;
	v35 =	vadd.s32 $0x80, v35  }
0x56d: {  	v24 =	vld.idx.msk [tilespmem:v24+s4+$0x0], $0xffff  }
0x56e: {  	v33 =	vld.idx.msk [tilespmem:v33+s4+$0x0], $0xffff  }
0x56f: {  	v32 =	vld.idx.msk [tilespmem:v32+s4+$0x0], $0xffff;
	v27 =	vand.u32 $0xFFFF, v27;
	v26 =	vshll.u32 v26, $0x10  }
0x570: {  	v30 =	vld.idx.msk [tilespmem:v30+s4+$0x0], $0xffff;
	v26 =	vor.u32 v27, v26  }
0x571: {  	s6 =	sor.u32 $0x438, s6;
	v27 =	vand.u32 $0xFFFF, v29;
	v29 =	vld.idx.msk [tilespmem:v35+s4+$0x0], $0xffff;
	v25 =	vshll.u32 v25, $0x10;
	[tilespmem:s15+$0x430] =	vst v26  }
0x572: {  	s19 =	sor.u32 $0x438, s9;
	v25 =	vor.u32 v27, v25;
	v26 =	vld [tilespmem:s6+$0x4180]  }
0x573: {  	[tilespmem:s26+$0x50] =	vst v25;
	v24 =	vand.u32 $0xFFFF, v24;
	v25 =	vshll.u32 v33, $0x10;
	v27 =	vld [tilespmem:s19+$0x4180]  }
0x574: {  	s20 =	simm.s32 $0x200;
	v41 =	vld [tilespmem:s5+$0x60];
	v24 =	vor.u32 v24, v25  }
0x575: {  	v32 =	vshll.u32 v32, $0x10;
	s6 =	sand.u32 $0x300, s20;
	v25 =	vand.u32 $0xFFFF, v34;
	v42 =	vld [tilespmem:s5+$0xE0];
	[tilespmem:s25+$0x60] =	vst v24  }
0x576: {  	s29 =	sadd.s32 s6, s17;
	v24 =	vor.u32 v25, v32;
	v25 =	vld [tilespmem:s2+$0x70]  }
0x577: {  	[tilespmem:s29+$0x0] =	vst v24;
	v24 =	vand.u32 $0xFFFF, v30;
	v29 =	vshll.u32 v29, $0x10;
	v30 =	vld [tilespmem:s2+$0xF0];
	v26 =	vadd.s32 $0x80, v26  }
0x578: {  	v43 =	vld [tilespmem:s3+$0x10];
	v24 =	vor.u32 v24, v29;
	v27 =	vadd.s32 $0x80, v27  }
0x579: {  	v29 =	vld [tilespmem:s3+$0x90];
	[tilespmem:s28+$0x10] =	vst v24;
	v33 =	vadd.s32 $0x80, v41  }
0x57a: {  	v44 =	vld [tilespmem:s30+$0x20];
	v34 =	vadd.s32 $0x80, v42  }
0x57b: {  	v36 =	vld [tilespmem:s30+$0xA0];
	v37 =	vadd.s32 $0x80, v25  }
0x57c: {  	v30 =	vadd.s32 $0x80, v30;
	v24 =	vld.idx.msk [tilespmem:v26+s4+$0x0], $0xffff  }
0x57d: {  	v26 =	vadd.s32 $0x80, v43;
	v25 =	vld.idx.msk [tilespmem:v27+s4+$0x0], $0xffff  }
0x57e: {  	v27 =	vadd.s32 $0x80, v29;
	v29 =	vld.idx.msk [tilespmem:v33+s4+$0x0], $0xffff  }
0x57f: {  	v45 =	vadd.s32 $0x80, v44;
	v46 =	vld.idx.msk [tilespmem:v34+s4+$0x0], $0xffff  }
0x580: {  	v47 =	vadd.s32 $0x80, v36;
	v48 =	vld.idx.msk [tilespmem:v37+s4+$0x0], $0xffff  }
0x581: {  	v30 =	vld.idx.msk [tilespmem:v30+s4+$0x0], $0xffff  }
0x582: {  	v26 =	vld.idx.msk [tilespmem:v26+s4+$0x0], $0xffff  }
0x583: {  	s6 =	simm.s32 $0x2;
	v27 =	vld.idx.msk [tilespmem:v27+s4+$0x0], $0xffff  }
0x584: {  	s22 =	sand.u32 $0x3, s6;
	v31 =	vld.idx.msk [tilespmem:v45+s4+$0x0], $0xffff;
	v28 =	vand.u32 $0xFFFF, v29;
	v49 =	vshll.u32 v46, $0x10  }
0x585: {  	s23 =	sor.u32 $0x420, s7;
	s9 =	sshll.u32 s22, $0x8;
	v29 =	vld.idx.msk [tilespmem:v47+s4+$0x0], $0xffff;
	v28 =	vor.u32 v28, v49  }
0x586: {  	v51 =	vld [tilespmem:s23+$0x4180];
	s9 =	sadd.s32 $0x400, s9;
	[tilespmem:s26+$0x60] =	vst v28;
	v28 =	vand.u32 $0xFFFF, v48;
	v30 =	vshll.u32 v30, $0x10  }
0x587: {  	s2 =	sadd.s32 $0x100, s9;
	v52 =	vld [tilespmem:s5+$0x70];
	v28 =	vor.u32 v28, v30  }
0x588: {  	s16 =	sadd.s32 $0x180, s9;
	s24 =	sor.u32 $0x400, s2;
	v30 =	vld [tilespmem:s5+$0xF0];
	v26 =	vand.u32 $0xFFFF, v26;
	v27 =	vshll.u32 v27, $0x10;
	[tilespmem:s25+$0x70] =	vst v28  }
0x589: {  	s9 =	sor.u32 $0x400, s16;
	v26 =	vor.u32 v26, v27;
	v27 =	vld [tilespmem:s24+$0x4180]  }
0x58a: {  	v28 =	vshll.u32 v29, $0x10;
	v29 =	vld [tilespmem:s9+$0x4180];
	[tilespmem:s29+$0x10] =	vst v26;
	v26 =	vand.u32 $0xFFFF, v31;
	v31 =	vadd.s32 $0x80, v50  }
0x58b: {  	v53 =	vld [tilespmem:s3+$0x20];
	v26 =	vor.u32 v26, v28;
	v28 =	vadd.s32 $0x80, v51  }
0x58c: {  	v54 =	vld [tilespmem:s3+$0xA0];
	[tilespmem:s28+$0x20] =	vst v26;
	v26 =	vadd.s32 $0x80, v52  }
0x58d: {  	v30 =	vadd.s32 $0x80, v30;
	v55 =	vld [tilespmem:s30+$0x30]  }
0x58e: {  	v56 =	vld [tilespmem:s30+$0xB0];
	v27 =	vadd.s32 $0x80, v27  }
0x58f: {  	v29 =	vadd.s32 $0x80, v29;
	v31 =	vld.idx.msk [tilespmem:v31+s4+$0x0], $0xffff  }
0x590: {  	v32 =	vadd.s32 $0x80, v53;
	v28 =	vld.idx.msk [tilespmem:v28+s4+$0x0], $0xffff  }
0x591: {  	v33 =	vadd.s32 $0x80, v54;
	v26 =	vld.idx.msk [tilespmem:v26+s4+$0x0], $0xffff  }
0x592: {  	v30 =	vld.idx.msk [tilespmem:v30+s4+$0x0], $0xffff;
	v34 =	vadd.s32 $0x80, v55  }
0x593: {  	v35 =	vadd.s32 $0x80, v56;
	v27 =	vld.idx.msk [tilespmem:v27+s4+$0x0], $0xffff  }
0x594: {  	v29 =	vld.idx.msk [tilespmem:v29+s4+$0x0], $0xffff  }
0x595: {  	v32 =	vld.idx.msk [tilespmem:v32+s4+$0x0], $0xffff  }
0x596: {  	p0 =	por !p0, !p0;
	s5 =	simm.s32 $0x1;
	v31 =	vand.u32 $0xFFFF, v31;
	v33 =	vld.idx.msk [tilespmem:v33+s4+$0x0], $0xffff;
	v28 =	vshll.u32 v28, $0x10  }
0x597: {  	s5 =	simm.s32 @!p0 $0x0;
	v28 =	vor.u32 v31, v28;
	v34 =	vld.idx.msk [tilespmem:v34+s4+$0x0], $0xffff  }
0x598: {  	s10 =	sor.u32 $0x430, s8;
	s5 =	sshll.u32 s5, $0x9;
	v26 =	vand.u32 $0xFFFF, v26;
	v30 =	vshll.u32 v30, $0x10;
	v31 =	vld.idx.msk [tilespmem:v35+s4+$0x0], $0xffff;
	[tilespmem:s14+$0x420] =	vst v28  }
0x599: {  	s11 =	sor.u32 $0x430, s7;
	s5 =	sadd.s32 $0x400, s5;
	v26 =	vor.u32 v26, v30;
	v28 =	vld [tilespmem:s10+$0x4180]  }
0x59a: {  	s12 =	sadd.s32 $0x80, s5;
	s17 =	sor.u32 $0x400, s5;
	[tilespmem:s26+$0x70] =	vst v26;
	v26 =	vand.u32 $0xFFFF, v27;
	v27 =	vshll.u32 v29, $0x10;
	v29 =	vld [tilespmem:s11+$0x4180]  }
0x59b: {  	s18 =	sor.u32 $0x400, s12;
	v30 =	vld [tilespmem:s17+$0x4180];
	v26 =	vor.u32 v26, v27  }
0x59c: {  	s19 =	sor.u32 $0x410, s2;
	v58 =	vld [tilespmem:s18+$0x4180];
	v27 =	vand.u32 $0xFFFF, v32;
	v57 =	vshll.u32 v33, $0x10;
	[tilespmem:s25+$0x400] =	vst v26  }
0x59d: {  	s20 =	sor.u32 $0x410, s16;
	v26 =	vor.u32 v27, v57;
	v27 =	vld [tilespmem:s19+$0x4180]  }
0x59e: {  	v59 =	vld [tilespmem:s20+$0x4180];
	[tilespmem:s29+$0x20] =	vst v26;
	v26 =	vand.u32 $0xFFFF, v34;
	v31 =	vshll.u32 v31, $0x10;
	v28 =	vadd.s32 $0x80, v28  }
0x59f: {  	v60 =	vld [tilespmem:s3+$0x30];
	v26 =	vor.u32 v26, v31;
	v29 =	vadd.s32 $0x80, v29  }
0x5a0: {  	v31 =	vld [tilespmem:s3+$0xB0];
	[tilespmem:s28+$0x30] =	vst v26;
	v26 =	vadd.s32 $0x80, v30  }
0x5a1: {  	v33 =	vadd.s32 $0x80, v58;
	v30 =	vld [tilespmem:s30+$0x40]  }
0x5a2: {  	v61 =	vld [tilespmem:s30+$0xC0];
	v27 =	vadd.s32 $0x80, v27  }
0x5a3: {  	v32 =	vadd.s32 $0x80, v59;
	v28 =	vld.idx.msk [tilespmem:v28+s4+$0x0], $0xffff  }
0x5a4: {  	v34 =	vadd.s32 $0x80, v60;
	v29 =	vld.idx.msk [tilespmem:v29+s4+$0x0], $0xffff  }
0x5a5: {  	v31 =	vadd.s32 $0x80, v31;
	v26 =	vld.idx.msk [tilespmem:v26+s4+$0x0], $0xffff  }
0x5a6: {  	v33 =	vld.idx.msk [tilespmem:v33+s4+$0x0], $0xffff;
	v30 =	vadd.s32 $0x80, v30  }
0x5a7: {  	v35 =	vadd.s32 $0x80, v61;
	v27 =	vld.idx.msk [tilespmem:v27+s4+$0x0], $0xffff  }
0x5a8: {  	v32 =	vld.idx.msk [tilespmem:v32+s4+$0x0], $0xffff  }
0x5a9: {  	s13 =	smov.u32 s14;
	s7 =	sor.u32 $0x438, s7;
	v34 =	vld.idx.msk [tilespmem:v34+s4+$0x0], $0xffff;
	v28 =	vand.u32 $0xFFFF, v28;
	v29 =	vshll.u32 v29, $0x10  }
0x5aa: {  	s21 =	sor.u32 $0x438, s8;
	p0 =	por !p0, !p0;
	s22 =	sor.u32 $0x410, s5;
	v31 =	vld.idx.msk [tilespmem:v31+s4+$0x0], $0xffff;
	v28 =	vor.u32 v28, v29  }
0x5ab: {  	s23 =	sor.u32 $0x430, s5;
	s10 =	simm.s32 $0x1;
	s18 =	sor.u32 $0x420, s12;
	v30 =	vld.idx.msk [tilespmem:v30+s4+$0x0], $0xffff;
	[tilespmem:s14+$0x430] =	vst v28  }
0x5ac: {  	s10 =	simm.s32 @!p0 $0x0;
	s19 =	sor.u32 $0x420, s5;
	v26 =	vand.u32 $0xFFFF, v26;
	v29 =	vshll.u32 v33, $0x10;
	v35 =	vld.idx.msk [tilespmem:v35+s4+$0x0], $0xffff;
	[dreg:$0x6] =	wrdreg s18  }
0x5ad: {  	s24 =	sor.u32 $0x410, s12;
	s10 =	sshll.u32 s10, $0x9;
	v26 =	vor.u32 v26, v29;
	[dreg:$0xa] =	wrdreg s19  }
0x5ae: {  	s17 =	sor.u32 $0x438, s5;
	p0 =	por !p0, !p0;
	s10 =	sadd.s32 $0x800, s10;
	v62 =	vld [tilespmem:s21+$0x4180];
	[tilespmem:s26+$0x400] =	vst v26;
	v26 =	vand.u32 $0xFFFF, v27;
	v27 =	vshll.u32 v32, $0x10  }
0x5af: {  	s20 =	sor.u32 $0x420, s2;
	s5 =	sadd.s32 $0x80, s10;
	s11 =	sor.u32 $0x410, s10;
	v63 =	vld [tilespmem:s7+$0x4180];
	v26 =	vor.u32 v26, v27  }
0x5b0: {  	s9 =	sor.u32 $0x420, s5;
	s14 =	sor.u32 $0x438, s12;
	v28 =	vld [tilespmem:s22+$0x4180];
	s22 =	sor.u32 $0x420, s10;
	[tilespmem:s25+$0x410] =	vst v26  }
0x5b1: {  	s18 =	sor.u32 $0x400, s10;
	s19 =	sor.u32 $0x400, s5;
	v29 =	vld [tilespmem:s24+$0x4180];
	v34 =	vand.u32 $0xFFFF, v34;
	v31 =	vshll.u32 v31, $0x10;
	[dreg:$0xe] =	wrdreg s22  }
0x5b2: {  	v24 =	vand.u32 $0xFFFF, v24;
	v25 =	vshll.u32 v25, $0x10;
	s21 =	sor.u32 $0x430, s12;
	s12 =	sor.u32 $0x410, s5;
	s24 =	sor.u32 $0x420, s16;
	v31 =	vor.u32 v34, v31;
	v26 =	vld [tilespmem:s20+$0x4180]  }
0x5b3: {  	v24 =	vor.u32 v24, v25;
	s8 =	sor.u32 $0x430, s10;
	s7 =	sor.u32 $0x430, s5;
	s10 =	sor.u32 $0x438, s10;
	v25 =	vand.u32 $0xFFFF, v30;
	v27 =	vld [tilespmem:s24+$0x4180];
	[tilespmem:s29+$0x30] =	vst v31;
	v31 =	vshll.u32 v35, $0x10  }
0x5b4: {  	s20 =	sor.u32 $0x438, s5;
	[tilespmem:s15+$0x438] =	vst v24;
	s24 =	simm.s32 $0x4;
	s15 =	simm.s32 $0x800;
	v24 =	vadd.s32 $0x80, v62;
	v30 =	vld [tilespmem:s3+$0x40];
	v31 =	vor.u32 v25, v31;
	v25 =	vadd.s32 $0x80, v63  }
.LBB2_6:
0x5b5: {  	[smem:$0x7DA] =	sst s7  }
0x5b6: {  	[smem:$0x7E0] =	sst s14;
	s5 =	simm.s32 $0x1  }
0x5b7: {  	[dreg:$0x1e] =	wrdreg s17;
	v32 =	vld [tilespmem:s3+$0xC0];
	[tilespmem:s28+$0x40] =	vst v31;
	s5 =	simm.s32 @!p0 $0x0  }
0x5b8: {  	[dreg:$0x12] =	wrdreg s20;
	s31 =	sadd.s32 $0x400, s31;
	v31 =	vld [tilespmem:s30+$0x50];
	s5 =	sshll.u32 s5, $0x9  }
0x5b9: {  	s0 =	sadd.s32 $0x200, s0;
	s22 =	sand.u32 $0x7800, s31;
	v33 =	vld [tilespmem:s30+$0xD0];
	s20 =	sadd.s32 s5, s31;
	v26 =	vadd.s32 $0x80, v26  }
0x5ba: {  	v24 =	vld.idx.msk [tilespmem:v24+s4+$0x0], $0xffff;
	s7 =	sand.u32 $0x300, s0;
	s17 =	sadd.s32 $0x4180, s22;
	v27 =	vadd.s32 $0x80, v27;
	s14 =	sor.u32 $0x400, s20  }
0x5bb: {  	v25 =	vld.idx.msk [tilespmem:v25+s4+$0x0], $0xffff;
	v30 =	vadd.s32 $0x80, v30;
	[smem:$0x7DC] =	sst s14;
	s14 =	sadd.s32 s7, s17  }
0x5bc: {  	v32 =	vadd.s32 $0x80, v32;
	v34 =	vld [tilespmem:s14+$0x0]  }
0x5bd: {  	v35 =	vld [tilespmem:s14+$0x80];
	v31 =	vadd.s32 $0x80, v31  }
0x5be: {  	v33 =	vadd.s32 $0x80, v33;
	v26 =	vld.idx.msk [tilespmem:v26+s4+$0x0], $0xffff  }
0x5bf: {  	v28 =	vadd.s32 $0x80, v28;
	v27 =	vld.idx.msk [tilespmem:v27+s4+$0x0], $0xffff  }
0x5c0: {  	v29 =	vadd.s32 $0x80, v29;
	v30 =	vld.idx.msk [tilespmem:v30+s4+$0x0], $0xffff  }
0x5c1: {  	v24 =	vand.u32 $0xFFFF, v24;
	v25 =	vshll.u32 v25, $0x10;
	v32 =	vld.idx.msk [tilespmem:v32+s4+$0x0], $0xffff;
	v34 =	vadd.s32 $0x80, v34  }
0x5c2: {  	[smem:$0x7D9] =	sst s21;
	s21 =	sadd.s32 $0x80, s20;
	v24 =	vor.u32 v24, v25;
	v35 =	vadd.s32 $0x80, v35;
	v31 =	vld.idx.msk [tilespmem:v31+s4+$0x0], $0xffff  }
0x5c3: {  	[smem:$0x7DE] =	sst s10;
	s22 =	sor.u32 $0x400, s21;
	[tilespmem:s13+$0x438] =	vst v24;
	v25 =	vld.idx.msk [tilespmem:v33+s4+$0x0], $0xffff  }
0x5c4: {  	s7 =	sor.u32 $0x410, s20;
	[smem:$0x7DD] =	sst s22;
	v24 =	vld.idx.msk [tilespmem:v28+s4+$0x0], $0xffff  }
0x5c5: {  	[dreg:$0x1a] =	wrdreg s7;
	s22 =	sor.u32 $0x430, s21;
	v28 =	vld.idx.msk [tilespmem:v29+s4+$0x0], $0xffff;
	v26 =	vand.u32 $0xFFFF, v26;
	v27 =	vshll.u32 v27, $0x10  }
0x5c6: {  	s10 =	sor.u32 $0x410, s21;
	[smem:$0x7DB] =	sst s22;
	s22 =	sor.u32 $0x438, s21;
	v26 =	vor.u32 v26, v27;
	v29 =	vld.idx.msk [tilespmem:v34+s4+$0x0], $0xffff  }
0x5c7: {  	s5 =	sor.u32 $0x420, s21;
	s21 =	sor.u32 $0x430, s2;
	[smem:$0x7E1] =	sst s22;
	v30 =	vand.u32 $0xFFFF, v30;
	v32 =	vshll.u32 v32, $0x10;
	v27 =	vld.idx.msk [tilespmem:v35+s4+$0x0], $0xffff;
	[tilespmem:s25+$0x420] =	vst v26  }
0x5c8: {  	s22 =	smov.u32 s26;
	s26 =	smov.u32 s29;
	s13 =	sor.u32 $0x430, s16;
	v26 =	vor.u32 v30, v32;
	v30 =	vld [tilespmem:s21+$0x4180]  }
0x5c9: {  	[dreg:$0x16] =	wrdreg s10;
	s7 =	smov.u32 s8;
	s8 =	smov.u32 s23;
	v25 =	vshll.u32 v25, $0x10;
	[tilespmem:s26+$0x40] =	vst v26;
	v26 =	vand.u32 $0xFFFF, v31;
	v31 =	vld [tilespmem:s13+$0x4180]  }
0x5ca: {  	s23 =	sor.u32 $0x420, s20;
	s10 =	sor.u32 $0x430, s20;
	s21 =	sadd.s32 $0xFFFFFF00, s0;
	v51 =	vld [tilespmem:s3+$0x50];
	v25 =	vor.u32 v26, v25  }
0x5cb: {  	s1 =	sadd.s32 $0x100, s1;
	s20 =	sor.u32 $0x438, s20;
	v24 =	vand.u32 $0xFFFF, v24;
	v26 =	vld [tilespmem:s3+$0xD0];
	s13 =	sand.u32 $0x200, s21;
	[tilespmem:s28+$0x50] =	vst v25;
	v25 =	vshll.u32 v28, $0x10  }
0x5cc: {  	[smem:$0x7DF] =	sst s20;
	s20 =	sand.u32 $0x3800, s21;
	s17 =	sor.u32 s13, s17;
	v28 =	vld [tilespmem:s30+$0x60];
	v24 =	vor.u32 v24, v25  }
0x5cd: {  	s21 =	sor.u32 $0x14180, s20;
	s13 =	sand.u32 $0x380, s1;
	v52 =	vld [tilespmem:s17+$0x0];
	v25 =	vand.u32 $0xFFFF, v29;
	v27 =	vshll.u32 v27, $0x10;
	v30 =	vadd.s32 $0x80, v30  }
0x5ce: {  	s20 =	sadd.s32 s13, s21;
	v29 =	vld [tilespmem:s30+$0xE0];
	[tilespmem:s22+$0x410] =	vst v24;
	v25 =	vor.u32 v25, v27;
	v24 =	vadd.s32 $0x80, v31  }
0x5cf: {  	v27 =	vld [tilespmem:s17+$0x80];
	[tilespmem:s20+$0x0] =	vst v25;
	v25 =	vadd.s32 $0x80, v51  }
0x5d0: {  	v26 =	vadd.s32 $0x80, v26;
	v31 =	vld [tilespmem:s14+$0x10]  }
0x5d1: {  	v53 =	vld [tilespmem:s14+$0x90];
	v28 =	vadd.s32 $0x80, v28  }
0x5d2: {  	v33 =	vadd.s32 $0x80, v52;
	v30 =	vld.idx.msk [tilespmem:v30+s4+$0x0], $0xffff  }
0x5d3: {  	v29 =	vadd.s32 $0x80, v29;
	v24 =	vld.idx.msk [tilespmem:v24+s4+$0x0], $0xffff  }
0x5d4: {  	v27 =	vadd.s32 $0x80, v27;
	v25 =	vld.idx.msk [tilespmem:v25+s4+$0x0], $0xffff  }
0x5d5: {  	v26 =	vld.idx.msk [tilespmem:v26+s4+$0x0], $0xffff;
	v31 =	vadd.s32 $0x80, v31  }
0x5d6: {  	v32 =	vadd.s32 $0x80, v53;
	v28 =	vld.idx.msk [tilespmem:v28+s4+$0x0], $0xffff  }
0x5d7: {  	v33 =	vld.idx.msk [tilespmem:v33+s4+$0x0], $0xffff  }
0x5d8: {  	v29 =	vld.idx.msk [tilespmem:v29+s4+$0x0], $0xffff  }
0x5d9: {  	v27 =	vld.idx.msk [tilespmem:v27+s4+$0x0], $0xffff;
	v30 =	vand.u32 $0xFFFF, v30;
	v24 =	vshll.u32 v24, $0x10  }
0x5da: {  	s29 =	sadd.s32 $0xFFFFFF80, s1;
	v24 =	vor.u32 v30, v24;
	v31 =	vld.idx.msk [tilespmem:v31+s4+$0x0], $0xffff  }
0x5db: {  	s29 =	sand.u32 $0x300, s29;
	s13 =	sor.u32 $0x438, s2;
	v25 =	vand.u32 $0xFFFF, v25;
	v26 =	vshll.u32 v26, $0x10;
	v30 =	vld.idx.msk [tilespmem:v32+s4+$0x0], $0xffff;
	[tilespmem:s25+$0x430] =	vst v24  }
0x5dc: {  	s29 =	sadd.s32 s29, s21;
	s21 =	sor.u32 $0x438, s16;
	v24 =	vor.u32 v25, v26;
	v25 =	vld [tilespmem:s13+$0x4180]  }
0x5dd: {  	[tilespmem:s26+$0x50] =	vst v24;
	v24 =	vand.u32 $0xFFFF, v28;
	v28 =	vld [tilespmem:s21+$0x4180];
	v26 =	vshll.u32 v29, $0x10  }
0x5de: {  	v54 =	vld [tilespmem:s3+$0x60];
	v24 =	vor.u32 v24, v26  }
0x5df: {  	v29 =	vand.u32 $0xFFFF, v33;
	v26 =	vshll.u32 v27, $0x10;
	v27 =	vld [tilespmem:s3+$0xE0];
	[tilespmem:s28+$0x60] =	vst v24  }
0x5e0: {  	v24 =	vor.u32 v29, v26;
	v26 =	vld [tilespmem:s30+$0x70]  }
0x5e1: {  	[tilespmem:s29+$0x0] =	vst v24;
	v24 =	vand.u32 $0xFFFF, v31;
	v29 =	vshll.u32 v30, $0x10;
	v30 =	vld [tilespmem:s30+$0xF0];
	v25 =	vadd.s32 $0x80, v25  }
0x5e2: {  	v31 =	vld [tilespmem:s17+$0x10];
	v24 =	vor.u32 v24, v29;
	v28 =	vadd.s32 $0x80, v28  }
0x5e3: {  	s30 =	smov.u32 s14;
	v29 =	vld [tilespmem:s17+$0x90];
	[tilespmem:s20+$0x10] =	vst v24;
	v24 =	vadd.s32 $0x80, v54  }
0x5e4: {  	v55 =	vld [tilespmem:s30+$0x20];
	v27 =	vadd.s32 $0x80, v27  }
0x5e5: {  	v56 =	vld [tilespmem:s30+$0xA0];
	v26 =	vadd.s32 $0x80, v26  }
0x5e6: {  	v30 =	vadd.s32 $0x80, v30;
	v25 =	vld.idx.msk [tilespmem:v25+s4+$0x0], $0xffff  }
0x5e7: {  	v31 =	vadd.s32 $0x80, v31;
	v28 =	vld.idx.msk [tilespmem:v28+s4+$0x0], $0xffff  }
0x5e8: {  	v29 =	vadd.s32 $0x80, v29;
	v24 =	vld.idx.msk [tilespmem:v24+s4+$0x0], $0xffff  }
0x5e9: {  	v32 =	vadd.s32 $0x80, v55;
	v27 =	vld.idx.msk [tilespmem:v27+s4+$0x0], $0xffff  }
0x5ea: {  	v33 =	vadd.s32 $0x80, v56;
	v26 =	vld.idx.msk [tilespmem:v26+s4+$0x0], $0xffff  }
0x5eb: {  	v30 =	vld.idx.msk [tilespmem:v30+s4+$0x0], $0xffff  }
0x5ec: {  	v31 =	vld.idx.msk [tilespmem:v31+s4+$0x0], $0xffff  }
0x5ed: {  	s6 =	sadd.s32 $0x2, s6;
	v29 =	vld.idx.msk [tilespmem:v29+s4+$0x0], $0xffff;
	v25 =	vand.u32 $0xFFFF, v25;
	v28 =	vshll.u32 v28, $0x10  }
0x5ee: {  	s16 =	rddreg [dreg:$0xe];
	s13 =	sand.u32 $0x3, s6;
	v24 =	vand.u32 $0xFFFF, v24;
	v25 =	vor.u32 v25, v28;
	v32 =	vld.idx.msk [tilespmem:v32+s4+$0x0], $0xffff;
	v27 =	vshll.u32 v27, $0x10  }
0x5ef: {  	s2 =	sshll.u32 s13, $0x8;
	s14 =	rddreg [dreg:$0xa];
	v28 =	vld.idx.msk [tilespmem:v33+s4+$0x0], $0xffff;
	[tilespmem:s25+$0x438] =	vst v25;
	s25 =	smov.u32 s28;
	v24 =	vor.u32 v24, v27  }
0x5f0: {  	s28 =	smov.u32 s20;
	v25 =	vld [tilespmem:s14+$0x4180];
	s20 =	smov.u32 s16;
	s16 =	rddreg [dreg:$0x6];
	[tilespmem:s26+$0x60] =	vst v24  }
0x5f1: {  	s14 =	sadd.s32 s2, s15;
	v24 =	vand.u32 $0xFFFF, v26;
	v26 =	vshll.u32 v30, $0x10;
	v27 =	vld [tilespmem:s16+$0x4180]  }
0x5f2: {  	s21 =	smov.u32 s23;
	s2 =	sadd.s32 $0x100, s14;
	v30 =	vand.u32 $0xFFFF, v31;
	v31 =	vld [tilespmem:s3+$0x70];
	v24 =	vor.u32 v24, v26  }
0x5f3: {  	[dreg:$0xe] =	wrdreg s21;
	s21 =	sor.u32 $0x400, s2;
	v26 =	vshll.u32 v29, $0x10;
	v29 =	vld [tilespmem:s3+$0xF0];
	s16 =	sadd.s32 $0x180, s14;
	[tilespmem:s25+$0x70] =	vst v24  }
0x5f4: {  	v24 =	vor.u32 v30, v26;
	s23 =	sor.u32 $0x400, s16;
	v26 =	vld [tilespmem:s21+$0x4180]  }
0x5f5: {  	s3 =	smov.u32 s17;
	[tilespmem:s29+$0x10] =	vst v24;
	v24 =	vand.u32 $0xFFFF, v32;
	v28 =	vshll.u32 v28, $0x10;
	v30 =	vld [tilespmem:s23+$0x4180];
	v25 =	vadd.s32 $0x80, v25  }
0x5f6: {  	v57 =	vld [tilespmem:s3+$0x20];
	v24 =	vor.u32 v24, v28;
	v27 =	vadd.s32 $0x80, v27  }
0x5f7: {  	v28 =	vld [tilespmem:s3+$0xA0];
	[tilespmem:s28+$0x20] =	vst v24;
	v24 =	vadd.s32 $0x80, v31  }
0x5f8: {  	v31 =	vld [tilespmem:s30+$0x30];
	v29 =	vadd.s32 $0x80, v29  }
0x5f9: {  	v58 =	vld [tilespmem:s30+$0xB0];
	v26 =	vadd.s32 $0x80, v26  }
0x5fa: {  	v30 =	vadd.s32 $0x80, v30;
	v25 =	vld.idx.msk [tilespmem:v25+s4+$0x0], $0xffff  }
0x5fb: {  	v32 =	vadd.s32 $0x80, v57;
	v27 =	vld.idx.msk [tilespmem:v27+s4+$0x0], $0xffff  }
0x5fc: {  	v28 =	vadd.s32 $0x80, v28;
	v24 =	vld.idx.msk [tilespmem:v24+s4+$0x0], $0xffff  }
0x5fd: {  	v31 =	vadd.s32 $0x80, v31;
	v29 =	vld.idx.msk [tilespmem:v29+s4+$0x0], $0xffff  }
0x5fe: {  	v26 =	vld.idx.msk [tilespmem:v26+s4+$0x0], $0xffff  }
0x5ff: {  	v33 =	vadd.s32 $0x80, v58;
	v30 =	vld.idx.msk [tilespmem:v30+s4+$0x0], $0xffff  }
0x600: {  	v25 =	vand.u32 $0xFFFF, v25;
	v32 =	vld.idx.msk [tilespmem:v32+s4+$0x0], $0xffff;
	v27 =	vshll.u32 v27, $0x10  }
0x601: {  	v28 =	vld.idx.msk [tilespmem:v28+s4+$0x0], $0xffff;
	v25 =	vor.u32 v25, v27  }
0x602: {  	v31 =	vld.idx.msk [tilespmem:v31+s4+$0x0], $0xffff;
	[tilespmem:s22+$0x420] =	vst v25  }
0x603: {  	v24 =	vand.u32 $0xFFFF, v24;
	v29 =	vshll.u32 v29, $0x10;
	v25 =	vld [tilespmem:s8+$0x4180];
	s8 =	smov.u32 s10;
	s10 =	sld [smem:$0x7D9]  }
0x604: {  	v27 =	vld.idx.msk [tilespmem:v33+s4+$0x0], $0xffff;
	v24 =	vor.u32 v24, v29  }
0x605: {  	[tilespmem:s26+$0x70] =	vst v24  }
0x606: {  	s14 =	sld [smem:$0x7DB];
	v24 =	vand.u32 $0xFFFF, v26;
	v26 =	vshll.u32 v30, $0x10;
	v29 =	vld [tilespmem:s10+$0x4180]  }
0x607: {  	[dreg:$0xa] =	wrdreg s20;
	s20 =	smov.u32 s9;
	v30 =	vand.u32 $0xFFFF, v32;
	v59 =	vld [tilespmem:s18+$0x4180];
	v24 =	vor.u32 v24, v26;
	v26 =	vshll.u32 v28, $0x10  }
0x608: {  	[dreg:$0x6] =	wrdreg s20;
	s20 =	sor.u32 $0x410, s2;
	v28 =	vld [tilespmem:s19+$0x4180];
	[tilespmem:s25+$0x400] =	vst v24;
	v24 =	vor.u32 v30, v26  }
0x609: {  	s23 =	smov.u32 s7;
	s7 =	smov.u32 s14;
	s14 =	sor.u32 $0x410, s16;
	v26 =	vld [tilespmem:s20+$0x4180];
	[tilespmem:s29+$0x20] =	vst v24;
	v24 =	vand.u32 $0xFFFF, v31;
	v27 =	vshll.u32 v27, $0x10  }
0x60a: {  	v30 =	vld [tilespmem:s14+$0x4180];
	v24 =	vor.u32 v24, v27;
	v25 =	vadd.s32 $0x80, v25  }
0x60b: {  	v31 =	vld [tilespmem:s3+$0x30];
	[tilespmem:s28+$0x30] =	vst v24;
	v27 =	vadd.s32 $0x80, v29  }
0x60c: {  	v60 =	vld [tilespmem:s30+$0x40]  }
0x60d: {  	v24 =	vadd.s32 $0x80, v59;
	v29 =	vld [tilespmem:s3+$0xB0]  }
0x60e: {  	v28 =	vadd.s32 $0x80, v28;
	v61 =	vld [tilespmem:s30+$0xC0]  }
0x60f: {  	v26 =	vadd.s32 $0x80, v26;
	v25 =	vld.idx.msk [tilespmem:v25+s4+$0x0], $0xffff  }
0x610: {  	v30 =	vadd.s32 $0x80, v30;
	v27 =	vld.idx.msk [tilespmem:v27+s4+$0x0], $0xffff  }
0x611: {  	s13 =	sld [smem:$0x7DA];
	v31 =	vadd.s32 $0x80, v31  }
0x612: {  	v24 =	vld.idx.msk [tilespmem:v24+s4+$0x0], $0xffff;
	v29 =	vadd.s32 $0x80, v29  }
0x613: {  	s17 =	sld [smem:$0x7DC];
	v32 =	vadd.s32 $0x80, v60;
	v28 =	vld.idx.msk [tilespmem:v28+s4+$0x0], $0xffff  }
0x614: {  	s21 =	smov.u32 s13;
	s13 =	sld [smem:$0x7DD];
	v33 =	vadd.s32 $0x80, v61;
	v26 =	vld.idx.msk [tilespmem:v26+s4+$0x0], $0xffff  }
0x615: {  	v30 =	vld.idx.msk [tilespmem:v30+s4+$0x0], $0xffff;
	v25 =	vand.u32 $0xFFFF, v25;
	v27 =	vshll.u32 v27, $0x10  }
0x616: {  	s18 =	smov.u32 s17;
	s17 =	rddreg [dreg:$0x1e];
	v31 =	vld.idx.msk [tilespmem:v31+s4+$0x0], $0xffff;
	v25 =	vor.u32 v25, v27  }
0x617: {  	s19 =	smov.u32 s13;
	s13 =	smov.u32 s22;
	v29 =	vld.idx.msk [tilespmem:v29+s4+$0x0], $0xffff;
	[tilespmem:s22+$0x430] =	vst v25;
	s22 =	sld [smem:$0x7DF]  }
0x618: {  	s14 =	sld [smem:$0x7E0];
	v32 =	vld.idx.msk [tilespmem:v32+s4+$0x0], $0xffff;
	v24 =	vand.u32 $0xFFFF, v24;
	v28 =	vshll.u32 v28, $0x10  }
0x619: {  	s20 =	sld [smem:$0x7DE];
	v24 =	vor.u32 v24, v28;
	v27 =	vld.idx.msk [tilespmem:v33+s4+$0x0], $0xffff  }
0x61a: {  	s24 =	sadd.s32 $0x2, s24;
	v25 =	vld [tilespmem:s17+$0x4180];
	[tilespmem:s26+$0x400] =	vst v24;
	s10 =	smov.u32 s22;
	s22 =	sld [smem:$0x7E1]  }
0x61b: {  	p1 =	slt.u32 s24, $0x3E;
	s9 =	smov.u32 s5;
	s5 =	sor.u32 $0x420, s2;
	v24 =	vand.u32 $0xFFFF, v26;
	v26 =	vshll.u32 v30, $0x10;
	v62 =	vld [tilespmem:s14+$0x4180]  }
.Ltmp2:
0x61c: {  	s17 =	smov.u32 s20;
	s20 =	rddreg [dreg:$0x12];
	v30 =	vand.u32 $0xFFFF, v31;
	v28 =	vld [tilespmem:s11+$0x4180];
	v24 =	vor.u32 v24, v26;
	v26 =	vshll.u32 v29, $0x10;
	(pc) =	sbr.rel @p1 .LBB2_6-.Ltmp2, $4  }
0x61d: {  	s14 =	smov.u32 s20;
	v29 =	vld [tilespmem:s12+$0x4180];
	[tilespmem:s25+$0x410] =	vst v24;
	v24 =	vor.u32 v30, v26;
	s20 =	smov.u32 s22;
	s22 =	rddreg [dreg:$0x1a]  }
0x61e: {  	v26 =	vld [tilespmem:s5+$0x4180];
	[tilespmem:s29+$0x30] =	vst v24;
	s11 =	smov.u32 s22;
	s22 =	rddreg [dreg:$0x16]  }
0x61f: {  	v31 =	vand.u32 $0xFFFF, v32;
	v63 =	vshll.u32 v27, $0x10;
	v30 =	vld [tilespmem:s3+$0x40];
	s12 =	smov.u32 s22;
	s22 =	sor.u32 $0x420, s16  }
0x620: {  	p0 =	por !p0, !p0;
	s15 =	smov.u32 s31;
	v31 =	vor.u32 v31, v63;
	v24 =	vadd.s32 $0x80, v25;
	v25 =	vadd.s32 $0x80, v62;
	v27 =	vld [tilespmem:s22+$0x4180]  }
0x621: {  	v32 =	vld [tilespmem:s3+$0xC0];
	_ =	sdelay $0x3  }
0x622: {  	v30 =	vadd.s32 $0x80, v30  }
0x623: {  	v32 =	vadd.s32 $0x80, v32;
	_ =	sdelay $0x3  }
0x624: {  	v30 =	vld.idx.msk [tilespmem:v30+s4+$0x0], $0xffff  }
0x625: {  	v32 =	vld.idx.msk [tilespmem:v32+s4+$0x0], $0xffff;
	_ =	sdelay $0x4  }
0x626: {  	[tilespmem:s28+$0x40] =	vst v31;
	v30 =	vand.u32 $0xFFFF, v30;
	v31 =	vshll.u32 v32, $0x10  }
0x627: {  	v49 =	vld [tilespmem:s30+$0x50];
	v30 =	vor.u32 v30, v31  }
0x628: {  	v31 =	vld [tilespmem:s30+$0xD0];
	[tilespmem:s29+$0x40] =	vst v30  }
0x629: {  	v30 =	vld [tilespmem:s3+$0x50]  }
0x62a: {  	v33 =	vld [tilespmem:s3+$0xD0];
	_ =	sdelay $0x1  }
0x62b: {  	v32 =	vadd.s32 $0x80, v49  }
0x62c: {  	v31 =	vadd.s32 $0x80, v31  }
0x62d: {  	v30 =	vadd.s32 $0x80, v30  }
0x62e: {  	v33 =	vadd.s32 $0x80, v33;
	_ =	sdelay $0x1  }
0x62f: {  	v32 =	vld.idx.msk [tilespmem:v32+s4+$0x0], $0xffff  }
0x630: {  	v31 =	vld.idx.msk [tilespmem:v31+s4+$0x0], $0xffff  }
0x631: {  	v30 =	vld.idx.msk [tilespmem:v30+s4+$0x0], $0xffff  }
0x632: {  	v33 =	vld.idx.msk [tilespmem:v33+s4+$0x0], $0xffff;
	_ =	sdelay $0x2  }
0x633: {  	v32 =	vand.u32 $0xFFFF, v32;
	v31 =	vshll.u32 v31, $0x10  }
0x634: {  	v31 =	vor.u32 v32, v31  }
0x635: {  	[tilespmem:s28+$0x50] =	vst v31;
	v30 =	vand.u32 $0xFFFF, v30;
	v31 =	vshll.u32 v33, $0x10  }
0x636: {  	v50 =	vld [tilespmem:s30+$0x60];
	v30 =	vor.u32 v30, v31  }
0x637: {  	v31 =	vld [tilespmem:s30+$0xE0];
	[tilespmem:s29+$0x50] =	vst v30  }
0x638: {  	v30 =	vld [tilespmem:s3+$0x60]  }
0x639: {  	v51 =	vld [tilespmem:s3+$0xE0];
	_ =	sdelay $0x1  }
0x63a: {  	v32 =	vadd.s32 $0x80, v50  }
0x63b: {  	v31 =	vadd.s32 $0x80, v31  }
0x63c: {  	v30 =	vadd.s32 $0x80, v30  }
0x63d: {  	v33 =	vadd.s32 $0x80, v51;
	_ =	sdelay $0x1  }
0x63e: {  	v32 =	vld.idx.msk [tilespmem:v32+s4+$0x0], $0xffff  }
0x63f: {  	v31 =	vld.idx.msk [tilespmem:v31+s4+$0x0], $0xffff  }
0x640: {  	v30 =	vld.idx.msk [tilespmem:v30+s4+$0x0], $0xffff  }
0x641: {  	v33 =	vld.idx.msk [tilespmem:v33+s4+$0x0], $0xffff;
	_ =	sdelay $0x2  }
0x642: {  	v32 =	vand.u32 $0xFFFF, v32;
	v31 =	vshll.u32 v31, $0x10  }
0x643: {  	v31 =	vor.u32 v32, v31  }
0x644: {  	[tilespmem:s28+$0x60] =	vst v31;
	v30 =	vand.u32 $0xFFFF, v30;
	v31 =	vshll.u32 v33, $0x10  }
0x645: {  	v52 =	vld [tilespmem:s30+$0x70];
	v30 =	vor.u32 v30, v31  }
0x646: {  	v31 =	vld [tilespmem:s30+$0xF0];
	[tilespmem:s29+$0x60] =	vst v30  }
0x647: {  	v30 =	vld [tilespmem:s3+$0x70]  }
0x648: {  	v53 =	vld [tilespmem:s3+$0xF0];
	_ =	sdelay $0x1  }
0x649: {  	v32 =	vadd.s32 $0x80, v52  }
0x64a: {  	v31 =	vadd.s32 $0x80, v31  }
0x64b: {  	v30 =	vadd.s32 $0x80, v30  }
0x64c: {  	v33 =	vadd.s32 $0x80, v53;
	_ =	sdelay $0x1  }
0x64d: {  	v32 =	vld.idx.msk [tilespmem:v32+s4+$0x0], $0xffff  }
0x64e: {  	v31 =	vld.idx.msk [tilespmem:v31+s4+$0x0], $0xffff  }
0x64f: {  	v30 =	vld.idx.msk [tilespmem:v30+s4+$0x0], $0xffff  }
0x650: {  	s0 =	sadd.s32 $0x2, s6;
	v33 =	vld.idx.msk [tilespmem:v33+s4+$0x0], $0xffff  }
0x651: {  	s0 =	sand.u32 $0x3, s0  }
0x652: {  	s0 =	sshll.u32 s0, $0x8  }
0x653: {  	s0 =	sadd.s32 s0, s15;
	v32 =	vand.u32 $0xFFFF, v32;
	v31 =	vshll.u32 v31, $0x10  }
0x654: {  	s1 =	sadd.s32 $0x100, s0;
	v31 =	vor.u32 v32, v31  }
0x655: {  	s0 =	sadd.s32 $0x180, s0;
	s6 =	sor.u32 $0x400, s1;
	[tilespmem:s28+$0x70] =	vst v31;
	v30 =	vand.u32 $0xFFFF, v30;
	v31 =	vshll.u32 v33, $0x10  }
0x656: {  	s15 =	sor.u32 $0x400, s0;
	v54 =	vld [tilespmem:s6+$0x4180];
	v30 =	vor.u32 v30, v31  }
0x657: {  	v31 =	vld [tilespmem:s15+$0x4180];
	[tilespmem:s29+$0x70] =	vst v30  }
0x658: {  	v30 =	vld [tilespmem:s18+$0x4180]  }
0x659: {  	v55 =	vld [tilespmem:s19+$0x4180];
	_ =	sdelay $0x1  }
0x65a: {  	v32 =	vadd.s32 $0x80, v54  }
0x65b: {  	v31 =	vadd.s32 $0x80, v31  }
0x65c: {  	v30 =	vadd.s32 $0x80, v30  }
0x65d: {  	v33 =	vadd.s32 $0x80, v55;
	_ =	sdelay $0x1  }
0x65e: {  	v32 =	vld.idx.msk [tilespmem:v32+s4+$0x0], $0xffff  }
0x65f: {  	v31 =	vld.idx.msk [tilespmem:v31+s4+$0x0], $0xffff  }
0x660: {  	v30 =	vld.idx.msk [tilespmem:v30+s4+$0x0], $0xffff  }
0x661: {  	v33 =	vld.idx.msk [tilespmem:v33+s4+$0x0], $0xffff;
	_ =	sdelay $0x2  }
0x662: {  	v32 =	vand.u32 $0xFFFF, v32;
	v31 =	vshll.u32 v31, $0x10  }
0x663: {  	v31 =	vor.u32 v32, v31  }
0x664: {  	s18 =	sor.u32 $0x410, s1;
	[tilespmem:s28+$0x400] =	vst v31;
	v30 =	vand.u32 $0xFFFF, v30;
	v31 =	vshll.u32 v33, $0x10  }
0x665: {  	s19 =	sor.u32 $0x410, s0;
	v56 =	vld [tilespmem:s18+$0x4180];
	v30 =	vor.u32 v30, v31  }
0x666: {  	v31 =	vld [tilespmem:s19+$0x4180];
	[tilespmem:s29+$0x400] =	vst v30  }
0x667: {  	v28 =	vadd.s32 $0x80, v28;
	v30 =	vld [tilespmem:s11+$0x4180]  }
0x668: {  	v29 =	vadd.s32 $0x80, v29;
	v57 =	vld [tilespmem:s12+$0x4180];
	_ =	sdelay $0x1  }
0x669: {  	v32 =	vadd.s32 $0x80, v56  }
0x66a: {  	v31 =	vadd.s32 $0x80, v31  }
0x66b: {  	v28 =	vld.idx.msk [tilespmem:v28+s4+$0x0], $0xffff;
	v30 =	vadd.s32 $0x80, v30  }
0x66c: {  	v29 =	vld.idx.msk [tilespmem:v29+s4+$0x0], $0xffff;
	v33 =	vadd.s32 $0x80, v57;
	_ =	sdelay $0x1  }
0x66d: {  	v32 =	vld.idx.msk [tilespmem:v32+s4+$0x0], $0xffff  }
0x66e: {  	v31 =	vld.idx.msk [tilespmem:v31+s4+$0x0], $0xffff  }
0x66f: {  	v30 =	vld.idx.msk [tilespmem:v30+s4+$0x0], $0xffff  }
0x670: {  	v28 =	vand.u32 $0xFFFF, v28;
	v29 =	vshll.u32 v29, $0x10;
	v33 =	vld.idx.msk [tilespmem:v33+s4+$0x0], $0xffff  }
0x671: {  	v28 =	vor.u32 v28, v29  }
0x672: {  	[tilespmem:s26+$0x410] =	vst v28  }
0x673: {  	s22 =	rddreg [dreg:$0xa];
	v28 =	vand.u32 $0xFFFF, v32;
	v29 =	vshll.u32 v31, $0x10  }
0x674: {  	s24 =	rddreg [dreg:$0x6];
	v31 =	vld [tilespmem:s22+$0x4180];
	v28 =	vor.u32 v28, v29  }
0x675: {  	s5 =	sor.u32 $0x420, s1;
	v29 =	vld [tilespmem:s24+$0x4180];
	[tilespmem:s28+$0x410] =	vst v28;
	v28 =	vand.u32 $0xFFFF, v30;
	v30 =	vshll.u32 v33, $0x10  }
0x676: {  	v26 =	vadd.s32 $0x80, v26;
	s6 =	sor.u32 $0x420, s0;
	v58 =	vld [tilespmem:s5+$0x4180];
	v28 =	vor.u32 v28, v30  }
0x677: {  	v27 =	vadd.s32 $0x80, v27;
	v30 =	vld [tilespmem:s6+$0x4180];
	[tilespmem:s29+$0x410] =	vst v28  }
0x678: {  	s11 =	rddreg [dreg:$0xe];
	v59 =	vld [tilespmem:s9+$0x4180]  }
0x679: {  	v31 =	vadd.s32 $0x80, v31;
	v28 =	vld [tilespmem:s11+$0x4180]  }
0x67a: {  	v29 =	vadd.s32 $0x80, v29  }
0x67b: {  	v26 =	vld.idx.msk [tilespmem:v26+s4+$0x0], $0xffff;
	v32 =	vadd.s32 $0x80, v58  }
0x67c: {  	v27 =	vld.idx.msk [tilespmem:v27+s4+$0x0], $0xffff;
	v30 =	vadd.s32 $0x80, v30  }
0x67d: {  	v33 =	vadd.s32 $0x80, v59  }
0x67e: {  	v31 =	vld.idx.msk [tilespmem:v31+s4+$0x0], $0xffff;
	v28 =	vadd.s32 $0x80, v28  }
0x67f: {  	v29 =	vld.idx.msk [tilespmem:v29+s4+$0x0], $0xffff  }
0x680: {  	v32 =	vld.idx.msk [tilespmem:v32+s4+$0x0], $0xffff  }
0x681: {  	v26 =	vand.u32 $0xFFFF, v26;
	v27 =	vshll.u32 v27, $0x10;
	v30 =	vld.idx.msk [tilespmem:v30+s4+$0x0], $0xffff  }
0x682: {  	v26 =	vor.u32 v26, v27;
	v27 =	vld.idx.msk [tilespmem:v33+s4+$0x0], $0xffff  }
0x683: {  	v28 =	vld.idx.msk [tilespmem:v28+s4+$0x0], $0xffff  }
0x684: {  	s12 =	sor.u32 $0x430, s2;
	[tilespmem:s25+$0x420] =	vst v26;
	v26 =	vand.u32 $0xFFFF, v31;
	v29 =	vshll.u32 v29, $0x10  }
0x685: {  	s15 =	sor.u32 $0x430, s16;
	v31 =	vld [tilespmem:s12+$0x4180];
	v26 =	vor.u32 v26, v29  }
0x686: {  	v29 =	vld [tilespmem:s15+$0x4180];
	[tilespmem:s26+$0x420] =	vst v26;
	v26 =	vand.u32 $0xFFFF, v32;
	v30 =	vshll.u32 v30, $0x10  }
0x687: {  	v60 =	vld [tilespmem:s23+$0x4180];
	v26 =	vor.u32 v26, v30  }
0x688: {  	s18 =	sor.u32 $0x430, s1;
	v30 =	vld [tilespmem:s21+$0x4180];
	[tilespmem:s28+$0x420] =	vst v26;
	v27 =	vshll.u32 v27, $0x10;
	v26 =	vand.u32 $0xFFFF, v28  }
0x689: {  	s19 =	sor.u32 $0x430, s0;
	v28 =	vld [tilespmem:s18+$0x4180];
	v26 =	vor.u32 v26, v27  }
0x68a: {  	v27 =	vadd.s32 $0x80, v31;
	v31 =	vld [tilespmem:s19+$0x4180];
	[tilespmem:s29+$0x420] =	vst v26  }
0x68b: {  	v26 =	vadd.s32 $0x80, v29;
	v29 =	vld [tilespmem:s8+$0x4180]  }
0x68c: {  	v32 =	vadd.s32 $0x80, v60;
	v61 =	vld [tilespmem:s7+$0x4180]  }
0x68d: {  	v30 =	vadd.s32 $0x80, v30  }
0x68e: {  	v28 =	vadd.s32 $0x80, v28  }
0x68f: {  	v27 =	vld.idx.msk [tilespmem:v27+s4+$0x0], $0xffff;
	v31 =	vadd.s32 $0x80, v31  }
0x690: {  	v26 =	vld.idx.msk [tilespmem:v26+s4+$0x0], $0xffff;
	v29 =	vadd.s32 $0x80, v29  }
0x691: {  	v32 =	vld.idx.msk [tilespmem:v32+s4+$0x0], $0xffff;
	v33 =	vadd.s32 $0x80, v61  }
0x692: {  	v30 =	vld.idx.msk [tilespmem:v30+s4+$0x0], $0xffff  }
0x693: {  	v28 =	vld.idx.msk [tilespmem:v28+s4+$0x0], $0xffff  }
0x694: {  	v31 =	vld.idx.msk [tilespmem:v31+s4+$0x0], $0xffff  }
0x695: {  	v27 =	vand.u32 $0xFFFF, v27;
	v26 =	vshll.u32 v26, $0x10;
	v29 =	vld.idx.msk [tilespmem:v29+s4+$0x0], $0xffff  }
0x696: {  	v26 =	vor.u32 v27, v26;
	v27 =	vld.idx.msk [tilespmem:v33+s4+$0x0], $0xffff  }
0x697: {  	s21 =	sor.u32 $0x438, s2;
	v30 =	vshll.u32 v30, $0x10;
	[tilespmem:s25+$0x430] =	vst v26;
	v26 =	vand.u32 $0xFFFF, v32  }
0x698: {  	s22 =	sor.u32 $0x438, s16;
	v62 =	vld [tilespmem:s21+$0x4180];
	v26 =	vor.u32 v26, v30  }
0x699: {  	v30 =	vld [tilespmem:s22+$0x4180];
	[tilespmem:s26+$0x430] =	vst v26;
	v26 =	vand.u32 $0xFFFF, v28;
	v28 =	vshll.u32 v31, $0x10  }
0x69a: {  	v31 =	vld [tilespmem:s17+$0x4180];
	v26 =	vor.u32 v26, v28  }
0x69b: {  	s1 =	sor.u32 $0x438, s1;
	v28 =	vld [tilespmem:s14+$0x4180];
	[tilespmem:s28+$0x430] =	vst v26;
	v26 =	vand.u32 $0xFFFF, v29;
	v27 =	vshll.u32 v27, $0x10  }
0x69c: {  	s0 =	sor.u32 $0x438, s0;
	v29 =	vld [tilespmem:s1+$0x4180];
	v26 =	vor.u32 v26, v27  }
0x69d: {  	v63 =	vld [tilespmem:s0+$0x4180];
	v27 =	vadd.s32 $0x80, v62;
	[tilespmem:s29+$0x430] =	vst v26  }
0x69e: {  	v26 =	vadd.s32 $0x80, v30;
	v30 =	vld [tilespmem:s10+$0x4180]  }
0x69f: {  	v36 =	vld [tilespmem:s20+$0x4180];
	v31 =	vadd.s32 $0x80, v31  }
0x6a0: {  	v24 =	vld.idx.msk [tilespmem:v24+s4+$0x0], $0xffff;
	v28 =	vadd.s32 $0x80, v28  }
0x6a1: {  	v25 =	vld.idx.msk [tilespmem:v25+s4+$0x0], $0xffff;
	v29 =	vadd.s32 $0x80, v29  }
0x6a2: {  	v32 =	vadd.s32 $0x80, v63;
	v27 =	vld.idx.msk [tilespmem:v27+s4+$0x0], $0xffff  }
0x6a3: {  	v26 =	vld.idx.msk [tilespmem:v26+s4+$0x0], $0xffff;
	v30 =	vadd.s32 $0x80, v30  }
0x6a4: {  	v33 =	vadd.s32 $0x80, v36;
	v31 =	vld.idx.msk [tilespmem:v31+s4+$0x0], $0xffff  }
0x6a5: {  	v28 =	vld.idx.msk [tilespmem:v28+s4+$0x0], $0xffff  }
0x6a6: {  	v29 =	vld.idx.msk [tilespmem:v29+s4+$0x0], $0xffff  }
0x6a7: {  	v32 =	vld.idx.msk [tilespmem:v32+s4+$0x0], $0xffff  }
0x6a8: {  	v30 =	vld.idx.msk [tilespmem:v30+s4+$0x0], $0xffff  }
0x6a9: {  	v33 =	vld.idx.msk [tilespmem:v33+s4+$0x0], $0xffff  }
0x6aa: {  	v24 =	vand.u32 $0xFFFF, v24;
	v25 =	vshll.u32 v25, $0x10  }
0x6ab: {  	v24 =	vor.u32 v24, v25;
	v25 =	vand.u32 $0xFFFF, v27;
	v26 =	vshll.u32 v26, $0x10  }
0x6ac: {  	[tilespmem:s13+$0x438] =	vst v24;
	v24 =	vor.u32 v25, v26;
	v25 =	vand.u32 $0xFFFF, v31;
	v26 =	vshll.u32 v28, $0x10  }
0x6ad: {  	[tilespmem:s25+$0x438] =	vst v24;
	v24 =	vor.u32 v25, v26;
	v25 =	vand.u32 $0xFFFF, v29;
	v26 =	vshll.u32 v32, $0x10  }
0x6ae: {  	[tilespmem:s26+$0x438] =	vst v24;
	v24 =	vor.u32 v25, v26;
	v25 =	vand.u32 $0xFFFF, v30;
	v26 =	vshll.u32 v33, $0x10  }
0x6af: {  	[tilespmem:s28+$0x438] =	vst v24;
	v24 =	vor.u32 v25, v26  }
0x6b0: {  	[tilespmem:s29+$0x438] =	vst v24  }
0x6b1: {  	s1 =	sld [smem:$0x7FB];
	_ =	sdelay $0x1  }
0x6b2: {  	s3 =	simm.s32 $0x400;
	s2 =	simm.s32 $0x200;
	s23 =	simm.s32 $0x14180  }
0x6b3: {  	[hbm4b:s1+s2] =	stream.strided.scatter [tilespmem:s23], [sflag:$0x3], $0x400, s3, s2, $0x38;
	[tilespmem:$0x1C180] =	vst v63  }
0x6b4: {  	s5 =	simm.s32 $0x14580;
	s24 =	sadd.s32 $0x40, s1  }
0x6b5: {  	[hbm4b:s24+s2] =	stream.strided.scatter [tilespmem:s5], [sflag:$0x3], $0x400, s3, s2, $0x38;
	[tilespmem:$0x1C180] =	vst v63  }
0x6b6: {  	s26 =	simm.s32 $0x14980;
	s25 =	sadd.s32 $0x100, s1  }
0x6b7: {  	[hbm4b:s25+s2] =	stream.strided.scatter [tilespmem:s26], [sflag:$0x3], $0x400, s3, s2, $0x38;
	[tilespmem:$0x1C180] =	vst v63  }
0x6b8: {  	s6 =	simm.s32 $0x14D80;
	s5 =	sadd.s32 $0x140, s1  }
0x6b9: {  	[hbm4b:s5+s2] =	stream.strided.scatter [tilespmem:s6], [sflag:$0x3], $0x400, s3, s2, $0x38;
	[tilespmem:$0x1C180] =	vst v63  }
0x6ba: {  	s8 =	simm.s32 $0x15180;
	s7 =	sadd.s32 $0x200, s1  }
0x6bb: {  	[hbm4b:s7+s2] =	stream.strided.scatter [tilespmem:s8], [sflag:$0x3], $0x400, s3, s2, $0x38;
	[tilespmem:$0x1C180] =	vst v63  }
0x6bc: {  	s10 =	simm.s32 $0x15580;
	s9 =	sadd.s32 $0x240, s1  }
0x6bd: {  	[hbm4b:s9+s2] =	stream.strided.scatter [tilespmem:s10], [sflag:$0x3], $0x400, s3, s2, $0x38;
	[tilespmem:$0x1C180] =	vst v63  }
0x6be: {  	s12 =	simm.s32 $0x15980;
	s11 =	sadd.s32 $0x300, s1  }
0x6bf: {  	[hbm4b:s11+s2] =	stream.strided.scatter [tilespmem:s12], [sflag:$0x3], $0x400, s3, s2, $0x38;
	[tilespmem:$0x1C180] =	vst v63  }
0x6c0: {  	s14 =	simm.s32 $0x15D80;
	s13 =	sadd.s32 $0x340, s1  }
0x6c1: {  	[hbm4b:s13+s2] =	stream.strided.scatter [tilespmem:s14], [sflag:$0x3], $0x400, s3, s2, $0x38;
	[tilespmem:$0x1C180] =	vst v63  }
0x6c2: {  	s16 =	simm.s32 $0x16180;
	s15 =	sadd.s32 $0x400, s1  }
0x6c3: {  	[hbm4b:s15+s2] =	stream.strided.scatter [tilespmem:s16], [sflag:$0x3], $0x400, s3, s2, $0x38;
	[tilespmem:$0x1C180] =	vst v63  }
0x6c4: {  	s18 =	simm.s32 $0x16580;
	s17 =	sadd.s32 $0x440, s1  }
0x6c5: {  	[hbm4b:s17+s2] =	stream.strided.scatter [tilespmem:s18], [sflag:$0x3], $0x400, s3, s2, $0x38;
	[tilespmem:$0x1C180] =	vst v63  }
0x6c6: {  	s20 =	simm.s32 $0x16980;
	s19 =	sadd.s32 $0x500, s1  }
0x6c7: {  	[hbm4b:s19+s2] =	stream.strided.scatter [tilespmem:s20], [sflag:$0x3], $0x400, s3, s2, $0x38;
	[tilespmem:$0x1C180] =	vst v63  }
0x6c8: {  	s22 =	simm.s32 $0x16D80;
	s21 =	sadd.s32 $0x540, s1  }
0x6c9: {  	[hbm4b:s21+s2] =	stream.strided.scatter [tilespmem:s22], [sflag:$0x3], $0x400, s3, s2, $0x38;
	[tilespmem:$0x1C180] =	vst v63  }
0x6ca: {  	s23 =	sadd.s32 $0x600, s1;
	s24 =	simm.s32 $0x17180  }
0x6cb: {  	[hbm4b:s23+s2] =	stream.strided.scatter [tilespmem:s24], [sflag:$0x3], $0x400, s3, s2, $0x38;
	[tilespmem:$0x1C180] =	vst v63  }
0x6cc: {  	s25 =	sadd.s32 $0x640, s1;
	s26 =	simm.s32 $0x17580  }
0x6cd: {  	[hbm4b:s25+s2] =	stream.strided.scatter [tilespmem:s26], [sflag:$0x3], $0x400, s3, s2, $0x38;
	[tilespmem:$0x1C180] =	vst v63  }
0x6ce: {  	s5 =	sadd.s32 $0x700, s1;
	s6 =	simm.s32 $0x17980  }
0x6cf: {  	[hbm4b:s5+s2] =	stream.strided.scatter [tilespmem:s6], [sflag:$0x3], $0x400, s3, s2, $0x38;
	[tilespmem:$0x1C180] =	vst v63  }
0x6d0: {  	s7 =	sadd.s32 $0x740, s1;
	s8 =	simm.s32 $0x17D80;
	s9 =	simm.s32 $0x2  }
0x6d1: {  	[hbm4b:s7+s2] =	stream.strided.scatter [tilespmem:s8], [sflag:$0x3], $0x400, s3, s2, $0x38;
	[tilespmem:$0x1C180] =	vst v63  }
0x6d2: {  	_ =	swait.ge [sflag:s9], $0x8000  }
0x6d3: {  	[sflag:s9] =	ssyncset.done $0x0  }
0x6d4: {  	s1 =	simm.s32 $0x0;
	s10 =	simm.s32 $0x4;
	[sflag:s9] =	ssyncadd.s32 $0xFFFF8000  }
0x6d5: {  	s11 =	simm.s32 $0x100;
	s12 =	sand.u32 $0x7800, s1;
	_ =	swait.ge [sflag:s10], $0x4000  }
0x6d6: {  	s0 =	sand.u32 $0x300, s11;
	s2 =	sadd.s32 $0xC180, s12;
	[sflag:s10] =	ssyncset.done $0x0  }
0x6d7: {  	s13 =	sadd.s32 s0, s2;
	[sflag:s10] =	ssyncadd.s32 $0xFFFFC000  }
0x6d8: {  	v24 =	vld [tilespmem:s13+$0x0]  }
0x6d9: {  	v25 =	vld [tilespmem:s13+$0x80];
	_ =	sdelay $0x3  }
0x6da: {  	v24 =	vadd.s32 $0x80, v24  }
0x6db: {  	v25 =	vadd.s32 $0x80, v25;
	_ =	sdelay $0x3  }
0x6dc: {  	v24 =	vld.idx.msk [tilespmem:v24+s4+$0x0], $0xffff  }
0x6dd: {  	v25 =	vld.idx.msk [tilespmem:v25+s4+$0x0], $0xffff;
	_ =	sdelay $0x2  }
0x6de: {  	s14 =	simm.s32 $0x0  }
0x6df: {  	s16 =	simm.s32 $0x80;
	s17 =	sand.u32 $0x3800, s14  }
0x6e0: {  	s6 =	sor.u32 $0x18180, s17;
	s5 =	sand.u32 $0x380, s16;
	v24 =	vand.u32 $0xFFFF, v24;
	v25 =	vshll.u32 v25, $0x10  }
0x6e1: {  	s15 =	sadd.s32 s5, s6;
	v24 =	vor.u32 v24, v25  }
0x6e2: {  	[tilespmem:s15+$0x0] =	vst v24  }
0x6e3: {  	v24 =	vld [tilespmem:s13+$0x10]  }
0x6e4: {  	v25 =	vld [tilespmem:s13+$0x90];
	_ =	sdelay $0x2  }
0x6e5: {  	s0 =	sand.u32 $0x200, s14  }
0x6e6: {  	s0 =	sor.u32 s0, s2;
	v24 =	vadd.s32 $0x80, v24  }
0x6e7: {  	v26 =	vld [tilespmem:s0+$0x0];
	v25 =	vadd.s32 $0x80, v25  }
0x6e8: {  	v27 =	vld [tilespmem:s0+$0x80];
	_ =	sdelay $0x2  }
0x6e9: {  	v24 =	vld.idx.msk [tilespmem:v24+s4+$0x0], $0xffff  }
0x6ea: {  	v26 =	vadd.s32 $0x80, v26;
	v25 =	vld.idx.msk [tilespmem:v25+s4+$0x0], $0xffff  }
0x6eb: {  	v27 =	vadd.s32 $0x80, v27;
	_ =	sdelay $0x3  }
0x6ec: {  	v26 =	vld.idx.msk [tilespmem:v26+s4+$0x0], $0xffff;
	v24 =	vand.u32 $0xFFFF, v24;
	v25 =	vshll.u32 v25, $0x10  }
0x6ed: {  	v27 =	vld.idx.msk [tilespmem:v27+s4+$0x0], $0xffff;
	v24 =	vor.u32 v24, v25  }
0x6ee: {  	[tilespmem:s15+$0x10] =	vst v24  }
0x6ef: {  	v24 =	vld [tilespmem:s13+$0x20]  }
0x6f0: {  	v25 =	vld [tilespmem:s13+$0xA0]  }
0x6f1: {  	s18 =	simm.s32 $0x0  }
0x6f2: {  	s2 =	sand.u32 $0x300, s18;
	v26 =	vand.u32 $0xFFFF, v26;
	v27 =	vshll.u32 v27, $0x10  }
0x6f3: {  	s14 =	sadd.s32 s2, s6;
	v26 =	vor.u32 v26, v27  }
0x6f4: {  	[tilespmem:s14+$0x0] =	vst v26;
	v24 =	vadd.s32 $0x80, v24  }
0x6f5: {  	v26 =	vld [tilespmem:s0+$0x10];
	v25 =	vadd.s32 $0x80, v25  }
0x6f6: {  	v27 =	vld [tilespmem:s0+$0x90];
	_ =	sdelay $0x2  }
0x6f7: {  	v24 =	vld.idx.msk [tilespmem:v24+s4+$0x0], $0xffff  }
0x6f8: {  	v26 =	vadd.s32 $0x80, v26;
	v25 =	vld.idx.msk [tilespmem:v25+s4+$0x0], $0xffff  }
0x6f9: {  	v27 =	vadd.s32 $0x80, v27;
	_ =	sdelay $0x3  }
0x6fa: {  	v26 =	vld.idx.msk [tilespmem:v26+s4+$0x0], $0xffff;
	v24 =	vand.u32 $0xFFFF, v24;
	v25 =	vshll.u32 v25, $0x10  }
0x6fb: {  	v27 =	vld.idx.msk [tilespmem:v27+s4+$0x0], $0xffff;
	v24 =	vor.u32 v24, v25  }
0x6fc: {  	[tilespmem:s15+$0x20] =	vst v24  }
0x6fd: {  	v24 =	vld [tilespmem:s13+$0x30]  }
0x6fe: {  	v25 =	vld [tilespmem:s13+$0xB0];
	_ =	sdelay $0x1  }
0x6ff: {  	v26 =	vand.u32 $0xFFFF, v26;
	v27 =	vshll.u32 v27, $0x10  }
0x700: {  	v26 =	vor.u32 v26, v27  }
0x701: {  	[tilespmem:s14+$0x10] =	vst v26;
	v24 =	vadd.s32 $0x80, v24  }
0x702: {  	v26 =	vld [tilespmem:s0+$0x20];
	v25 =	vadd.s32 $0x80, v25  }
0x703: {  	v27 =	vld [tilespmem:s0+$0xA0];
	_ =	sdelay $0x2  }
0x704: {  	v24 =	vld.idx.msk [tilespmem:v24+s4+$0x0], $0xffff  }
0x705: {  	v26 =	vadd.s32 $0x80, v26;
	v25 =	vld.idx.msk [tilespmem:v25+s4+$0x0], $0xffff  }
0x706: {  	v27 =	vadd.s32 $0x80, v27;
	_ =	sdelay $0x3  }
0x707: {  	v26 =	vld.idx.msk [tilespmem:v26+s4+$0x0], $0xffff;
	v24 =	vand.u32 $0xFFFF, v24;
	v25 =	vshll.u32 v25, $0x10  }
0x708: {  	v27 =	vld.idx.msk [tilespmem:v27+s4+$0x0], $0xffff;
	v24 =	vor.u32 v24, v25  }
0x709: {  	[tilespmem:s15+$0x30] =	vst v24  }
0x70a: {  	v24 =	vld [tilespmem:s13+$0x40]  }
0x70b: {  	v25 =	vld [tilespmem:s13+$0xC0];
	_ =	sdelay $0x1  }
0x70c: {  	v26 =	vand.u32 $0xFFFF, v26;
	v27 =	vshll.u32 v27, $0x10  }
0x70d: {  	v26 =	vor.u32 v26, v27  }
0x70e: {  	[tilespmem:s14+$0x20] =	vst v26;
	v24 =	vadd.s32 $0x80, v24  }
0x70f: {  	v26 =	vld [tilespmem:s0+$0x30];
	v25 =	vadd.s32 $0x80, v25  }
0x710: {  	v27 =	vld [tilespmem:s0+$0xB0];
	_ =	sdelay $0x2  }
0x711: {  	v24 =	vld.idx.msk [tilespmem:v24+s4+$0x0], $0xffff  }
0x712: {  	v26 =	vadd.s32 $0x80, v26;
	v25 =	vld.idx.msk [tilespmem:v25+s4+$0x0], $0xffff  }
0x713: {  	v27 =	vadd.s32 $0x80, v27;
	_ =	sdelay $0x3  }
0x714: {  	v26 =	vld.idx.msk [tilespmem:v26+s4+$0x0], $0xffff;
	v24 =	vand.u32 $0xFFFF, v24;
	v25 =	vshll.u32 v25, $0x10  }
0x715: {  	v27 =	vld.idx.msk [tilespmem:v27+s4+$0x0], $0xffff;
	v24 =	vor.u32 v24, v25  }
0x716: {  	[tilespmem:s15+$0x40] =	vst v24  }
0x717: {  	s19 =	simm.s32 $0x400;
	v24 =	vld [tilespmem:s13+$0x50]  }
0x718: {  	s20 =	simm.s32 $0x300;
	s2 =	sand.u32 $0x7800, s19;
	v25 =	vld [tilespmem:s13+$0xD0]  }
0x719: {  	s22 =	sand.u32 $0x300, s20;
	s21 =	sadd.s32 $0xC180, s2  }
0x71a: {  	s2 =	sadd.s32 s22, s21;
	v26 =	vand.u32 $0xFFFF, v26;
	v27 =	vshll.u32 v27, $0x10  }
0x71b: {  	v26 =	vor.u32 v26, v27;
	v27 =	vld [tilespmem:s2+$0x0]  }
0x71c: {  	[tilespmem:s14+$0x30] =	vst v26;
	v26 =	vld [tilespmem:s2+$0x80];
	v24 =	vadd.s32 $0x80, v24  }
0x71d: {  	v28 =	vld [tilespmem:s0+$0x40];
	v25 =	vadd.s32 $0x80, v25  }
0x71e: {  	v29 =	vld [tilespmem:s0+$0xC0];
	_ =	sdelay $0x1  }
0x71f: {  	v27 =	vadd.s32 $0x80, v27  }
0x720: {  	v26 =	vadd.s32 $0x80, v26;
	v24 =	vld.idx.msk [tilespmem:v24+s4+$0x0], $0xffff  }
0x721: {  	v28 =	vadd.s32 $0x80, v28;
	v25 =	vld.idx.msk [tilespmem:v25+s4+$0x0], $0xffff  }
0x722: {  	v29 =	vadd.s32 $0x80, v29;
	_ =	sdelay $0x1  }
0x723: {  	v27 =	vld.idx.msk [tilespmem:v27+s4+$0x0], $0xffff  }
0x724: {  	v26 =	vld.idx.msk [tilespmem:v26+s4+$0x0], $0xffff  }
0x725: {  	v28 =	vld.idx.msk [tilespmem:v28+s4+$0x0], $0xffff;
	v24 =	vand.u32 $0xFFFF, v24;
	v25 =	vshll.u32 v25, $0x10  }
0x726: {  	v29 =	vld.idx.msk [tilespmem:v29+s4+$0x0], $0xffff;
	v24 =	vor.u32 v24, v25  }
0x727: {  	s23 =	simm.s32 $0x200;
	[tilespmem:s15+$0x50] =	vst v24  }
0x728: {  	s24 =	sand.u32 $0x200, s23;
	s25 =	sand.u32 $0x3800, s23;
	s26 =	simm.s32 $0x180;
	v24 =	vld [tilespmem:s13+$0x60]  }
0x729: {  	s8 =	sor.u32 $0x18180, s25;
	s5 =	sor.u32 s24, s21;
	s10 =	sand.u32 $0x380, s26;
	v26 =	vshll.u32 v26, $0x10;
	v25 =	vand.u32 $0xFFFF, v27;
	v27 =	vld [tilespmem:s13+$0xE0]  }
0x72a: {  	v30 =	vld [tilespmem:s5+$0x0];
	s25 =	sadd.s32 s10, s8;
	v25 =	vor.u32 v25, v26  }
0x72b: {  	v26 =	vand.u32 $0xFFFF, v28;
	v28 =	vshll.u32 v29, $0x10;
	v29 =	vld [tilespmem:s5+$0x80];
	[tilespmem:s25+$0x0] =	vst v25  }
0x72c: {  	v25 =	vor.u32 v26, v28;
	v26 =	vld [tilespmem:s2+$0x10]  }
0x72d: {  	[tilespmem:s14+$0x40] =	vst v25;
	v25 =	vld [tilespmem:s2+$0x90];
	v24 =	vadd.s32 $0x80, v24  }
0x72e: {  	v28 =	vld [tilespmem:s0+$0x50];
	v27 =	vadd.s32 $0x80, v27  }
0x72f: {  	v30 =	vadd.s32 $0x80, v30;
	v31 =	vld [tilespmem:s0+$0xD0]  }
0x730: {  	v29 =	vadd.s32 $0x80, v29  }
0x731: {  	v26 =	vadd.s32 $0x80, v26  }
0x732: {  	v25 =	vadd.s32 $0x80, v25;
	v24 =	vld.idx.msk [tilespmem:v24+s4+$0x0], $0xffff  }
0x733: {  	v28 =	vadd.s32 $0x80, v28;
	v27 =	vld.idx.msk [tilespmem:v27+s4+$0x0], $0xffff  }
0x734: {  	v30 =	vld.idx.msk [tilespmem:v30+s4+$0x0], $0xffff;
	v31 =	vadd.s32 $0x80, v31  }
0x735: {  	v29 =	vld.idx.msk [tilespmem:v29+s4+$0x0], $0xffff  }
0x736: {  	v26 =	vld.idx.msk [tilespmem:v26+s4+$0x0], $0xffff  }
0x737: {  	v25 =	vld.idx.msk [tilespmem:v25+s4+$0x0], $0xffff  }
0x738: {  	v28 =	vld.idx.msk [tilespmem:v28+s4+$0x0], $0xffff;
	v24 =	vand.u32 $0xFFFF, v24;
	v27 =	vshll.u32 v27, $0x10  }
0x739: {  	s11 =	simm.s32 $0x100;
	v31 =	vld.idx.msk [tilespmem:v31+s4+$0x0], $0xffff;
	v24 =	vor.u32 v24, v27  }
0x73a: {  	s7 =	sand.u32 $0x300, s11;
	v29 =	vshll.u32 v29, $0x10;
	v27 =	vand.u32 $0xFFFF, v30;
	[tilespmem:s15+$0x60] =	vst v24  }
0x73b: {  	s26 =	sadd.s32 s7, s8;
	v24 =	vor.u32 v27, v29;
	v27 =	vld [tilespmem:s13+$0x70]  }
0x73c: {  	v25 =	vshll.u32 v25, $0x10;
	[tilespmem:s26+$0x0] =	vst v24;
	v24 =	vand.u32 $0xFFFF, v26;
	v26 =	vld [tilespmem:s13+$0xF0]  }
0x73d: {  	v29 =	vld [tilespmem:s5+$0x10];
	v24 =	vor.u32 v24, v25  }
0x73e: {  	v25 =	vand.u32 $0xFFFF, v28;
	v28 =	vshll.u32 v31, $0x10;
	v30 =	vld [tilespmem:s5+$0x90];
	[tilespmem:s25+$0x10] =	vst v24  }
0x73f: {  	v24 =	vor.u32 v25, v28;
	v25 =	vld [tilespmem:s2+$0x20]  }
0x740: {  	[tilespmem:s14+$0x50] =	vst v24;
	v24 =	vld [tilespmem:s2+$0xA0];
	v27 =	vadd.s32 $0x80, v27  }
0x741: {  	v28 =	vld [tilespmem:s0+$0x60];
	v26 =	vadd.s32 $0x80, v26  }
0x742: {  	v31 =	vld [tilespmem:s0+$0xE0];
	v29 =	vadd.s32 $0x80, v29  }
0x743: {  	v30 =	vadd.s32 $0x80, v30  }
0x744: {  	v25 =	vadd.s32 $0x80, v25  }
0x745: {  	v24 =	vadd.s32 $0x80, v24;
	v27 =	vld.idx.msk [tilespmem:v27+s4+$0x0], $0xffff  }
0x746: {  	v28 =	vadd.s32 $0x80, v28;
	v26 =	vld.idx.msk [tilespmem:v26+s4+$0x0], $0xffff  }
0x747: {  	v31 =	vadd.s32 $0x80, v31;
	v29 =	vld.idx.msk [tilespmem:v29+s4+$0x0], $0xffff  }
0x748: {  	v30 =	vld.idx.msk [tilespmem:v30+s4+$0x0], $0xffff  }
0x749: {  	s1 =	sand.u32 $0x3, s1;
	v25 =	vld.idx.msk [tilespmem:v25+s4+$0x0], $0xffff  }
0x74a: {  	s1 =	sshll.u32 s1, $0x8;
	v24 =	vld.idx.msk [tilespmem:v24+s4+$0x0], $0xffff  }
0x74b: {  	s1 =	sadd.s32 $0x0, s1;
	v28 =	vld.idx.msk [tilespmem:v28+s4+$0x0], $0xffff;
	v27 =	vand.u32 $0xFFFF, v27;
	v26 =	vshll.u32 v26, $0x10  }
0x74c: {  	s6 =	sadd.s32 $0x100, s1;
	v31 =	vld.idx.msk [tilespmem:v31+s4+$0x0], $0xffff;
	v26 =	vor.u32 v27, v26  }
0x74d: {  	s9 =	sadd.s32 $0x180, s1;
	s12 =	sor.u32 $0x400, s6;
	v27 =	vand.u32 $0xFFFF, v29;
	v29 =	vshll.u32 v30, $0x10;
	[tilespmem:s15+$0x70] =	vst v26  }
0x74e: {  	s1 =	sor.u32 $0x400, s9;
	v26 =	vor.u32 v27, v29;
	v27 =	vld [tilespmem:s12+$0xC180]  }
0x74f: {  	[tilespmem:s26+$0x10] =	vst v26;
	v25 =	vand.u32 $0xFFFF, v25;
	v24 =	vshll.u32 v24, $0x10;
	v26 =	vld [tilespmem:s1+$0xC180]  }
0x750: {  	v29 =	vld [tilespmem:s5+$0x20];
	v24 =	vor.u32 v25, v24  }
0x751: {  	v25 =	vand.u32 $0xFFFF, v28;
	v28 =	vshll.u32 v31, $0x10;
	v30 =	vld [tilespmem:s5+$0xA0];
	[tilespmem:s25+$0x20] =	vst v24  }
0x752: {  	v24 =	vor.u32 v25, v28;
	v25 =	vld [tilespmem:s2+$0x30]  }
0x753: {  	[tilespmem:s14+$0x60] =	vst v24;
	v24 =	vld [tilespmem:s2+$0xB0];
	v27 =	vadd.s32 $0x80, v27  }
0x754: {  	v28 =	vld [tilespmem:s0+$0x70];
	v26 =	vadd.s32 $0x80, v26  }
0x755: {  	v31 =	vld [tilespmem:s0+$0xF0];
	v29 =	vadd.s32 $0x80, v29  }
0x756: {  	v30 =	vadd.s32 $0x80, v30  }
0x757: {  	v25 =	vadd.s32 $0x80, v25  }
0x758: {  	v24 =	vadd.s32 $0x80, v24;
	v27 =	vld.idx.msk [tilespmem:v27+s4+$0x0], $0xffff  }
0x759: {  	v28 =	vadd.s32 $0x80, v28;
	v26 =	vld.idx.msk [tilespmem:v26+s4+$0x0], $0xffff  }
0x75a: {  	v31 =	vadd.s32 $0x80, v31;
	v29 =	vld.idx.msk [tilespmem:v29+s4+$0x0], $0xffff  }
0x75b: {  	v30 =	vld.idx.msk [tilespmem:v30+s4+$0x0], $0xffff  }
0x75c: {  	v25 =	vld.idx.msk [tilespmem:v25+s4+$0x0], $0xffff  }
0x75d: {  	v24 =	vld.idx.msk [tilespmem:v24+s4+$0x0], $0xffff  }
0x75e: {  	v28 =	vld.idx.msk [tilespmem:v28+s4+$0x0], $0xffff;
	v27 =	vand.u32 $0xFFFF, v27;
	v26 =	vshll.u32 v26, $0x10  }
0x75f: {  	v31 =	vld.idx.msk [tilespmem:v31+s4+$0x0], $0xffff;
	v26 =	vor.u32 v27, v26  }
0x760: {  	s13 =	sor.u32 $0x410, s6;
	v27 =	vand.u32 $0xFFFF, v29;
	v29 =	vshll.u32 v30, $0x10;
	[tilespmem:s15+$0x400] =	vst v26  }
0x761: {  	s16 =	sor.u32 $0x410, s9;
	v26 =	vor.u32 v27, v29;
	v27 =	vld [tilespmem:s13+$0xC180]  }
0x762: {  	p0 =	por $0x0, $0x0;
	s1 =	simm.s32 $0x1;
	[tilespmem:s26+$0x20] =	vst v26;
	v25 =	vand.u32 $0xFFFF, v25;
	v24 =	vshll.u32 v24, $0x10;
	v26 =	vld [tilespmem:s16+$0xC180]  }
0x763: {  	s1 =	simm.s32 @!p0 $0x0;
	v29 =	vld [tilespmem:s5+$0x30];
	v24 =	vor.u32 v25, v24  }
0x764: {  	s17 =	sshll.u32 s1, $0x9;
	v25 =	vand.u32 $0xFFFF, v28;
	v28 =	vshll.u32 v31, $0x10;
	v30 =	vld [tilespmem:s5+$0xB0];
	[tilespmem:s25+$0x30] =	vst v24  }
0x765: {  	s8 =	sadd.s32 $0x0, s17;
	v24 =	vor.u32 v25, v28;
	v25 =	vld [tilespmem:s2+$0x40]  }
0x766: {  	s31 =	simm.s32 $0x800;
	s0 =	sor.u32 $0x400, s8;
	[tilespmem:s14+$0x70] =	vst v24;
	v24 =	vld [tilespmem:s2+$0xC0]  }
0x767: {  	s22 =	sand.u32 $0x7800, s31;
	s7 =	sadd.s32 $0x80, s8;
	v28 =	vld [tilespmem:s0+$0xC180];
	s0 =	simm.s32 $0x500;
	v27 =	vadd.s32 $0x80, v27  }
0x768: {  	s3 =	sadd.s32 $0xC180, s22;
	s18 =	sor.u32 $0x400, s7;
	v26 =	vadd.s32 $0x80, v26;
	s24 =	sand.u32 $0x300, s0  }
0x769: {  	v31 =	vld [tilespmem:s18+$0xC180];
	v29 =	vadd.s32 $0x80, v29;
	s30 =	sadd.s32 s24, s3  }
0x76a: {  	v30 =	vadd.s32 $0x80, v30;
	v37 =	vld [tilespmem:s30+$0x0]  }
0x76b: {  	v38 =	vld [tilespmem:s30+$0x80];
	v25 =	vadd.s32 $0x80, v25  }
0x76c: {  	v24 =	vadd.s32 $0x80, v24;
	v27 =	vld.idx.msk [tilespmem:v27+s4+$0x0], $0xffff  }
0x76d: {  	v28 =	vadd.s32 $0x80, v28;
	v26 =	vld.idx.msk [tilespmem:v26+s4+$0x0], $0xffff  }
0x76e: {  	v31 =	vadd.s32 $0x80, v31;
	v29 =	vld.idx.msk [tilespmem:v29+s4+$0x0], $0xffff  }
0x76f: {  	v30 =	vld.idx.msk [tilespmem:v30+s4+$0x0], $0xffff  }
0x770: {  	v25 =	vld.idx.msk [tilespmem:v25+s4+$0x0], $0xffff  }
0x771: {  	s12 =	simm.s32 $0x400;
	v24 =	vld.idx.msk [tilespmem:v24+s4+$0x0], $0xffff  }
0x772: {  	s13 =	sand.u32 $0x200, s12;
	v28 =	vld.idx.msk [tilespmem:v28+s4+$0x0], $0xffff;
	v27 =	vand.u32 $0xFFFF, v27;
	v26 =	vshll.u32 v26, $0x10  }
0x773: {  	s3 =	sor.u32 s13, s3;
	v31 =	vld.idx.msk [tilespmem:v31+s4+$0x0], $0xffff;
	v26 =	vor.u32 v27, v26  }
0x774: {  	s19 =	sor.u32 $0x420, s6;
	v34 =	vld [tilespmem:s3+$0x0];
	v27 =	vand.u32 $0xFFFF, v29;
	v29 =	vshll.u32 v30, $0x10;
	[tilespmem:s15+$0x410] =	vst v26  }
0x775: {  	s20 =	sor.u32 $0x420, s9;
	v26 =	vor.u32 v27, v29;
	v27 =	vld [tilespmem:s19+$0xC180]  }
0x776: {  	[tilespmem:s26+$0x30] =	vst v26;
	v25 =	vand.u32 $0xFFFF, v25;
	v24 =	vshll.u32 v24, $0x10;
	v26 =	vld [tilespmem:s20+$0xC180]  }
0x777: {  	v29 =	vld [tilespmem:s5+$0x40];
	v24 =	vor.u32 v25, v24  }
0x778: {  	v25 =	vand.u32 $0xFFFF, v28;
	v28 =	vshll.u32 v31, $0x10;
	v30 =	vld [tilespmem:s5+$0xC0];
	[tilespmem:s25+$0x40] =	vst v24  }
0x779: {  	v32 =	vadd.s32 $0x80, v37;
	v24 =	vor.u32 v25, v28;
	v25 =	vld [tilespmem:s2+$0x50]  }
0x77a: {  	s21 =	sor.u32 $0x410, s8;
	[tilespmem:s14+$0x400] =	vst v24;
	v24 =	vld [tilespmem:s2+$0xD0];
	v27 =	vadd.s32 $0x80, v27  }
0x77b: {  	s23 =	sor.u32 $0x410, s7;
	v28 =	vld [tilespmem:s21+$0xC180];
	v26 =	vadd.s32 $0x80, v26  }
0x77c: {  	v31 =	vld [tilespmem:s23+$0xC180];
	v29 =	vadd.s32 $0x80, v29  }
0x77d: {  	v40 =	vld [tilespmem:s3+$0x80];
	v30 =	vadd.s32 $0x80, v30  }
0x77e: {  	v32 =	vld.idx.msk [tilespmem:v32+s4+$0x0], $0xffff;
	v25 =	vadd.s32 $0x80, v25  }
0x77f: {  	v24 =	vadd.s32 $0x80, v24;
	v27 =	vld.idx.msk [tilespmem:v27+s4+$0x0], $0xffff  }
0x780: {  	v28 =	vadd.s32 $0x80, v28;
	v26 =	vld.idx.msk [tilespmem:v26+s4+$0x0], $0xffff  }
0x781: {  	v31 =	vadd.s32 $0x80, v31;
	v29 =	vld.idx.msk [tilespmem:v29+s4+$0x0], $0xffff  }
0x782: {  	v33 =	vadd.s32 $0x80, v38;
	v30 =	vld.idx.msk [tilespmem:v30+s4+$0x0], $0xffff  }
0x783: {  	v25 =	vld.idx.msk [tilespmem:v25+s4+$0x0], $0xffff  }
0x784: {  	v24 =	vld.idx.msk [tilespmem:v24+s4+$0x0], $0xffff  }
0x785: {  	v28 =	vld.idx.msk [tilespmem:v28+s4+$0x0], $0xffff;
	v27 =	vand.u32 $0xFFFF, v27;
	v26 =	vshll.u32 v26, $0x10  }
0x786: {  	v31 =	vld.idx.msk [tilespmem:v31+s4+$0x0], $0xffff;
	v26 =	vor.u32 v27, v26  }
0x787: {  	s10 =	sor.u32 $0x430, s6;
	v27 =	vand.u32 $0xFFFF, v29;
	v29 =	vld.idx.msk [tilespmem:v33+s4+$0x0], $0xffff;
	v30 =	vshll.u32 v30, $0x10;
	[tilespmem:s15+$0x420] =	vst v26  }
0x788: {  	s11 =	sor.u32 $0x430, s9;
	v26 =	vor.u32 v27, v30;
	v27 =	vld [tilespmem:s10+$0xC180]  }
0x789: {  	v34 =	vadd.s32 $0x80, v34;
	[tilespmem:s26+$0x40] =	vst v26;
	v25 =	vand.u32 $0xFFFF, v25;
	v24 =	vshll.u32 v24, $0x10;
	v26 =	vld [tilespmem:s11+$0xC180]  }
0x78a: {  	v30 =	vld [tilespmem:s5+$0x50];
	v24 =	vor.u32 v25, v24  }
0x78b: {  	s1 =	simm.s32 $0x280;
	s16 =	sand.u32 $0x3800, s12;
	v25 =	vld [tilespmem:s5+$0xD0];
	[tilespmem:s25+$0x50] =	vst v24  }
0x78c: {  	s17 =	sor.u32 $0x18180, s16;
	s18 =	sand.u32 $0x380, s1;
	v32 =	vand.u32 $0xFFFF, v32;
	v24 =	vld [tilespmem:s2+$0x60];
	v29 =	vshll.u32 v29, $0x10  }
0x78d: {  	s28 =	sadd.s32 s18, s17;
	v39 =	vld [tilespmem:s2+$0xE0];
	v29 =	vor.u32 v32, v29;
	v27 =	vadd.s32 $0x80, v27  }
0x78e: {  	v34 =	vld.idx.msk [tilespmem:v34+s4+$0x0], $0xffff;
	v28 =	vand.u32 $0xFFFF, v28;
	v31 =	vshll.u32 v31, $0x10;
	v26 =	vadd.s32 $0x80, v26;
	[tilespmem:s28+$0x0] =	vst v29  }
0x78f: {  	v28 =	vor.u32 v28, v31;
	v29 =	vadd.s32 $0x80, v30;
	v30 =	vld [tilespmem:s30+$0x10]  }
0x790: {  	s21 =	sor.u32 $0x420, s8;
	[tilespmem:s14+$0x410] =	vst v28;
	v25 =	vadd.s32 $0x80, v25;
	v35 =	vld [tilespmem:s30+$0x90]  }
0x791: {  	v50 =	vld [tilespmem:s21+$0xC180];
	v24 =	vadd.s32 $0x80, v24  }
0x792: {  	v33 =	vadd.s32 $0x80, v39;
	v27 =	vld.idx.msk [tilespmem:v27+s4+$0x0], $0xffff  }
0x793: {  	v32 =	vadd.s32 $0x80, v40;
	v26 =	vld.idx.msk [tilespmem:v26+s4+$0x0], $0xffff  }
0x794: {  	v29 =	vld.idx.msk [tilespmem:v29+s4+$0x0], $0xffff;
	v30 =	vadd.s32 $0x80, v30  }
0x795: {  	v25 =	vld.idx.msk [tilespmem:v25+s4+$0x0], $0xffff;
	v35 =	vadd.s32 $0x80, v35  }
0x796: {  	v24 =	vld.idx.msk [tilespmem:v24+s4+$0x0], $0xffff  }
0x797: {  	v33 =	vld.idx.msk [tilespmem:v33+s4+$0x0], $0xffff  }
0x798: {  	v32 =	vld.idx.msk [tilespmem:v32+s4+$0x0], $0xffff;
	v27 =	vand.u32 $0xFFFF, v27;
	v26 =	vshll.u32 v26, $0x10  }
0x799: {  	v30 =	vld.idx.msk [tilespmem:v30+s4+$0x0], $0xffff;
	v26 =	vor.u32 v27, v26  }
0x79a: {  	s6 =	sor.u32 $0x438, s6;
	v27 =	vand.u32 $0xFFFF, v29;
	v29 =	vld.idx.msk [tilespmem:v35+s4+$0x0], $0xffff;
	v25 =	vshll.u32 v25, $0x10;
	[tilespmem:s15+$0x430] =	vst v26  }
0x79b: {  	s19 =	sor.u32 $0x438, s9;
	v25 =	vor.u32 v27, v25;
	v26 =	vld [tilespmem:s6+$0xC180]  }
0x79c: {  	[tilespmem:s26+$0x50] =	vst v25;
	v24 =	vand.u32 $0xFFFF, v24;
	v25 =	vshll.u32 v33, $0x10;
	v27 =	vld [tilespmem:s19+$0xC180]  }
0x79d: {  	s20 =	simm.s32 $0x200;
	v41 =	vld [tilespmem:s5+$0x60];
	v24 =	vor.u32 v24, v25  }
0x79e: {  	v32 =	vshll.u32 v32, $0x10;
	s6 =	sand.u32 $0x300, s20;
	v25 =	vand.u32 $0xFFFF, v34;
	v42 =	vld [tilespmem:s5+$0xE0];
	[tilespmem:s25+$0x60] =	vst v24  }
0x79f: {  	s29 =	sadd.s32 s6, s17;
	v24 =	vor.u32 v25, v32;
	v25 =	vld [tilespmem:s2+$0x70]  }
0x7a0: {  	[tilespmem:s29+$0x0] =	vst v24;
	v24 =	vand.u32 $0xFFFF, v30;
	v29 =	vshll.u32 v29, $0x10;
	v30 =	vld [tilespmem:s2+$0xF0];
	v26 =	vadd.s32 $0x80, v26  }
0x7a1: {  	v43 =	vld [tilespmem:s3+$0x10];
	v24 =	vor.u32 v24, v29;
	v27 =	vadd.s32 $0x80, v27  }
0x7a2: {  	v29 =	vld [tilespmem:s3+$0x90];
	[tilespmem:s28+$0x10] =	vst v24;
	v33 =	vadd.s32 $0x80, v41  }
0x7a3: {  	v44 =	vld [tilespmem:s30+$0x20];
	v34 =	vadd.s32 $0x80, v42  }
0x7a4: {  	v36 =	vld [tilespmem:s30+$0xA0];
	v37 =	vadd.s32 $0x80, v25  }
0x7a5: {  	v30 =	vadd.s32 $0x80, v30;
	v24 =	vld.idx.msk [tilespmem:v26+s4+$0x0], $0xffff  }
0x7a6: {  	v26 =	vadd.s32 $0x80, v43;
	v25 =	vld.idx.msk [tilespmem:v27+s4+$0x0], $0xffff  }
0x7a7: {  	v27 =	vadd.s32 $0x80, v29;
	v29 =	vld.idx.msk [tilespmem:v33+s4+$0x0], $0xffff  }
0x7a8: {  	v45 =	vadd.s32 $0x80, v44;
	v46 =	vld.idx.msk [tilespmem:v34+s4+$0x0], $0xffff  }
0x7a9: {  	v47 =	vadd.s32 $0x80, v36;
	v48 =	vld.idx.msk [tilespmem:v37+s4+$0x0], $0xffff  }
0x7aa: {  	v30 =	vld.idx.msk [tilespmem:v30+s4+$0x0], $0xffff  }
0x7ab: {  	v26 =	vld.idx.msk [tilespmem:v26+s4+$0x0], $0xffff  }
0x7ac: {  	s6 =	simm.s32 $0x2;
	v27 =	vld.idx.msk [tilespmem:v27+s4+$0x0], $0xffff  }
0x7ad: {  	s22 =	sand.u32 $0x3, s6;
	v31 =	vld.idx.msk [tilespmem:v45+s4+$0x0], $0xffff;
	v28 =	vand.u32 $0xFFFF, v29;
	v49 =	vshll.u32 v46, $0x10  }
0x7ae: {  	s23 =	sor.u32 $0x420, s7;
	s9 =	sshll.u32 s22, $0x8;
	v29 =	vld.idx.msk [tilespmem:v47+s4+$0x0], $0xffff;
	v28 =	vor.u32 v28, v49  }
0x7af: {  	v51 =	vld [tilespmem:s23+$0xC180];
	s9 =	sadd.s32 $0x400, s9;
	[tilespmem:s26+$0x60] =	vst v28;
	v28 =	vand.u32 $0xFFFF, v48;
	v30 =	vshll.u32 v30, $0x10  }
0x7b0: {  	s2 =	sadd.s32 $0x100, s9;
	v52 =	vld [tilespmem:s5+$0x70];
	v28 =	vor.u32 v28, v30  }
0x7b1: {  	s16 =	sadd.s32 $0x180, s9;
	s24 =	sor.u32 $0x400, s2;
	v30 =	vld [tilespmem:s5+$0xF0];
	v26 =	vand.u32 $0xFFFF, v26;
	v27 =	vshll.u32 v27, $0x10;
	[tilespmem:s25+$0x70] =	vst v28  }
0x7b2: {  	s9 =	sor.u32 $0x400, s16;
	v26 =	vor.u32 v26, v27;
	v27 =	vld [tilespmem:s24+$0xC180]  }
0x7b3: {  	v28 =	vshll.u32 v29, $0x10;
	v29 =	vld [tilespmem:s9+$0xC180];
	[tilespmem:s29+$0x10] =	vst v26;
	v26 =	vand.u32 $0xFFFF, v31;
	v31 =	vadd.s32 $0x80, v50  }
0x7b4: {  	v53 =	vld [tilespmem:s3+$0x20];
	v26 =	vor.u32 v26, v28;
	v28 =	vadd.s32 $0x80, v51  }
0x7b5: {  	v54 =	vld [tilespmem:s3+$0xA0];
	[tilespmem:s28+$0x20] =	vst v26;
	v26 =	vadd.s32 $0x80, v52  }
0x7b6: {  	v30 =	vadd.s32 $0x80, v30;
	v55 =	vld [tilespmem:s30+$0x30]  }
0x7b7: {  	v56 =	vld [tilespmem:s30+$0xB0];
	v27 =	vadd.s32 $0x80, v27  }
0x7b8: {  	v29 =	vadd.s32 $0x80, v29;
	v31 =	vld.idx.msk [tilespmem:v31+s4+$0x0], $0xffff  }
0x7b9: {  	v32 =	vadd.s32 $0x80, v53;
	v28 =	vld.idx.msk [tilespmem:v28+s4+$0x0], $0xffff  }
0x7ba: {  	v33 =	vadd.s32 $0x80, v54;
	v26 =	vld.idx.msk [tilespmem:v26+s4+$0x0], $0xffff  }
0x7bb: {  	v30 =	vld.idx.msk [tilespmem:v30+s4+$0x0], $0xffff;
	v34 =	vadd.s32 $0x80, v55  }
0x7bc: {  	v35 =	vadd.s32 $0x80, v56;
	v27 =	vld.idx.msk [tilespmem:v27+s4+$0x0], $0xffff  }
0x7bd: {  	v29 =	vld.idx.msk [tilespmem:v29+s4+$0x0], $0xffff  }
0x7be: {  	v32 =	vld.idx.msk [tilespmem:v32+s4+$0x0], $0xffff  }
0x7bf: {  	p0 =	por !p0, !p0;
	s5 =	simm.s32 $0x1;
	v31 =	vand.u32 $0xFFFF, v31;
	v33 =	vld.idx.msk [tilespmem:v33+s4+$0x0], $0xffff;
	v28 =	vshll.u32 v28, $0x10  }
0x7c0: {  	s5 =	simm.s32 @!p0 $0x0;
	v28 =	vor.u32 v31, v28;
	v34 =	vld.idx.msk [tilespmem:v34+s4+$0x0], $0xffff  }
0x7c1: {  	s10 =	sor.u32 $0x430, s8;
	s5 =	sshll.u32 s5, $0x9;
	v26 =	vand.u32 $0xFFFF, v26;
	v30 =	vshll.u32 v30, $0x10;
	v31 =	vld.idx.msk [tilespmem:v35+s4+$0x0], $0xffff;
	[tilespmem:s14+$0x420] =	vst v28  }
0x7c2: {  	s11 =	sor.u32 $0x430, s7;
	s5 =	sadd.s32 $0x400, s5;
	v26 =	vor.u32 v26, v30;
	v28 =	vld [tilespmem:s10+$0xC180]  }
0x7c3: {  	s12 =	sadd.s32 $0x80, s5;
	s17 =	sor.u32 $0x400, s5;
	[tilespmem:s26+$0x70] =	vst v26;
	v26 =	vand.u32 $0xFFFF, v27;
	v27 =	vshll.u32 v29, $0x10;
	v29 =	vld [tilespmem:s11+$0xC180]  }
0x7c4: {  	s18 =	sor.u32 $0x400, s12;
	v30 =	vld [tilespmem:s17+$0xC180];
	v26 =	vor.u32 v26, v27  }
0x7c5: {  	s19 =	sor.u32 $0x410, s2;
	v58 =	vld [tilespmem:s18+$0xC180];
	v27 =	vand.u32 $0xFFFF, v32;
	v57 =	vshll.u32 v33, $0x10;
	[tilespmem:s25+$0x400] =	vst v26  }
0x7c6: {  	s20 =	sor.u32 $0x410, s16;
	v26 =	vor.u32 v27, v57;
	v27 =	vld [tilespmem:s19+$0xC180]  }
0x7c7: {  	v59 =	vld [tilespmem:s20+$0xC180];
	[tilespmem:s29+$0x20] =	vst v26;
	v26 =	vand.u32 $0xFFFF, v34;
	v31 =	vshll.u32 v31, $0x10;
	v28 =	vadd.s32 $0x80, v28  }
0x7c8: {  	v60 =	vld [tilespmem:s3+$0x30];
	v26 =	vor.u32 v26, v31;
	v29 =	vadd.s32 $0x80, v29  }
0x7c9: {  	v31 =	vld [tilespmem:s3+$0xB0];
	[tilespmem:s28+$0x30] =	vst v26;
	v26 =	vadd.s32 $0x80, v30  }
0x7ca: {  	v33 =	vadd.s32 $0x80, v58;
	v30 =	vld [tilespmem:s30+$0x40]  }
0x7cb: {  	v61 =	vld [tilespmem:s30+$0xC0];
	v27 =	vadd.s32 $0x80, v27  }
0x7cc: {  	v32 =	vadd.s32 $0x80, v59;
	v28 =	vld.idx.msk [tilespmem:v28+s4+$0x0], $0xffff  }
0x7cd: {  	v34 =	vadd.s32 $0x80, v60;
	v29 =	vld.idx.msk [tilespmem:v29+s4+$0x0], $0xffff  }
0x7ce: {  	v31 =	vadd.s32 $0x80, v31;
	v26 =	vld.idx.msk [tilespmem:v26+s4+$0x0], $0xffff  }
0x7cf: {  	v33 =	vld.idx.msk [tilespmem:v33+s4+$0x0], $0xffff;
	v30 =	vadd.s32 $0x80, v30  }
0x7d0: {  	v35 =	vadd.s32 $0x80, v61;
	v27 =	vld.idx.msk [tilespmem:v27+s4+$0x0], $0xffff  }
0x7d1: {  	v32 =	vld.idx.msk [tilespmem:v32+s4+$0x0], $0xffff  }
0x7d2: {  	s13 =	smov.u32 s14;
	s7 =	sor.u32 $0x438, s7;
	v34 =	vld.idx.msk [tilespmem:v34+s4+$0x0], $0xffff;
	v28 =	vand.u32 $0xFFFF, v28;
	v29 =	vshll.u32 v29, $0x10  }
0x7d3: {  	s21 =	sor.u32 $0x438, s8;
	p0 =	por !p0, !p0;
	s22 =	sor.u32 $0x410, s5;
	v31 =	vld.idx.msk [tilespmem:v31+s4+$0x0], $0xffff;
	v28 =	vor.u32 v28, v29  }
0x7d4: {  	s23 =	sor.u32 $0x430, s5;
	s10 =	simm.s32 $0x1;
	s18 =	sor.u32 $0x420, s12;
	v30 =	vld.idx.msk [tilespmem:v30+s4+$0x0], $0xffff;
	[tilespmem:s14+$0x430] =	vst v28  }
0x7d5: {  	s10 =	simm.s32 @!p0 $0x0;
	s19 =	sor.u32 $0x420, s5;
	v26 =	vand.u32 $0xFFFF, v26;
	v29 =	vshll.u32 v33, $0x10;
	v35 =	vld.idx.msk [tilespmem:v35+s4+$0x0], $0xffff;
	[dreg:$0x7] =	wrdreg s18  }
0x7d6: {  	s24 =	sor.u32 $0x410, s12;
	s10 =	sshll.u32 s10, $0x9;
	v26 =	vor.u32 v26, v29;
	[dreg:$0xb] =	wrdreg s19  }
0x7d7: {  	s17 =	sor.u32 $0x438, s5;
	p0 =	por !p0, !p0;
	s10 =	sadd.s32 $0x800, s10;
	v62 =	vld [tilespmem:s21+$0xC180];
	[tilespmem:s26+$0x400] =	vst v26;
	v26 =	vand.u32 $0xFFFF, v27;
	v27 =	vshll.u32 v32, $0x10  }
0x7d8: {  	s20 =	sor.u32 $0x420, s2;
	s5 =	sadd.s32 $0x80, s10;
	s11 =	sor.u32 $0x410, s10;
	v63 =	vld [tilespmem:s7+$0xC180];
	v26 =	vor.u32 v26, v27  }
0x7d9: {  	s9 =	sor.u32 $0x420, s5;
	s14 =	sor.u32 $0x438, s12;
	v28 =	vld [tilespmem:s22+$0xC180];
	s22 =	sor.u32 $0x420, s10;
	[tilespmem:s25+$0x410] =	vst v26  }
0x7da: {  	s18 =	sor.u32 $0x400, s10;
	s19 =	sor.u32 $0x400, s5;
	v29 =	vld [tilespmem:s24+$0xC180];
	v34 =	vand.u32 $0xFFFF, v34;
	v31 =	vshll.u32 v31, $0x10;
	[dreg:$0xf] =	wrdreg s22  }
0x7db: {  	v24 =	vand.u32 $0xFFFF, v24;
	v25 =	vshll.u32 v25, $0x10;
	s21 =	sor.u32 $0x430, s12;
	s12 =	sor.u32 $0x410, s5;
	s24 =	sor.u32 $0x420, s16;
	v31 =	vor.u32 v34, v31;
	v26 =	vld [tilespmem:s20+$0xC180]  }
0x7dc: {  	v24 =	vor.u32 v24, v25;
	s8 =	sor.u32 $0x430, s10;
	s7 =	sor.u32 $0x430, s5;
	s10 =	sor.u32 $0x438, s10;
	v25 =	vand.u32 $0xFFFF, v30;
	v27 =	vld [tilespmem:s24+$0xC180];
	[tilespmem:s29+$0x30] =	vst v31;
	v31 =	vshll.u32 v35, $0x10  }
0x7dd: {  	s20 =	sor.u32 $0x438, s5;
	[tilespmem:s15+$0x438] =	vst v24;
	s24 =	simm.s32 $0x4;
	s15 =	simm.s32 $0x800;
	v24 =	vadd.s32 $0x80, v62;
	v30 =	vld [tilespmem:s3+$0x40];
	v31 =	vor.u32 v25, v31;
	v25 =	vadd.s32 $0x80, v63  }
.LBB2_8:
0x7de: {  	[smem:$0x7D1] =	sst s7  }
0x7df: {  	[smem:$0x7D7] =	sst s14;
	s5 =	simm.s32 $0x1  }
0x7e0: {  	[dreg:$0x1f] =	wrdreg s17;
	v32 =	vld [tilespmem:s3+$0xC0];
	[tilespmem:s28+$0x40] =	vst v31;
	s5 =	simm.s32 @!p0 $0x0  }
0x7e1: {  	[dreg:$0x13] =	wrdreg s20;
	s31 =	sadd.s32 $0x400, s31;
	v31 =	vld [tilespmem:s30+$0x50];
	s5 =	sshll.u32 s5, $0x9  }
0x7e2: {  	s0 =	sadd.s32 $0x200, s0;
	s22 =	sand.u32 $0x7800, s31;
	v33 =	vld [tilespmem:s30+$0xD0];
	s20 =	sadd.s32 s5, s31;
	v26 =	vadd.s32 $0x80, v26  }
0x7e3: {  	v24 =	vld.idx.msk [tilespmem:v24+s4+$0x0], $0xffff;
	s7 =	sand.u32 $0x300, s0;
	s17 =	sadd.s32 $0xC180, s22;
	v27 =	vadd.s32 $0x80, v27;
	s14 =	sor.u32 $0x400, s20  }
0x7e4: {  	v25 =	vld.idx.msk [tilespmem:v25+s4+$0x0], $0xffff;
	v30 =	vadd.s32 $0x80, v30;
	[smem:$0x7D3] =	sst s14;
	s14 =	sadd.s32 s7, s17  }
0x7e5: {  	v32 =	vadd.s32 $0x80, v32;
	v34 =	vld [tilespmem:s14+$0x0]  }
0x7e6: {  	v35 =	vld [tilespmem:s14+$0x80];
	v31 =	vadd.s32 $0x80, v31  }
0x7e7: {  	v33 =	vadd.s32 $0x80, v33;
	v26 =	vld.idx.msk [tilespmem:v26+s4+$0x0], $0xffff  }
0x7e8: {  	v28 =	vadd.s32 $0x80, v28;
	v27 =	vld.idx.msk [tilespmem:v27+s4+$0x0], $0xffff  }
0x7e9: {  	v29 =	vadd.s32 $0x80, v29;
	v30 =	vld.idx.msk [tilespmem:v30+s4+$0x0], $0xffff  }
0x7ea: {  	v24 =	vand.u32 $0xFFFF, v24;
	v25 =	vshll.u32 v25, $0x10;
	v32 =	vld.idx.msk [tilespmem:v32+s4+$0x0], $0xffff;
	v34 =	vadd.s32 $0x80, v34  }
0x7eb: {  	[smem:$0x7D0] =	sst s21;
	s21 =	sadd.s32 $0x80, s20;
	v24 =	vor.u32 v24, v25;
	v35 =	vadd.s32 $0x80, v35;
	v31 =	vld.idx.msk [tilespmem:v31+s4+$0x0], $0xffff  }
0x7ec: {  	[smem:$0x7D5] =	sst s10;
	s22 =	sor.u32 $0x400, s21;
	[tilespmem:s13+$0x438] =	vst v24;
	v25 =	vld.idx.msk [tilespmem:v33+s4+$0x0], $0xffff  }
0x7ed: {  	s7 =	sor.u32 $0x410, s20;
	[smem:$0x7D4] =	sst s22;
	v24 =	vld.idx.msk [tilespmem:v28+s4+$0x0], $0xffff  }
0x7ee: {  	[dreg:$0x1b] =	wrdreg s7;
	s22 =	sor.u32 $0x430, s21;
	v28 =	vld.idx.msk [tilespmem:v29+s4+$0x0], $0xffff;
	v26 =	vand.u32 $0xFFFF, v26;
	v27 =	vshll.u32 v27, $0x10  }
0x7ef: {  	s10 =	sor.u32 $0x410, s21;
	[smem:$0x7D2] =	sst s22;
	s22 =	sor.u32 $0x438, s21;
	v26 =	vor.u32 v26, v27;
	v29 =	vld.idx.msk [tilespmem:v34+s4+$0x0], $0xffff  }
0x7f0: {  	s5 =	sor.u32 $0x420, s21;
	s21 =	sor.u32 $0x430, s2;
	[smem:$0x7D8] =	sst s22;
	v30 =	vand.u32 $0xFFFF, v30;
	v32 =	vshll.u32 v32, $0x10;
	v27 =	vld.idx.msk [tilespmem:v35+s4+$0x0], $0xffff;
	[tilespmem:s25+$0x420] =	vst v26  }
0x7f1: {  	s22 =	smov.u32 s26;
	s26 =	smov.u32 s29;
	s13 =	sor.u32 $0x430, s16;
	v26 =	vor.u32 v30, v32;
	v30 =	vld [tilespmem:s21+$0xC180]  }
0x7f2: {  	[dreg:$0x17] =	wrdreg s10;
	s7 =	smov.u32 s8;
	s8 =	smov.u32 s23;
	v25 =	vshll.u32 v25, $0x10;
	[tilespmem:s26+$0x40] =	vst v26;
	v26 =	vand.u32 $0xFFFF, v31;
	v31 =	vld [tilespmem:s13+$0xC180]  }
0x7f3: {  	s23 =	sor.u32 $0x420, s20;
	s10 =	sor.u32 $0x430, s20;
	s21 =	sadd.s32 $0xFFFFFF00, s0;
	v51 =	vld [tilespmem:s3+$0x50];
	v25 =	vor.u32 v26, v25  }
0x7f4: {  	s1 =	sadd.s32 $0x100, s1;
	s20 =	sor.u32 $0x438, s20;
	v24 =	vand.u32 $0xFFFF, v24;
	v26 =	vld [tilespmem:s3+$0xD0];
	s13 =	sand.u32 $0x200, s21;
	[tilespmem:s28+$0x50] =	vst v25;
	v25 =	vshll.u32 v28, $0x10  }
0x7f5: {  	[smem:$0x7D6] =	sst s20;
	s20 =	sand.u32 $0x3800, s21;
	s17 =	sor.u32 s13, s17;
	v28 =	vld [tilespmem:s30+$0x60];
	v24 =	vor.u32 v24, v25  }
0x7f6: {  	s21 =	sor.u32 $0x18180, s20;
	s13 =	sand.u32 $0x380, s1;
	v52 =	vld [tilespmem:s17+$0x0];
	v25 =	vand.u32 $0xFFFF, v29;
	v27 =	vshll.u32 v27, $0x10;
	v30 =	vadd.s32 $0x80, v30  }
0x7f7: {  	s20 =	sadd.s32 s13, s21;
	v29 =	vld [tilespmem:s30+$0xE0];
	[tilespmem:s22+$0x410] =	vst v24;
	v25 =	vor.u32 v25, v27;
	v24 =	vadd.s32 $0x80, v31  }
0x7f8: {  	v27 =	vld [tilespmem:s17+$0x80];
	[tilespmem:s20+$0x0] =	vst v25;
	v25 =	vadd.s32 $0x80, v51  }
0x7f9: {  	v26 =	vadd.s32 $0x80, v26;
	v31 =	vld [tilespmem:s14+$0x10]  }
0x7fa: {  	v53 =	vld [tilespmem:s14+$0x90];
	v28 =	vadd.s32 $0x80, v28  }
0x7fb: {  	v33 =	vadd.s32 $0x80, v52;
	v30 =	vld.idx.msk [tilespmem:v30+s4+$0x0], $0xffff  }
0x7fc: {  	v29 =	vadd.s32 $0x80, v29;
	v24 =	vld.idx.msk [tilespmem:v24+s4+$0x0], $0xffff  }
0x7fd: {  	v27 =	vadd.s32 $0x80, v27;
	v25 =	vld.idx.msk [tilespmem:v25+s4+$0x0], $0xffff  }
0x7fe: {  	v26 =	vld.idx.msk [tilespmem:v26+s4+$0x0], $0xffff;
	v31 =	vadd.s32 $0x80, v31  }
0x7ff: {  	v32 =	vadd.s32 $0x80, v53;
	v28 =	vld.idx.msk [tilespmem:v28+s4+$0x0], $0xffff  }
0x800: {  	v33 =	vld.idx.msk [tilespmem:v33+s4+$0x0], $0xffff  }
0x801: {  	v29 =	vld.idx.msk [tilespmem:v29+s4+$0x0], $0xffff  }
0x802: {  	v27 =	vld.idx.msk [tilespmem:v27+s4+$0x0], $0xffff;
	v30 =	vand.u32 $0xFFFF, v30;
	v24 =	vshll.u32 v24, $0x10  }
0x803: {  	s29 =	sadd.s32 $0xFFFFFF80, s1;
	v24 =	vor.u32 v30, v24;
	v31 =	vld.idx.msk [tilespmem:v31+s4+$0x0], $0xffff  }
0x804: {  	s29 =	sand.u32 $0x300, s29;
	s13 =	sor.u32 $0x438, s2;
	v25 =	vand.u32 $0xFFFF, v25;
	v26 =	vshll.u32 v26, $0x10;
	v30 =	vld.idx.msk [tilespmem:v32+s4+$0x0], $0xffff;
	[tilespmem:s25+$0x430] =	vst v24  }
0x805: {  	s29 =	sadd.s32 s29, s21;
	s21 =	sor.u32 $0x438, s16;
	v24 =	vor.u32 v25, v26;
	v25 =	vld [tilespmem:s13+$0xC180]  }
0x806: {  	[tilespmem:s26+$0x50] =	vst v24;
	v24 =	vand.u32 $0xFFFF, v28;
	v28 =	vld [tilespmem:s21+$0xC180];
	v26 =	vshll.u32 v29, $0x10  }
0x807: {  	v54 =	vld [tilespmem:s3+$0x60];
	v24 =	vor.u32 v24, v26  }
0x808: {  	v29 =	vand.u32 $0xFFFF, v33;
	v26 =	vshll.u32 v27, $0x10;
	v27 =	vld [tilespmem:s3+$0xE0];
	[tilespmem:s28+$0x60] =	vst v24  }
0x809: {  	v24 =	vor.u32 v29, v26;
	v26 =	vld [tilespmem:s30+$0x70]  }
0x80a: {  	[tilespmem:s29+$0x0] =	vst v24;
	v24 =	vand.u32 $0xFFFF, v31;
	v29 =	vshll.u32 v30, $0x10;
	v30 =	vld [tilespmem:s30+$0xF0];
	v25 =	vadd.s32 $0x80, v25  }
0x80b: {  	v31 =	vld [tilespmem:s17+$0x10];
	v24 =	vor.u32 v24, v29;
	v28 =	vadd.s32 $0x80, v28  }
0x80c: {  	s30 =	smov.u32 s14;
	v29 =	vld [tilespmem:s17+$0x90];
	[tilespmem:s20+$0x10] =	vst v24;
	v24 =	vadd.s32 $0x80, v54  }
0x80d: {  	v55 =	vld [tilespmem:s30+$0x20];
	v27 =	vadd.s32 $0x80, v27  }
0x80e: {  	v56 =	vld [tilespmem:s30+$0xA0];
	v26 =	vadd.s32 $0x80, v26  }
0x80f: {  	v30 =	vadd.s32 $0x80, v30;
	v25 =	vld.idx.msk [tilespmem:v25+s4+$0x0], $0xffff  }
0x810: {  	v31 =	vadd.s32 $0x80, v31;
	v28 =	vld.idx.msk [tilespmem:v28+s4+$0x0], $0xffff  }
0x811: {  	v29 =	vadd.s32 $0x80, v29;
	v24 =	vld.idx.msk [tilespmem:v24+s4+$0x0], $0xffff  }
0x812: {  	v32 =	vadd.s32 $0x80, v55;
	v27 =	vld.idx.msk [tilespmem:v27+s4+$0x0], $0xffff  }
0x813: {  	v33 =	vadd.s32 $0x80, v56;
	v26 =	vld.idx.msk [tilespmem:v26+s4+$0x0], $0xffff  }
0x814: {  	v30 =	vld.idx.msk [tilespmem:v30+s4+$0x0], $0xffff  }
0x815: {  	v31 =	vld.idx.msk [tilespmem:v31+s4+$0x0], $0xffff  }
0x816: {  	s6 =	sadd.s32 $0x2, s6;
	v29 =	vld.idx.msk [tilespmem:v29+s4+$0x0], $0xffff;
	v25 =	vand.u32 $0xFFFF, v25;
	v28 =	vshll.u32 v28, $0x10  }
0x817: {  	s16 =	rddreg [dreg:$0xf];
	s13 =	sand.u32 $0x3, s6;
	v24 =	vand.u32 $0xFFFF, v24;
	v25 =	vor.u32 v25, v28;
	v32 =	vld.idx.msk [tilespmem:v32+s4+$0x0], $0xffff;
	v27 =	vshll.u32 v27, $0x10  }
0x818: {  	s2 =	sshll.u32 s13, $0x8;
	s14 =	rddreg [dreg:$0xb];
	v28 =	vld.idx.msk [tilespmem:v33+s4+$0x0], $0xffff;
	[tilespmem:s25+$0x438] =	vst v25;
	s25 =	smov.u32 s28;
	v24 =	vor.u32 v24, v27  }
0x819: {  	s28 =	smov.u32 s20;
	v25 =	vld [tilespmem:s14+$0xC180];
	s20 =	smov.u32 s16;
	s16 =	rddreg [dreg:$0x7];
	[tilespmem:s26+$0x60] =	vst v24  }
0x81a: {  	s14 =	sadd.s32 s2, s15;
	v24 =	vand.u32 $0xFFFF, v26;
	v26 =	vshll.u32 v30, $0x10;
	v27 =	vld [tilespmem:s16+$0xC180]  }
0x81b: {  	s21 =	smov.u32 s23;
	s2 =	sadd.s32 $0x100, s14;
	v30 =	vand.u32 $0xFFFF, v31;
	v31 =	vld [tilespmem:s3+$0x70];
	v24 =	vor.u32 v24, v26  }
0x81c: {  	[dreg:$0xf] =	wrdreg s21;
	s21 =	sor.u32 $0x400, s2;
	v26 =	vshll.u32 v29, $0x10;
	v29 =	vld [tilespmem:s3+$0xF0];
	s16 =	sadd.s32 $0x180, s14;
	[tilespmem:s25+$0x70] =	vst v24  }
0x81d: {  	v24 =	vor.u32 v30, v26;
	s23 =	sor.u32 $0x400, s16;
	v26 =	vld [tilespmem:s21+$0xC180]  }
0x81e: {  	s3 =	smov.u32 s17;
	[tilespmem:s29+$0x10] =	vst v24;
	v24 =	vand.u32 $0xFFFF, v32;
	v28 =	vshll.u32 v28, $0x10;
	v30 =	vld [tilespmem:s23+$0xC180];
	v25 =	vadd.s32 $0x80, v25  }
0x81f: {  	v57 =	vld [tilespmem:s3+$0x20];
	v24 =	vor.u32 v24, v28;
	v27 =	vadd.s32 $0x80, v27  }
0x820: {  	v28 =	vld [tilespmem:s3+$0xA0];
	[tilespmem:s28+$0x20] =	vst v24;
	v24 =	vadd.s32 $0x80, v31  }
0x821: {  	v31 =	vld [tilespmem:s30+$0x30];
	v29 =	vadd.s32 $0x80, v29  }
0x822: {  	v58 =	vld [tilespmem:s30+$0xB0];
	v26 =	vadd.s32 $0x80, v26  }
0x823: {  	v30 =	vadd.s32 $0x80, v30;
	v25 =	vld.idx.msk [tilespmem:v25+s4+$0x0], $0xffff  }
0x824: {  	v32 =	vadd.s32 $0x80, v57;
	v27 =	vld.idx.msk [tilespmem:v27+s4+$0x0], $0xffff  }
0x825: {  	v28 =	vadd.s32 $0x80, v28;
	v24 =	vld.idx.msk [tilespmem:v24+s4+$0x0], $0xffff  }
0x826: {  	v31 =	vadd.s32 $0x80, v31;
	v29 =	vld.idx.msk [tilespmem:v29+s4+$0x0], $0xffff  }
0x827: {  	v26 =	vld.idx.msk [tilespmem:v26+s4+$0x0], $0xffff  }
0x828: {  	v33 =	vadd.s32 $0x80, v58;
	v30 =	vld.idx.msk [tilespmem:v30+s4+$0x0], $0xffff  }
0x829: {  	v25 =	vand.u32 $0xFFFF, v25;
	v32 =	vld.idx.msk [tilespmem:v32+s4+$0x0], $0xffff;
	v27 =	vshll.u32 v27, $0x10  }
0x82a: {  	v28 =	vld.idx.msk [tilespmem:v28+s4+$0x0], $0xffff;
	v25 =	vor.u32 v25, v27  }
0x82b: {  	v31 =	vld.idx.msk [tilespmem:v31+s4+$0x0], $0xffff;
	[tilespmem:s22+$0x420] =	vst v25  }
0x82c: {  	v24 =	vand.u32 $0xFFFF, v24;
	v29 =	vshll.u32 v29, $0x10;
	v25 =	vld [tilespmem:s8+$0xC180];
	s8 =	smov.u32 s10;
	s10 =	sld [smem:$0x7D0]  }
0x82d: {  	v27 =	vld.idx.msk [tilespmem:v33+s4+$0x0], $0xffff;
	v24 =	vor.u32 v24, v29  }
0x82e: {  	[tilespmem:s26+$0x70] =	vst v24  }
0x82f: {  	s14 =	sld [smem:$0x7D2];
	v24 =	vand.u32 $0xFFFF, v26;
	v26 =	vshll.u32 v30, $0x10;
	v29 =	vld [tilespmem:s10+$0xC180]  }
0x830: {  	[dreg:$0xb] =	wrdreg s20;
	s20 =	smov.u32 s9;
	v30 =	vand.u32 $0xFFFF, v32;
	v59 =	vld [tilespmem:s18+$0xC180];
	v24 =	vor.u32 v24, v26;
	v26 =	vshll.u32 v28, $0x10  }
0x831: {  	[dreg:$0x7] =	wrdreg s20;
	s20 =	sor.u32 $0x410, s2;
	v28 =	vld [tilespmem:s19+$0xC180];
	[tilespmem:s25+$0x400] =	vst v24;
	v24 =	vor.u32 v30, v26  }
0x832: {  	s23 =	smov.u32 s7;
	s7 =	smov.u32 s14;
	s14 =	sor.u32 $0x410, s16;
	v26 =	vld [tilespmem:s20+$0xC180];
	[tilespmem:s29+$0x20] =	vst v24;
	v24 =	vand.u32 $0xFFFF, v31;
	v27 =	vshll.u32 v27, $0x10  }
0x833: {  	v30 =	vld [tilespmem:s14+$0xC180];
	v24 =	vor.u32 v24, v27;
	v25 =	vadd.s32 $0x80, v25  }
0x834: {  	v31 =	vld [tilespmem:s3+$0x30];
	[tilespmem:s28+$0x30] =	vst v24;
	v27 =	vadd.s32 $0x80, v29  }
0x835: {  	v60 =	vld [tilespmem:s30+$0x40]  }
0x836: {  	v24 =	vadd.s32 $0x80, v59;
	v29 =	vld [tilespmem:s3+$0xB0]  }
0x837: {  	v28 =	vadd.s32 $0x80, v28;
	v61 =	vld [tilespmem:s30+$0xC0]  }
0x838: {  	v26 =	vadd.s32 $0x80, v26;
	v25 =	vld.idx.msk [tilespmem:v25+s4+$0x0], $0xffff  }
0x839: {  	v30 =	vadd.s32 $0x80, v30;
	v27 =	vld.idx.msk [tilespmem:v27+s4+$0x0], $0xffff  }
0x83a: {  	s13 =	sld [smem:$0x7D1];
	v31 =	vadd.s32 $0x80, v31  }
0x83b: {  	v24 =	vld.idx.msk [tilespmem:v24+s4+$0x0], $0xffff;
	v29 =	vadd.s32 $0x80, v29  }
0x83c: {  	s17 =	sld [smem:$0x7D3];
	v32 =	vadd.s32 $0x80, v60;
	v28 =	vld.idx.msk [tilespmem:v28+s4+$0x0], $0xffff  }
0x83d: {  	s21 =	smov.u32 s13;
	s13 =	sld [smem:$0x7D4];
	v33 =	vadd.s32 $0x80, v61;
	v26 =	vld.idx.msk [tilespmem:v26+s4+$0x0], $0xffff  }
0x83e: {  	v30 =	vld.idx.msk [tilespmem:v30+s4+$0x0], $0xffff;
	v25 =	vand.u32 $0xFFFF, v25;
	v27 =	vshll.u32 v27, $0x10  }
0x83f: {  	s18 =	smov.u32 s17;
	s17 =	rddreg [dreg:$0x1f];
	v31 =	vld.idx.msk [tilespmem:v31+s4+$0x0], $0xffff;
	v25 =	vor.u32 v25, v27  }
0x840: {  	s19 =	smov.u32 s13;
	s13 =	smov.u32 s22;
	v29 =	vld.idx.msk [tilespmem:v29+s4+$0x0], $0xffff;
	[tilespmem:s22+$0x430] =	vst v25;
	s22 =	sld [smem:$0x7D6]  }
0x841: {  	s14 =	sld [smem:$0x7D7];
	v32 =	vld.idx.msk [tilespmem:v32+s4+$0x0], $0xffff;
	v24 =	vand.u32 $0xFFFF, v24;
	v28 =	vshll.u32 v28, $0x10  }
0x842: {  	s20 =	sld [smem:$0x7D5];
	v24 =	vor.u32 v24, v28;
	v27 =	vld.idx.msk [tilespmem:v33+s4+$0x0], $0xffff  }
0x843: {  	s24 =	sadd.s32 $0x2, s24;
	v25 =	vld [tilespmem:s17+$0xC180];
	[tilespmem:s26+$0x400] =	vst v24;
	s10 =	smov.u32 s22;
	s22 =	sld [smem:$0x7D8]  }
0x844: {  	p1 =	slt.u32 s24, $0x3E;
	s9 =	smov.u32 s5;
	s5 =	sor.u32 $0x420, s2;
	v24 =	vand.u32 $0xFFFF, v26;
	v26 =	vshll.u32 v30, $0x10;
	v62 =	vld [tilespmem:s14+$0xC180]  }
.Ltmp3:
0x845: {  	s17 =	smov.u32 s20;
	s20 =	rddreg [dreg:$0x13];
	v30 =	vand.u32 $0xFFFF, v31;
	v28 =	vld [tilespmem:s11+$0xC180];
	v24 =	vor.u32 v24, v26;
	v26 =	vshll.u32 v29, $0x10;
	(pc) =	sbr.rel @p1 .LBB2_8-.Ltmp3, $4  }
0x846: {  	s14 =	smov.u32 s20;
	v29 =	vld [tilespmem:s12+$0xC180];
	[tilespmem:s25+$0x410] =	vst v24;
	v24 =	vor.u32 v30, v26;
	s20 =	smov.u32 s22;
	s22 =	rddreg [dreg:$0x1b]  }
0x847: {  	v26 =	vld [tilespmem:s5+$0xC180];
	[tilespmem:s29+$0x30] =	vst v24;
	s11 =	smov.u32 s22;
	s22 =	rddreg [dreg:$0x17]  }
0x848: {  	v31 =	vand.u32 $0xFFFF, v32;
	v63 =	vshll.u32 v27, $0x10;
	v30 =	vld [tilespmem:s3+$0x40];
	s12 =	smov.u32 s22;
	s22 =	sor.u32 $0x420, s16  }
0x849: {  	p0 =	por !p0, !p0;
	s15 =	smov.u32 s31;
	v31 =	vor.u32 v31, v63;
	v24 =	vadd.s32 $0x80, v25;
	v25 =	vadd.s32 $0x80, v62;
	v27 =	vld [tilespmem:s22+$0xC180]  }
0x84a: {  	v32 =	vld [tilespmem:s3+$0xC0];
	_ =	sdelay $0x3  }
0x84b: {  	v30 =	vadd.s32 $0x80, v30  }
0x84c: {  	v32 =	vadd.s32 $0x80, v32;
	_ =	sdelay $0x3  }
0x84d: {  	v30 =	vld.idx.msk [tilespmem:v30+s4+$0x0], $0xffff  }
0x84e: {  	v32 =	vld.idx.msk [tilespmem:v32+s4+$0x0], $0xffff;
	_ =	sdelay $0x4  }
0x84f: {  	[tilespmem:s28+$0x40] =	vst v31;
	v30 =	vand.u32 $0xFFFF, v30;
	v63 =	vshll.u32 v32, $0x10  }
0x850: {  	v37 =	vld [tilespmem:s30+$0xD0];
	v30 =	vor.u32 v30, v63  }
0x851: {  	v36 =	vld [tilespmem:s30+$0x50];
	[tilespmem:s29+$0x40] =	vst v30  }
0x852: {  	v30 =	vld [tilespmem:s3+$0x50]  }
0x853: {  	v33 =	vld [tilespmem:s3+$0xD0];
	_ =	sdelay $0x1  }
0x854: {  	v31 =	vadd.s32 $0x80, v37  }
0x855: {  	v32 =	vadd.s32 $0x80, v36  }
0x856: {  	v30 =	vadd.s32 $0x80, v30  }
0x857: {  	v33 =	vadd.s32 $0x80, v33;
	_ =	sdelay $0x1  }
0x858: {  	v31 =	vld.idx.msk [tilespmem:v31+s4+$0x0], $0xffff  }
0x859: {  	v32 =	vld.idx.msk [tilespmem:v32+s4+$0x0], $0xffff  }
0x85a: {  	v30 =	vld.idx.msk [tilespmem:v30+s4+$0x0], $0xffff  }
0x85b: {  	v33 =	vld.idx.msk [tilespmem:v33+s4+$0x0], $0xffff;
	_ =	sdelay $0x2  }
0x85c: {  	v31 =	vshll.u32 v31, $0x10;
	v32 =	vand.u32 $0xFFFF, v32  }
0x85d: {  	v31 =	vor.u32 v32, v31  }
0x85e: {  	[tilespmem:s28+$0x50] =	vst v31;
	v30 =	vand.u32 $0xFFFF, v30;
	v38 =	vshll.u32 v33, $0x10  }
0x85f: {  	v39 =	vld [tilespmem:s30+$0x60];
	v30 =	vor.u32 v30, v38  }
0x860: {  	v40 =	vld [tilespmem:s30+$0xE0];
	[tilespmem:s29+$0x50] =	vst v30  }
0x861: {  	v30 =	vld [tilespmem:s3+$0x60]  }
0x862: {  	v41 =	vld [tilespmem:s3+$0xE0];
	_ =	sdelay $0x1  }
0x863: {  	v32 =	vadd.s32 $0x80, v39  }
0x864: {  	v31 =	vadd.s32 $0x80, v40  }
0x865: {  	v30 =	vadd.s32 $0x80, v30  }
0x866: {  	v33 =	vadd.s32 $0x80, v41;
	_ =	sdelay $0x1  }
0x867: {  	v32 =	vld.idx.msk [tilespmem:v32+s4+$0x0], $0xffff  }
0x868: {  	v31 =	vld.idx.msk [tilespmem:v31+s4+$0x0], $0xffff  }
0x869: {  	v30 =	vld.idx.msk [tilespmem:v30+s4+$0x0], $0xffff  }
0x86a: {  	v33 =	vld.idx.msk [tilespmem:v33+s4+$0x0], $0xffff;
	_ =	sdelay $0x2  }
0x86b: {  	v32 =	vand.u32 $0xFFFF, v32;
	v31 =	vshll.u32 v31, $0x10  }
0x86c: {  	v31 =	vor.u32 v32, v31  }
0x86d: {  	[tilespmem:s28+$0x60] =	vst v31;
	v30 =	vand.u32 $0xFFFF, v30;
	v42 =	vshll.u32 v33, $0x10  }
0x86e: {  	v43 =	vld [tilespmem:s30+$0x70];
	v30 =	vor.u32 v30, v42  }
0x86f: {  	v44 =	vld [tilespmem:s30+$0xF0];
	[tilespmem:s29+$0x60] =	vst v30  }
0x870: {  	v30 =	vld [tilespmem:s3+$0x70]  }
0x871: {  	v45 =	vld [tilespmem:s3+$0xF0];
	_ =	sdelay $0x1  }
0x872: {  	v32 =	vadd.s32 $0x80, v43  }
0x873: {  	v31 =	vadd.s32 $0x80, v44  }
0x874: {  	v30 =	vadd.s32 $0x80, v30  }
0x875: {  	v33 =	vadd.s32 $0x80, v45;
	_ =	sdelay $0x1  }
0x876: {  	v32 =	vld.idx.msk [tilespmem:v32+s4+$0x0], $0xffff  }
0x877: {  	v31 =	vld.idx.msk [tilespmem:v31+s4+$0x0], $0xffff  }
0x878: {  	v30 =	vld.idx.msk [tilespmem:v30+s4+$0x0], $0xffff  }
0x879: {  	s0 =	sadd.s32 $0x2, s6;
	v33 =	vld.idx.msk [tilespmem:v33+s4+$0x0], $0xffff  }
0x87a: {  	s0 =	sand.u32 $0x3, s0  }
0x87b: {  	s0 =	sshll.u32 s0, $0x8  }
0x87c: {  	s0 =	sadd.s32 s0, s15;
	v32 =	vand.u32 $0xFFFF, v32;
	v31 =	vshll.u32 v31, $0x10  }
0x87d: {  	s1 =	sadd.s32 $0x100, s0;
	v31 =	vor.u32 v32, v31  }
0x87e: {  	s0 =	sadd.s32 $0x180, s0;
	s6 =	sor.u32 $0x400, s1;
	[tilespmem:s28+$0x70] =	vst v31;
	v30 =	vand.u32 $0xFFFF, v30;
	v46 =	vshll.u32 v33, $0x10  }
0x87f: {  	s15 =	sor.u32 $0x400, s0;
	v47 =	vld [tilespmem:s6+$0xC180];
	v30 =	vor.u32 v30, v46  }
0x880: {  	v48 =	vld [tilespmem:s15+$0xC180];
	[tilespmem:s29+$0x70] =	vst v30  }
0x881: {  	v30 =	vld [tilespmem:s18+$0xC180]  }
0x882: {  	v49 =	vld [tilespmem:s19+$0xC180];
	_ =	sdelay $0x1  }
0x883: {  	v32 =	vadd.s32 $0x80, v47  }
0x884: {  	v31 =	vadd.s32 $0x80, v48  }
0x885: {  	v30 =	vadd.s32 $0x80, v30  }
0x886: {  	v33 =	vadd.s32 $0x80, v49;
	_ =	sdelay $0x1  }
0x887: {  	v32 =	vld.idx.msk [tilespmem:v32+s4+$0x0], $0xffff  }
0x888: {  	v31 =	vld.idx.msk [tilespmem:v31+s4+$0x0], $0xffff  }
0x889: {  	v30 =	vld.idx.msk [tilespmem:v30+s4+$0x0], $0xffff  }
0x88a: {  	v33 =	vld.idx.msk [tilespmem:v33+s4+$0x0], $0xffff;
	_ =	sdelay $0x2  }
0x88b: {  	v32 =	vand.u32 $0xFFFF, v32;
	v31 =	vshll.u32 v31, $0x10  }
0x88c: {  	v31 =	vor.u32 v32, v31  }
0x88d: {  	s19 =	sor.u32 $0x410, s1;
	[tilespmem:s28+$0x400] =	vst v31;
	v30 =	vand.u32 $0xFFFF, v30;
	v50 =	vshll.u32 v33, $0x10  }
0x88e: {  	s22 =	sor.u32 $0x410, s0;
	v51 =	vld [tilespmem:s19+$0xC180];
	v30 =	vor.u32 v30, v50  }
0x88f: {  	v52 =	vld [tilespmem:s22+$0xC180];
	[tilespmem:s29+$0x400] =	vst v30  }
0x890: {  	v28 =	vadd.s32 $0x80, v28;
	v30 =	vld [tilespmem:s11+$0xC180]  }
0x891: {  	v29 =	vadd.s32 $0x80, v29;
	v53 =	vld [tilespmem:s12+$0xC180];
	_ =	sdelay $0x1  }
0x892: {  	v32 =	vadd.s32 $0x80, v51  }
0x893: {  	v31 =	vadd.s32 $0x80, v52  }
0x894: {  	v28 =	vld.idx.msk [tilespmem:v28+s4+$0x0], $0xffff;
	v30 =	vadd.s32 $0x80, v30  }
0x895: {  	v29 =	vld.idx.msk [tilespmem:v29+s4+$0x0], $0xffff;
	v33 =	vadd.s32 $0x80, v53;
	_ =	sdelay $0x1  }
0x896: {  	v32 =	vld.idx.msk [tilespmem:v32+s4+$0x0], $0xffff  }
0x897: {  	v31 =	vld.idx.msk [tilespmem:v31+s4+$0x0], $0xffff  }
0x898: {  	v30 =	vld.idx.msk [tilespmem:v30+s4+$0x0], $0xffff  }
0x899: {  	v28 =	vand.u32 $0xFFFF, v28;
	v29 =	vshll.u32 v29, $0x10;
	v33 =	vld.idx.msk [tilespmem:v33+s4+$0x0], $0xffff  }
0x89a: {  	v28 =	vor.u32 v28, v29  }
0x89b: {  	[tilespmem:s26+$0x410] =	vst v28  }
0x89c: {  	s30 =	rddreg [dreg:$0x7];
	v54 =	vand.u32 $0xFFFF, v32;
	v55 =	vshll.u32 v31, $0x10  }
0x89d: {  	s24 =	rddreg [dreg:$0xb];
	v57 =	vld [tilespmem:s30+$0xC180];
	v28 =	vor.u32 v54, v55  }
0x89e: {  	s31 =	sor.u32 $0x420, s1;
	v56 =	vld [tilespmem:s24+$0xC180];
	[tilespmem:s28+$0x410] =	vst v28;
	v58 =	vand.u32 $0xFFFF, v30;
	v59 =	vshll.u32 v33, $0x10  }
0x89f: {  	s5 =	sor.u32 $0x420, s0;
	v60 =	vld [tilespmem:s31+$0xC180];
	v28 =	vor.u32 v58, v59  }
0x8a0: {  	v26 =	vadd.s32 $0x80, v26;
	v61 =	vld [tilespmem:s5+$0xC180];
	[tilespmem:s29+$0x410] =	vst v28  }
0x8a1: {  	v27 =	vadd.s32 $0x80, v27;
	s6 =	rddreg [dreg:$0xf];
	v62 =	vld [tilespmem:s9+$0xC180]  }
0x8a2: {  	v29 =	vadd.s32 $0x80, v57;
	v28 =	vld [tilespmem:s6+$0xC180]  }
0x8a3: {  	v31 =	vadd.s32 $0x80, v56  }
0x8a4: {  	v32 =	vadd.s32 $0x80, v60  }
0x8a5: {  	v26 =	vld.idx.msk [tilespmem:v26+s4+$0x0], $0xffff;
	v30 =	vadd.s32 $0x80, v61  }
0x8a6: {  	v27 =	vld.idx.msk [tilespmem:v27+s4+$0x0], $0xffff;
	v33 =	vadd.s32 $0x80, v62  }
0x8a7: {  	v29 =	vld.idx.msk [tilespmem:v29+s4+$0x0], $0xffff;
	v28 =	vadd.s32 $0x80, v28  }
0x8a8: {  	v31 =	vld.idx.msk [tilespmem:v31+s4+$0x0], $0xffff  }
0x8a9: {  	v32 =	vld.idx.msk [tilespmem:v32+s4+$0x0], $0xffff  }
0x8aa: {  	v30 =	vld.idx.msk [tilespmem:v30+s4+$0x0], $0xffff  }
0x8ab: {  	v26 =	vand.u32 $0xFFFF, v26;
	v27 =	vshll.u32 v27, $0x10;
	v63 =	vld.idx.msk [tilespmem:v33+s4+$0x0], $0xffff  }
0x8ac: {  	v26 =	vor.u32 v26, v27;
	v28 =	vld.idx.msk [tilespmem:v28+s4+$0x0], $0xffff  }
0x8ad: {  	s11 =	sor.u32 $0x430, s2;
	v29 =	vshll.u32 v29, $0x10;
	v36 =	vand.u32 $0xFFFF, v31;
	[tilespmem:s25+$0x420] =	vst v26  }
0x8ae: {  	s12 =	sor.u32 $0x430, s16;
	v26 =	vor.u32 v36, v29;
	v37 =	vld [tilespmem:s11+$0xC180]  }
0x8af: {  	v38 =	vld [tilespmem:s12+$0xC180];
	[tilespmem:s26+$0x420] =	vst v26;
	v39 =	vand.u32 $0xFFFF, v32;
	v30 =	vshll.u32 v30, $0x10  }
0x8b0: {  	v40 =	vld [tilespmem:s23+$0xC180];
	v26 =	vor.u32 v39, v30  }
0x8b1: {  	s15 =	sor.u32 $0x430, s1;
	v41 =	vld [tilespmem:s21+$0xC180];
	[tilespmem:s28+$0x420] =	vst v26;
	v27 =	vshll.u32 v63, $0x10;
	v42 =	vand.u32 $0xFFFF, v28  }
0x8b2: {  	s18 =	sor.u32 $0x430, s0;
	v43 =	vld [tilespmem:s15+$0xC180];
	v26 =	vor.u32 v42, v27  }
0x8b3: {  	v31 =	vadd.s32 $0x80, v37;
	v44 =	vld [tilespmem:s18+$0xC180];
	[tilespmem:s29+$0x420] =	vst v26  }
0x8b4: {  	v29 =	vadd.s32 $0x80, v38;
	v26 =	vld [tilespmem:s8+$0xC180]  }
0x8b5: {  	v32 =	vadd.s32 $0x80, v40;
	v45 =	vld [tilespmem:s7+$0xC180]  }
0x8b6: {  	v30 =	vadd.s32 $0x80, v41  }
0x8b7: {  	v28 =	vadd.s32 $0x80, v43  }
0x8b8: {  	v31 =	vld.idx.msk [tilespmem:v31+s4+$0x0], $0xffff;
	v27 =	vadd.s32 $0x80, v44  }
0x8b9: {  	v29 =	vld.idx.msk [tilespmem:v29+s4+$0x0], $0xffff;
	v26 =	vadd.s32 $0x80, v26  }
0x8ba: {  	v32 =	vld.idx.msk [tilespmem:v32+s4+$0x0], $0xffff;
	v33 =	vadd.s32 $0x80, v45  }
0x8bb: {  	v30 =	vld.idx.msk [tilespmem:v30+s4+$0x0], $0xffff  }
0x8bc: {  	v28 =	vld.idx.msk [tilespmem:v28+s4+$0x0], $0xffff  }
0x8bd: {  	v27 =	vld.idx.msk [tilespmem:v27+s4+$0x0], $0xffff  }
0x8be: {  	v31 =	vand.u32 $0xFFFF, v31;
	v29 =	vshll.u32 v29, $0x10;
	v26 =	vld.idx.msk [tilespmem:v26+s4+$0x0], $0xffff  }
0x8bf: {  	v29 =	vor.u32 v31, v29;
	v46 =	vld.idx.msk [tilespmem:v33+s4+$0x0], $0xffff  }
0x8c0: {  	s19 =	sor.u32 $0x438, s2;
	v47 =	vand.u32 $0xFFFF, v32;
	[tilespmem:s25+$0x430] =	vst v29;
	v30 =	vshll.u32 v30, $0x10  }
0x8c1: {  	s21 =	sor.u32 $0x438, s16;
	v48 =	vld [tilespmem:s19+$0xC180];
	v29 =	vor.u32 v47, v30  }
0x8c2: {  	v49 =	vld [tilespmem:s21+$0xC180];
	[tilespmem:s26+$0x430] =	vst v29;
	v28 =	vand.u32 $0xFFFF, v28;
	v27 =	vshll.u32 v27, $0x10  }
0x8c3: {  	v29 =	vld [tilespmem:s17+$0xC180];
	v27 =	vor.u32 v28, v27  }
0x8c4: {  	s1 =	sor.u32 $0x438, s1;
	v50 =	vld [tilespmem:s14+$0xC180];
	[tilespmem:s28+$0x430] =	vst v27;
	v26 =	vand.u32 $0xFFFF, v26;
	v51 =	vshll.u32 v46, $0x10  }
0x8c5: {  	s0 =	sor.u32 $0x438, s0;
	v52 =	vld [tilespmem:s1+$0xC180];
	v26 =	vor.u32 v26, v51  }
0x8c6: {  	v32 =	vadd.s32 $0x80, v48;
	v53 =	vld [tilespmem:s0+$0xC180];
	[tilespmem:s29+$0x430] =	vst v26  }
0x8c7: {  	v30 =	vadd.s32 $0x80, v49;
	v26 =	vld [tilespmem:s10+$0xC180]  }
0x8c8: {  	v29 =	vadd.s32 $0x80, v29;
	v54 =	vld [tilespmem:s20+$0xC180]  }
0x8c9: {  	v24 =	vld.idx.msk [tilespmem:v24+s4+$0x0], $0xffff;
	v28 =	vadd.s32 $0x80, v50  }
0x8ca: {  	v25 =	vld.idx.msk [tilespmem:v25+s4+$0x0], $0xffff;
	v31 =	vadd.s32 $0x80, v52  }
0x8cb: {  	v32 =	vld.idx.msk [tilespmem:v32+s4+$0x0], $0xffff;
	v27 =	vadd.s32 $0x80, v53  }
0x8cc: {  	v30 =	vld.idx.msk [tilespmem:v30+s4+$0x0], $0xffff;
	v26 =	vadd.s32 $0x80, v26  }
0x8cd: {  	v29 =	vld.idx.msk [tilespmem:v29+s4+$0x0], $0xffff;
	v33 =	vadd.s32 $0x80, v54  }
0x8ce: {  	v28 =	vld.idx.msk [tilespmem:v28+s4+$0x0], $0xffff  }
0x8cf: {  	v31 =	vld.idx.msk [tilespmem:v31+s4+$0x0], $0xffff  }
0x8d0: {  	v27 =	vld.idx.msk [tilespmem:v27+s4+$0x0], $0xffff  }
0x8d1: {  	v26 =	vld.idx.msk [tilespmem:v26+s4+$0x0], $0xffff  }
0x8d2: {  	v33 =	vld.idx.msk [tilespmem:v33+s4+$0x0], $0xffff  }
0x8d3: {  	v24 =	vand.u32 $0xFFFF, v24;
	v25 =	vshll.u32 v25, $0x10  }
0x8d4: {  	v24 =	vor.u32 v24, v25;
	v55 =	vand.u32 $0xFFFF, v32;
	v30 =	vshll.u32 v30, $0x10  }
0x8d5: {  	[tilespmem:s13+$0x438] =	vst v24;
	v56 =	vor.u32 v55, v30;
	v57 =	vand.u32 $0xFFFF, v29;
	v28 =	vshll.u32 v28, $0x10  }
0x8d6: {  	[tilespmem:s25+$0x438] =	vst v56;
	v58 =	vor.u32 v57, v28;
	v59 =	vand.u32 $0xFFFF, v31;
	v27 =	vshll.u32 v27, $0x10  }
0x8d7: {  	[tilespmem:s26+$0x438] =	vst v58;
	v60 =	vor.u32 v59, v27;
	v61 =	vand.u32 $0xFFFF, v26;
	v62 =	vshll.u32 v33, $0x10  }
0x8d8: {  	[tilespmem:s28+$0x438] =	vst v60;
	v63 =	vor.u32 v61, v62  }
0x8d9: {  	[tilespmem:s29+$0x438] =	vst v63  }
0x8da: {  	s1 =	sld [smem:$0x7FC];
	_ =	sdelay $0x1  }
0x8db: {  	s22 =	simm.s32 $0x18180;
	s5 =	simm.s32 $0x200;
	s6 =	simm.s32 $0x400  }
0x8dc: {  	[hbm4b:s1+s5] =	stream.strided.scatter [tilespmem:s22], [sflag:$0x4], $0x400, s6, s5, $0x38;
	[tilespmem:$0x1C180] =	vst v63  }
0x8dd: {  	s24 =	simm.s32 $0x18580;
	s23 =	sadd.s32 $0x40, s1  }
0x8de: {  	[hbm4b:s23+s5] =	stream.strided.scatter [tilespmem:s24], [sflag:$0x4], $0x400, s6, s5, $0x38;
	[tilespmem:$0x1C180] =	vst v63  }
0x8df: {  	s26 =	simm.s32 $0x18980;
	s25 =	sadd.s32 $0x100, s1  }
0x8e0: {  	[hbm4b:s25+s5] =	stream.strided.scatter [tilespmem:s26], [sflag:$0x4], $0x400, s6, s5, $0x38;
	[tilespmem:$0x1C180] =	vst v63  }
0x8e1: {  	s29 =	simm.s32 $0x18D80;
	s28 =	sadd.s32 $0x140, s1  }
0x8e2: {  	[hbm4b:s28+s5] =	stream.strided.scatter [tilespmem:s29], [sflag:$0x4], $0x400, s6, s5, $0x38;
	[tilespmem:$0x1C180] =	vst v63  }
0x8e3: {  	s31 =	simm.s32 $0x19180;
	s30 =	sadd.s32 $0x200, s1  }
0x8e4: {  	[hbm4b:s30+s5] =	stream.strided.scatter [tilespmem:s31], [sflag:$0x4], $0x400, s6, s5, $0x38;
	[tilespmem:$0x1C180] =	vst v63  }
0x8e5: {  	s3 =	simm.s32 $0x19580;
	s2 =	sadd.s32 $0x240, s1  }
0x8e6: {  	[hbm4b:s2+s5] =	stream.strided.scatter [tilespmem:s3], [sflag:$0x4], $0x400, s6, s5, $0x38;
	[tilespmem:$0x1C180] =	vst v63  }
0x8e7: {  	s8 =	simm.s32 $0x19980;
	s7 =	sadd.s32 $0x300, s1  }
0x8e8: {  	[hbm4b:s7+s5] =	stream.strided.scatter [tilespmem:s8], [sflag:$0x4], $0x400, s6, s5, $0x38;
	[tilespmem:$0x1C180] =	vst v63  }
0x8e9: {  	s10 =	simm.s32 $0x19D80;
	s9 =	sadd.s32 $0x340, s1  }
0x8ea: {  	[hbm4b:s9+s5] =	stream.strided.scatter [tilespmem:s10], [sflag:$0x4], $0x400, s6, s5, $0x38;
	[tilespmem:$0x1C180] =	vst v63  }
0x8eb: {  	s12 =	simm.s32 $0x1A180;
	s11 =	sadd.s32 $0x400, s1  }
0x8ec: {  	[hbm4b:s11+s5] =	stream.strided.scatter [tilespmem:s12], [sflag:$0x4], $0x400, s6, s5, $0x38;
	[tilespmem:$0x1C180] =	vst v63  }
0x8ed: {  	s14 =	simm.s32 $0x1A580;
	s13 =	sadd.s32 $0x440, s1  }
0x8ee: {  	[hbm4b:s13+s5] =	stream.strided.scatter [tilespmem:s14], [sflag:$0x4], $0x400, s6, s5, $0x38;
	[tilespmem:$0x1C180] =	vst v63  }
0x8ef: {  	s16 =	simm.s32 $0x1A980;
	s15 =	sadd.s32 $0x500, s1  }
0x8f0: {  	[hbm4b:s15+s5] =	stream.strided.scatter [tilespmem:s16], [sflag:$0x4], $0x400, s6, s5, $0x38;
	[tilespmem:$0x1C180] =	vst v63  }
0x8f1: {  	s18 =	simm.s32 $0x1AD80;
	s17 =	sadd.s32 $0x540, s1  }
0x8f2: {  	[hbm4b:s17+s5] =	stream.strided.scatter [tilespmem:s18], [sflag:$0x4], $0x400, s6, s5, $0x38;
	[tilespmem:$0x1C180] =	vst v63  }
0x8f3: {  	s20 =	simm.s32 $0x1B180;
	s19 =	sadd.s32 $0x600, s1  }
0x8f4: {  	[hbm4b:s19+s5] =	stream.strided.scatter [tilespmem:s20], [sflag:$0x4], $0x400, s6, s5, $0x38;
	[tilespmem:$0x1C180] =	vst v63  }
0x8f5: {  	s21 =	sadd.s32 $0x640, s1;
	s22 =	simm.s32 $0x1B580  }
0x8f6: {  	[hbm4b:s21+s5] =	stream.strided.scatter [tilespmem:s22], [sflag:$0x4], $0x400, s6, s5, $0x38;
	[tilespmem:$0x1C180] =	vst v63  }
0x8f7: {  	s23 =	sadd.s32 $0x700, s1;
	s24 =	simm.s32 $0x1B980  }
0x8f8: {  	[hbm4b:s23+s5] =	stream.strided.scatter [tilespmem:s24], [sflag:$0x4], $0x400, s6, s5, $0x38;
	[tilespmem:$0x1C180] =	vst v63  }
0x8f9: {  	s25 =	sadd.s32 $0x740, s1;
	s26 =	simm.s32 $0x1BD80;
	s28 =	simm.s32 $0x3  }
0x8fa: {  	[hbm4b:s25+s5] =	stream.strided.scatter [tilespmem:s26], [sflag:$0x4], $0x400, s6, s5, $0x38;
	[tilespmem:$0x1C180] =	vst v63  }
0x8fb: {  	_ =	swait.ge [sflag:s28], $0x4000  }
0x8fc: {  	[sflag:s28] =	ssyncset.done $0x0  }
0x8fd: {  	s29 =	simm.s32 $0x4;
	[sflag:s28] =	ssyncadd.s32 $0xFFFFC000  }
0x8fe: {  	_ =	swait.ge [sflag:s29], $0x4000  }
0x8ff: {  	s30 =	sld [smem:$0x7F4]  }
0x900: {  	s31 =	sld [smem:$0x7FD];
	_ =	sdelay $0x1  }
0x901: {  	s2 =	sadd.s32 $0x1, s30  }
0x902: {  	p0 =	sne.s32 s2, s31  }
.Ltmp4:
0x903: {  	_ = 	snop;
	(pc) =	sbr.rel @p0 .LBB2_1-.Ltmp4, $3  }
0x904: {  	_ =	sdelay $0x1  }
0x905: {  	[sflag:s29] =	ssyncset.done $0x0  }
0x906: {  	[sflag:s29] =	ssyncadd.s32 $0xFFFFC000  }
0x907: {  	_ =	sfence.sel $0x180000  }
0x908: {  	[bflag:$0x0] =	sbarrier.arrive $0xFFFF  }
0x909: {  	_ =	strace $0x90000047  }
0x90a: {  	s0 =	stileid.u32;
	[bflag:$0x2] =	sbarrier.arrive $0xFFFF  }
0x90b: {  	p0 =	sne.s32 s0, $0x0;
	s0 =	rddreg [dreg:$0x3]  }
0x90c: {  	s0 =	sadd.s32 @!p0 $0x100000, s0  }
0x90d: {  	[sflag:s0] =	ssyncadd.tile.s32 @!p0 $0x1;
	_ =	shalt  }
.Lfunc_end2:
_tile_overlayer_lowered:
.L_overlay_start_2:
0x90e: {  	(tag) =	ssettag $0x2  }
0x90f: {  	s0 =	rddreg [dreg:$0x0];
	s2 =	stileid.u32  }
0x910: {  	s1 =	rddreg [dreg:$0x1];
	p0 =	sne.s32 s2, $0x0  }
0x911: {  	s3 =	rddreg [dreg:$0x2];
	[bflag:$0x3] =	sbarrier.arrive $0xFFFF;
	s2 =	simm.s32 @!p0 $0x1C05  }
0x912: {  	[timem:s3], [sflag:s2] =	dma.local @!p0 [hbm:s0], s1  }
0x913: {  	s0 =	simm.s32 @!p0 $0x5  }
0x914: {  	_ =	swait.ge @!p0 [sflag:s0], s1  }
0x915: {  	s1 =	ssub.s32 @!p0 $0x0, s1;
	[sflag:s0] =	ssyncset.done @!p0 $0x0  }
0x916: {  	[sflag:s0] =	ssyncadd.s32 @!p0 s1  }
0x917: {  	[bflag:$0x3] =	sbarrier.arrive $0xFFFF  }
0x918: {  	_ =	shalt  }

</sc_bundles>
